<compile_context>
chip_gen: v7x
topology: tpu7x:2x2x1
jax: 0.10.2.dev20260603
libtpu: 0.0.44.dev20260713+nightly
codegen_flags: <defaults>
</compile_context>

<pallas_src>
import functools

import jax
import jax.numpy as jnp
from jax import lax
from jax.experimental import pallas as pl
from jax.experimental.pallas import tpu as pltpu
from jax.experimental.pallas import tpu_sc as plsc

N = 10000
E = 320000
EH = E // 2
DN = 128
DE = 16
H1 = 256
H2 = 128

NS = 16
NP = 10112
RPT = NP // NS
BLK = 128
NBLK_ALL = E // BLK
NBLK_HALF = EH // BLK
KMAX_ALL = -(-NBLK_ALL // NS)
KMAX_HALF = -(-NBLK_HALF // NS)


def _mesh():
    return plsc.VectorSubcoreMesh(
        core_axis_name="c", subcore_axis_name="s", num_cores=2, num_subcores=NS)


def _zero_rows(zbuf, n_vregs):
    def row(i, _):
        for j in range(n_vregs):
            zbuf[i, pl.ds(j * 16, 16)] = jnp.zeros((16,), jnp.float32)
        return 0
    lax.fori_loop(0, 128, row, 0)


def _zero_stripe(s, zbuf, acc):
    off = 0
    for nrows in (128, 128, 128, 128, 120):
        pltpu.sync_copy(zbuf.at[pl.ds(0, nrows)],
                        acc.at[pl.ds(s * RPT + off, nrows)])
        off += nrows


def _sc_counts(dst2):
    def body(dst2_hbm, cnt0, cnt1, idx_v, ones_v, acc):
        c = lax.axis_index("c")
        s = lax.axis_index("s")
        _zero_rows(ones_v, 8)
        _zero_stripe(s, ones_v, acc)
        lane = lax.iota(jnp.int32, 16)
        onerow = jnp.where(lane == 0, 1.0, 0.0)

        def orow(i, _):
            ones_v[i, pl.ds(0, 16)] = onerow
            return 0
        lax.fori_loop(0, 128, orow, 0)
        plsc.subcore_barrier()

        def sweep(cc):
            def blk(k, _):
                b = s + NS * k

                @pl.when(b < NBLK_HALF)
                def _():
                    pltpu.sync_copy(dst2_hbm.at[cc, pl.ds(b * BLK, BLK)], idx_v)
                    pltpu.sync_copy(ones_v, acc.at[idx_v], add=True)
                return 0
            lax.fori_loop(0, KMAX_HALF, blk, 0)

        @pl.when(c == 0)
        def _():
            sweep(0)

        @pl.when(c == 1)
        def _():
            sweep(1)
        plsc.subcore_barrier()

        stripe = acc.at[pl.ds(s * RPT, RPT)]

        @pl.when(c == 0)
        def _():
            pltpu.sync_copy(stripe, cnt0.at[pl.ds(s * RPT, RPT)])

        @pl.when(c == 1)
        def _():
            pltpu.sync_copy(stripe, cnt1.at[pl.ds(s * RPT, RPT)])

    f = pl.kernel(
        body,
        out_type=[jax.ShapeDtypeStruct((NP, 128), jnp.float32),
                  jax.ShapeDtypeStruct((NP, 128), jnp.float32)],
        mesh=_mesh(),
        scratch_types=[
            pltpu.VMEM((BLK,), jnp.int32),
            pltpu.VMEM((128, 128), jnp.float32),
            pltpu.VMEM_SHARED((NP, 128), jnp.float32),
        ],
    )
    return f(dst2)


def _sc_pass1(ei, tsa, tsb, tra, trb, ea2):
    def body(ei_h, tsa_h, tsb_h, tra_h, trb_h, ea_h,
             e1_out, agg_out, idx2, gs, gr, eab, acc):
        c = lax.axis_index("c")
        s = lax.axis_index("s")
        _zero_rows(gs, 8)
        _zero_stripe(s, gs, acc)
        plsc.subcore_barrier()

        def sweep(cc, ts_h, tr_h):
            def blk(k, _):
                b = s + NS * k

                @pl.when(b < NBLK_ALL)
                def _():
                    base = b * BLK
                    pltpu.sync_copy(ei_h.at[:, pl.ds(base, BLK)], idx2)
                    pltpu.sync_copy(ts_h.at[idx2.at[0]], gs)
                    pltpu.sync_copy(tr_h.at[idx2.at[1]], gr)
                    pltpu.sync_copy(ea_h.at[cc, pl.ds(base, BLK)], eab)

                    @plsc.parallel_loop(0, BLK, step=1, unroll=4)
                    def row(i):
                        for j in range(8):
                            sl = pl.ds(j * 16, 16)
                            v = gs[i, sl] + gr[i, sl] + eab[i, sl]
                            gs[i, sl] = jnp.maximum(v, 0.0)
                    pltpu.sync_copy(gs, e1_out.at[cc, pl.ds(base, BLK)])
                    pltpu.sync_copy(gs, acc.at[idx2.at[1]], add=True)
                return 0
            lax.fori_loop(0, KMAX_ALL, blk, 0)

        @pl.when(c == 0)
        def _():
            sweep(0, tsa_h, tra_h)

        @pl.when(c == 1)
        def _():
            sweep(1, tsb_h, trb_h)
        plsc.subcore_barrier()

        stripe = acc.at[pl.ds(s * RPT, RPT)]

        @pl.when(c == 0)
        def _():
            pltpu.sync_copy(stripe, agg_out.at[0, pl.ds(s * RPT, RPT)])

        @pl.when(c == 1)
        def _():
            pltpu.sync_copy(stripe, agg_out.at[1, pl.ds(s * RPT, RPT)])

    f = pl.kernel(
        body,
        out_type=[jax.ShapeDtypeStruct((2, E, 128), jnp.float32),
                  jax.ShapeDtypeStruct((2, NP, 128), jnp.float32)],
        mesh=_mesh(),
        scratch_types=[
            pltpu.VMEM((2, BLK), jnp.int32),
            pltpu.VMEM((BLK, 128), jnp.float32),
            pltpu.VMEM((BLK, 128), jnp.float32),
            pltpu.VMEM((BLK, 128), jnp.float32),
            pltpu.VMEM_SHARED((NP, 128), jnp.float32),
        ],
    )
    return f(ei, tsa, tsb, tra, trb, ea2)


def _sc_pass2(sdh, ns2, nr2, ew2):
    def body(sd_h, ns_h, nr_h, ew_h,
             agg0, agg1, idx2, gs, gr, ewb, acc):
        c = lax.axis_index("c")
        s = lax.axis_index("s")
        _zero_rows(gs, 8)
        _zero_stripe(s, gs, acc)
        plsc.subcore_barrier()

        def sweep(cc):
            def blk(k, _):
                b = s + NS * k

                @pl.when(b < NBLK_HALF)
                def _():
                    base = b * BLK
                    pltpu.sync_copy(sd_h.at[cc, :, pl.ds(base, BLK)], idx2)
                    pltpu.sync_copy(ns_h.at[idx2.at[0]], gs)
                    pltpu.sync_copy(nr_h.at[idx2.at[1]], gr)
                    pltpu.sync_copy(ew_h.at[cc, pl.ds(base, BLK)], ewb)

                    @plsc.parallel_loop(0, BLK, step=1, unroll=4)
                    def row(i):
                        for j in range(8):
                            sl = pl.ds(j * 16, 16)
                            v = gs[i, sl] + gr[i, sl] + ewb[i, sl]
                            gs[i, sl] = jnp.maximum(v, 0.0)
                    pltpu.sync_copy(gs, acc.at[idx2.at[1]], add=True)
                return 0
            lax.fori_loop(0, KMAX_HALF, blk, 0)

        @pl.when(c == 0)
        def _():
            sweep(0)

        @pl.when(c == 1)
        def _():
            sweep(1)
        plsc.subcore_barrier()

        stripe = acc.at[pl.ds(s * RPT, RPT)]

        @pl.when(c == 0)
        def _():
            pltpu.sync_copy(stripe, agg0.at[pl.ds(s * RPT, RPT)])

        @pl.when(c == 1)
        def _():
            pltpu.sync_copy(stripe, agg1.at[pl.ds(s * RPT, RPT)])

    f = pl.kernel(
        body,
        out_type=[jax.ShapeDtypeStruct((NP, 128), jnp.float32),
                  jax.ShapeDtypeStruct((NP, 128), jnp.float32)],
        mesh=_mesh(),
        scratch_types=[
            pltpu.VMEM((2, BLK), jnp.int32),
            pltpu.VMEM((BLK, 128), jnp.float32),
            pltpu.VMEM((BLK, 128), jnp.float32),
            pltpu.VMEM((BLK, 128), jnp.float32),
            pltpu.VMEM_SHARED((NP, 128), jnp.float32),
        ],
    )
    return f(sdh, ns2, nr2, ew2)


def _tc_node_proj(x, wcat):
    BN = 1000

    def body(xr, wr, outr):
        outr[0] = jnp.dot(xr[...], wr[...], preferred_element_type=jnp.float32)

    return pl.pallas_call(
        body,
        grid=(N // BN, 6),
        in_specs=[pl.BlockSpec((BN, 128), lambda i, j: (i, 0)),
                  pl.BlockSpec((128, 128), lambda i, j: (0, j))],
        out_specs=pl.BlockSpec((1, BN, 128), lambda i, j: (j, i, 0)),
        out_shape=jax.ShapeDtypeStruct((6, N, 128), jnp.float32),
    )(x, wcat)


def _tc_edge_proj(edge_attr, we1, be1r):
    BE = 2000

    def body(ear, wr, br, outr):
        outr[0] = (jnp.dot(ear[...], wr[...], preferred_element_type=jnp.float32)
                   + br[0, 0:1])

    return pl.pallas_call(
        body,
        grid=(E // BE, 2),
        in_specs=[pl.BlockSpec((BE, 16), lambda i, j: (i, 0)),
                  pl.BlockSpec((16, 128), lambda i, j: (0, j)),
                  pl.BlockSpec((1, 8, 128), lambda i, j: (j, 0, 0))],
        out_specs=pl.BlockSpec((1, BE, 128), lambda i, j: (j, i, 0)),
        out_shape=jax.ShapeDtypeStruct((2, E, 128), jnp.float32),
    )(edge_attr, we1, be1r)


def _tc_node1(agg1h, cnt0, cnt1, p1, wi1, w2cat, bn1r, b3r):
    BN = 1000

    def body(aggr, c0r, c1r, p1r, wi1r, w2r, b1r, b3rr, outr):
        cnt = c0r[...][:, 0:1] + c1r[...][:, 0:1]
        dinv = 1.0 / jnp.maximum(cnt, 1.0)
        agg1 = jnp.concatenate([aggr[0], aggr[1]], axis=1) * dinv
        xn = jnp.concatenate([p1r[0], p1r[1]], axis=1)
        n1 = jnp.maximum(
            jnp.dot(agg1, wi1r[...], preferred_element_type=jnp.float32)
            + xn + b1r[...], 0.0)
        outr[...] = (jnp.dot(n1, w2r[...], preferred_element_type=jnp.float32)
                     + b3rr[...])

    return pl.pallas_call(
        body,
        grid=(N // BN,),
        in_specs=[pl.BlockSpec((2, BN, 128), lambda i: (0, i, 0)),
                  pl.BlockSpec((BN, 128), lambda i: (i, 0)),
                  pl.BlockSpec((BN, 128), lambda i: (i, 0)),
                  pl.BlockSpec((2, BN, 128), lambda i: (2, i, 0)),
                  pl.BlockSpec((256, 256), lambda i: (0, 0)),
                  pl.BlockSpec((256, 384), lambda i: (0, 0)),
                  pl.BlockSpec((1, 256), lambda i: (0, 0)),
                  pl.BlockSpec((1, 384), lambda i: (0, 0))],
        out_specs=pl.BlockSpec((BN, 384), lambda i: (i, 0)),
        out_shape=jax.ShapeDtypeStruct((N, 384), jnp.float32),
    )(agg1h, cnt0, cnt1, p1, wi1, w2cat, bn1r, b3r)


def _tc_edge2_mm(e1h, we2r, be2r):
    BE = 2000

    def body(er, wr, br, outr):
        outr[...] = (jnp.dot(er[0], wr[0], preferred_element_type=jnp.float32)
                     + jnp.dot(er[1], wr[1], preferred_element_type=jnp.float32)
                     + br[...])

    return pl.pallas_call(
        body,
        grid=(E // BE,),
        in_specs=[pl.BlockSpec((2, BE, 128), lambda i: (0, i, 0)),
                  pl.BlockSpec((2, 128, 128), lambda i: (0, 0, 0)),
                  pl.BlockSpec((1, 128), lambda i: (0, 0))],
        out_specs=pl.BlockSpec((BE, 128), lambda i: (i, 0)),
        out_shape=jax.ShapeDtypeStruct((E, 128), jnp.float32),
    )(e1h, we2r, be2r)


def _tc_final_partials(o2, agg2p0, agg2p1, cnt0, cnt1, wi2):
    BN = 1000
    NSTEP = N // BN

    def body(y2r, p0r, p1r, c0r, c1r, wi2r, outn, oute):
        agg2u = p0r[...] + p1r[...]
        oute[0] = jnp.broadcast_to(
            jnp.sum(agg2u, axis=0, keepdims=True), (8, 128))
        cnt = c0r[...][:, 0:1] + c1r[...][:, 0:1]
        dinv = 1.0 / jnp.maximum(cnt, 1.0)
        n2 = jnp.maximum(
            y2r[...] + jnp.dot(agg2u * dinv, wi2r[...],
                               preferred_element_type=jnp.float32), 0.0)
        outn[0] = jnp.broadcast_to(jnp.sum(n2, axis=0, keepdims=True), (8, 128))

    return pl.pallas_call(
        body,
        grid=(NSTEP,),
        in_specs=[pl.BlockSpec((BN, 128), lambda i: (i, 2)),
                  pl.BlockSpec((BN, 128), lambda i: (i, 0)),
                  pl.BlockSpec((BN, 128), lambda i: (i, 0)),
                  pl.BlockSpec((BN, 128), lambda i: (i, 0)),
                  pl.BlockSpec((BN, 128), lambda i: (i, 0)),
                  pl.BlockSpec((128, 128), lambda i: (0, 0))],
        out_specs=[pl.BlockSpec((1, 8, 128), lambda i: (i, 0, 0)),
                   pl.BlockSpec((1, 8, 128), lambda i: (i, 0, 0))],
        out_shape=[jax.ShapeDtypeStruct((NSTEP, 8, 128), jnp.float32),
                   jax.ShapeDtypeStruct((NSTEP, 8, 128), jnp.float32)],
    )(o2, agg2p0, agg2p1, cnt0, cnt1, wi2)


def _tc_readout(pn, pe, wgp):

    def body(pnr, per, wgpr, outr):
        sn = jnp.sum(pnr[...], axis=0, keepdims=True) / 8.0
        se = jnp.sum(per[...], axis=0, keepdims=True) / 8.0
        v = jnp.concatenate([sn / float(N), se / float(E)], axis=1)
        g = jnp.sum(v * wgpr[...][:, 0][None, :])
        outr[...] = jnp.full((8, 128), g, jnp.float32)

    nr = pn.shape[0] * pn.shape[1]
    pn2 = pn.reshape(nr, 128)
    pe2 = pe.reshape(nr, 128)
    return pl.pallas_call(
        body,
        in_specs=[pl.BlockSpec((nr, 128), lambda: (0, 0)),
                  pl.BlockSpec((nr, 128), lambda: (0, 0)),
                  pl.BlockSpec((256, 128), lambda: (0, 0))],
        out_specs=pl.BlockSpec((8, 128), lambda: (0, 0)),
        out_shape=jax.ShapeDtypeStruct((8, 128), jnp.float32),
    )(pn2, pe2, wgp)


def kernel(x, edge_index, edge_attr, We1, Ws1, Wr1, be1, Wn1, Wi1, bn1,
           We2, Ws2, Wr2, be2, Wn2, Wi2, bn2, Wgn, Wge, bg):
    ei = edge_index.astype(jnp.int32)
    src = ei[0]
    dst = ei[1]
    src2 = src.reshape(2, EH)
    dst2 = dst.reshape(2, EH)

    cnt0, cnt1 = _sc_counts(dst2)

    w1cat = jnp.concatenate([Ws1, Wr1, Wn1], axis=1)
    p1 = _tc_node_proj(x, w1cat)
    tsa, tsb, tra, trb = p1[0], p1[1], p1[2], p1[3]
    be1r = jnp.broadcast_to(be1.reshape(2, 1, 128), (2, 8, 128))
    ea2 = _tc_edge_proj(edge_attr, We1, be1r)

    e1h, agg1h = _sc_pass1(ei, tsa, tsb, tra, trb, ea2)

    w2cat = jnp.concatenate([Ws2, Wr2, Wn2], axis=1)
    b3r = jnp.concatenate([jnp.zeros((256,), jnp.float32), bn2]).reshape(1, 384)
    o2 = _tc_node1(agg1h, cnt0, cnt1, p1, Wi1, w2cat,
                   bn1.reshape(1, 256), b3r)
    ns2 = o2[:, 0:128]
    nr2 = o2[:, 128:256]

    ew = _tc_edge2_mm(e1h, We2.reshape(2, 128, 128), be2.reshape(1, 128))
    ew2 = ew.reshape(2, EH, 128)

    sdh = jnp.stack([src2, dst2], axis=1)
    agg2p0, agg2p1 = _sc_pass2(sdh, ns2, nr2, ew2)

    wgp = jnp.pad(jnp.concatenate([Wgn, Wge], axis=0), ((0, 0), (0, 127)))
    pn, pe = _tc_final_partials(o2, agg2p0, agg2p1, cnt0, cnt1, Wi2)
    out = _tc_readout(pn, pe, wgp)
    return out[0, 0:1] + bg

# --- scband reference (transcript-rebuilt; emitter-appended) ---
"""Pipeline reference for scband-value-network-83210696392993 (READ-ONLY COPY).

The authoritative reference and input builder live on the scoring server;
editing this copy changes nothing except your own understanding.
"""

import jax, jax.numpy as jnp
import numpy as np

N_NODES = 10000
N_EDGES = 320000
D_NODE = 128
D_EDGE = 16
H1 = 256
H2 = 128


def setup_inputs(seed: int = 0) -> dict:
    key = jax.random.key(seed)
    ks = jax.random.split(key, 24)
    def w(k, shape, fan_in):
        return jax.random.normal(k, shape, dtype=jnp.float32) * (1.0 / np.sqrt(fan_in))
    inp = {}
    inp['x'] = jax.random.normal(ks[0], (N_NODES, D_NODE), dtype=jnp.float32)
    inp['edge_index'] = jax.random.randint(ks[1], (2, N_EDGES), 0, N_NODES, dtype=jnp.int64)
    inp['edge_attr'] = jax.random.normal(ks[2], (N_EDGES, D_EDGE), dtype=jnp.float32)
    # edge1: EdgeLinear(256, edge_features=16, sender_features=128, receiver_features=128)
    inp['We1'] = w(ks[3], (D_EDGE, H1), D_EDGE)
    inp['Ws1'] = w(ks[4], (D_NODE, H1), D_NODE)
    inp['Wr1'] = w(ks[5], (D_NODE, H1), D_NODE)
    inp['be1'] = jnp.zeros((H1,), dtype=jnp.float32)
    # node1: NodeLinear(256, node_features=128, incoming_features=256, aggregation='avg')
    inp['Wn1'] = w(ks[6], (D_NODE, H1), D_NODE)
    inp['Wi1'] = w(ks[7], (H1, H1), H1)
    inp['bn1'] = jnp.zeros((H1,), dtype=jnp.float32)
    # edge2: EdgeLinear(128, edge_features=256, sender_features=256, receiver_features=256)
    inp['We2'] = w(ks[8], (H1, H2), H1)
    inp['Ws2'] = w(ks[9], (H1, H2), H1)
    inp['Wr2'] = w(ks[10], (H1, H2), H1)
    inp['be2'] = jnp.zeros((H2,), dtype=jnp.float32)
    # node2: NodeLinear(128, node_features=256, incoming_features=128, aggregation='avg')
    inp['Wn2'] = w(ks[11], (H1, H2), H1)
    inp['Wi2'] = w(ks[12], (H2, H2), H2)
    inp['bn2'] = jnp.zeros((H2,), dtype=jnp.float32)
    # global_output: GlobalLinear(1, node_features=128, edge_features=128, aggregation='avg')
    inp['Wgn'] = w(ks[13], (H2, 1), H2)
    inp['Wge'] = w(ks[14], (H2, 1), H2)
    inp['bg'] = jnp.zeros((1,), dtype=jnp.float32)
    return inp


def reference(x, edge_index, edge_attr, We1, Ws1, Wr1, be1, Wn1, Wi1, bn1,
              We2, Ws2, Wr2, be2, Wn2, Wi2, bn2, Wgn, Wge, bg):
    src = edge_index[0]
    dst = edge_index[1]
    n_nodes = x.shape[0]
    # incoming-edge counts per receiver node (for 'avg' aggregation)
    counts = jax.ops.segment_sum(jnp.ones((edge_index.shape[1],), dtype=jnp.float32), dst, num_segments=n_nodes)
    denom = jnp.maximum(counts, 1.0)[:, None]
    # edge block 1: EdgeLinear + ReLU
    e1 = edge_attr @ We1 + x[src] @ Ws1 + x[dst] @ Wr1 + be1
    e1 = jax.nn.relu(e1)
    # node block 1: NodeLinear (avg incoming) + ReLU
    agg1 = jax.ops.segment_sum(e1, dst, num_segments=n_nodes) / denom
    n1 = x @ Wn1 + agg1 @ Wi1 + bn1
    n1 = jax.nn.relu(n1)
    # edge block 2
    e2 = e1 @ We2 + n1[src] @ Ws2 + n1[dst] @ Wr2 + be2
    e2 = jax.nn.relu(e2)
    # node block 2
    agg2 = jax.ops.segment_sum(e2, dst, num_segments=n_nodes) / denom
    n2 = n1 @ Wn2 + agg2 @ Wi2 + bn2
    n2 = jax.nn.relu(n2)
    # global output: avg over nodes and edges
    g = jnp.mean(n2, axis=0) @ Wgn + jnp.mean(e2, axis=0) @ Wge + bg
    return g

if __name__ == "__main__":
    import jax
    _d = setup_inputs()
    print(jax.jit(kernel)(*tuple(_d.values())))

</pallas_src>

<mosaic_0001>
#map = affine_map<(d0, d1) -> (0, 0)>
#map1 = affine_map<(d0, d1) -> (0, 0, 0)>
module attributes {stable_mosaic.version = 14 : i64} {
  func.func @body(%arg0: i32, %arg1: i32, %arg2: memref<2x320000xi32, #tpu.memory_space<hbm>>, %arg3: memref<10000x128xf32, #tpu.memory_space<hbm>>, %arg4: memref<10000x128xf32, #tpu.memory_space<hbm>>, %arg5: memref<10000x128xf32, #tpu.memory_space<hbm>>, %arg6: memref<10000x128xf32, #tpu.memory_space<hbm>>, %arg7: memref<2x320000x128xf32, #tpu.memory_space<hbm>>, %arg8: memref<2x320000x128xf32, #tpu.memory_space<hbm>>, %arg9: memref<2x10112x128xf32, #tpu.memory_space<hbm>>, %arg10: memref<2x128xi32, #tpu.memory_space<vmem>>, %arg11: memref<128x128xf32, #tpu.memory_space<vmem>>, %arg12: memref<128x128xf32, #tpu.memory_space<vmem>>, %arg13: memref<128x128xf32, #tpu.memory_space<vmem>>, %arg14: memref<10112x128xf32, #tpu.memory_space<vmem_shared>>) attributes {dimension_semantics = [#tpu.dimension_semantics<core_parallel>, #tpu.dimension_semantics<subcore_parallel>], iteration_bounds = array<i64: 2, 16>, scalar_prefetch = 0 : i64, scratch_operands = 5 : i64, tpu.core_type = #tpu.core_type<sc_vector_subcore>, window_params = [{transform_indices = #map}, {transform_indices = #map}, {transform_indices = #map}, {transform_indices = #map}, {transform_indices = #map}, {transform_indices = #map1}, {transform_indices = #map1}, {transform_indices = #map1}]} {
    %scan3A = arith.constant 0 : i32
    %scan3A_0 = arith.constant 0 : i32
    %scan3A_1 = arith.constant 128 : i32
    %scan3A_2 = arith.addi %scan3A_0, %scan3A_1 : i32
    %scan3A_3 = arith.constant 1 : i32
    %scan3A_4 = scf.for %scan3A_44 = %scan3A_0 to %scan3A_2 step %scan3A_3 iter_args(%scan3A_45 = %scan3A) -> (i32)  : i32 {
      %broadcast_in_dim3A = arith.constant 0.000000e+00 : f32
      %broadcast_in_dim3A_46 = vector.broadcast %broadcast_in_dim3A : f32 to vector<16xf32>
      %swap3A = arith.index_cast %scan3A_44 : i32 to index
      %swap3A_47 = arith.constant 0 : index
      %swap3A_48 = tpu.vector_load %arg11[%swap3A, %swap3A_47] {strides = array<i32>} : memref<128x128xf32, #tpu.memory_space<vmem>>, vector<1x16xf32>,
      %swap3A_49 = vector.shape_cast %swap3A_48 : vector<1x16xf32> to vector<16xf32>
      %swap3A_50 = vector.shape_cast %broadcast_in_dim3A_46 : vector<16xf32> to vector<1x16xf32>
      tpu.vector_store %arg11[%swap3A, %swap3A_47], %swap3A_50 {strides = array<i32>} : memref<128x128xf32, #tpu.memory_space<vmem>>, vector<1x16xf32>,
      %broadcast_in_dim3A_51 = arith.constant 0.000000e+00 : f32
      %broadcast_in_dim3A_52 = vector.broadcast %broadcast_in_dim3A_51 : f32 to vector<16xf32>
      %swap3A_53 = arith.index_cast %scan3A_44 : i32 to index
      %swap3A_54 = arith.constant 16 : index
      %swap3A_55 = tpu.vector_load %arg11[%swap3A_53, %swap3A_54] {strides = array<i32>} : memref<128x128xf32, #tpu.memory_space<vmem>>, vector<1x16xf32>,
      %swap3A_56 = vector.shape_cast %swap3A_55 : vector<1x16xf32> to vector<16xf32>
      %swap3A_57 = vector.shape_cast %broadcast_in_dim3A_52 : vector<16xf32> to vector<1x16xf32>
      tpu.vector_store %arg11[%swap3A_53, %swap3A_54], %swap3A_57 {strides = array<i32>} : memref<128x128xf32, #tpu.memory_space<vmem>>, vector<1x16xf32>,
      %broadcast_in_dim3A_58 = arith.constant 0.000000e+00 : f32
      %broadcast_in_dim3A_59 = vector.broadcast %broadcast_in_dim3A_58 : f32 to vector<16xf32>
      %swap3A_60 = arith.index_cast %scan3A_44 : i32 to index
      %swap3A_61 = arith.constant 32 : index
      %swap3A_62 = tpu.vector_load %arg11[%swap3A_60, %swap3A_61] {strides = array<i32>} : memref<128x128xf32, #tpu.memory_space<vmem>>, vector<1x16xf32>,
      %swap3A_63 = vector.shape_cast %swap3A_62 : vector<1x16xf32> to vector<16xf32>
      %swap3A_64 = vector.shape_cast %broadcast_in_dim3A_59 : vector<16xf32> to vector<1x16xf32>
      tpu.vector_store %arg11[%swap3A_60, %swap3A_61], %swap3A_64 {strides = array<i32>} : memref<128x128xf32, #tpu.memory_space<vmem>>, vector<1x16xf32>,
      %broadcast_in_dim3A_65 = arith.constant 0.000000e+00 : f32
      %broadcast_in_dim3A_66 = vector.broadcast %broadcast_in_dim3A_65 : f32 to vector<16xf32>
      %swap3A_67 = arith.index_cast %scan3A_44 : i32 to index
      %swap3A_68 = arith.constant 48 : index
      %swap3A_69 = tpu.vector_load %arg11[%swap3A_67, %swap3A_68] {strides = array<i32>} : memref<128x128xf32, #tpu.memory_space<vmem>>, vector<1x16xf32>,
      %swap3A_70 = vector.shape_cast %swap3A_69 : vector<1x16xf32> to vector<16xf32>
      %swap3A_71 = vector.shape_cast %broadcast_in_dim3A_66 : vector<16xf32> to vector<1x16xf32>
      tpu.vector_store %arg11[%swap3A_67, %swap3A_68], %swap3A_71 {strides = array<i32>} : memref<128x128xf32, #tpu.memory_space<vmem>>, vector<1x16xf32>,
      %broadcast_in_dim3A_72 = arith.constant 0.000000e+00 : f32
      %broadcast_in_dim3A_73 = vector.broadcast %broadcast_in_dim3A_72 : f32 to vector<16xf32>
      %swap3A_74 = arith.index_cast %scan3A_44 : i32 to index
      %swap3A_75 = arith.constant 64 : index
      %swap3A_76 = tpu.vector_load %arg11[%swap3A_74, %swap3A_75] {strides = array<i32>} : memref<128x128xf32, #tpu.memory_space<vmem>>, vector<1x16xf32>,
      %swap3A_77 = vector.shape_cast %swap3A_76 : vector<1x16xf32> to vector<16xf32>
      %swap3A_78 = vector.shape_cast %broadcast_in_dim3A_73 : vector<16xf32> to vector<1x16xf32>
      tpu.vector_store %arg11[%swap3A_74, %swap3A_75], %swap3A_78 {strides = array<i32>} : memref<128x128xf32, #tpu.memory_space<vmem>>, vector<1x16xf32>,
      %broadcast_in_dim3A_79 = arith.constant 0.000000e+00 : f32
      %broadcast_in_dim3A_80 = vector.broadcast %broadcast_in_dim3A_79 : f32 to vector<16xf32>
      %swap3A_81 = arith.index_cast %scan3A_44 : i32 to index
      %swap3A_82 = arith.constant 80 : index
      %swap3A_83 = tpu.vector_load %arg11[%swap3A_81, %swap3A_82] {strides = array<i32>} : memref<128x128xf32, #tpu.memory_space<vmem>>, vector<1x16xf32>,
      %swap3A_84 = vector.shape_cast %swap3A_83 : vector<1x16xf32> to vector<16xf32>
      %swap3A_85 = vector.shape_cast %broadcast_in_dim3A_80 : vector<16xf32> to vector<1x16xf32>
      tpu.vector_store %arg11[%swap3A_81, %swap3A_82], %swap3A_85 {strides = array<i32>} : memref<128x128xf32, #tpu.memory_space<vmem>>, vector<1x16xf32>,
      %broadcast_in_dim3A_86 = arith.constant 0.000000e+00 : f32
      %broadcast_in_dim3A_87 = vector.broadcast %broadcast_in_dim3A_86 : f32 to vector<16xf32>
      %swap3A_88 = arith.index_cast %scan3A_44 : i32 to index
      %swap3A_89 = arith.constant 96 : index
      %swap3A_90 = tpu.vector_load %arg11[%swap3A_88, %swap3A_89] {strides = array<i32>} : memref<128x128xf32, #tpu.memory_space<vmem>>, vector<1x16xf32>,
      %swap3A_91 = vector.shape_cast %swap3A_90 : vector<1x16xf32> to vector<16xf32>
      %swap3A_92 = vector.shape_cast %broadcast_in_dim3A_87 : vector<16xf32> to vector<1x16xf32>
      tpu.vector_store %arg11[%swap3A_88, %swap3A_89], %swap3A_92 {strides = array<i32>} : memref<128x128xf32, #tpu.memory_space<vmem>>, vector<1x16xf32>,
      %broadcast_in_dim3A_93 = arith.constant 0.000000e+00 : f32
      %broadcast_in_dim3A_94 = vector.broadcast %broadcast_in_dim3A_93 : f32 to vector<16xf32>
      %swap3A_95 = arith.index_cast %scan3A_44 : i32 to index
      %swap3A_96 = arith.constant 112 : index
      %swap3A_97 = tpu.vector_load %arg11[%swap3A_95, %swap3A_96] {strides = array<i32>} : memref<128x128xf32, #tpu.memory_space<vmem>>, vector<1x16xf32>,
      %swap3A_98 = vector.shape_cast %swap3A_97 : vector<1x16xf32> to vector<16xf32>
      %swap3A_99 = vector.shape_cast %broadcast_in_dim3A_94 : vector<16xf32> to vector<1x16xf32>
      tpu.vector_store %arg11[%swap3A_95, %swap3A_96], %swap3A_99 {strides = array<i32>} : memref<128x128xf32, #tpu.memory_space<vmem>>, vector<1x16xf32>,
      %scan3A_100 = arith.constant 0 : i32
      scf.yield %scan3A_100 : i32
    }
    %scan3A_5 = arith.constant 128 : i32
    %mul3A = arith.constant 632 : i32
    %mul3A_6 = arith.muli %arg1, %mul3A : i32
    %add3A = arith.constant 0 : i32
    %add3A_7 = arith.addi %mul3A_6, %add3A : i32
    "tpu.region"() ({
      %run_scoped3A = tpu.sem_alloc : memref<!tpu.dma_semaphore, #tpu.memory_space<semaphore_mem>>
      %dma_start3A = arith.constant 0 : i32
      %dma_start3A_44 = arith.constant 0 : i32
      %dma_start3A_45 = tpu.memref_slice %arg11[%dma_start3A, %dma_start3A_44] : memref<128x128xf32, #tpu.memory_space<vmem>> -> memref<128x128xf32, #tpu.memory_space<vmem>>
      %dma_start3A_46 = arith.constant 0 : i32
      %dma_start3A_47 = tpu.memref_slice %arg14[%add3A_7, %dma_start3A_46] : memref<10112x128xf32, #tpu.memory_space<vmem_shared>> -> memref<128x128xf32, #tpu.memory_space<vmem_shared>>
      %dma_start3A_48 = arith.constant 0 : i32
      %dma_start3A_49 = tpu.memref_slice %arg14[%add3A_7, %dma_start3A_48] : memref<10112x128xf32, #tpu.memory_space<vmem_shared>> -> memref<128x128xf32, #tpu.memory_space<vmem_shared>>
      %dma_start3A_50 = arith.constant 0 : i32
      %dma_start3A_51 = arith.constant 0 : i32
      %dma_start3A_52 = tpu.memref_slice %arg11[%dma_start3A_50, %dma_start3A_51] : memref<128x128xf32, #tpu.memory_space<vmem>> -> memref<128x128xf32, #tpu.memory_space<vmem>>
      tpu.enqueue_dma source(%dma_start3A_52 : memref<128x128xf32, #tpu.memory_space<vmem>>) target(%dma_start3A_49 : memref<128x128xf32, #tpu.memory_space<vmem_shared>>) target_semaphore(%run_scoped3A : memref<!tpu.dma_semaphore, #tpu.memory_space<semaphore_mem>>)
      %dma_wait3A = arith.constant 0 : i32
      %dma_wait3A_53 = arith.constant 0 : i32
      %dma_wait3A_54 = tpu.memref_slice %arg11[%dma_wait3A, %dma_wait3A_53] : memref<128x128xf32, #tpu.memory_space<vmem>> -> memref<128x128xf32, #tpu.memory_space<vmem>>
      %dma_wait3A_55 = arith.constant 0 : i32
      %dma_wait3A_56 = tpu.memref_slice %arg14[%add3A_7, %dma_wait3A_55] : memref<10112x128xf32, #tpu.memory_space<vmem_shared>> -> memref<128x128xf32, #tpu.memory_space<vmem_shared>>
      %dma_wait3A_57 = arith.constant 0 : i32
      %dma_wait3A_58 = tpu.memref_slice %arg14[%add3A_7, %dma_wait3A_57] : memref<10112x128xf32, #tpu.memory_space<vmem_shared>> -> memref<128x128xf32, #tpu.memory_space<vmem_shared>>
      %dma_wait3A_59 = arith.constant 0 : i32
      %dma_wait3A_60 = arith.constant 0 : i32
      %dma_wait3A_61 = tpu.memref_slice %arg11[%dma_wait3A_59, %dma_wait3A_60] : memref<128x128xf32, #tpu.memory_space<vmem>> -> memref<128x128xf32, #tpu.memory_space<vmem>>
      tpu.wait_dma2 semaphore(%run_scoped3A : memref<!tpu.dma_semaphore, #tpu.memory_space<semaphore_mem>>) src(%dma_wait3A_61 : memref<128x128xf32, #tpu.memory_space<vmem>>) dst(%dma_wait3A_58 : memref<128x128xf32, #tpu.memory_space<vmem_shared>>)
      tpu.yield
    }) : () -> ()
    %mul3A_8 = arith.constant 632 : i32
    %mul3A_9 = arith.muli %arg1, %mul3A_8 : i32
    %add3A_10 = arith.constant 128 : i32
    %add3A_11 = arith.addi %mul3A_9, %add3A_10 : i32
    "tpu.region"() ({
      %run_scoped3A = tpu.sem_alloc : memref<!tpu.dma_semaphore, #tpu.memory_space<semaphore_mem>>
      %dma_start3A = arith.constant 0 : i32
      %dma_start3A_44 = arith.constant 0 : i32
      %dma_start3A_45 = tpu.memref_slice %arg11[%dma_start3A, %dma_start3A_44] : memref<128x128xf32, #tpu.memory_space<vmem>> -> memref<128x128xf32, #tpu.memory_space<vmem>>
      %dma_start3A_46 = arith.constant 0 : i32
      %dma_start3A_47 = tpu.memref_slice %arg14[%add3A_11, %dma_start3A_46] : memref<10112x128xf32, #tpu.memory_space<vmem_shared>> -> memref<128x128xf32, #tpu.memory_space<vmem_shared>>
      %dma_start3A_48 = arith.constant 0 : i32
      %dma_start3A_49 = tpu.memref_slice %arg14[%add3A_11, %dma_start3A_48] : memref<10112x128xf32, #tpu.memory_space<vmem_shared>> -> memref<128x128xf32, #tpu.memory_space<vmem_shared>>
      %dma_start3A_50 = arith.constant 0 : i32
      %dma_start3A_51 = arith.constant 0 : i32
      %dma_start3A_52 = tpu.memref_slice %arg11[%dma_start3A_50, %dma_start3A_51] : memref<128x128xf32, #tpu.memory_space<vmem>> -> memref<128x128xf32, #tpu.memory_space<vmem>>
      tpu.enqueue_dma source(%dma_start3A_52 : memref<128x128xf32, #tpu.memory_space<vmem>>) target(%dma_start3A_49 : memref<128x128xf32, #tpu.memory_space<vmem_shared>>) target_semaphore(%run_scoped3A : memref<!tpu.dma_semaphore, #tpu.memory_space<semaphore_mem>>)
      %dma_wait3A = arith.constant 0 : i32
      %dma_wait3A_53 = arith.constant 0 : i32
      %dma_wait3A_54 = tpu.memref_slice %arg11[%dma_wait3A, %dma_wait3A_53] : memref<128x128xf32, #tpu.memory_space<vmem>> -> memref<128x128xf32, #tpu.memory_space<vmem>>
      %dma_wait3A_55 = arith.constant 0 : i32
      %dma_wait3A_56 = tpu.memref_slice %arg14[%add3A_11, %dma_wait3A_55] : memref<10112x128xf32, #tpu.memory_space<vmem_shared>> -> memref<128x128xf32, #tpu.memory_space<vmem_shared>>
      %dma_wait3A_57 = arith.constant 0 : i32
      %dma_wait3A_58 = tpu.memref_slice %arg14[%add3A_11, %dma_wait3A_57] : memref<10112x128xf32, #tpu.memory_space<vmem_shared>> -> memref<128x128xf32, #tpu.memory_space<vmem_shared>>
      %dma_wait3A_59 = arith.constant 0 : i32
      %dma_wait3A_60 = arith.constant 0 : i32
      %dma_wait3A_61 = tpu.memref_slice %arg11[%dma_wait3A_59, %dma_wait3A_60] : memref<128x128xf32, #tpu.memory_space<vmem>> -> memref<128x128xf32, #tpu.memory_space<vmem>>
      tpu.wait_dma2 semaphore(%run_scoped3A : memref<!tpu.dma_semaphore, #tpu.memory_space<semaphore_mem>>) src(%dma_wait3A_61 : memref<128x128xf32, #tpu.memory_space<vmem>>) dst(%dma_wait3A_58 : memref<128x128xf32, #tpu.memory_space<vmem_shared>>)
      tpu.yield
    }) : () -> ()
    %mul3A_12 = arith.constant 632 : i32
    %mul3A_13 = arith.muli %arg1, %mul3A_12 : i32
    %add3A_14 = arith.constant 256 : i32
    %add3A_15 = arith.addi %mul3A_13, %add3A_14 : i32
    "tpu.region"() ({
      %run_scoped3A = tpu.sem_alloc : memref<!tpu.dma_semaphore, #tpu.memory_space<semaphore_mem>>
      %dma_start3A = arith.constant 0 : i32
      %dma_start3A_44 = arith.constant 0 : i32
      %dma_start3A_45 = tpu.memref_slice %arg11[%dma_start3A, %dma_start3A_44] : memref<128x128xf32, #tpu.memory_space<vmem>> -> memref<128x128xf32, #tpu.memory_space<vmem>>
      %dma_start3A_46 = arith.constant 0 : i32
      %dma_start3A_47 = tpu.memref_slice %arg14[%add3A_15, %dma_start3A_46] : memref<10112x128xf32, #tpu.memory_space<vmem_shared>> -> memref<128x128xf32, #tpu.memory_space<vmem_shared>>
      %dma_start3A_48 = arith.constant 0 : i32
      %dma_start3A_49 = tpu.memref_slice %arg14[%add3A_15, %dma_start3A_48] : memref<10112x128xf32, #tpu.memory_space<vmem_shared>> -> memref<128x128xf32, #tpu.memory_space<vmem_shared>>
      %dma_start3A_50 = arith.constant 0 : i32
      %dma_start3A_51 = arith.constant 0 : i32
      %dma_start3A_52 = tpu.memref_slice %arg11[%dma_start3A_50, %dma_start3A_51] : memref<128x128xf32, #tpu.memory_space<vmem>> -> memref<128x128xf32, #tpu.memory_space<vmem>>
      tpu.enqueue_dma source(%dma_start3A_52 : memref<128x128xf32, #tpu.memory_space<vmem>>) target(%dma_start3A_49 : memref<128x128xf32, #tpu.memory_space<vmem_shared>>) target_semaphore(%run_scoped3A : memref<!tpu.dma_semaphore, #tpu.memory_space<semaphore_mem>>)
      %dma_wait3A = arith.constant 0 : i32
      %dma_wait3A_53 = arith.constant 0 : i32
      %dma_wait3A_54 = tpu.memref_slice %arg11[%dma_wait3A, %dma_wait3A_53] : memref<128x128xf32, #tpu.memory_space<vmem>> -> memref<128x128xf32, #tpu.memory_space<vmem>>
      %dma_wait3A_55 = arith.constant 0 : i32
      %dma_wait3A_56 = tpu.memref_slice %arg14[%add3A_15, %dma_wait3A_55] : memref<10112x128xf32, #tpu.memory_space<vmem_shared>> -> memref<128x128xf32, #tpu.memory_space<vmem_shared>>
      %dma_wait3A_57 = arith.constant 0 : i32
      %dma_wait3A_58 = tpu.memref_slice %arg14[%add3A_15, %dma_wait3A_57] : memref<10112x128xf32, #tpu.memory_space<vmem_shared>> -> memref<128x128xf32, #tpu.memory_space<vmem_shared>>
      %dma_wait3A_59 = arith.constant 0 : i32
      %dma_wait3A_60 = arith.constant 0 : i32
      %dma_wait3A_61 = tpu.memref_slice %arg11[%dma_wait3A_59, %dma_wait3A_60] : memref<128x128xf32, #tpu.memory_space<vmem>> -> memref<128x128xf32, #tpu.memory_space<vmem>>
      tpu.wait_dma2 semaphore(%run_scoped3A : memref<!tpu.dma_semaphore, #tpu.memory_space<semaphore_mem>>) src(%dma_wait3A_61 : memref<128x128xf32, #tpu.memory_space<vmem>>) dst(%dma_wait3A_58 : memref<128x128xf32, #tpu.memory_space<vmem_shared>>)
      tpu.yield
    }) : () -> ()
    %mul3A_16 = arith.constant 632 : i32
    %mul3A_17 = arith.muli %arg1, %mul3A_16 : i32
    %add3A_18 = arith.constant 384 : i32
    %add3A_19 = arith.addi %mul3A_17, %add3A_18 : i32
    "tpu.region"() ({
      %run_scoped3A = tpu.sem_alloc : memref<!tpu.dma_semaphore, #tpu.memory_space<semaphore_mem>>
      %dma_start3A = arith.constant 0 : i32
      %dma_start3A_44 = arith.constant 0 : i32
      %dma_start3A_45 = tpu.memref_slice %arg11[%dma_start3A, %dma_start3A_44] : memref<128x128xf32, #tpu.memory_space<vmem>> -> memref<128x128xf32, #tpu.memory_space<vmem>>
      %dma_start3A_46 = arith.constant 0 : i32
      %dma_start3A_47 = tpu.memref_slice %arg14[%add3A_19, %dma_start3A_46] : memref<10112x128xf32, #tpu.memory_space<vmem_shared>> -> memref<128x128xf32, #tpu.memory_space<vmem_shared>>
      %dma_start3A_48 = arith.constant 0 : i32
      %dma_start3A_49 = tpu.memref_slice %arg14[%add3A_19, %dma_start3A_48] : memref<10112x128xf32, #tpu.memory_space<vmem_shared>> -> memref<128x128xf32, #tpu.memory_space<vmem_shared>>
      %dma_start3A_50 = arith.constant 0 : i32
      %dma_start3A_51 = arith.constant 0 : i32
      %dma_start3A_52 = tpu.memref_slice %arg11[%dma_start3A_50, %dma_start3A_51] : memref<128x128xf32, #tpu.memory_space<vmem>> -> memref<128x128xf32, #tpu.memory_space<vmem>>
      tpu.enqueue_dma source(%dma_start3A_52 : memref<128x128xf32, #tpu.memory_space<vmem>>) target(%dma_start3A_49 : memref<128x128xf32, #tpu.memory_space<vmem_shared>>) target_semaphore(%run_scoped3A : memref<!tpu.dma_semaphore, #tpu.memory_space<semaphore_mem>>)
      %dma_wait3A = arith.constant 0 : i32
      %dma_wait3A_53 = arith.constant 0 : i32
      %dma_wait3A_54 = tpu.memref_slice %arg11[%dma_wait3A, %dma_wait3A_53] : memref<128x128xf32, #tpu.memory_space<vmem>> -> memref<128x128xf32, #tpu.memory_space<vmem>>
      %dma_wait3A_55 = arith.constant 0 : i32
      %dma_wait3A_56 = tpu.memref_slice %arg14[%add3A_19, %dma_wait3A_55] : memref<10112x128xf32, #tpu.memory_space<vmem_shared>> -> memref<128x128xf32, #tpu.memory_space<vmem_shared>>
      %dma_wait3A_57 = arith.constant 0 : i32
      %dma_wait3A_58 = tpu.memref_slice %arg14[%add3A_19, %dma_wait3A_57] : memref<10112x128xf32, #tpu.memory_space<vmem_shared>> -> memref<128x128xf32, #tpu.memory_space<vmem_shared>>
      %dma_wait3A_59 = arith.constant 0 : i32
      %dma_wait3A_60 = arith.constant 0 : i32
      %dma_wait3A_61 = tpu.memref_slice %arg11[%dma_wait3A_59, %dma_wait3A_60] : memref<128x128xf32, #tpu.memory_space<vmem>> -> memref<128x128xf32, #tpu.memory_space<vmem>>
      tpu.wait_dma2 semaphore(%run_scoped3A : memref<!tpu.dma_semaphore, #tpu.memory_space<semaphore_mem>>) src(%dma_wait3A_61 : memref<128x128xf32, #tpu.memory_space<vmem>>) dst(%dma_wait3A_58 : memref<128x128xf32, #tpu.memory_space<vmem_shared>>)
      tpu.yield
    }) : () -> ()
    %mul3A_20 = arith.constant 632 : i32
    %mul3A_21 = arith.muli %arg1, %mul3A_20 : i32
    %add3A_22 = arith.constant 512 : i32
    %add3A_23 = arith.addi %mul3A_21, %add3A_22 : i32
    "tpu.region"() ({
      %run_scoped3A = tpu.sem_alloc : memref<!tpu.dma_semaphore, #tpu.memory_space<semaphore_mem>>
      %dma_start3A = arith.constant 0 : i32
      %dma_start3A_44 = arith.constant 0 : i32
      %dma_start3A_45 = tpu.memref_slice %arg11[%dma_start3A, %dma_start3A_44] : memref<128x128xf32, #tpu.memory_space<vmem>> -> memref<120x128xf32, #tpu.memory_space<vmem>>
      %dma_start3A_46 = arith.constant 0 : i32
      %dma_start3A_47 = tpu.memref_slice %arg14[%add3A_23, %dma_start3A_46] : memref<10112x128xf32, #tpu.memory_space<vmem_shared>> -> memref<120x128xf32, #tpu.memory_space<vmem_shared>>
      %dma_start3A_48 = arith.constant 0 : i32
      %dma_start3A_49 = tpu.memref_slice %arg14[%add3A_23, %dma_start3A_48] : memref<10112x128xf32, #tpu.memory_space<vmem_shared>> -> memref<120x128xf32, #tpu.memory_space<vmem_shared>>
      %dma_start3A_50 = arith.constant 0 : i32
      %dma_start3A_51 = arith.constant 0 : i32
      %dma_start3A_52 = tpu.memref_slice %arg11[%dma_start3A_50, %dma_start3A_51] : memref<128x128xf32, #tpu.memory_space<vmem>> -> memref<120x128xf32, #tpu.memory_space<vmem>>
      tpu.enqueue_dma source(%dma_start3A_52 : memref<120x128xf32, #tpu.memory_space<vmem>>) target(%dma_start3A_49 : memref<120x128xf32, #tpu.memory_space<vmem_shared>>) target_semaphore(%run_scoped3A : memref<!tpu.dma_semaphore, #tpu.memory_space<semaphore_mem>>)
      %dma_wait3A = arith.constant 0 : i32
      %dma_wait3A_53 = arith.constant 0 : i32
      %dma_wait3A_54 = tpu.memref_slice %arg11[%dma_wait3A, %dma_wait3A_53] : memref<128x128xf32, #tpu.memory_space<vmem>> -> memref<120x128xf32, #tpu.memory_space<vmem>>
      %dma_wait3A_55 = arith.constant 0 : i32
      %dma_wait3A_56 = tpu.memref_slice %arg14[%add3A_23, %dma_wait3A_55] : memref<10112x128xf32, #tpu.memory_space<vmem_shared>> -> memref<120x128xf32, #tpu.memory_space<vmem_shared>>
      %dma_wait3A_57 = arith.constant 0 : i32
      %dma_wait3A_58 = tpu.memref_slice %arg14[%add3A_23, %dma_wait3A_57] : memref<10112x128xf32, #tpu.memory_space<vmem_shared>> -> memref<120x128xf32, #tpu.memory_space<vmem_shared>>
      %dma_wait3A_59 = arith.constant 0 : i32
      %dma_wait3A_60 = arith.constant 0 : i32
      %dma_wait3A_61 = tpu.memref_slice %arg11[%dma_wait3A_59, %dma_wait3A_60] : memref<128x128xf32, #tpu.memory_space<vmem>> -> memref<120x128xf32, #tpu.memory_space<vmem>>
      tpu.wait_dma2 semaphore(%run_scoped3A : memref<!tpu.dma_semaphore, #tpu.memory_space<semaphore_mem>>) src(%dma_wait3A_61 : memref<120x128xf32, #tpu.memory_space<vmem>>) dst(%dma_wait3A_58 : memref<120x128xf32, #tpu.memory_space<vmem_shared>>)
      tpu.yield
    }) : () -> ()
    %barrier3A = arith.constant 0 : index
    tpu.barrier barrier_id(%barrier3A)
    %eq3A = arith.constant 0 : i32
    %eq3A_24 = arith.cmpi eq, %arg0, %eq3A : i32
    %convert_element_type3A = arith.extui %eq3A_24 : i1 to i32
    %cond3A = arith.constant 0 : i32
    %cond3A_25 = arith.cmpi ne, %convert_element_type3A, %cond3A : i32
    scf.if %cond3A_25 {
      %scan3A_44 = arith.constant 0 : i32
      %scan3A_45 = arith.constant 0 : i32
      %scan3A_46 = arith.constant 157 : i32
      %scan3A_47 = arith.addi %scan3A_45, %scan3A_46 : i32
      %scan3A_48 = arith.constant 1 : i32
      %scan3A_49 = scf.for %scan3A_51 = %scan3A_45 to %scan3A_47 step %scan3A_48 iter_args(%scan3A_52 = %scan3A_44) -> (i32)  : i32 {
        %mul3A_53 = arith.constant 16 : i32
        %mul3A_54 = arith.muli %mul3A_53, %scan3A_51 : i32
        %add3A_55 = arith.addi %arg1, %mul3A_54 : i32
        %lt3A = arith.constant 2500 : i32
        %lt3A_56 = arith.cmpi slt, %add3A_55, %lt3A : i32
        %convert_element_type3A_57 = arith.extui %lt3A_56 : i1 to i32
        %cond3A_58 = arith.constant 0 : i32
        %cond3A_59 = arith.cmpi ne, %convert_element_type3A_57, %cond3A_58 : i32
        scf.if %cond3A_59 {
          %mul3A_61 = arith.constant 128 : i32
          %mul3A_62 = arith.muli %add3A_55, %mul3A_61 : i32
          "tpu.region"() ({
            %run_scoped3A_69 = tpu.sem_alloc : memref<!tpu.dma_semaphore, #tpu.memory_space<semaphore_mem>>
            %dma_start3A = arith.constant 0 : i32
            %dma_start3A_70 = tpu.memref_slice %arg2[%dma_start3A, %mul3A_62] : memref<2x320000xi32, #tpu.memory_space<hbm>> -> memref<2x128xi32, #tpu.memory_space<hbm>>
            %dma_start3A_71 = arith.constant 0 : i32
            %dma_start3A_72 = tpu.memref_slice %arg2[%dma_start3A_71, %mul3A_62] : memref<2x320000xi32, #tpu.memory_space<hbm>> -> memref<2x128xi32, #tpu.memory_space<hbm>>
            tpu.enqueue_dma source(%dma_start3A_72 : memref<2x128xi32, #tpu.memory_space<hbm>>) target(%arg10 : memref<2x128xi32, #tpu.memory_space<vmem>>) target_semaphore(%run_scoped3A_69 : memref<!tpu.dma_semaphore, #tpu.memory_space<semaphore_mem>>)
            %dma_wait3A = arith.constant 0 : i32
            %dma_wait3A_73 = tpu.memref_slice %arg2[%dma_wait3A, %mul3A_62] : memref<2x320000xi32, #tpu.memory_space<hbm>> -> memref<2x128xi32, #tpu.memory_space<hbm>>
            %dma_wait3A_74 = arith.constant 0 : i32
            %dma_wait3A_75 = tpu.memref_slice %arg2[%dma_wait3A_74, %mul3A_62] : memref<2x320000xi32, #tpu.memory_space<hbm>> -> memref<2x128xi32, #tpu.memory_space<hbm>>
            tpu.wait_dma2 semaphore(%run_scoped3A_69 : memref<!tpu.dma_semaphore, #tpu.memory_space<semaphore_mem>>) src(%dma_wait3A_75 : memref<2x128xi32, #tpu.memory_space<hbm>>) dst(%arg10 : memref<2x128xi32, #tpu.memory_space<vmem>>)
            tpu.yield
          }) : () -> ()
          %run_scoped3A = arith.constant 0 : i32
          "tpu.region"() ({
            %run_scoped3A_69 = tpu.sem_alloc : memref<!tpu.dma_semaphore, #tpu.memory_space<semaphore_mem>>
            %dma_start3A = arith.constant 0 : i32
            %dma_start3A_70 = tpu.memref_slice %arg10[%run_scoped3A, %dma_start3A] : memref<2x128xi32, #tpu.memory_space<vmem>> -> memref<1x128xi32, #tpu.memory_space<vmem>>
            %dma_start3A_71 = tpu.memref_squeeze %dma_start3A_70 : memref<1x128xi32, #tpu.memory_space<vmem>> -> memref<128xi32, #tpu.memory_space<vmem>>
            %dma_start3A_72 = arith.constant 0 : i32
            %dma_start3A_73 = arith.constant 0 : i32
            %dma_start3A_74 = tpu.memref_slice %arg3[%dma_start3A_72, %dma_start3A_73] : memref<10000x128xf32, #tpu.memory_space<hbm>> -> memref<10000x128xf32, #tpu.memory_space<hbm>>
            tpu.enqueue_indirect_dma source(%dma_start3A_74 : memref<10000x128xf32, #tpu.memory_space<hbm>>) target(%arg11 : memref<128x128xf32, #tpu.memory_space<vmem>>) offsets(%dma_start3A_71 : memref<128xi32, #tpu.memory_space<vmem>>) semaphore(%run_scoped3A_69 : memref<!tpu.dma_semaphore, #tpu.memory_space<semaphore_mem>>)
            %dma_wait3A = arith.constant 0 : i32
            %dma_wait3A_75 = tpu.memref_slice %arg10[%run_scoped3A, %dma_wait3A] : memref<2x128xi32, #tpu.memory_space<vmem>> -> memref<1x128xi32, #tpu.memory_space<vmem>>
            %dma_wait3A_76 = tpu.memref_squeeze %dma_wait3A_75 : memref<1x128xi32, #tpu.memory_space<vmem>> -> memref<128xi32, #tpu.memory_space<vmem>>
            %dma_wait3A_77 = arith.constant 0 : i32
            %dma_wait3A_78 = arith.constant 0 : i32
            %dma_wait3A_79 = tpu.memref_slice %arg3[%dma_wait3A_77, %dma_wait3A_78] : memref<10000x128xf32, #tpu.memory_space<hbm>> -> memref<10000x128xf32, #tpu.memory_space<hbm>>
            tpu.wait_indirect_dma semaphore(%run_scoped3A_69 : memref<!tpu.dma_semaphore, #tpu.memory_space<semaphore_mem>>) src(%dma_wait3A_79 : memref<10000x128xf32, #tpu.memory_space<hbm>>) dst(%arg11 : memref<128x128xf32, #tpu.memory_space<vmem>>)
            tpu.yield
          }) : () -> ()
          %run_scoped3A_63 = arith.constant 1 : i32
          "tpu.region"() ({
            %run_scoped3A_69 = tpu.sem_alloc : memref<!tpu.dma_semaphore, #tpu.memory_space<semaphore_mem>>
            %dma_start3A = arith.constant 0 : i32
            %dma_start3A_70 = tpu.memref_slice %arg10[%run_scoped3A_63, %dma_start3A] : memref<2x128xi32, #tpu.memory_space<vmem>> -> memref<1x128xi32, #tpu.memory_space<vmem>>
            %dma_start3A_71 = tpu.memref_squeeze %dma_start3A_70 : memref<1x128xi32, #tpu.memory_space<vmem>> -> memref<128xi32, #tpu.memory_space<vmem>>
            %dma_start3A_72 = arith.constant 0 : i32
            %dma_start3A_73 = arith.constant 0 : i32
            %dma_start3A_74 = tpu.memref_slice %arg5[%dma_start3A_72, %dma_start3A_73] : memref<10000x128xf32, #tpu.memory_space<hbm>> -> memref<10000x128xf32, #tpu.memory_space<hbm>>
            tpu.enqueue_indirect_dma source(%dma_start3A_74 : memref<10000x128xf32, #tpu.memory_space<hbm>>) target(%arg12 : memref<128x128xf32, #tpu.memory_space<vmem>>) offsets(%dma_start3A_71 : memref<128xi32, #tpu.memory_space<vmem>>) semaphore(%run_scoped3A_69 : memref<!tpu.dma_semaphore, #tpu.memory_space<semaphore_mem>>)
            %dma_wait3A = arith.constant 0 : i32
            %dma_wait3A_75 = tpu.memref_slice %arg10[%run_scoped3A_63, %dma_wait3A] : memref<2x128xi32, #tpu.memory_space<vmem>> -> memref<1x128xi32, #tpu.memory_space<vmem>>
            %dma_wait3A_76 = tpu.memref_squeeze %dma_wait3A_75 : memref<1x128xi32, #tpu.memory_space<vmem>> -> memref<128xi32, #tpu.memory_space<vmem>>
            %dma_wait3A_77 = arith.constant 0 : i32
            %dma_wait3A_78 = arith.constant 0 : i32
            %dma_wait3A_79 = tpu.memref_slice %arg5[%dma_wait3A_77, %dma_wait3A_78] : memref<10000x128xf32, #tpu.memory_space<hbm>> -> memref<10000x128xf32, #tpu.memory_space<hbm>>
            tpu.wait_indirect_dma semaphore(%run_scoped3A_69 : memref<!tpu.dma_semaphore, #tpu.memory_space<semaphore_mem>>) src(%dma_wait3A_79 : memref<10000x128xf32, #tpu.memory_space<hbm>>) dst(%arg12 : memref<128x128xf32, #tpu.memory_space<vmem>>)
            tpu.yield
          }) : () -> ()
          %run_scoped3A_64 = arith.constant 0 : i32
          "tpu.region"() ({
            %run_scoped3A_69 = tpu.sem_alloc : memref<!tpu.dma_semaphore, #tpu.memory_space<semaphore_mem>>
            %dma_start3A = arith.constant 0 : i32
            %dma_start3A_70 = tpu.memref_slice %arg7[%run_scoped3A_64, %mul3A_62, %dma_start3A] : memref<2x320000x128xf32, #tpu.memory_space<hbm>> -> memref<1x128x128xf32, #tpu.memory_space<hbm>>
            %dma_start3A_71 = tpu.memref_squeeze %dma_start3A_70 : memref<1x128x128xf32, #tpu.memory_space<hbm>> -> memref<128x128xf32, #tpu.memory_space<hbm>>
            %dma_start3A_72 = arith.constant 0 : i32
            %dma_start3A_73 = tpu.memref_slice %arg7[%run_scoped3A_64, %mul3A_62, %dma_start3A_72] : memref<2x320000x128xf32, #tpu.memory_space<hbm>> -> memref<1x128x128xf32, #tpu.memory_space<hbm>>
            %dma_start3A_74 = tpu.memref_squeeze %dma_start3A_73 : memref<1x128x128xf32, #tpu.memory_space<hbm>> -> memref<128x128xf32, #tpu.memory_space<hbm>>
            tpu.enqueue_dma source(%dma_start3A_74 : memref<128x128xf32, #tpu.memory_space<hbm>>) target(%arg13 : memref<128x128xf32, #tpu.memory_space<vmem>>) target_semaphore(%run_scoped3A_69 : memref<!tpu.dma_semaphore, #tpu.memory_space<semaphore_mem>>)
            %dma_wait3A = arith.constant 0 : i32
            %dma_wait3A_75 = tpu.memref_slice %arg7[%run_scoped3A_64, %mul3A_62, %dma_wait3A] : memref<2x320000x128xf32, #tpu.memory_space<hbm>> -> memref<1x128x128xf32, #tpu.memory_space<hbm>>
            %dma_wait3A_76 = tpu.memref_squeeze %dma_wait3A_75 : memref<1x128x128xf32, #tpu.memory_space<hbm>> -> memref<128x128xf32, #tpu.memory_space<hbm>>
            %dma_wait3A_77 = arith.constant 0 : i32
            %dma_wait3A_78 = tpu.memref_slice %arg7[%run_scoped3A_64, %mul3A_62, %dma_wait3A_77] : memref<2x320000x128xf32, #tpu.memory_space<hbm>> -> memref<1x128x128xf32, #tpu.memory_space<hbm>>
            %dma_wait3A_79 = tpu.memref_squeeze %dma_wait3A_78 : memref<1x128x128xf32, #tpu.memory_space<hbm>> -> memref<128x128xf32, #tpu.memory_space<hbm>>
            tpu.wait_dma2 semaphore(%run_scoped3A_69 : memref<!tpu.dma_semaphore, #tpu.memory_space<semaphore_mem>>) src(%dma_wait3A_79 : memref<128x128xf32, #tpu.memory_space<hbm>>) dst(%arg13 : memref<128x128xf32, #tpu.memory_space<vmem>>)
            tpu.yield
          }) : () -> ()
          %parallel_loop3A = arith.constant 0 : i32
          %parallel_loop3A_65 = arith.constant 128 : i32
          %parallel_loop3A_66 = arith.constant 1 : i32
          scf.for %parallel_loop3A_69 = %parallel_loop3A to %parallel_loop3A_65 step %parallel_loop3A_66  : i32 {
            %parallel_loop3A_70 = arith.index_cast %parallel_loop3A_69 : i32 to index
            %parallel_loop3A_71 = arith.constant 0 : index
            %parallel_loop3A_72 = tpu.vector_load %arg11[%parallel_loop3A_70, %parallel_loop3A_71] {strides = array<i32>} : memref<128x128xf32, #tpu.memory_space<vmem>>, vector<1x16xf32>,
            %parallel_loop3A_73 = vector.shape_cast %parallel_loop3A_72 : vector<1x16xf32> to vector<16xf32>
            %parallel_loop3A_74 = arith.index_cast %parallel_loop3A_69 : i32 to index
            %parallel_loop3A_75 = arith.constant 0 : index
            %parallel_loop3A_76 = tpu.vector_load %arg12[%parallel_loop3A_74, %parallel_loop3A_75] {strides = array<i32>} : memref<128x128xf32, #tpu.memory_space<vmem>>, vector<1x16xf32>,
            %parallel_loop3A_77 = vector.shape_cast %parallel_loop3A_76 : vector<1x16xf32> to vector<16xf32>
            %parallel_loop3A_78 = arith.addf %parallel_loop3A_73, %parallel_loop3A_77 : vector<16xf32>
            %parallel_loop3A_79 = arith.index_cast %parallel_loop3A_69 : i32 to index
            %parallel_loop3A_80 = arith.constant 0 : index
            %parallel_loop3A_81 = tpu.vector_load %arg13[%parallel_loop3A_79, %parallel_loop3A_80] {strides = array<i32>} : memref<128x128xf32, #tpu.memory_space<vmem>>, vector<1x16xf32>,
            %parallel_loop3A_82 = vector.shape_cast %parallel_loop3A_81 : vector<1x16xf32> to vector<16xf32>
            %parallel_loop3A_83 = arith.addf %parallel_loop3A_78, %parallel_loop3A_82 : vector<16xf32>
            %parallel_loop3A_84 = arith.constant 0.000000e+00 : f32
            %parallel_loop3A_85 = vector.broadcast %parallel_loop3A_84 : f32 to vector<16xf32>
            %parallel_loop3A_86 = arith.maximumf %parallel_loop3A_83, %parallel_loop3A_85 : vector<16xf32>
            %parallel_loop3A_87 = arith.index_cast %parallel_loop3A_69 : i32 to index
            %parallel_loop3A_88 = arith.constant 0 : index
            %parallel_loop3A_89 = tpu.vector_load %arg11[%parallel_loop3A_87, %parallel_loop3A_88] {strides = array<i32>} : memref<128x128xf32, #tpu.memory_space<vmem>>, vector<1x16xf32>,
            %parallel_loop3A_90 = vector.shape_cast %parallel_loop3A_89 : vector<1x16xf32> to vector<16xf32>
            %parallel_loop3A_91 = vector.shape_cast %parallel_loop3A_86 : vector<16xf32> to vector<1x16xf32>
            tpu.vector_store %arg11[%parallel_loop3A_87, %parallel_loop3A_88], %parallel_loop3A_91 {strides = array<i32>} : memref<128x128xf32, #tpu.memory_space<vmem>>, vector<1x16xf32>,
            %parallel_loop3A_92 = arith.index_cast %parallel_loop3A_69 : i32 to index
            %parallel_loop3A_93 = arith.constant 16 : index
            %parallel_loop3A_94 = tpu.vector_load %arg11[%parallel_loop3A_92, %parallel_loop3A_93] {strides = array<i32>} : memref<128x128xf32, #tpu.memory_space<vmem>>, vector<1x16xf32>,
            %parallel_loop3A_95 = vector.shape_cast %parallel_loop3A_94 : vector<1x16xf32> to vector<16xf32>
            %parallel_loop3A_96 = arith.index_cast %parallel_loop3A_69 : i32 to index
            %parallel_loop3A_97 = arith.constant 16 : index
            %parallel_loop3A_98 = tpu.vector_load %arg12[%parallel_loop3A_96, %parallel_loop3A_97] {strides = array<i32>} : memref<128x128xf32, #tpu.memory_space<vmem>>, vector<1x16xf32>,
            %parallel_loop3A_99 = vector.shape_cast %parallel_loop3A_98 : vector<1x16xf32> to vector<16xf32>
            %parallel_loop3A_100 = arith.addf %parallel_loop3A_95, %parallel_loop3A_99 : vector<16xf32>
            %parallel_loop3A_101 = arith.index_cast %parallel_loop3A_69 : i32 to index
            %parallel_loop3A_102 = arith.constant 16 : index
            %parallel_loop3A_103 = tpu.vector_load %arg13[%parallel_loop3A_101, %parallel_loop3A_102] {strides = array<i32>} : memref<128x128xf32, #tpu.memory_space<vmem>>, vector<1x16xf32>,
            %parallel_loop3A_104 = vector.shape_cast %parallel_loop3A_103 : vector<1x16xf32> to vector<16xf32>
            %parallel_loop3A_105 = arith.addf %parallel_loop3A_100, %parallel_loop3A_104 : vector<16xf32>
            %parallel_loop3A_106 = arith.constant 0.000000e+00 : f32
            %parallel_loop3A_107 = vector.broadcast %parallel_loop3A_106 : f32 to vector<16xf32>
            %parallel_loop3A_108 = arith.maximumf %parallel_loop3A_105, %parallel_loop3A_107 : vector<16xf32>
            %parallel_loop3A_109 = arith.index_cast %parallel_loop3A_69 : i32 to index
            %parallel_loop3A_110 = arith.constant 16 : index
            %parallel_loop3A_111 = tpu.vector_load %arg11[%parallel_loop3A_109, %parallel_loop3A_110] {strides = array<i32>} : memref<128x128xf32, #tpu.memory_space<vmem>>, vector<1x16xf32>,
            %parallel_loop3A_112 = vector.shape_cast %parallel_loop3A_111 : vector<1x16xf32> to vector<16xf32>
            %parallel_loop3A_113 = vector.shape_cast %parallel_loop3A_108 : vector<16xf32> to vector<1x16xf32>
            tpu.vector_store %arg11[%parallel_loop3A_109, %parallel_loop3A_110], %parallel_loop3A_113 {strides = array<i32>} : memref<128x128xf32, #tpu.memory_space<vmem>>, vector<1x16xf32>,
            %parallel_loop3A_114 = arith.index_cast %parallel_loop3A_69 : i32 to index
            %parallel_loop3A_115 = arith.constant 32 : index
            %parallel_loop3A_116 = tpu.vector_load %arg11[%parallel_loop3A_114, %parallel_loop3A_115] {strides = array<i32>} : memref<128x128xf32, #tpu.memory_space<vmem>>, vector<1x16xf32>,
            %parallel_loop3A_117 = vector.shape_cast %parallel_loop3A_116 : vector<1x16xf32> to vector<16xf32>
            %parallel_loop3A_118 = arith.index_cast %parallel_loop3A_69 : i32 to index
            %parallel_loop3A_119 = arith.constant 32 : index
            %parallel_loop3A_120 = tpu.vector_load %arg12[%parallel_loop3A_118, %parallel_loop3A_119] {strides = array<i32>} : memref<128x128xf32, #tpu.memory_space<vmem>>, vector<1x16xf32>,
            %parallel_loop3A_121 = vector.shape_cast %parallel_loop3A_120 : vector<1x16xf32> to vector<16xf32>
            %parallel_loop3A_122 = arith.addf %parallel_loop3A_117, %parallel_loop3A_121 : vector<16xf32>
            %parallel_loop3A_123 = arith.index_cast %parallel_loop3A_69 : i32 to index
            %parallel_loop3A_124 = arith.constant 32 : index
            %parallel_loop3A_125 = tpu.vector_load %arg13[%parallel_loop3A_123, %parallel_loop3A_124] {strides = array<i32>} : memref<128x128xf32, #tpu.memory_space<vmem>>, vector<1x16xf32>,
            %parallel_loop3A_126 = vector.shape_cast %parallel_loop3A_125 : vector<1x16xf32> to vector<16xf32>
            %parallel_loop3A_127 = arith.addf %parallel_loop3A_122, %parallel_loop3A_126 : vector<16xf32>
            %parallel_loop3A_128 = arith.constant 0.000000e+00 : f32
            %parallel_loop3A_129 = vector.broadcast %parallel_loop3A_128 : f32 to vector<16xf32>
            %parallel_loop3A_130 = arith.maximumf %parallel_loop3A_127, %parallel_loop3A_129 : vector<16xf32>
            %parallel_loop3A_131 = arith.index_cast %parallel_loop3A_69 : i32 to index
            %parallel_loop3A_132 = arith.constant 32 : index
            %parallel_loop3A_133 = tpu.vector_load %arg11[%parallel_loop3A_131, %parallel_loop3A_132] {strides = array<i32>} : memref<128x128xf32, #tpu.memory_space<vmem>>, vector<1x16xf32>,
            %parallel_loop3A_134 = vector.shape_cast %parallel_loop3A_133 : vector<1x16xf32> to vector<16xf32>
            %parallel_loop3A_135 = vector.shape_cast %parallel_loop3A_130 : vector<16xf32> to vector<1x16xf32>
            tpu.vector_store %arg11[%parallel_loop3A_131, %parallel_loop3A_132], %parallel_loop3A_135 {strides = array<i32>} : memref<128x128xf32, #tpu.memory_space<vmem>>, vector<1x16xf32>,
            %parallel_loop3A_136 = arith.index_cast %parallel_loop3A_69 : i32 to index
            %parallel_loop3A_137 = arith.constant 48 : index
            %parallel_loop3A_138 = tpu.vector_load %arg11[%parallel_loop3A_136, %parallel_loop3A_137] {strides = array<i32>} : memref<128x128xf32, #tpu.memory_space<vmem>>, vector<1x16xf32>,
            %parallel_loop3A_139 = vector.shape_cast %parallel_loop3A_138 : vector<1x16xf32> to vector<16xf32>
            %parallel_loop3A_140 = arith.index_cast %parallel_loop3A_69 : i32 to index
            %parallel_loop3A_141 = arith.constant 48 : index
            %parallel_loop3A_142 = tpu.vector_load %arg12[%parallel_loop3A_140, %parallel_loop3A_141] {strides = array<i32>} : memref<128x128xf32, #tpu.memory_space<vmem>>, vector<1x16xf32>,
            %parallel_loop3A_143 = vector.shape_cast %parallel_loop3A_142 : vector<1x16xf32> to vector<16xf32>
            %parallel_loop3A_144 = arith.addf %parallel_loop3A_139, %parallel_loop3A_143 : vector<16xf32>
            %parallel_loop3A_145 = arith.index_cast %parallel_loop3A_69 : i32 to index
            %parallel_loop3A_146 = arith.constant 48 : index
            %parallel_loop3A_147 = tpu.vector_load %arg13[%parallel_loop3A_145, %parallel_loop3A_146] {strides = array<i32>} : memref<128x128xf32, #tpu.memory_space<vmem>>, vector<1x16xf32>,
            %parallel_loop3A_148 = vector.shape_cast %parallel_loop3A_147 : vector<1x16xf32> to vector<16xf32>
            %parallel_loop3A_149 = arith.addf %parallel_loop3A_144, %parallel_loop3A_148 : vector<16xf32>
            %parallel_loop3A_150 = arith.constant 0.000000e+00 : f32
            %parallel_loop3A_151 = vector.broadcast %parallel_loop3A_150 : f32 to vector<16xf32>
            %parallel_loop3A_152 = arith.maximumf %parallel_loop3A_149, %parallel_loop3A_151 : vector<16xf32>
            %parallel_loop3A_153 = arith.index_cast %parallel_loop3A_69 : i32 to index
            %parallel_loop3A_154 = arith.constant 48 : index
            %parallel_loop3A_155 = tpu.vector_load %arg11[%parallel_loop3A_153, %parallel_loop3A_154] {strides = array<i32>} : memref<128x128xf32, #tpu.memory_space<vmem>>, vector<1x16xf32>,
            %parallel_loop3A_156 = vector.shape_cast %parallel_loop3A_155 : vector<1x16xf32> to vector<16xf32>
            %parallel_loop3A_157 = vector.shape_cast %parallel_loop3A_152 : vector<16xf32> to vector<1x16xf32>
            tpu.vector_store %arg11[%parallel_loop3A_153, %parallel_loop3A_154], %parallel_loop3A_157 {strides = array<i32>} : memref<128x128xf32, #tpu.memory_space<vmem>>, vector<1x16xf32>,
            %parallel_loop3A_158 = arith.index_cast %parallel_loop3A_69 : i32 to index
            %parallel_loop3A_159 = arith.constant 64 : index
            %parallel_loop3A_160 = tpu.vector_load %arg11[%parallel_loop3A_158, %parallel_loop3A_159] {strides = array<i32>} : memref<128x128xf32, #tpu.memory_space<vmem>>, vector<1x16xf32>,
            %parallel_loop3A_161 = vector.shape_cast %parallel_loop3A_160 : vector<1x16xf32> to vector<16xf32>
            %parallel_loop3A_162 = arith.index_cast %parallel_loop3A_69 : i32 to index
            %parallel_loop3A_163 = arith.constant 64 : index
            %parallel_loop3A_164 = tpu.vector_load %arg12[%parallel_loop3A_162, %parallel_loop3A_163] {strides = array<i32>} : memref<128x128xf32, #tpu.memory_space<vmem>>, vector<1x16xf32>,
            %parallel_loop3A_165 = vector.shape_cast %parallel_loop3A_164 : vector<1x16xf32> to vector<16xf32>
            %parallel_loop3A_166 = arith.addf %parallel_loop3A_161, %parallel_loop3A_165 : vector<16xf32>
            %parallel_loop3A_167 = arith.index_cast %parallel_loop3A_69 : i32 to index
            %parallel_loop3A_168 = arith.constant 64 : index
            %parallel_loop3A_169 = tpu.vector_load %arg13[%parallel_loop3A_167, %parallel_loop3A_168] {strides = array<i32>} : memref<128x128xf32, #tpu.memory_space<vmem>>, vector<1x16xf32>,
            %parallel_loop3A_170 = vector.shape_cast %parallel_loop3A_169 : vector<1x16xf32> to vector<16xf32>
            %parallel_loop3A_171 = arith.addf %parallel_loop3A_166, %parallel_loop3A_170 : vector<16xf32>
            %parallel_loop3A_172 = arith.constant 0.000000e+00 : f32
            %parallel_loop3A_173 = vector.broadcast %parallel_loop3A_172 : f32 to vector<16xf32>
            %parallel_loop3A_174 = arith.maximumf %parallel_loop3A_171, %parallel_loop3A_173 : vector<16xf32>
            %parallel_loop3A_175 = arith.index_cast %parallel_loop3A_69 : i32 to index
            %parallel_loop3A_176 = arith.constant 64 : index
            %parallel_loop3A_177 = tpu.vector_load %arg11[%parallel_loop3A_175, %parallel_loop3A_176] {strides = array<i32>} : memref<128x128xf32, #tpu.memory_space<vmem>>, vector<1x16xf32>,
            %parallel_loop3A_178 = vector.shape_cast %parallel_loop3A_177 : vector<1x16xf32> to vector<16xf32>
            %parallel_loop3A_179 = vector.shape_cast %parallel_loop3A_174 : vector<16xf32> to vector<1x16xf32>
            tpu.vector_store %arg11[%parallel_loop3A_175, %parallel_loop3A_176], %parallel_loop3A_179 {strides = array<i32>} : memref<128x128xf32, #tpu.memory_space<vmem>>, vector<1x16xf32>,
            %parallel_loop3A_180 = arith.index_cast %parallel_loop3A_69 : i32 to index
            %parallel_loop3A_181 = arith.constant 80 : index
            %parallel_loop3A_182 = tpu.vector_load %arg11[%parallel_loop3A_180, %parallel_loop3A_181] {strides = array<i32>} : memref<128x128xf32, #tpu.memory_space<vmem>>, vector<1x16xf32>,
            %parallel_loop3A_183 = vector.shape_cast %parallel_loop3A_182 : vector<1x16xf32> to vector<16xf32>
            %parallel_loop3A_184 = arith.index_cast %parallel_loop3A_69 : i32 to index
            %parallel_loop3A_185 = arith.constant 80 : index
            %parallel_loop3A_186 = tpu.vector_load %arg12[%parallel_loop3A_184, %parallel_loop3A_185] {strides = array<i32>} : memref<128x128xf32, #tpu.memory_space<vmem>>, vector<1x16xf32>,
            %parallel_loop3A_187 = vector.shape_cast %parallel_loop3A_186 : vector<1x16xf32> to vector<16xf32>
            %parallel_loop3A_188 = arith.addf %parallel_loop3A_183, %parallel_loop3A_187 : vector<16xf32>
            %parallel_loop3A_189 = arith.index_cast %parallel_loop3A_69 : i32 to index
            %parallel_loop3A_190 = arith.constant 80 : index
            %parallel_loop3A_191 = tpu.vector_load %arg13[%parallel_loop3A_189, %parallel_loop3A_190] {strides = array<i32>} : memref<128x128xf32, #tpu.memory_space<vmem>>, vector<1x16xf32>,
            %parallel_loop3A_192 = vector.shape_cast %parallel_loop3A_191 : vector<1x16xf32> to vector<16xf32>
            %parallel_loop3A_193 = arith.addf %parallel_loop3A_188, %parallel_loop3A_192 : vector<16xf32>
            %parallel_loop3A_194 = arith.constant 0.000000e+00 : f32
            %parallel_loop3A_195 = vector.broadcast %parallel_loop3A_194 : f32 to vector<16xf32>
            %parallel_loop3A_196 = arith.maximumf %parallel_loop3A_193, %parallel_loop3A_195 : vector<16xf32>
            %parallel_loop3A_197 = arith.index_cast %parallel_loop3A_69 : i32 to index
            %parallel_loop3A_198 = arith.constant 80 : index
            %parallel_loop3A_199 = tpu.vector_load %arg11[%parallel_loop3A_197, %parallel_loop3A_198] {strides = array<i32>} : memref<128x128xf32, #tpu.memory_space<vmem>>, vector<1x16xf32>,
            %parallel_loop3A_200 = vector.shape_cast %parallel_loop3A_199 : vector<1x16xf32> to vector<16xf32>
            %parallel_loop3A_201 = vector.shape_cast %parallel_loop3A_196 : vector<16xf32> to vector<1x16xf32>
            tpu.vector_store %arg11[%parallel_loop3A_197, %parallel_loop3A_198], %parallel_loop3A_201 {strides = array<i32>} : memref<128x128xf32, #tpu.memory_space<vmem>>, vector<1x16xf32>,
            %parallel_loop3A_202 = arith.index_cast %parallel_loop3A_69 : i32 to index
            %parallel_loop3A_203 = arith.constant 96 : index
            %parallel_loop3A_204 = tpu.vector_load %arg11[%parallel_loop3A_202, %parallel_loop3A_203] {strides = array<i32>} : memref<128x128xf32, #tpu.memory_space<vmem>>, vector<1x16xf32>,
            %parallel_loop3A_205 = vector.shape_cast %parallel_loop3A_204 : vector<1x16xf32> to vector<16xf32>
            %parallel_loop3A_206 = arith.index_cast %parallel_loop3A_69 : i32 to index
            %parallel_loop3A_207 = arith.constant 96 : index
            %parallel_loop3A_208 = tpu.vector_load %arg12[%parallel_loop3A_206, %parallel_loop3A_207] {strides = array<i32>} : memref<128x128xf32, #tpu.memory_space<vmem>>, vector<1x16xf32>,
            %parallel_loop3A_209 = vector.shape_cast %parallel_loop3A_208 : vector<1x16xf32> to vector<16xf32>
            %parallel_loop3A_210 = arith.addf %parallel_loop3A_205, %parallel_loop3A_209 : vector<16xf32>
            %parallel_loop3A_211 = arith.index_cast %parallel_loop3A_69 : i32 to index
            %parallel_loop3A_212 = arith.constant 96 : index
            %parallel_loop3A_213 = tpu.vector_load %arg13[%parallel_loop3A_211, %parallel_loop3A_212] {strides = array<i32>} : memref<128x128xf32, #tpu.memory_space<vmem>>, vector<1x16xf32>,
            %parallel_loop3A_214 = vector.shape_cast %parallel_loop3A_213 : vector<1x16xf32> to vector<16xf32>
            %parallel_loop3A_215 = arith.addf %parallel_loop3A_210, %parallel_loop3A_214 : vector<16xf32>
            %parallel_loop3A_216 = arith.constant 0.000000e+00 : f32
            %parallel_loop3A_217 = vector.broadcast %parallel_loop3A_216 : f32 to vector<16xf32>
            %parallel_loop3A_218 = arith.maximumf %parallel_loop3A_215, %parallel_loop3A_217 : vector<16xf32>
            %parallel_loop3A_219 = arith.index_cast %parallel_loop3A_69 : i32 to index
            %parallel_loop3A_220 = arith.constant 96 : index
            %parallel_loop3A_221 = tpu.vector_load %arg11[%parallel_loop3A_219, %parallel_loop3A_220] {strides = array<i32>} : memref<128x128xf32, #tpu.memory_space<vmem>>, vector<1x16xf32>,
            %parallel_loop3A_222 = vector.shape_cast %parallel_loop3A_221 : vector<1x16xf32> to vector<16xf32>
            %parallel_loop3A_223 = vector.shape_cast %parallel_loop3A_218 : vector<16xf32> to vector<1x16xf32>
            tpu.vector_store %arg11[%parallel_loop3A_219, %parallel_loop3A_220], %parallel_loop3A_223 {strides = array<i32>} : memref<128x128xf32, #tpu.memory_space<vmem>>, vector<1x16xf32>,
            %parallel_loop3A_224 = arith.index_cast %parallel_loop3A_69 : i32 to index
            %parallel_loop3A_225 = arith.constant 112 : index
            %parallel_loop3A_226 = tpu.vector_load %arg11[%parallel_loop3A_224, %parallel_loop3A_225] {strides = array<i32>} : memref<128x128xf32, #tpu.memory_space<vmem>>, vector<1x16xf32>,
            %parallel_loop3A_227 = vector.shape_cast %parallel_loop3A_226 : vector<1x16xf32> to vector<16xf32>
            %parallel_loop3A_228 = arith.index_cast %parallel_loop3A_69 : i32 to index
            %parallel_loop3A_229 = arith.constant 112 : index
            %parallel_loop3A_230 = tpu.vector_load %arg12[%parallel_loop3A_228, %parallel_loop3A_229] {strides = array<i32>} : memref<128x128xf32, #tpu.memory_space<vmem>>, vector<1x16xf32>,
            %parallel_loop3A_231 = vector.shape_cast %parallel_loop3A_230 : vector<1x16xf32> to vector<16xf32>
            %parallel_loop3A_232 = arith.addf %parallel_loop3A_227, %parallel_loop3A_231 : vector<16xf32>
            %parallel_loop3A_233 = arith.index_cast %parallel_loop3A_69 : i32 to index
            %parallel_loop3A_234 = arith.constant 112 : index
            %parallel_loop3A_235 = tpu.vector_load %arg13[%parallel_loop3A_233, %parallel_loop3A_234] {strides = array<i32>} : memref<128x128xf32, #tpu.memory_space<vmem>>, vector<1x16xf32>,
            %parallel_loop3A_236 = vector.shape_cast %parallel_loop3A_235 : vector<1x16xf32> to vector<16xf32>
            %parallel_loop3A_237 = arith.addf %parallel_loop3A_232, %parallel_loop3A_236 : vector<16xf32>
            %parallel_loop3A_238 = arith.constant 0.000000e+00 : f32
            %parallel_loop3A_239 = vector.broadcast %parallel_loop3A_238 : f32 to vector<16xf32>
            %parallel_loop3A_240 = arith.maximumf %parallel_loop3A_237, %parallel_loop3A_239 : vector<16xf32>
            %parallel_loop3A_241 = arith.index_cast %parallel_loop3A_69 : i32 to index
            %parallel_loop3A_242 = arith.constant 112 : index
            %parallel_loop3A_243 = tpu.vector_load %arg11[%parallel_loop3A_241, %parallel_loop3A_242] {strides = array<i32>} : memref<128x128xf32, #tpu.memory_space<vmem>>, vector<1x16xf32>,
            %parallel_loop3A_244 = vector.shape_cast %parallel_loop3A_243 : vector<1x16xf32> to vector<16xf32>
            %parallel_loop3A_245 = vector.shape_cast %parallel_loop3A_240 : vector<16xf32> to vector<1x16xf32>
            tpu.vector_store %arg11[%parallel_loop3A_241, %parallel_loop3A_242], %parallel_loop3A_245 {strides = array<i32>} : memref<128x128xf32, #tpu.memory_space<vmem>>, vector<1x16xf32>,
          } {sc.loop_unroll_factor = 4 : i64, sc.parallel_access}
          %run_scoped3A_67 = arith.constant 0 : i32
          "tpu.region"() ({
            %run_scoped3A_69 = tpu.sem_alloc : memref<!tpu.dma_semaphore, #tpu.memory_space<semaphore_mem>>
            %dma_start3A = arith.constant 0 : i32
            %dma_start3A_70 = tpu.memref_slice %arg8[%run_scoped3A_67, %mul3A_62, %dma_start3A] : memref<2x320000x128xf32, #tpu.memory_space<hbm>> -> memref<1x128x128xf32, #tpu.memory_space<hbm>>
            %dma_start3A_71 = tpu.memref_squeeze %dma_start3A_70 : memref<1x128x128xf32, #tpu.memory_space<hbm>> -> memref<128x128xf32, #tpu.memory_space<hbm>>
            %dma_start3A_72 = arith.constant 0 : i32
            %dma_start3A_73 = tpu.memref_slice %arg8[%run_scoped3A_67, %mul3A_62, %dma_start3A_72] : memref<2x320000x128xf32, #tpu.memory_space<hbm>> -> memref<1x128x128xf32, #tpu.memory_space<hbm>>
            %dma_start3A_74 = tpu.memref_squeeze %dma_start3A_73 : memref<1x128x128xf32, #tpu.memory_space<hbm>> -> memref<128x128xf32, #tpu.memory_space<hbm>>
            tpu.enqueue_dma source(%arg11 : memref<128x128xf32, #tpu.memory_space<vmem>>) target(%dma_start3A_74 : memref<128x128xf32, #tpu.memory_space<hbm>>) target_semaphore(%run_scoped3A_69 : memref<!tpu.dma_semaphore, #tpu.memory_space<semaphore_mem>>)
            %dma_wait3A = arith.constant 0 : i32
            %dma_wait3A_75 = tpu.memref_slice %arg8[%run_scoped3A_67, %mul3A_62, %dma_wait3A] : memref<2x320000x128xf32, #tpu.memory_space<hbm>> -> memref<1x128x128xf32, #tpu.memory_space<hbm>>
            %dma_wait3A_76 = tpu.memref_squeeze %dma_wait3A_75 : memref<1x128x128xf32, #tpu.memory_space<hbm>> -> memref<128x128xf32, #tpu.memory_space<hbm>>
            %dma_wait3A_77 = arith.constant 0 : i32
            %dma_wait3A_78 = tpu.memref_slice %arg8[%run_scoped3A_67, %mul3A_62, %dma_wait3A_77] : memref<2x320000x128xf32, #tpu.memory_space<hbm>> -> memref<1x128x128xf32, #tpu.memory_space<hbm>>
            %dma_wait3A_79 = tpu.memref_squeeze %dma_wait3A_78 : memref<1x128x128xf32, #tpu.memory_space<hbm>> -> memref<128x128xf32, #tpu.memory_space<hbm>>
            tpu.wait_dma2 semaphore(%run_scoped3A_69 : memref<!tpu.dma_semaphore, #tpu.memory_space<semaphore_mem>>) src(%arg11 : memref<128x128xf32, #tpu.memory_space<vmem>>) dst(%dma_wait3A_79 : memref<128x128xf32, #tpu.memory_space<hbm>>)
            tpu.yield
          }) : () -> ()
          %run_scoped3A_68 = arith.constant 1 : i32
          "tpu.region"() ({
            %run_scoped3A_69 = tpu.sem_alloc : memref<!tpu.dma_semaphore, #tpu.memory_space<semaphore_mem>>
            %dma_start3A = arith.constant 0 : i32
            %dma_start3A_70 = tpu.memref_slice %arg10[%run_scoped3A_68, %dma_start3A] : memref<2x128xi32, #tpu.memory_space<vmem>> -> memref<1x128xi32, #tpu.memory_space<vmem>>
            %dma_start3A_71 = tpu.memref_squeeze %dma_start3A_70 : memref<1x128xi32, #tpu.memory_space<vmem>> -> memref<128xi32, #tpu.memory_space<vmem>>
            %dma_start3A_72 = arith.constant 0 : i32
            %dma_start3A_73 = arith.constant 0 : i32
            %dma_start3A_74 = tpu.memref_slice %arg14[%dma_start3A_72, %dma_start3A_73] : memref<10112x128xf32, #tpu.memory_space<vmem_shared>> -> memref<10112x128xf32, #tpu.memory_space<vmem_shared>>
            tpu.enqueue_indirect_dma source(%arg11 : memref<128x128xf32, #tpu.memory_space<vmem>>) target(%dma_start3A_74 : memref<10112x128xf32, #tpu.memory_space<vmem_shared>>) offsets(%dma_start3A_71 : memref<128xi32, #tpu.memory_space<vmem>>) semaphore(%run_scoped3A_69 : memref<!tpu.dma_semaphore, #tpu.memory_space<semaphore_mem>>) {add = true}
            %dma_wait3A = arith.constant 0 : i32
            %dma_wait3A_75 = tpu.memref_slice %arg10[%run_scoped3A_68, %dma_wait3A] : memref<2x128xi32, #tpu.memory_space<vmem>> -> memref<1x128xi32, #tpu.memory_space<vmem>>
            %dma_wait3A_76 = tpu.memref_squeeze %dma_wait3A_75 : memref<1x128xi32, #tpu.memory_space<vmem>> -> memref<128xi32, #tpu.memory_space<vmem>>
            %dma_wait3A_77 = arith.constant 0 : i32
            %dma_wait3A_78 = arith.constant 0 : i32
            %dma_wait3A_79 = tpu.memref_slice %arg14[%dma_wait3A_77, %dma_wait3A_78] : memref<10112x128xf32, #tpu.memory_space<vmem_shared>> -> memref<10112x128xf32, #tpu.memory_space<vmem_shared>>
            tpu.wait_indirect_dma semaphore(%run_scoped3A_69 : memref<!tpu.dma_semaphore, #tpu.memory_space<semaphore_mem>>) src(%arg11 : memref<128x128xf32, #tpu.memory_space<vmem>>) dst(%dma_wait3A_79 : memref<10112x128xf32, #tpu.memory_space<vmem_shared>>)
            tpu.yield
          }) : () -> ()
        } else {
        }
        %scan3A_60 = arith.constant 0 : i32
        scf.yield %scan3A_60 : i32
      }
      %scan3A_50 = arith.constant 157 : i32
    } else {
    }
    %eq3A_26 = arith.constant 1 : i32
    %eq3A_27 = arith.cmpi eq, %arg0, %eq3A_26 : i32
    %convert_element_type3A_28 = arith.extui %eq3A_27 : i1 to i32
    %cond3A_29 = arith.constant 0 : i32
    %cond3A_30 = arith.cmpi ne, %convert_element_type3A_28, %cond3A_29 : i32
    scf.if %cond3A_30 {
      %scan3A_44 = arith.constant 0 : i32
      %scan3A_45 = arith.constant 0 : i32
      %scan3A_46 = arith.constant 157 : i32
      %scan3A_47 = arith.addi %scan3A_45, %scan3A_46 : i32
      %scan3A_48 = arith.constant 1 : i32
      %scan3A_49 = scf.for %scan3A_51 = %scan3A_45 to %scan3A_47 step %scan3A_48 iter_args(%scan3A_52 = %scan3A_44) -> (i32)  : i32 {
        %mul3A_53 = arith.constant 16 : i32
        %mul3A_54 = arith.muli %mul3A_53, %scan3A_51 : i32
        %add3A_55 = arith.addi %arg1, %mul3A_54 : i32
        %lt3A = arith.constant 2500 : i32
        %lt3A_56 = arith.cmpi slt, %add3A_55, %lt3A : i32
        %convert_element_type3A_57 = arith.extui %lt3A_56 : i1 to i32
        %cond3A_58 = arith.constant 0 : i32
        %cond3A_59 = arith.cmpi ne, %convert_element_type3A_57, %cond3A_58 : i32
        scf.if %cond3A_59 {
          %mul3A_61 = arith.constant 128 : i32
          %mul3A_62 = arith.muli %add3A_55, %mul3A_61 : i32
          "tpu.region"() ({
            %run_scoped3A_69 = tpu.sem_alloc : memref<!tpu.dma_semaphore, #tpu.memory_space<semaphore_mem>>
            %dma_start3A = arith.constant 0 : i32
            %dma_start3A_70 = tpu.memref_slice %arg2[%dma_start3A, %mul3A_62] : memref<2x320000xi32, #tpu.memory_space<hbm>> -> memref<2x128xi32, #tpu.memory_space<hbm>>
            %dma_start3A_71 = arith.constant 0 : i32
            %dma_start3A_72 = tpu.memref_slice %arg2[%dma_start3A_71, %mul3A_62] : memref<2x320000xi32, #tpu.memory_space<hbm>> -> memref<2x128xi32, #tpu.memory_space<hbm>>
            tpu.enqueue_dma source(%dma_start3A_72 : memref<2x128xi32, #tpu.memory_space<hbm>>) target(%arg10 : memref<2x128xi32, #tpu.memory_space<vmem>>) target_semaphore(%run_scoped3A_69 : memref<!tpu.dma_semaphore, #tpu.memory_space<semaphore_mem>>)
            %dma_wait3A = arith.constant 0 : i32
            %dma_wait3A_73 = tpu.memref_slice %arg2[%dma_wait3A, %mul3A_62] : memref<2x320000xi32, #tpu.memory_space<hbm>> -> memref<2x128xi32, #tpu.memory_space<hbm>>
            %dma_wait3A_74 = arith.constant 0 : i32
            %dma_wait3A_75 = tpu.memref_slice %arg2[%dma_wait3A_74, %mul3A_62] : memref<2x320000xi32, #tpu.memory_space<hbm>> -> memref<2x128xi32, #tpu.memory_space<hbm>>
            tpu.wait_dma2 semaphore(%run_scoped3A_69 : memref<!tpu.dma_semaphore, #tpu.memory_space<semaphore_mem>>) src(%dma_wait3A_75 : memref<2x128xi32, #tpu.memory_space<hbm>>) dst(%arg10 : memref<2x128xi32, #tpu.memory_space<vmem>>)
            tpu.yield
          }) : () -> ()
          %run_scoped3A = arith.constant 0 : i32
          "tpu.region"() ({
            %run_scoped3A_69 = tpu.sem_alloc : memref<!tpu.dma_semaphore, #tpu.memory_space<semaphore_mem>>
            %dma_start3A = arith.constant 0 : i32
            %dma_start3A_70 = tpu.memref_slice %arg10[%run_scoped3A, %dma_start3A] : memref<2x128xi32, #tpu.memory_space<vmem>> -> memref<1x128xi32, #tpu.memory_space<vmem>>
            %dma_start3A_71 = tpu.memref_squeeze %dma_start3A_70 : memref<1x128xi32, #tpu.memory_space<vmem>> -> memref<128xi32, #tpu.memory_space<vmem>>
            %dma_start3A_72 = arith.constant 0 : i32
            %dma_start3A_73 = arith.constant 0 : i32
            %dma_start3A_74 = tpu.memref_slice %arg4[%dma_start3A_72, %dma_start3A_73] : memref<10000x128xf32, #tpu.memory_space<hbm>> -> memref<10000x128xf32, #tpu.memory_space<hbm>>
            tpu.enqueue_indirect_dma source(%dma_start3A_74 : memref<10000x128xf32, #tpu.memory_space<hbm>>) target(%arg11 : memref<128x128xf32, #tpu.memory_space<vmem>>) offsets(%dma_start3A_71 : memref<128xi32, #tpu.memory_space<vmem>>) semaphore(%run_scoped3A_69 : memref<!tpu.dma_semaphore, #tpu.memory_space<semaphore_mem>>)
            %dma_wait3A = arith.constant 0 : i32
            %dma_wait3A_75 = tpu.memref_slice %arg10[%run_scoped3A, %dma_wait3A] : memref<2x128xi32, #tpu.memory_space<vmem>> -> memref<1x128xi32, #tpu.memory_space<vmem>>
            %dma_wait3A_76 = tpu.memref_squeeze %dma_wait3A_75 : memref<1x128xi32, #tpu.memory_space<vmem>> -> memref<128xi32, #tpu.memory_space<vmem>>
            %dma_wait3A_77 = arith.constant 0 : i32
            %dma_wait3A_78 = arith.constant 0 : i32
            %dma_wait3A_79 = tpu.memref_slice %arg4[%dma_wait3A_77, %dma_wait3A_78] : memref<10000x128xf32, #tpu.memory_space<hbm>> -> memref<10000x128xf32, #tpu.memory_space<hbm>>
            tpu.wait_indirect_dma semaphore(%run_scoped3A_69 : memref<!tpu.dma_semaphore, #tpu.memory_space<semaphore_mem>>) src(%dma_wait3A_79 : memref<10000x128xf32, #tpu.memory_space<hbm>>) dst(%arg11 : memref<128x128xf32, #tpu.memory_space<vmem>>)
            tpu.yield
          }) : () -> ()
          %run_scoped3A_63 = arith.constant 1 : i32
          "tpu.region"() ({
            %run_scoped3A_69 = tpu.sem_alloc : memref<!tpu.dma_semaphore, #tpu.memory_space<semaphore_mem>>
            %dma_start3A = arith.constant 0 : i32
            %dma_start3A_70 = tpu.memref_slice %arg10[%run_scoped3A_63, %dma_start3A] : memref<2x128xi32, #tpu.memory_space<vmem>> -> memref<1x128xi32, #tpu.memory_space<vmem>>
            %dma_start3A_71 = tpu.memref_squeeze %dma_start3A_70 : memref<1x128xi32, #tpu.memory_space<vmem>> -> memref<128xi32, #tpu.memory_space<vmem>>
            %dma_start3A_72 = arith.constant 0 : i32
            %dma_start3A_73 = arith.constant 0 : i32
            %dma_start3A_74 = tpu.memref_slice %arg6[%dma_start3A_72, %dma_start3A_73] : memref<10000x128xf32, #tpu.memory_space<hbm>> -> memref<10000x128xf32, #tpu.memory_space<hbm>>
            tpu.enqueue_indirect_dma source(%dma_start3A_74 : memref<10000x128xf32, #tpu.memory_space<hbm>>) target(%arg12 : memref<128x128xf32, #tpu.memory_space<vmem>>) offsets(%dma_start3A_71 : memref<128xi32, #tpu.memory_space<vmem>>) semaphore(%run_scoped3A_69 : memref<!tpu.dma_semaphore, #tpu.memory_space<semaphore_mem>>)
            %dma_wait3A = arith.constant 0 : i32
            %dma_wait3A_75 = tpu.memref_slice %arg10[%run_scoped3A_63, %dma_wait3A] : memref<2x128xi32, #tpu.memory_space<vmem>> -> memref<1x128xi32, #tpu.memory_space<vmem>>
            %dma_wait3A_76 = tpu.memref_squeeze %dma_wait3A_75 : memref<1x128xi32, #tpu.memory_space<vmem>> -> memref<128xi32, #tpu.memory_space<vmem>>
            %dma_wait3A_77 = arith.constant 0 : i32
            %dma_wait3A_78 = arith.constant 0 : i32
            %dma_wait3A_79 = tpu.memref_slice %arg6[%dma_wait3A_77, %dma_wait3A_78] : memref<10000x128xf32, #tpu.memory_space<hbm>> -> memref<10000x128xf32, #tpu.memory_space<hbm>>
            tpu.wait_indirect_dma semaphore(%run_scoped3A_69 : memref<!tpu.dma_semaphore, #tpu.memory_space<semaphore_mem>>) src(%dma_wait3A_79 : memref<10000x128xf32, #tpu.memory_space<hbm>>) dst(%arg12 : memref<128x128xf32, #tpu.memory_space<vmem>>)
            tpu.yield
          }) : () -> ()
          %run_scoped3A_64 = arith.constant 1 : i32
          "tpu.region"() ({
            %run_scoped3A_69 = tpu.sem_alloc : memref<!tpu.dma_semaphore, #tpu.memory_space<semaphore_mem>>
            %dma_start3A = arith.constant 0 : i32
            %dma_start3A_70 = tpu.memref_slice %arg7[%run_scoped3A_64, %mul3A_62, %dma_start3A] : memref<2x320000x128xf32, #tpu.memory_space<hbm>> -> memref<1x128x128xf32, #tpu.memory_space<hbm>>
            %dma_start3A_71 = tpu.memref_squeeze %dma_start3A_70 : memref<1x128x128xf32, #tpu.memory_space<hbm>> -> memref<128x128xf32, #tpu.memory_space<hbm>>
            %dma_start3A_72 = arith.constant 0 : i32
            %dma_start3A_73 = tpu.memref_slice %arg7[%run_scoped3A_64, %mul3A_62, %dma_start3A_72] : memref<2x320000x128xf32, #tpu.memory_space<hbm>> -> memref<1x128x128xf32, #tpu.memory_space<hbm>>
            %dma_start3A_74 = tpu.memref_squeeze %dma_start3A_73 : memref<1x128x128xf32, #tpu.memory_space<hbm>> -> memref<128x128xf32, #tpu.memory_space<hbm>>
            tpu.enqueue_dma source(%dma_start3A_74 : memref<128x128xf32, #tpu.memory_space<hbm>>) target(%arg13 : memref<128x128xf32, #tpu.memory_space<vmem>>) target_semaphore(%run_scoped3A_69 : memref<!tpu.dma_semaphore, #tpu.memory_space<semaphore_mem>>)
            %dma_wait3A = arith.constant 0 : i32
            %dma_wait3A_75 = tpu.memref_slice %arg7[%run_scoped3A_64, %mul3A_62, %dma_wait3A] : memref<2x320000x128xf32, #tpu.memory_space<hbm>> -> memref<1x128x128xf32, #tpu.memory_space<hbm>>
            %dma_wait3A_76 = tpu.memref_squeeze %dma_wait3A_75 : memref<1x128x128xf32, #tpu.memory_space<hbm>> -> memref<128x128xf32, #tpu.memory_space<hbm>>
            %dma_wait3A_77 = arith.constant 0 : i32
            %dma_wait3A_78 = tpu.memref_slice %arg7[%run_scoped3A_64, %mul3A_62, %dma_wait3A_77] : memref<2x320000x128xf32, #tpu.memory_space<hbm>> -> memref<1x128x128xf32, #tpu.memory_space<hbm>>
            %dma_wait3A_79 = tpu.memref_squeeze %dma_wait3A_78 : memref<1x128x128xf32, #tpu.memory_space<hbm>> -> memref<128x128xf32, #tpu.memory_space<hbm>>
            tpu.wait_dma2 semaphore(%run_scoped3A_69 : memref<!tpu.dma_semaphore, #tpu.memory_space<semaphore_mem>>) src(%dma_wait3A_79 : memref<128x128xf32, #tpu.memory_space<hbm>>) dst(%arg13 : memref<128x128xf32, #tpu.memory_space<vmem>>)
            tpu.yield
          }) : () -> ()
          %parallel_loop3A = arith.constant 0 : i32
          %parallel_loop3A_65 = arith.constant 128 : i32
          %parallel_loop3A_66 = arith.constant 1 : i32
          scf.for %parallel_loop3A_69 = %parallel_loop3A to %parallel_loop3A_65 step %parallel_loop3A_66  : i32 {
            %parallel_loop3A_70 = arith.index_cast %parallel_loop3A_69 : i32 to index
            %parallel_loop3A_71 = arith.constant 0 : index
            %parallel_loop3A_72 = tpu.vector_load %arg11[%parallel_loop3A_70, %parallel_loop3A_71] {strides = array<i32>} : memref<128x128xf32, #tpu.memory_space<vmem>>, vector<1x16xf32>,
            %parallel_loop3A_73 = vector.shape_cast %parallel_loop3A_72 : vector<1x16xf32> to vector<16xf32>
            %parallel_loop3A_74 = arith.index_cast %parallel_loop3A_69 : i32 to index
            %parallel_loop3A_75 = arith.constant 0 : index
            %parallel_loop3A_76 = tpu.vector_load %arg12[%parallel_loop3A_74, %parallel_loop3A_75] {strides = array<i32>} : memref<128x128xf32, #tpu.memory_space<vmem>>, vector<1x16xf32>,
            %parallel_loop3A_77 = vector.shape_cast %parallel_loop3A_76 : vector<1x16xf32> to vector<16xf32>
            %parallel_loop3A_78 = arith.addf %parallel_loop3A_73, %parallel_loop3A_77 : vector<16xf32>
            %parallel_loop3A_79 = arith.index_cast %parallel_loop3A_69 : i32 to index
            %parallel_loop3A_80 = arith.constant 0 : index
            %parallel_loop3A_81 = tpu.vector_load %arg13[%parallel_loop3A_79, %parallel_loop3A_80] {strides = array<i32>} : memref<128x128xf32, #tpu.memory_space<vmem>>, vector<1x16xf32>,
            %parallel_loop3A_82 = vector.shape_cast %parallel_loop3A_81 : vector<1x16xf32> to vector<16xf32>
            %parallel_loop3A_83 = arith.addf %parallel_loop3A_78, %parallel_loop3A_82 : vector<16xf32>
            %parallel_loop3A_84 = arith.constant 0.000000e+00 : f32
            %parallel_loop3A_85 = vector.broadcast %parallel_loop3A_84 : f32 to vector<16xf32>
            %parallel_loop3A_86 = arith.maximumf %parallel_loop3A_83, %parallel_loop3A_85 : vector<16xf32>
            %parallel_loop3A_87 = arith.index_cast %parallel_loop3A_69 : i32 to index
            %parallel_loop3A_88 = arith.constant 0 : index
            %parallel_loop3A_89 = tpu.vector_load %arg11[%parallel_loop3A_87, %parallel_loop3A_88] {strides = array<i32>} : memref<128x128xf32, #tpu.memory_space<vmem>>, vector<1x16xf32>,
            %parallel_loop3A_90 = vector.shape_cast %parallel_loop3A_89 : vector<1x16xf32> to vector<16xf32>
            %parallel_loop3A_91 = vector.shape_cast %parallel_loop3A_86 : vector<16xf32> to vector<1x16xf32>
            tpu.vector_store %arg11[%parallel_loop3A_87, %parallel_loop3A_88], %parallel_loop3A_91 {strides = array<i32>} : memref<128x128xf32, #tpu.memory_space<vmem>>, vector<1x16xf32>,
            %parallel_loop3A_92 = arith.index_cast %parallel_loop3A_69 : i32 to index
            %parallel_loop3A_93 = arith.constant 16 : index
            %parallel_loop3A_94 = tpu.vector_load %arg11[%parallel_loop3A_92, %parallel_loop3A_93] {strides = array<i32>} : memref<128x128xf32, #tpu.memory_space<vmem>>, vector<1x16xf32>,
            %parallel_loop3A_95 = vector.shape_cast %parallel_loop3A_94 : vector<1x16xf32> to vector<16xf32>
            %parallel_loop3A_96 = arith.index_cast %parallel_loop3A_69 : i32 to index
            %parallel_loop3A_97 = arith.constant 16 : index
            %parallel_loop3A_98 = tpu.vector_load %arg12[%parallel_loop3A_96, %parallel_loop3A_97] {strides = array<i32>} : memref<128x128xf32, #tpu.memory_space<vmem>>, vector<1x16xf32>,
            %parallel_loop3A_99 = vector.shape_cast %parallel_loop3A_98 : vector<1x16xf32> to vector<16xf32>
            %parallel_loop3A_100 = arith.addf %parallel_loop3A_95, %parallel_loop3A_99 : vector<16xf32>
            %parallel_loop3A_101 = arith.index_cast %parallel_loop3A_69 : i32 to index
            %parallel_loop3A_102 = arith.constant 16 : index
            %parallel_loop3A_103 = tpu.vector_load %arg13[%parallel_loop3A_101, %parallel_loop3A_102] {strides = array<i32>} : memref<128x128xf32, #tpu.memory_space<vmem>>, vector<1x16xf32>,
            %parallel_loop3A_104 = vector.shape_cast %parallel_loop3A_103 : vector<1x16xf32> to vector<16xf32>
            %parallel_loop3A_105 = arith.addf %parallel_loop3A_100, %parallel_loop3A_104 : vector<16xf32>
            %parallel_loop3A_106 = arith.constant 0.000000e+00 : f32
            %parallel_loop3A_107 = vector.broadcast %parallel_loop3A_106 : f32 to vector<16xf32>
            %parallel_loop3A_108 = arith.maximumf %parallel_loop3A_105, %parallel_loop3A_107 : vector<16xf32>
            %parallel_loop3A_109 = arith.index_cast %parallel_loop3A_69 : i32 to index
            %parallel_loop3A_110 = arith.constant 16 : index
            %parallel_loop3A_111 = tpu.vector_load %arg11[%parallel_loop3A_109, %parallel_loop3A_110] {strides = array<i32>} : memref<128x128xf32, #tpu.memory_space<vmem>>, vector<1x16xf32>,
            %parallel_loop3A_112 = vector.shape_cast %parallel_loop3A_111 : vector<1x16xf32> to vector<16xf32>
            %parallel_loop3A_113 = vector.shape_cast %parallel_loop3A_108 : vector<16xf32> to vector<1x16xf32>
            tpu.vector_store %arg11[%parallel_loop3A_109, %parallel_loop3A_110], %parallel_loop3A_113 {strides = array<i32>} : memref<128x128xf32, #tpu.memory_space<vmem>>, vector<1x16xf32>,
            %parallel_loop3A_114 = arith.index_cast %parallel_loop3A_69 : i32 to index
            %parallel_loop3A_115 = arith.constant 32 : index
            %parallel_loop3A_116 = tpu.vector_load %arg11[%parallel_loop3A_114, %parallel_loop3A_115] {strides = array<i32>} : memref<128x128xf32, #tpu.memory_space<vmem>>, vector<1x16xf32>,
            %parallel_loop3A_117 = vector.shape_cast %parallel_loop3A_116 : vector<1x16xf32> to vector<16xf32>
            %parallel_loop3A_118 = arith.index_cast %parallel_loop3A_69 : i32 to index
            %parallel_loop3A_119 = arith.constant 32 : index
            %parallel_loop3A_120 = tpu.vector_load %arg12[%parallel_loop3A_118, %parallel_loop3A_119] {strides = array<i32>} : memref<128x128xf32, #tpu.memory_space<vmem>>, vector<1x16xf32>,
            %parallel_loop3A_121 = vector.shape_cast %parallel_loop3A_120 : vector<1x16xf32> to vector<16xf32>
            %parallel_loop3A_122 = arith.addf %parallel_loop3A_117, %parallel_loop3A_121 : vector<16xf32>
            %parallel_loop3A_123 = arith.index_cast %parallel_loop3A_69 : i32 to index
            %parallel_loop3A_124 = arith.constant 32 : index
            %parallel_loop3A_125 = tpu.vector_load %arg13[%parallel_loop3A_123, %parallel_loop3A_124] {strides = array<i32>} : memref<128x128xf32, #tpu.memory_space<vmem>>, vector<1x16xf32>,
            %parallel_loop3A_126 = vector.shape_cast %parallel_loop3A_125 : vector<1x16xf32> to vector<16xf32>
            %parallel_loop3A_127 = arith.addf %parallel_loop3A_122, %parallel_loop3A_126 : vector<16xf32>
            %parallel_loop3A_128 = arith.constant 0.000000e+00 : f32
            %parallel_loop3A_129 = vector.broadcast %parallel_loop3A_128 : f32 to vector<16xf32>
            %parallel_loop3A_130 = arith.maximumf %parallel_loop3A_127, %parallel_loop3A_129 : vector<16xf32>
            %parallel_loop3A_131 = arith.index_cast %parallel_loop3A_69 : i32 to index
            %parallel_loop3A_132 = arith.constant 32 : index
            %parallel_loop3A_133 = tpu.vector_load %arg11[%parallel_loop3A_131, %parallel_loop3A_132] {strides = array<i32>} : memref<128x128xf32, #tpu.memory_space<vmem>>, vector<1x16xf32>,
            %parallel_loop3A_134 = vector.shape_cast %parallel_loop3A_133 : vector<1x16xf32> to vector<16xf32>
            %parallel_loop3A_135 = vector.shape_cast %parallel_loop3A_130 : vector<16xf32> to vector<1x16xf32>
            tpu.vector_store %arg11[%parallel_loop3A_131, %parallel_loop3A_132], %parallel_loop3A_135 {strides = array<i32>} : memref<128x128xf32, #tpu.memory_space<vmem>>, vector<1x16xf32>,
            %parallel_loop3A_136 = arith.index_cast %parallel_loop3A_69 : i32 to index
            %parallel_loop3A_137 = arith.constant 48 : index
            %parallel_loop3A_138 = tpu.vector_load %arg11[%parallel_loop3A_136, %parallel_loop3A_137] {strides = array<i32>} : memref<128x128xf32, #tpu.memory_space<vmem>>, vector<1x16xf32>,
            %parallel_loop3A_139 = vector.shape_cast %parallel_loop3A_138 : vector<1x16xf32> to vector<16xf32>
            %parallel_loop3A_140 = arith.index_cast %parallel_loop3A_69 : i32 to index
            %parallel_loop3A_141 = arith.constant 48 : index
            %parallel_loop3A_142 = tpu.vector_load %arg12[%parallel_loop3A_140, %parallel_loop3A_141] {strides = array<i32>} : memref<128x128xf32, #tpu.memory_space<vmem>>, vector<1x16xf32>,
            %parallel_loop3A_143 = vector.shape_cast %parallel_loop3A_142 : vector<1x16xf32> to vector<16xf32>
            %parallel_loop3A_144 = arith.addf %parallel_loop3A_139, %parallel_loop3A_143 : vector<16xf32>
            %parallel_loop3A_145 = arith.index_cast %parallel_loop3A_69 : i32 to index
            %parallel_loop3A_146 = arith.constant 48 : index
            %parallel_loop3A_147 = tpu.vector_load %arg13[%parallel_loop3A_145, %parallel_loop3A_146] {strides = array<i32>} : memref<128x128xf32, #tpu.memory_space<vmem>>, vector<1x16xf32>,
            %parallel_loop3A_148 = vector.shape_cast %parallel_loop3A_147 : vector<1x16xf32> to vector<16xf32>
            %parallel_loop3A_149 = arith.addf %parallel_loop3A_144, %parallel_loop3A_148 : vector<16xf32>
            %parallel_loop3A_150 = arith.constant 0.000000e+00 : f32
            %parallel_loop3A_151 = vector.broadcast %parallel_loop3A_150 : f32 to vector<16xf32>
            %parallel_loop3A_152 = arith.maximumf %parallel_loop3A_149, %parallel_loop3A_151 : vector<16xf32>
            %parallel_loop3A_153 = arith.index_cast %parallel_loop3A_69 : i32 to index
            %parallel_loop3A_154 = arith.constant 48 : index
            %parallel_loop3A_155 = tpu.vector_load %arg11[%parallel_loop3A_153, %parallel_loop3A_154] {strides = array<i32>} : memref<128x128xf32, #tpu.memory_space<vmem>>, vector<1x16xf32>,
            %parallel_loop3A_156 = vector.shape_cast %parallel_loop3A_155 : vector<1x16xf32> to vector<16xf32>
            %parallel_loop3A_157 = vector.shape_cast %parallel_loop3A_152 : vector<16xf32> to vector<1x16xf32>
            tpu.vector_store %arg11[%parallel_loop3A_153, %parallel_loop3A_154], %parallel_loop3A_157 {strides = array<i32>} : memref<128x128xf32, #tpu.memory_space<vmem>>, vector<1x16xf32>,
            %parallel_loop3A_158 = arith.index_cast %parallel_loop3A_69 : i32 to index
            %parallel_loop3A_159 = arith.constant 64 : index
            %parallel_loop3A_160 = tpu.vector_load %arg11[%parallel_loop3A_158, %parallel_loop3A_159] {strides = array<i32>} : memref<128x128xf32, #tpu.memory_space<vmem>>, vector<1x16xf32>,
            %parallel_loop3A_161 = vector.shape_cast %parallel_loop3A_160 : vector<1x16xf32> to vector<16xf32>
            %parallel_loop3A_162 = arith.index_cast %parallel_loop3A_69 : i32 to index
            %parallel_loop3A_163 = arith.constant 64 : index
            %parallel_loop3A_164 = tpu.vector_load %arg12[%parallel_loop3A_162, %parallel_loop3A_163] {strides = array<i32>} : memref<128x128xf32, #tpu.memory_space<vmem>>, vector<1x16xf32>,
            %parallel_loop3A_165 = vector.shape_cast %parallel_loop3A_164 : vector<1x16xf32> to vector<16xf32>
            %parallel_loop3A_166 = arith.addf %parallel_loop3A_161, %parallel_loop3A_165 : vector<16xf32>
            %parallel_loop3A_167 = arith.index_cast %parallel_loop3A_69 : i32 to index
            %parallel_loop3A_168 = arith.constant 64 : index
            %parallel_loop3A_169 = tpu.vector_load %arg13[%parallel_loop3A_167, %parallel_loop3A_168] {strides = array<i32>} : memref<128x128xf32, #tpu.memory_space<vmem>>, vector<1x16xf32>,
            %parallel_loop3A_170 = vector.shape_cast %parallel_loop3A_169 : vector<1x16xf32> to vector<16xf32>
            %parallel_loop3A_171 = arith.addf %parallel_loop3A_166, %parallel_loop3A_170 : vector<16xf32>
            %parallel_loop3A_172 = arith.constant 0.000000e+00 : f32
            %parallel_loop3A_173 = vector.broadcast %parallel_loop3A_172 : f32 to vector<16xf32>
            %parallel_loop3A_174 = arith.maximumf %parallel_loop3A_171, %parallel_loop3A_173 : vector<16xf32>
            %parallel_loop3A_175 = arith.index_cast %parallel_loop3A_69 : i32 to index
            %parallel_loop3A_176 = arith.constant 64 : index
            %parallel_loop3A_177 = tpu.vector_load %arg11[%parallel_loop3A_175, %parallel_loop3A_176] {strides = array<i32>} : memref<128x128xf32, #tpu.memory_space<vmem>>, vector<1x16xf32>,
            %parallel_loop3A_178 = vector.shape_cast %parallel_loop3A_177 : vector<1x16xf32> to vector<16xf32>
            %parallel_loop3A_179 = vector.shape_cast %parallel_loop3A_174 : vector<16xf32> to vector<1x16xf32>
            tpu.vector_store %arg11[%parallel_loop3A_175, %parallel_loop3A_176], %parallel_loop3A_179 {strides = array<i32>} : memref<128x128xf32, #tpu.memory_space<vmem>>, vector<1x16xf32>,
            %parallel_loop3A_180 = arith.index_cast %parallel_loop3A_69 : i32 to index
            %parallel_loop3A_181 = arith.constant 80 : index
            %parallel_loop3A_182 = tpu.vector_load %arg11[%parallel_loop3A_180, %parallel_loop3A_181] {strides = array<i32>} : memref<128x128xf32, #tpu.memory_space<vmem>>, vector<1x16xf32>,
            %parallel_loop3A_183 = vector.shape_cast %parallel_loop3A_182 : vector<1x16xf32> to vector<16xf32>
            %parallel_loop3A_184 = arith.index_cast %parallel_loop3A_69 : i32 to index
            %parallel_loop3A_185 = arith.constant 80 : index
            %parallel_loop3A_186 = tpu.vector_load %arg12[%parallel_loop3A_184, %parallel_loop3A_185] {strides = array<i32>} : memref<128x128xf32, #tpu.memory_space<vmem>>, vector<1x16xf32>,
            %parallel_loop3A_187 = vector.shape_cast %parallel_loop3A_186 : vector<1x16xf32> to vector<16xf32>
            %parallel_loop3A_188 = arith.addf %parallel_loop3A_183, %parallel_loop3A_187 : vector<16xf32>
            %parallel_loop3A_189 = arith.index_cast %parallel_loop3A_69 : i32 to index
            %parallel_loop3A_190 = arith.constant 80 : index
            %parallel_loop3A_191 = tpu.vector_load %arg13[%parallel_loop3A_189, %parallel_loop3A_190] {strides = array<i32>} : memref<128x128xf32, #tpu.memory_space<vmem>>, vector<1x16xf32>,
            %parallel_loop3A_192 = vector.shape_cast %parallel_loop3A_191 : vector<1x16xf32> to vector<16xf32>
            %parallel_loop3A_193 = arith.addf %parallel_loop3A_188, %parallel_loop3A_192 : vector<16xf32>
            %parallel_loop3A_194 = arith.constant 0.000000e+00 : f32
            %parallel_loop3A_195 = vector.broadcast %parallel_loop3A_194 : f32 to vector<16xf32>
            %parallel_loop3A_196 = arith.maximumf %parallel_loop3A_193, %parallel_loop3A_195 : vector<16xf32>
            %parallel_loop3A_197 = arith.index_cast %parallel_loop3A_69 : i32 to index
            %parallel_loop3A_198 = arith.constant 80 : index
            %parallel_loop3A_199 = tpu.vector_load %arg11[%parallel_loop3A_197, %parallel_loop3A_198] {strides = array<i32>} : memref<128x128xf32, #tpu.memory_space<vmem>>, vector<1x16xf32>,
            %parallel_loop3A_200 = vector.shape_cast %parallel_loop3A_199 : vector<1x16xf32> to vector<16xf32>
            %parallel_loop3A_201 = vector.shape_cast %parallel_loop3A_196 : vector<16xf32> to vector<1x16xf32>
            tpu.vector_store %arg11[%parallel_loop3A_197, %parallel_loop3A_198], %parallel_loop3A_201 {strides = array<i32>} : memref<128x128xf32, #tpu.memory_space<vmem>>, vector<1x16xf32>,
            %parallel_loop3A_202 = arith.index_cast %parallel_loop3A_69 : i32 to index
            %parallel_loop3A_203 = arith.constant 96 : index
            %parallel_loop3A_204 = tpu.vector_load %arg11[%parallel_loop3A_202, %parallel_loop3A_203] {strides = array<i32>} : memref<128x128xf32, #tpu.memory_space<vmem>>, vector<1x16xf32>,
            %parallel_loop3A_205 = vector.shape_cast %parallel_loop3A_204 : vector<1x16xf32> to vector<16xf32>
            %parallel_loop3A_206 = arith.index_cast %parallel_loop3A_69 : i32 to index
            %parallel_loop3A_207 = arith.constant 96 : index
            %parallel_loop3A_208 = tpu.vector_load %arg12[%parallel_loop3A_206, %parallel_loop3A_207] {strides = array<i32>} : memref<128x128xf32, #tpu.memory_space<vmem>>, vector<1x16xf32>,
            %parallel_loop3A_209 = vector.shape_cast %parallel_loop3A_208 : vector<1x16xf32> to vector<16xf32>
            %parallel_loop3A_210 = arith.addf %parallel_loop3A_205, %parallel_loop3A_209 : vector<16xf32>
            %parallel_loop3A_211 = arith.index_cast %parallel_loop3A_69 : i32 to index
            %parallel_loop3A_212 = arith.constant 96 : index
            %parallel_loop3A_213 = tpu.vector_load %arg13[%parallel_loop3A_211, %parallel_loop3A_212] {strides = array<i32>} : memref<128x128xf32, #tpu.memory_space<vmem>>, vector<1x16xf32>,
            %parallel_loop3A_214 = vector.shape_cast %parallel_loop3A_213 : vector<1x16xf32> to vector<16xf32>
            %parallel_loop3A_215 = arith.addf %parallel_loop3A_210, %parallel_loop3A_214 : vector<16xf32>
            %parallel_loop3A_216 = arith.constant 0.000000e+00 : f32
            %parallel_loop3A_217 = vector.broadcast %parallel_loop3A_216 : f32 to vector<16xf32>
            %parallel_loop3A_218 = arith.maximumf %parallel_loop3A_215, %parallel_loop3A_217 : vector<16xf32>
            %parallel_loop3A_219 = arith.index_cast %parallel_loop3A_69 : i32 to index
            %parallel_loop3A_220 = arith.constant 96 : index
            %parallel_loop3A_221 = tpu.vector_load %arg11[%parallel_loop3A_219, %parallel_loop3A_220] {strides = array<i32>} : memref<128x128xf32, #tpu.memory_space<vmem>>, vector<1x16xf32>,
            %parallel_loop3A_222 = vector.shape_cast %parallel_loop3A_221 : vector<1x16xf32> to vector<16xf32>
            %parallel_loop3A_223 = vector.shape_cast %parallel_loop3A_218 : vector<16xf32> to vector<1x16xf32>
            tpu.vector_store %arg11[%parallel_loop3A_219, %parallel_loop3A_220], %parallel_loop3A_223 {strides = array<i32>} : memref<128x128xf32, #tpu.memory_space<vmem>>, vector<1x16xf32>,
            %parallel_loop3A_224 = arith.index_cast %parallel_loop3A_69 : i32 to index
            %parallel_loop3A_225 = arith.constant 112 : index
            %parallel_loop3A_226 = tpu.vector_load %arg11[%parallel_loop3A_224, %parallel_loop3A_225] {strides = array<i32>} : memref<128x128xf32, #tpu.memory_space<vmem>>, vector<1x16xf32>,
            %parallel_loop3A_227 = vector.shape_cast %parallel_loop3A_226 : vector<1x16xf32> to vector<16xf32>
            %parallel_loop3A_228 = arith.index_cast %parallel_loop3A_69 : i32 to index
            %parallel_loop3A_229 = arith.constant 112 : index
            %parallel_loop3A_230 = tpu.vector_load %arg12[%parallel_loop3A_228, %parallel_loop3A_229] {strides = array<i32>} : memref<128x128xf32, #tpu.memory_space<vmem>>, vector<1x16xf32>,
            %parallel_loop3A_231 = vector.shape_cast %parallel_loop3A_230 : vector<1x16xf32> to vector<16xf32>
            %parallel_loop3A_232 = arith.addf %parallel_loop3A_227, %parallel_loop3A_231 : vector<16xf32>
            %parallel_loop3A_233 = arith.index_cast %parallel_loop3A_69 : i32 to index
            %parallel_loop3A_234 = arith.constant 112 : index
            %parallel_loop3A_235 = tpu.vector_load %arg13[%parallel_loop3A_233, %parallel_loop3A_234] {strides = array<i32>} : memref<128x128xf32, #tpu.memory_space<vmem>>, vector<1x16xf32>,
            %parallel_loop3A_236 = vector.shape_cast %parallel_loop3A_235 : vector<1x16xf32> to vector<16xf32>
            %parallel_loop3A_237 = arith.addf %parallel_loop3A_232, %parallel_loop3A_236 : vector<16xf32>
            %parallel_loop3A_238 = arith.constant 0.000000e+00 : f32
            %parallel_loop3A_239 = vector.broadcast %parallel_loop3A_238 : f32 to vector<16xf32>
            %parallel_loop3A_240 = arith.maximumf %parallel_loop3A_237, %parallel_loop3A_239 : vector<16xf32>
            %parallel_loop3A_241 = arith.index_cast %parallel_loop3A_69 : i32 to index
            %parallel_loop3A_242 = arith.constant 112 : index
            %parallel_loop3A_243 = tpu.vector_load %arg11[%parallel_loop3A_241, %parallel_loop3A_242] {strides = array<i32>} : memref<128x128xf32, #tpu.memory_space<vmem>>, vector<1x16xf32>,
            %parallel_loop3A_244 = vector.shape_cast %parallel_loop3A_243 : vector<1x16xf32> to vector<16xf32>
            %parallel_loop3A_245 = vector.shape_cast %parallel_loop3A_240 : vector<16xf32> to vector<1x16xf32>
            tpu.vector_store %arg11[%parallel_loop3A_241, %parallel_loop3A_242], %parallel_loop3A_245 {strides = array<i32>} : memref<128x128xf32, #tpu.memory_space<vmem>>, vector<1x16xf32>,
          } {sc.loop_unroll_factor = 4 : i64, sc.parallel_access}
          %run_scoped3A_67 = arith.constant 1 : i32
          "tpu.region"() ({
            %run_scoped3A_69 = tpu.sem_alloc : memref<!tpu.dma_semaphore, #tpu.memory_space<semaphore_mem>>
            %dma_start3A = arith.constant 0 : i32
            %dma_start3A_70 = tpu.memref_slice %arg8[%run_scoped3A_67, %mul3A_62, %dma_start3A] : memref<2x320000x128xf32, #tpu.memory_space<hbm>> -> memref<1x128x128xf32, #tpu.memory_space<hbm>>
            %dma_start3A_71 = tpu.memref_squeeze %dma_start3A_70 : memref<1x128x128xf32, #tpu.memory_space<hbm>> -> memref<128x128xf32, #tpu.memory_space<hbm>>
            %dma_start3A_72 = arith.constant 0 : i32
            %dma_start3A_73 = tpu.memref_slice %arg8[%run_scoped3A_67, %mul3A_62, %dma_start3A_72] : memref<2x320000x128xf32, #tpu.memory_space<hbm>> -> memref<1x128x128xf32, #tpu.memory_space<hbm>>
            %dma_start3A_74 = tpu.memref_squeeze %dma_start3A_73 : memref<1x128x128xf32, #tpu.memory_space<hbm>> -> memref<128x128xf32, #tpu.memory_space<hbm>>
            tpu.enqueue_dma source(%arg11 : memref<128x128xf32, #tpu.memory_space<vmem>>) target(%dma_start3A_74 : memref<128x128xf32, #tpu.memory_space<hbm>>) target_semaphore(%run_scoped3A_69 : memref<!tpu.dma_semaphore, #tpu.memory_space<semaphore_mem>>)
            %dma_wait3A = arith.constant 0 : i32
            %dma_wait3A_75 = tpu.memref_slice %arg8[%run_scoped3A_67, %mul3A_62, %dma_wait3A] : memref<2x320000x128xf32, #tpu.memory_space<hbm>> -> memref<1x128x128xf32, #tpu.memory_space<hbm>>
            %dma_wait3A_76 = tpu.memref_squeeze %dma_wait3A_75 : memref<1x128x128xf32, #tpu.memory_space<hbm>> -> memref<128x128xf32, #tpu.memory_space<hbm>>
            %dma_wait3A_77 = arith.constant 0 : i32
            %dma_wait3A_78 = tpu.memref_slice %arg8[%run_scoped3A_67, %mul3A_62, %dma_wait3A_77] : memref<2x320000x128xf32, #tpu.memory_space<hbm>> -> memref<1x128x128xf32, #tpu.memory_space<hbm>>
            %dma_wait3A_79 = tpu.memref_squeeze %dma_wait3A_78 : memref<1x128x128xf32, #tpu.memory_space<hbm>> -> memref<128x128xf32, #tpu.memory_space<hbm>>
            tpu.wait_dma2 semaphore(%run_scoped3A_69 : memref<!tpu.dma_semaphore, #tpu.memory_space<semaphore_mem>>) src(%arg11 : memref<128x128xf32, #tpu.memory_space<vmem>>) dst(%dma_wait3A_79 : memref<128x128xf32, #tpu.memory_space<hbm>>)
            tpu.yield
          }) : () -> ()
          %run_scoped3A_68 = arith.constant 1 : i32
          "tpu.region"() ({
            %run_scoped3A_69 = tpu.sem_alloc : memref<!tpu.dma_semaphore, #tpu.memory_space<semaphore_mem>>
            %dma_start3A = arith.constant 0 : i32
            %dma_start3A_70 = tpu.memref_slice %arg10[%run_scoped3A_68, %dma_start3A] : memref<2x128xi32, #tpu.memory_space<vmem>> -> memref<1x128xi32, #tpu.memory_space<vmem>>
            %dma_start3A_71 = tpu.memref_squeeze %dma_start3A_70 : memref<1x128xi32, #tpu.memory_space<vmem>> -> memref<128xi32, #tpu.memory_space<vmem>>
            %dma_start3A_72 = arith.constant 0 : i32
            %dma_start3A_73 = arith.constant 0 : i32
            %dma_start3A_74 = tpu.memref_slice %arg14[%dma_start3A_72, %dma_start3A_73] : memref<10112x128xf32, #tpu.memory_space<vmem_shared>> -> memref<10112x128xf32, #tpu.memory_space<vmem_shared>>
            tpu.enqueue_indirect_dma source(%arg11 : memref<128x128xf32, #tpu.memory_space<vmem>>) target(%dma_start3A_74 : memref<10112x128xf32, #tpu.memory_space<vmem_shared>>) offsets(%dma_start3A_71 : memref<128xi32, #tpu.memory_space<vmem>>) semaphore(%run_scoped3A_69 : memref<!tpu.dma_semaphore, #tpu.memory_space<semaphore_mem>>) {add = true}
            %dma_wait3A = arith.constant 0 : i32
            %dma_wait3A_75 = tpu.memref_slice %arg10[%run_scoped3A_68, %dma_wait3A] : memref<2x128xi32, #tpu.memory_space<vmem>> -> memref<1x128xi32, #tpu.memory_space<vmem>>
            %dma_wait3A_76 = tpu.memref_squeeze %dma_wait3A_75 : memref<1x128xi32, #tpu.memory_space<vmem>> -> memref<128xi32, #tpu.memory_space<vmem>>
            %dma_wait3A_77 = arith.constant 0 : i32
            %dma_wait3A_78 = arith.constant 0 : i32
            %dma_wait3A_79 = tpu.memref_slice %arg14[%dma_wait3A_77, %dma_wait3A_78] : memref<10112x128xf32, #tpu.memory_space<vmem_shared>> -> memref<10112x128xf32, #tpu.memory_space<vmem_shared>>
            tpu.wait_indirect_dma semaphore(%run_scoped3A_69 : memref<!tpu.dma_semaphore, #tpu.memory_space<semaphore_mem>>) src(%arg11 : memref<128x128xf32, #tpu.memory_space<vmem>>) dst(%dma_wait3A_79 : memref<10112x128xf32, #tpu.memory_space<vmem_shared>>)
            tpu.yield
          }) : () -> ()
        } else {
        }
        %scan3A_60 = arith.constant 0 : i32
        scf.yield %scan3A_60 : i32
      }
      %scan3A_50 = arith.constant 157 : i32
    } else {
    }
    %barrier3A_31 = arith.constant 0 : index
    tpu.barrier barrier_id(%barrier3A_31)
    %mul3A_32 = arith.constant 632 : i32
    %mul3A_33 = arith.muli %arg1, %mul3A_32 : i32
    %eq3A_34 = arith.constant 0 : i32
    %eq3A_35 = arith.cmpi eq, %arg0, %eq3A_34 : i32
    %convert_element_type3A_36 = arith.extui %eq3A_35 : i1 to i32
    %cond3A_37 = arith.constant 0 : i32
    %cond3A_38 = arith.cmpi ne, %convert_element_type3A_36, %cond3A_37 : i32
    scf.if %cond3A_38 {
      %mul3A_44 = arith.constant 632 : i32
      %mul3A_45 = arith.muli %arg1, %mul3A_44 : i32
      %run_scoped3A = arith.constant 0 : i32
      "tpu.region"() ({
        %run_scoped3A_46 = tpu.sem_alloc : memref<!tpu.dma_semaphore, #tpu.memory_space<semaphore_mem>>
        %dma_start3A = arith.constant 0 : i32
        %dma_start3A_47 = tpu.memref_slice %arg9[%run_scoped3A, %mul3A_45, %dma_start3A] : memref<2x10112x128xf32, #tpu.memory_space<hbm>> -> memref<1x632x128xf32, #tpu.memory_space<hbm>>
        %dma_start3A_48 = tpu.memref_squeeze %dma_start3A_47 : memref<1x632x128xf32, #tpu.memory_space<hbm>> -> memref<632x128xf32, #tpu.memory_space<hbm>>
        %dma_start3A_49 = arith.constant 0 : i32
        %dma_start3A_50 = tpu.memref_slice %arg14[%mul3A_33, %dma_start3A_49] : memref<10112x128xf32, #tpu.memory_space<vmem_shared>> -> memref<632x128xf32, #tpu.memory_space<vmem_shared>>
        tpu.enqueue_dma source(%dma_start3A_50 : memref<632x128xf32, #tpu.memory_space<vmem_shared>>) target(%dma_start3A_48 : memref<632x128xf32, #tpu.memory_space<hbm>>) target_semaphore(%run_scoped3A_46 : memref<!tpu.dma_semaphore, #tpu.memory_space<semaphore_mem>>)
        %dma_wait3A = arith.constant 0 : i32
        %dma_wait3A_51 = tpu.memref_slice %arg9[%run_scoped3A, %mul3A_45, %dma_wait3A] : memref<2x10112x128xf32, #tpu.memory_space<hbm>> -> memref<1x632x128xf32, #tpu.memory_space<hbm>>
        %dma_wait3A_52 = tpu.memref_squeeze %dma_wait3A_51 : memref<1x632x128xf32, #tpu.memory_space<hbm>> -> memref<632x128xf32, #tpu.memory_space<hbm>>
        %dma_wait3A_53 = arith.constant 0 : i32
        %dma_wait3A_54 = tpu.memref_slice %arg14[%mul3A_33, %dma_wait3A_53] : memref<10112x128xf32, #tpu.memory_space<vmem_shared>> -> memref<632x128xf32, #tpu.memory_space<vmem_shared>>
        tpu.wait_dma2 semaphore(%run_scoped3A_46 : memref<!tpu.dma_semaphore, #tpu.memory_space<semaphore_mem>>) src(%dma_wait3A_54 : memref<632x128xf32, #tpu.memory_space<vmem_shared>>) dst(%dma_wait3A_52 : memref<632x128xf32, #tpu.memory_space<hbm>>)
        tpu.yield
      }) : () -> ()
    } else {
    }
    %eq3A_39 = arith.constant 1 : i32
    %eq3A_40 = arith.cmpi eq, %arg0, %eq3A_39 : i32
    %convert_element_type3A_41 = arith.extui %eq3A_40 : i1 to i32
    %cond3A_42 = arith.constant 0 : i32
    %cond3A_43 = arith.cmpi ne, %convert_element_type3A_41, %cond3A_42 : i32
    scf.if %cond3A_43 {
      %mul3A_44 = arith.constant 632 : i32
      %mul3A_45 = arith.muli %arg1, %mul3A_44 : i32
      %run_scoped3A = arith.constant 1 : i32
      "tpu.region"() ({
        %run_scoped3A_46 = tpu.sem_alloc : memref<!tpu.dma_semaphore, #tpu.memory_space<semaphore_mem>>
        %dma_start3A = arith.constant 0 : i32
        %dma_start3A_47 = tpu.memref_slice %arg9[%run_scoped3A, %mul3A_45, %dma_start3A] : memref<2x10112x128xf32, #tpu.memory_space<hbm>> -> memref<1x632x128xf32, #tpu.memory_space<hbm>>
        %dma_start3A_48 = tpu.memref_squeeze %dma_start3A_47 : memref<1x632x128xf32, #tpu.memory_space<hbm>> -> memref<632x128xf32, #tpu.memory_space<hbm>>
        %dma_start3A_49 = arith.constant 0 : i32
        %dma_start3A_50 = tpu.memref_slice %arg14[%mul3A_33, %dma_start3A_49] : memref<10112x128xf32, #tpu.memory_space<vmem_shared>> -> memref<632x128xf32, #tpu.memory_space<vmem_shared>>
        tpu.enqueue_dma source(%dma_start3A_50 : memref<632x128xf32, #tpu.memory_space<vmem_shared>>) target(%dma_start3A_48 : memref<632x128xf32, #tpu.memory_space<hbm>>) target_semaphore(%run_scoped3A_46 : memref<!tpu.dma_semaphore, #tpu.memory_space<semaphore_mem>>)
        %dma_wait3A = arith.constant 0 : i32
        %dma_wait3A_51 = tpu.memref_slice %arg9[%run_scoped3A, %mul3A_45, %dma_wait3A] : memref<2x10112x128xf32, #tpu.memory_space<hbm>> -> memref<1x632x128xf32, #tpu.memory_space<hbm>>
        %dma_wait3A_52 = tpu.memref_squeeze %dma_wait3A_51 : memref<1x632x128xf32, #tpu.memory_space<hbm>> -> memref<632x128xf32, #tpu.memory_space<hbm>>
        %dma_wait3A_53 = arith.constant 0 : i32
        %dma_wait3A_54 = tpu.memref_slice %arg14[%mul3A_33, %dma_wait3A_53] : memref<10112x128xf32, #tpu.memory_space<vmem_shared>> -> memref<632x128xf32, #tpu.memory_space<vmem_shared>>
        tpu.wait_dma2 semaphore(%run_scoped3A_46 : memref<!tpu.dma_semaphore, #tpu.memory_space<semaphore_mem>>) src(%dma_wait3A_54 : memref<632x128xf32, #tpu.memory_space<vmem_shared>>) dst(%dma_wait3A_52 : memref<632x128xf32, #tpu.memory_space<hbm>>)
        tpu.yield
      }) : () -> ()
    } else {
    }
    return
  }
}

#map = affine_map<(d0, d1) -> (0, 0, 0)>
#map1 = affine_map<(d0, d1) -> (0, 0)>
module attributes {stable_mosaic.version = 14 : i64} {
  func.func @body(%arg0: i32, %arg1: i32, %arg2: memref<2x2x160000xi32, #tpu.memory_space<hbm>>, %arg3: memref<10000x128xf32, #tpu.memory_space<hbm>>, %arg4: memref<10000x128xf32, #tpu.memory_space<hbm>>, %arg5: memref<2x160000x128xf32, #tpu.memory_space<hbm>>, %arg6: memref<10112x128xf32, #tpu.memory_space<hbm>>, %arg7: memref<10112x128xf32, #tpu.memory_space<hbm>>, %arg8: memref<2x128xi32, #tpu.memory_space<vmem>>, %arg9: memref<128x128xf32, #tpu.memory_space<vmem>>, %arg10: memref<128x128xf32, #tpu.memory_space<vmem>>, %arg11: memref<128x128xf32, #tpu.memory_space<vmem>>, %arg12: memref<10112x128xf32, #tpu.memory_space<vmem_shared>>) attributes {dimension_semantics = [#tpu.dimension_semantics<core_parallel>, #tpu.dimension_semantics<subcore_parallel>], iteration_bounds = array<i64: 2, 16>, scalar_prefetch = 0 : i64, scratch_operands = 5 : i64, tpu.core_type = #tpu.core_type<sc_vector_subcore>, window_params = [{transform_indices = #map}, {transform_indices = #map1}, {transform_indices = #map1}, {transform_indices = #map}, {transform_indices = #map1}, {transform_indices = #map1}]} {
    %scan3A = arith.constant 0 : i32
    %scan3A_0 = arith.constant 0 : i32
    %scan3A_1 = arith.constant 128 : i32
    %scan3A_2 = arith.addi %scan3A_0, %scan3A_1 : i32
    %scan3A_3 = arith.constant 1 : i32
    %scan3A_4 = scf.for %scan3A_44 = %scan3A_0 to %scan3A_2 step %scan3A_3 iter_args(%scan3A_45 = %scan3A) -> (i32)  : i32 {
      %broadcast_in_dim3A = arith.constant 0.000000e+00 : f32
      %broadcast_in_dim3A_46 = vector.broadcast %broadcast_in_dim3A : f32 to vector<16xf32>
      %swap3A = arith.index_cast %scan3A_44 : i32 to index
      %swap3A_47 = arith.constant 0 : index
      %swap3A_48 = tpu.vector_load %arg9[%swap3A, %swap3A_47] {strides = array<i32>} : memref<128x128xf32, #tpu.memory_space<vmem>>, vector<1x16xf32>,
      %swap3A_49 = vector.shape_cast %swap3A_48 : vector<1x16xf32> to vector<16xf32>
      %swap3A_50 = vector.shape_cast %broadcast_in_dim3A_46 : vector<16xf32> to vector<1x16xf32>
      tpu.vector_store %arg9[%swap3A, %swap3A_47], %swap3A_50 {strides = array<i32>} : memref<128x128xf32, #tpu.memory_space<vmem>>, vector<1x16xf32>,
      %broadcast_in_dim3A_51 = arith.constant 0.000000e+00 : f32
      %broadcast_in_dim3A_52 = vector.broadcast %broadcast_in_dim3A_51 : f32 to vector<16xf32>
      %swap3A_53 = arith.index_cast %scan3A_44 : i32 to index
      %swap3A_54 = arith.constant 16 : index
      %swap3A_55 = tpu.vector_load %arg9[%swap3A_53, %swap3A_54] {strides = array<i32>} : memref<128x128xf32, #tpu.memory_space<vmem>>, vector<1x16xf32>,
      %swap3A_56 = vector.shape_cast %swap3A_55 : vector<1x16xf32> to vector<16xf32>
      %swap3A_57 = vector.shape_cast %broadcast_in_dim3A_52 : vector<16xf32> to vector<1x16xf32>
      tpu.vector_store %arg9[%swap3A_53, %swap3A_54], %swap3A_57 {strides = array<i32>} : memref<128x128xf32, #tpu.memory_space<vmem>>, vector<1x16xf32>,
      %broadcast_in_dim3A_58 = arith.constant 0.000000e+00 : f32
      %broadcast_in_dim3A_59 = vector.broadcast %broadcast_in_dim3A_58 : f32 to vector<16xf32>
      %swap3A_60 = arith.index_cast %scan3A_44 : i32 to index
      %swap3A_61 = arith.constant 32 : index
      %swap3A_62 = tpu.vector_load %arg9[%swap3A_60, %swap3A_61] {strides = array<i32>} : memref<128x128xf32, #tpu.memory_space<vmem>>, vector<1x16xf32>,
      %swap3A_63 = vector.shape_cast %swap3A_62 : vector<1x16xf32> to vector<16xf32>
      %swap3A_64 = vector.shape_cast %broadcast_in_dim3A_59 : vector<16xf32> to vector<1x16xf32>
      tpu.vector_store %arg9[%swap3A_60, %swap3A_61], %swap3A_64 {strides = array<i32>} : memref<128x128xf32, #tpu.memory_space<vmem>>, vector<1x16xf32>,
      %broadcast_in_dim3A_65 = arith.constant 0.000000e+00 : f32
      %broadcast_in_dim3A_66 = vector.broadcast %broadcast_in_dim3A_65 : f32 to vector<16xf32>
      %swap3A_67 = arith.index_cast %scan3A_44 : i32 to index
      %swap3A_68 = arith.constant 48 : index
      %swap3A_69 = tpu.vector_load %arg9[%swap3A_67, %swap3A_68] {strides = array<i32>} : memref<128x128xf32, #tpu.memory_space<vmem>>, vector<1x16xf32>,
      %swap3A_70 = vector.shape_cast %swap3A_69 : vector<1x16xf32> to vector<16xf32>
      %swap3A_71 = vector.shape_cast %broadcast_in_dim3A_66 : vector<16xf32> to vector<1x16xf32>
      tpu.vector_store %arg9[%swap3A_67, %swap3A_68], %swap3A_71 {strides = array<i32>} : memref<128x128xf32, #tpu.memory_space<vmem>>, vector<1x16xf32>,
      %broadcast_in_dim3A_72 = arith.constant 0.000000e+00 : f32
      %broadcast_in_dim3A_73 = vector.broadcast %broadcast_in_dim3A_72 : f32 to vector<16xf32>
      %swap3A_74 = arith.index_cast %scan3A_44 : i32 to index
      %swap3A_75 = arith.constant 64 : index
      %swap3A_76 = tpu.vector_load %arg9[%swap3A_74, %swap3A_75] {strides = array<i32>} : memref<128x128xf32, #tpu.memory_space<vmem>>, vector<1x16xf32>,
      %swap3A_77 = vector.shape_cast %swap3A_76 : vector<1x16xf32> to vector<16xf32>
      %swap3A_78 = vector.shape_cast %broadcast_in_dim3A_73 : vector<16xf32> to vector<1x16xf32>
      tpu.vector_store %arg9[%swap3A_74, %swap3A_75], %swap3A_78 {strides = array<i32>} : memref<128x128xf32, #tpu.memory_space<vmem>>, vector<1x16xf32>,
      %broadcast_in_dim3A_79 = arith.constant 0.000000e+00 : f32
      %broadcast_in_dim3A_80 = vector.broadcast %broadcast_in_dim3A_79 : f32 to vector<16xf32>
      %swap3A_81 = arith.index_cast %scan3A_44 : i32 to index
      %swap3A_82 = arith.constant 80 : index
      %swap3A_83 = tpu.vector_load %arg9[%swap3A_81, %swap3A_82] {strides = array<i32>} : memref<128x128xf32, #tpu.memory_space<vmem>>, vector<1x16xf32>,
      %swap3A_84 = vector.shape_cast %swap3A_83 : vector<1x16xf32> to vector<16xf32>
      %swap3A_85 = vector.shape_cast %broadcast_in_dim3A_80 : vector<16xf32> to vector<1x16xf32>
      tpu.vector_store %arg9[%swap3A_81, %swap3A_82], %swap3A_85 {strides = array<i32>} : memref<128x128xf32, #tpu.memory_space<vmem>>, vector<1x16xf32>,
      %broadcast_in_dim3A_86 = arith.constant 0.000000e+00 : f32
      %broadcast_in_dim3A_87 = vector.broadcast %broadcast_in_dim3A_86 : f32 to vector<16xf32>
      %swap3A_88 = arith.index_cast %scan3A_44 : i32 to index
      %swap3A_89 = arith.constant 96 : index
      %swap3A_90 = tpu.vector_load %arg9[%swap3A_88, %swap3A_89] {strides = array<i32>} : memref<128x128xf32, #tpu.memory_space<vmem>>, vector<1x16xf32>,
      %swap3A_91 = vector.shape_cast %swap3A_90 : vector<1x16xf32> to vector<16xf32>
      %swap3A_92 = vector.shape_cast %broadcast_in_dim3A_87 : vector<16xf32> to vector<1x16xf32>
      tpu.vector_store %arg9[%swap3A_88, %swap3A_89], %swap3A_92 {strides = array<i32>} : memref<128x128xf32, #tpu.memory_space<vmem>>, vector<1x16xf32>,
      %broadcast_in_dim3A_93 = arith.constant 0.000000e+00 : f32
      %broadcast_in_dim3A_94 = vector.broadcast %broadcast_in_dim3A_93 : f32 to vector<16xf32>
      %swap3A_95 = arith.index_cast %scan3A_44 : i32 to index
      %swap3A_96 = arith.constant 112 : index
      %swap3A_97 = tpu.vector_load %arg9[%swap3A_95, %swap3A_96] {strides = array<i32>} : memref<128x128xf32, #tpu.memory_space<vmem>>, vector<1x16xf32>,
      %swap3A_98 = vector.shape_cast %swap3A_97 : vector<1x16xf32> to vector<16xf32>
      %swap3A_99 = vector.shape_cast %broadcast_in_dim3A_94 : vector<16xf32> to vector<1x16xf32>
      tpu.vector_store %arg9[%swap3A_95, %swap3A_96], %swap3A_99 {strides = array<i32>} : memref<128x128xf32, #tpu.memory_space<vmem>>, vector<1x16xf32>,
      %scan3A_100 = arith.constant 0 : i32
      scf.yield %scan3A_100 : i32
    }
    %scan3A_5 = arith.constant 128 : i32
    %mul3A = arith.constant 632 : i32
    %mul3A_6 = arith.muli %arg1, %mul3A : i32
    %add3A = arith.constant 0 : i32
    %add3A_7 = arith.addi %mul3A_6, %add3A : i32
    "tpu.region"() ({
      %run_scoped3A = tpu.sem_alloc : memref<!tpu.dma_semaphore, #tpu.memory_space<semaphore_mem>>
      %dma_start3A = arith.constant 0 : i32
      %dma_start3A_44 = arith.constant 0 : i32
      %dma_start3A_45 = tpu.memref_slice %arg9[%dma_start3A, %dma_start3A_44] : memref<128x128xf32, #tpu.memory_space<vmem>> -> memref<128x128xf32, #tpu.memory_space<vmem>>
      %dma_start3A_46 = arith.constant 0 : i32
      %dma_start3A_47 = tpu.memref_slice %arg12[%add3A_7, %dma_start3A_46] : memref<10112x128xf32, #tpu.memory_space<vmem_shared>> -> memref<128x128xf32, #tpu.memory_space<vmem_shared>>
      %dma_start3A_48 = arith.constant 0 : i32
      %dma_start3A_49 = tpu.memref_slice %arg12[%add3A_7, %dma_start3A_48] : memref<10112x128xf32, #tpu.memory_space<vmem_shared>> -> memref<128x128xf32, #tpu.memory_space<vmem_shared>>
      %dma_start3A_50 = arith.constant 0 : i32
      %dma_start3A_51 = arith.constant 0 : i32
      %dma_start3A_52 = tpu.memref_slice %arg9[%dma_start3A_50, %dma_start3A_51] : memref<128x128xf32, #tpu.memory_space<vmem>> -> memref<128x128xf32, #tpu.memory_space<vmem>>
      tpu.enqueue_dma source(%dma_start3A_52 : memref<128x128xf32, #tpu.memory_space<vmem>>) target(%dma_start3A_49 : memref<128x128xf32, #tpu.memory_space<vmem_shared>>) target_semaphore(%run_scoped3A : memref<!tpu.dma_semaphore, #tpu.memory_space<semaphore_mem>>)
      %dma_wait3A = arith.constant 0 : i32
      %dma_wait3A_53 = arith.constant 0 : i32
      %dma_wait3A_54 = tpu.memref_slice %arg9[%dma_wait3A, %dma_wait3A_53] : memref<128x128xf32, #tpu.memory_space<vmem>> -> memref<128x128xf32, #tpu.memory_space<vmem>>
      %dma_wait3A_55 = arith.constant 0 : i32
      %dma_wait3A_56 = tpu.memref_slice %arg12[%add3A_7, %dma_wait3A_55] : memref<10112x128xf32, #tpu.memory_space<vmem_shared>> -> memref<128x128xf32, #tpu.memory_space<vmem_shared>>
      %dma_wait3A_57 = arith.constant 0 : i32
      %dma_wait3A_58 = tpu.memref_slice %arg12[%add3A_7, %dma_wait3A_57] : memref<10112x128xf32, #tpu.memory_space<vmem_shared>> -> memref<128x128xf32, #tpu.memory_space<vmem_shared>>
      %dma_wait3A_59 = arith.constant 0 : i32
      %dma_wait3A_60 = arith.constant 0 : i32
      %dma_wait3A_61 = tpu.memref_slice %arg9[%dma_wait3A_59, %dma_wait3A_60] : memref<128x128xf32, #tpu.memory_space<vmem>> -> memref<128x128xf32, #tpu.memory_space<vmem>>
      tpu.wait_dma2 semaphore(%run_scoped3A : memref<!tpu.dma_semaphore, #tpu.memory_space<semaphore_mem>>) src(%dma_wait3A_61 : memref<128x128xf32, #tpu.memory_space<vmem>>) dst(%dma_wait3A_58 : memref<128x128xf32, #tpu.memory_space<vmem_shared>>)
      tpu.yield
    }) : () -> ()
    %mul3A_8 = arith.constant 632 : i32
    %mul3A_9 = arith.muli %arg1, %mul3A_8 : i32
    %add3A_10 = arith.constant 128 : i32
    %add3A_11 = arith.addi %mul3A_9, %add3A_10 : i32
    "tpu.region"() ({
      %run_scoped3A = tpu.sem_alloc : memref<!tpu.dma_semaphore, #tpu.memory_space<semaphore_mem>>
      %dma_start3A = arith.constant 0 : i32
      %dma_start3A_44 = arith.constant 0 : i32
      %dma_start3A_45 = tpu.memref_slice %arg9[%dma_start3A, %dma_start3A_44] : memref<128x128xf32, #tpu.memory_space<vmem>> -> memref<128x128xf32, #tpu.memory_space<vmem>>
      %dma_start3A_46 = arith.constant 0 : i32
      %dma_start3A_47 = tpu.memref_slice %arg12[%add3A_11, %dma_start3A_46] : memref<10112x128xf32, #tpu.memory_space<vmem_shared>> -> memref<128x128xf32, #tpu.memory_space<vmem_shared>>
      %dma_start3A_48 = arith.constant 0 : i32
      %dma_start3A_49 = tpu.memref_slice %arg12[%add3A_11, %dma_start3A_48] : memref<10112x128xf32, #tpu.memory_space<vmem_shared>> -> memref<128x128xf32, #tpu.memory_space<vmem_shared>>
      %dma_start3A_50 = arith.constant 0 : i32
      %dma_start3A_51 = arith.constant 0 : i32
      %dma_start3A_52 = tpu.memref_slice %arg9[%dma_start3A_50, %dma_start3A_51] : memref<128x128xf32, #tpu.memory_space<vmem>> -> memref<128x128xf32, #tpu.memory_space<vmem>>
      tpu.enqueue_dma source(%dma_start3A_52 : memref<128x128xf32, #tpu.memory_space<vmem>>) target(%dma_start3A_49 : memref<128x128xf32, #tpu.memory_space<vmem_shared>>) target_semaphore(%run_scoped3A : memref<!tpu.dma_semaphore, #tpu.memory_space<semaphore_mem>>)
      %dma_wait3A = arith.constant 0 : i32
      %dma_wait3A_53 = arith.constant 0 : i32
      %dma_wait3A_54 = tpu.memref_slice %arg9[%dma_wait3A, %dma_wait3A_53] : memref<128x128xf32, #tpu.memory_space<vmem>> -> memref<128x128xf32, #tpu.memory_space<vmem>>
      %dma_wait3A_55 = arith.constant 0 : i32
      %dma_wait3A_56 = tpu.memref_slice %arg12[%add3A_11, %dma_wait3A_55] : memref<10112x128xf32, #tpu.memory_space<vmem_shared>> -> memref<128x128xf32, #tpu.memory_space<vmem_shared>>
      %dma_wait3A_57 = arith.constant 0 : i32
      %dma_wait3A_58 = tpu.memref_slice %arg12[%add3A_11, %dma_wait3A_57] : memref<10112x128xf32, #tpu.memory_space<vmem_shared>> -> memref<128x128xf32, #tpu.memory_space<vmem_shared>>
      %dma_wait3A_59 = arith.constant 0 : i32
      %dma_wait3A_60 = arith.constant 0 : i32
      %dma_wait3A_61 = tpu.memref_slice %arg9[%dma_wait3A_59, %dma_wait3A_60] : memref<128x128xf32, #tpu.memory_space<vmem>> -> memref<128x128xf32, #tpu.memory_space<vmem>>
      tpu.wait_dma2 semaphore(%run_scoped3A : memref<!tpu.dma_semaphore, #tpu.memory_space<semaphore_mem>>) src(%dma_wait3A_61 : memref<128x128xf32, #tpu.memory_space<vmem>>) dst(%dma_wait3A_58 : memref<128x128xf32, #tpu.memory_space<vmem_shared>>)
      tpu.yield
    }) : () -> ()
    %mul3A_12 = arith.constant 632 : i32
    %mul3A_13 = arith.muli %arg1, %mul3A_12 : i32
    %add3A_14 = arith.constant 256 : i32
    %add3A_15 = arith.addi %mul3A_13, %add3A_14 : i32
    "tpu.region"() ({
      %run_scoped3A = tpu.sem_alloc : memref<!tpu.dma_semaphore, #tpu.memory_space<semaphore_mem>>
      %dma_start3A = arith.constant 0 : i32
      %dma_start3A_44 = arith.constant 0 : i32
      %dma_start3A_45 = tpu.memref_slice %arg9[%dma_start3A, %dma_start3A_44] : memref<128x128xf32, #tpu.memory_space<vmem>> -> memref<128x128xf32, #tpu.memory_space<vmem>>
      %dma_start3A_46 = arith.constant 0 : i32
      %dma_start3A_47 = tpu.memref_slice %arg12[%add3A_15, %dma_start3A_46] : memref<10112x128xf32, #tpu.memory_space<vmem_shared>> -> memref<128x128xf32, #tpu.memory_space<vmem_shared>>
      %dma_start3A_48 = arith.constant 0 : i32
      %dma_start3A_49 = tpu.memref_slice %arg12[%add3A_15, %dma_start3A_48] : memref<10112x128xf32, #tpu.memory_space<vmem_shared>> -> memref<128x128xf32, #tpu.memory_space<vmem_shared>>
      %dma_start3A_50 = arith.constant 0 : i32
      %dma_start3A_51 = arith.constant 0 : i32
      %dma_start3A_52 = tpu.memref_slice %arg9[%dma_start3A_50, %dma_start3A_51] : memref<128x128xf32, #tpu.memory_space<vmem>> -> memref<128x128xf32, #tpu.memory_space<vmem>>
      tpu.enqueue_dma source(%dma_start3A_52 : memref<128x128xf32, #tpu.memory_space<vmem>>) target(%dma_start3A_49 : memref<128x128xf32, #tpu.memory_space<vmem_shared>>) target_semaphore(%run_scoped3A : memref<!tpu.dma_semaphore, #tpu.memory_space<semaphore_mem>>)
      %dma_wait3A = arith.constant 0 : i32
      %dma_wait3A_53 = arith.constant 0 : i32
      %dma_wait3A_54 = tpu.memref_slice %arg9[%dma_wait3A, %dma_wait3A_53] : memref<128x128xf32, #tpu.memory_space<vmem>> -> memref<128x128xf32, #tpu.memory_space<vmem>>
      %dma_wait3A_55 = arith.constant 0 : i32
      %dma_wait3A_56 = tpu.memref_slice %arg12[%add3A_15, %dma_wait3A_55] : memref<10112x128xf32, #tpu.memory_space<vmem_shared>> -> memref<128x128xf32, #tpu.memory_space<vmem_shared>>
      %dma_wait3A_57 = arith.constant 0 : i32
      %dma_wait3A_58 = tpu.memref_slice %arg12[%add3A_15, %dma_wait3A_57] : memref<10112x128xf32, #tpu.memory_space<vmem_shared>> -> memref<128x128xf32, #tpu.memory_space<vmem_shared>>
      %dma_wait3A_59 = arith.constant 0 : i32
      %dma_wait3A_60 = arith.constant 0 : i32
      %dma_wait3A_61 = tpu.memref_slice %arg9[%dma_wait3A_59, %dma_wait3A_60] : memref<128x128xf32, #tpu.memory_space<vmem>> -> memref<128x128xf32, #tpu.memory_space<vmem>>
      tpu.wait_dma2 semaphore(%run_scoped3A : memref<!tpu.dma_semaphore, #tpu.memory_space<semaphore_mem>>) src(%dma_wait3A_61 : memref<128x128xf32, #tpu.memory_space<vmem>>) dst(%dma_wait3A_58 : memref<128x128xf32, #tpu.memory_space<vmem_shared>>)
      tpu.yield
    }) : () -> ()
    %mul3A_16 = arith.constant 632 : i32
    %mul3A_17 = arith.muli %arg1, %mul3A_16 : i32
    %add3A_18 = arith.constant 384 : i32
    %add3A_19 = arith.addi %mul3A_17, %add3A_18 : i32
    "tpu.region"() ({
      %run_scoped3A = tpu.sem_alloc : memref<!tpu.dma_semaphore, #tpu.memory_space<semaphore_mem>>
      %dma_start3A = arith.constant 0 : i32
      %dma_start3A_44 = arith.constant 0 : i32
      %dma_start3A_45 = tpu.memref_slice %arg9[%dma_start3A, %dma_start3A_44] : memref<128x128xf32, #tpu.memory_space<vmem>> -> memref<128x128xf32, #tpu.memory_space<vmem>>
      %dma_start3A_46 = arith.constant 0 : i32
      %dma_start3A_47 = tpu.memref_slice %arg12[%add3A_19, %dma_start3A_46] : memref<10112x128xf32, #tpu.memory_space<vmem_shared>> -> memref<128x128xf32, #tpu.memory_space<vmem_shared>>
      %dma_start3A_48 = arith.constant 0 : i32
      %dma_start3A_49 = tpu.memref_slice %arg12[%add3A_19, %dma_start3A_48] : memref<10112x128xf32, #tpu.memory_space<vmem_shared>> -> memref<128x128xf32, #tpu.memory_space<vmem_shared>>
      %dma_start3A_50 = arith.constant 0 : i32
      %dma_start3A_51 = arith.constant 0 : i32
      %dma_start3A_52 = tpu.memref_slice %arg9[%dma_start3A_50, %dma_start3A_51] : memref<128x128xf32, #tpu.memory_space<vmem>> -> memref<128x128xf32, #tpu.memory_space<vmem>>
      tpu.enqueue_dma source(%dma_start3A_52 : memref<128x128xf32, #tpu.memory_space<vmem>>) target(%dma_start3A_49 : memref<128x128xf32, #tpu.memory_space<vmem_shared>>) target_semaphore(%run_scoped3A : memref<!tpu.dma_semaphore, #tpu.memory_space<semaphore_mem>>)
      %dma_wait3A = arith.constant 0 : i32
      %dma_wait3A_53 = arith.constant 0 : i32
      %dma_wait3A_54 = tpu.memref_slice %arg9[%dma_wait3A, %dma_wait3A_53] : memref<128x128xf32, #tpu.memory_space<vmem>> -> memref<128x128xf32, #tpu.memory_space<vmem>>
      %dma_wait3A_55 = arith.constant 0 : i32
      %dma_wait3A_56 = tpu.memref_slice %arg12[%add3A_19, %dma_wait3A_55] : memref<10112x128xf32, #tpu.memory_space<vmem_shared>> -> memref<128x128xf32, #tpu.memory_space<vmem_shared>>
      %dma_wait3A_57 = arith.constant 0 : i32
      %dma_wait3A_58 = tpu.memref_slice %arg12[%add3A_19, %dma_wait3A_57] : memref<10112x128xf32, #tpu.memory_space<vmem_shared>> -> memref<128x128xf32, #tpu.memory_space<vmem_shared>>
      %dma_wait3A_59 = arith.constant 0 : i32
      %dma_wait3A_60 = arith.constant 0 : i32
      %dma_wait3A_61 = tpu.memref_slice %arg9[%dma_wait3A_59, %dma_wait3A_60] : memref<128x128xf32, #tpu.memory_space<vmem>> -> memref<128x128xf32, #tpu.memory_space<vmem>>
      tpu.wait_dma2 semaphore(%run_scoped3A : memref<!tpu.dma_semaphore, #tpu.memory_space<semaphore_mem>>) src(%dma_wait3A_61 : memref<128x128xf32, #tpu.memory_space<vmem>>) dst(%dma_wait3A_58 : memref<128x128xf32, #tpu.memory_space<vmem_shared>>)
      tpu.yield
    }) : () -> ()
    %mul3A_20 = arith.constant 632 : i32
    %mul3A_21 = arith.muli %arg1, %mul3A_20 : i32
    %add3A_22 = arith.constant 512 : i32
    %add3A_23 = arith.addi %mul3A_21, %add3A_22 : i32
    "tpu.region"() ({
      %run_scoped3A = tpu.sem_alloc : memref<!tpu.dma_semaphore, #tpu.memory_space<semaphore_mem>>
      %dma_start3A = arith.constant 0 : i32
      %dma_start3A_44 = arith.constant 0 : i32
      %dma_start3A_45 = tpu.memref_slice %arg9[%dma_start3A, %dma_start3A_44] : memref<128x128xf32, #tpu.memory_space<vmem>> -> memref<120x128xf32, #tpu.memory_space<vmem>>
      %dma_start3A_46 = arith.constant 0 : i32
      %dma_start3A_47 = tpu.memref_slice %arg12[%add3A_23, %dma_start3A_46] : memref<10112x128xf32, #tpu.memory_space<vmem_shared>> -> memref<120x128xf32, #tpu.memory_space<vmem_shared>>
      %dma_start3A_48 = arith.constant 0 : i32
      %dma_start3A_49 = tpu.memref_slice %arg12[%add3A_23, %dma_start3A_48] : memref<10112x128xf32, #tpu.memory_space<vmem_shared>> -> memref<120x128xf32, #tpu.memory_space<vmem_shared>>
      %dma_start3A_50 = arith.constant 0 : i32
      %dma_start3A_51 = arith.constant 0 : i32
      %dma_start3A_52 = tpu.memref_slice %arg9[%dma_start3A_50, %dma_start3A_51] : memref<128x128xf32, #tpu.memory_space<vmem>> -> memref<120x128xf32, #tpu.memory_space<vmem>>
      tpu.enqueue_dma source(%dma_start3A_52 : memref<120x128xf32, #tpu.memory_space<vmem>>) target(%dma_start3A_49 : memref<120x128xf32, #tpu.memory_space<vmem_shared>>) target_semaphore(%run_scoped3A : memref<!tpu.dma_semaphore, #tpu.memory_space<semaphore_mem>>)
      %dma_wait3A = arith.constant 0 : i32
      %dma_wait3A_53 = arith.constant 0 : i32
      %dma_wait3A_54 = tpu.memref_slice %arg9[%dma_wait3A, %dma_wait3A_53] : memref<128x128xf32, #tpu.memory_space<vmem>> -> memref<120x128xf32, #tpu.memory_space<vmem>>
      %dma_wait3A_55 = arith.constant 0 : i32
      %dma_wait3A_56 = tpu.memref_slice %arg12[%add3A_23, %dma_wait3A_55] : memref<10112x128xf32, #tpu.memory_space<vmem_shared>> -> memref<120x128xf32, #tpu.memory_space<vmem_shared>>
      %dma_wait3A_57 = arith.constant 0 : i32
      %dma_wait3A_58 = tpu.memref_slice %arg12[%add3A_23, %dma_wait3A_57] : memref<10112x128xf32, #tpu.memory_space<vmem_shared>> -> memref<120x128xf32, #tpu.memory_space<vmem_shared>>
      %dma_wait3A_59 = arith.constant 0 : i32
      %dma_wait3A_60 = arith.constant 0 : i32
      %dma_wait3A_61 = tpu.memref_slice %arg9[%dma_wait3A_59, %dma_wait3A_60] : memref<128x128xf32, #tpu.memory_space<vmem>> -> memref<120x128xf32, #tpu.memory_space<vmem>>
      tpu.wait_dma2 semaphore(%run_scoped3A : memref<!tpu.dma_semaphore, #tpu.memory_space<semaphore_mem>>) src(%dma_wait3A_61 : memref<120x128xf32, #tpu.memory_space<vmem>>) dst(%dma_wait3A_58 : memref<120x128xf32, #tpu.memory_space<vmem_shared>>)
      tpu.yield
    }) : () -> ()
    %barrier3A = arith.constant 0 : index
    tpu.barrier barrier_id(%barrier3A)
    %eq3A = arith.constant 0 : i32
    %eq3A_24 = arith.cmpi eq, %arg0, %eq3A : i32
    %convert_element_type3A = arith.extui %eq3A_24 : i1 to i32
    %cond3A = arith.constant 0 : i32
    %cond3A_25 = arith.cmpi ne, %convert_element_type3A, %cond3A : i32
    scf.if %cond3A_25 {
      %scan3A_44 = arith.constant 0 : i32
      %scan3A_45 = arith.constant 0 : i32
      %scan3A_46 = arith.constant 79 : i32
      %scan3A_47 = arith.addi %scan3A_45, %scan3A_46 : i32
      %scan3A_48 = arith.constant 1 : i32
      %scan3A_49 = scf.for %scan3A_51 = %scan3A_45 to %scan3A_47 step %scan3A_48 iter_args(%scan3A_52 = %scan3A_44) -> (i32)  : i32 {
        %mul3A_53 = arith.constant 16 : i32
        %mul3A_54 = arith.muli %mul3A_53, %scan3A_51 : i32
        %add3A_55 = arith.addi %arg1, %mul3A_54 : i32
        %lt3A = arith.constant 1250 : i32
        %lt3A_56 = arith.cmpi slt, %add3A_55, %lt3A : i32
        %convert_element_type3A_57 = arith.extui %lt3A_56 : i1 to i32
        %cond3A_58 = arith.constant 0 : i32
        %cond3A_59 = arith.cmpi ne, %convert_element_type3A_57, %cond3A_58 : i32
        scf.if %cond3A_59 {
          %mul3A_61 = arith.constant 128 : i32
          %mul3A_62 = arith.muli %add3A_55, %mul3A_61 : i32
          %run_scoped3A = arith.constant 0 : i32
          "tpu.region"() ({
            %run_scoped3A_69 = tpu.sem_alloc : memref<!tpu.dma_semaphore, #tpu.memory_space<semaphore_mem>>
            %dma_start3A = arith.constant 0 : i32
            %dma_start3A_70 = tpu.memref_slice %arg2[%run_scoped3A, %dma_start3A, %mul3A_62] : memref<2x2x160000xi32, #tpu.memory_space<hbm>> -> memref<1x2x128xi32, #tpu.memory_space<hbm>>
            %dma_start3A_71 = tpu.memref_squeeze %dma_start3A_70 : memref<1x2x128xi32, #tpu.memory_space<hbm>> -> memref<2x128xi32, #tpu.memory_space<hbm>>
            %dma_start3A_72 = arith.constant 0 : i32
            %dma_start3A_73 = tpu.memref_slice %arg2[%run_scoped3A, %dma_start3A_72, %mul3A_62] : memref<2x2x160000xi32, #tpu.memory_space<hbm>> -> memref<1x2x128xi32, #tpu.memory_space<hbm>>
            %dma_start3A_74 = tpu.memref_squeeze %dma_start3A_73 : memref<1x2x128xi32, #tpu.memory_space<hbm>> -> memref<2x128xi32, #tpu.memory_space<hbm>>
            tpu.enqueue_dma source(%dma_start3A_74 : memref<2x128xi32, #tpu.memory_space<hbm>>) target(%arg8 : memref<2x128xi32, #tpu.memory_space<vmem>>) target_semaphore(%run_scoped3A_69 : memref<!tpu.dma_semaphore, #tpu.memory_space<semaphore_mem>>)
            %dma_wait3A = arith.constant 0 : i32
            %dma_wait3A_75 = tpu.memref_slice %arg2[%run_scoped3A, %dma_wait3A, %mul3A_62] : memref<2x2x160000xi32, #tpu.memory_space<hbm>> -> memref<1x2x128xi32, #tpu.memory_space<hbm>>
            %dma_wait3A_76 = tpu.memref_squeeze %dma_wait3A_75 : memref<1x2x128xi32, #tpu.memory_space<hbm>> -> memref<2x128xi32, #tpu.memory_space<hbm>>
            %dma_wait3A_77 = arith.constant 0 : i32
            %dma_wait3A_78 = tpu.memref_slice %arg2[%run_scoped3A, %dma_wait3A_77, %mul3A_62] : memref<2x2x160000xi32, #tpu.memory_space<hbm>> -> memref<1x2x128xi32, #tpu.memory_space<hbm>>
            %dma_wait3A_79 = tpu.memref_squeeze %dma_wait3A_78 : memref<1x2x128xi32, #tpu.memory_space<hbm>> -> memref<2x128xi32, #tpu.memory_space<hbm>>
            tpu.wait_dma2 semaphore(%run_scoped3A_69 : memref<!tpu.dma_semaphore, #tpu.memory_space<semaphore_mem>>) src(%dma_wait3A_79 : memref<2x128xi32, #tpu.memory_space<hbm>>) dst(%arg8 : memref<2x128xi32, #tpu.memory_space<vmem>>)
            tpu.yield
          }) : () -> ()
          %run_scoped3A_63 = arith.constant 0 : i32
          "tpu.region"() ({
            %run_scoped3A_69 = tpu.sem_alloc : memref<!tpu.dma_semaphore, #tpu.memory_space<semaphore_mem>>
            %dma_start3A = arith.constant 0 : i32
            %dma_start3A_70 = tpu.memref_slice %arg8[%run_scoped3A_63, %dma_start3A] : memref<2x128xi32, #tpu.memory_space<vmem>> -> memref<1x128xi32, #tpu.memory_space<vmem>>
            %dma_start3A_71 = tpu.memref_squeeze %dma_start3A_70 : memref<1x128xi32, #tpu.memory_space<vmem>> -> memref<128xi32, #tpu.memory_space<vmem>>
            %dma_start3A_72 = arith.constant 0 : i32
            %dma_start3A_73 = arith.constant 0 : i32
            %dma_start3A_74 = tpu.memref_slice %arg3[%dma_start3A_72, %dma_start3A_73] : memref<10000x128xf32, #tpu.memory_space<hbm>> -> memref<10000x128xf32, #tpu.memory_space<hbm>>
            tpu.enqueue_indirect_dma source(%dma_start3A_74 : memref<10000x128xf32, #tpu.memory_space<hbm>>) target(%arg9 : memref<128x128xf32, #tpu.memory_space<vmem>>) offsets(%dma_start3A_71 : memref<128xi32, #tpu.memory_space<vmem>>) semaphore(%run_scoped3A_69 : memref<!tpu.dma_semaphore, #tpu.memory_space<semaphore_mem>>)
            %dma_wait3A = arith.constant 0 : i32
            %dma_wait3A_75 = tpu.memref_slice %arg8[%run_scoped3A_63, %dma_wait3A] : memref<2x128xi32, #tpu.memory_space<vmem>> -> memref<1x128xi32, #tpu.memory_space<vmem>>
            %dma_wait3A_76 = tpu.memref_squeeze %dma_wait3A_75 : memref<1x128xi32, #tpu.memory_space<vmem>> -> memref<128xi32, #tpu.memory_space<vmem>>
            %dma_wait3A_77 = arith.constant 0 : i32
            %dma_wait3A_78 = arith.constant 0 : i32
            %dma_wait3A_79 = tpu.memref_slice %arg3[%dma_wait3A_77, %dma_wait3A_78] : memref<10000x128xf32, #tpu.memory_space<hbm>> -> memref<10000x128xf32, #tpu.memory_space<hbm>>
            tpu.wait_indirect_dma semaphore(%run_scoped3A_69 : memref<!tpu.dma_semaphore, #tpu.memory_space<semaphore_mem>>) src(%dma_wait3A_79 : memref<10000x128xf32, #tpu.memory_space<hbm>>) dst(%arg9 : memref<128x128xf32, #tpu.memory_space<vmem>>)
            tpu.yield
          }) : () -> ()
          %run_scoped3A_64 = arith.constant 1 : i32
          "tpu.region"() ({
            %run_scoped3A_69 = tpu.sem_alloc : memref<!tpu.dma_semaphore, #tpu.memory_space<semaphore_mem>>
            %dma_start3A = arith.constant 0 : i32
            %dma_start3A_70 = tpu.memref_slice %arg8[%run_scoped3A_64, %dma_start3A] : memref<2x128xi32, #tpu.memory_space<vmem>> -> memref<1x128xi32, #tpu.memory_space<vmem>>
            %dma_start3A_71 = tpu.memref_squeeze %dma_start3A_70 : memref<1x128xi32, #tpu.memory_space<vmem>> -> memref<128xi32, #tpu.memory_space<vmem>>
            %dma_start3A_72 = arith.constant 0 : i32
            %dma_start3A_73 = arith.constant 0 : i32
            %dma_start3A_74 = tpu.memref_slice %arg4[%dma_start3A_72, %dma_start3A_73] : memref<10000x128xf32, #tpu.memory_space<hbm>> -> memref<10000x128xf32, #tpu.memory_space<hbm>>
            tpu.enqueue_indirect_dma source(%dma_start3A_74 : memref<10000x128xf32, #tpu.memory_space<hbm>>) target(%arg10 : memref<128x128xf32, #tpu.memory_space<vmem>>) offsets(%dma_start3A_71 : memref<128xi32, #tpu.memory_space<vmem>>) semaphore(%run_scoped3A_69 : memref<!tpu.dma_semaphore, #tpu.memory_space<semaphore_mem>>)
            %dma_wait3A = arith.constant 0 : i32
            %dma_wait3A_75 = tpu.memref_slice %arg8[%run_scoped3A_64, %dma_wait3A] : memref<2x128xi32, #tpu.memory_space<vmem>> -> memref<1x128xi32, #tpu.memory_space<vmem>>
            %dma_wait3A_76 = tpu.memref_squeeze %dma_wait3A_75 : memref<1x128xi32, #tpu.memory_space<vmem>> -> memref<128xi32, #tpu.memory_space<vmem>>
            %dma_wait3A_77 = arith.constant 0 : i32
            %dma_wait3A_78 = arith.constant 0 : i32
            %dma_wait3A_79 = tpu.memref_slice %arg4[%dma_wait3A_77, %dma_wait3A_78] : memref<10000x128xf32, #tpu.memory_space<hbm>> -> memref<10000x128xf32, #tpu.memory_space<hbm>>
            tpu.wait_indirect_dma semaphore(%run_scoped3A_69 : memref<!tpu.dma_semaphore, #tpu.memory_space<semaphore_mem>>) src(%dma_wait3A_79 : memref<10000x128xf32, #tpu.memory_space<hbm>>) dst(%arg10 : memref<128x128xf32, #tpu.memory_space<vmem>>)
            tpu.yield
          }) : () -> ()
          %run_scoped3A_65 = arith.constant 0 : i32
          "tpu.region"() ({
            %run_scoped3A_69 = tpu.sem_alloc : memref<!tpu.dma_semaphore, #tpu.memory_space<semaphore_mem>>
            %dma_start3A = arith.constant 0 : i32
            %dma_start3A_70 = tpu.memref_slice %arg5[%run_scoped3A_65, %mul3A_62, %dma_start3A] : memref<2x160000x128xf32, #tpu.memory_space<hbm>> -> memref<1x128x128xf32, #tpu.memory_space<hbm>>
            %dma_start3A_71 = tpu.memref_squeeze %dma_start3A_70 : memref<1x128x128xf32, #tpu.memory_space<hbm>> -> memref<128x128xf32, #tpu.memory_space<hbm>>
            %dma_start3A_72 = arith.constant 0 : i32
            %dma_start3A_73 = tpu.memref_slice %arg5[%run_scoped3A_65, %mul3A_62, %dma_start3A_72] : memref<2x160000x128xf32, #tpu.memory_space<hbm>> -> memref<1x128x128xf32, #tpu.memory_space<hbm>>
            %dma_start3A_74 = tpu.memref_squeeze %dma_start3A_73 : memref<1x128x128xf32, #tpu.memory_space<hbm>> -> memref<128x128xf32, #tpu.memory_space<hbm>>
            tpu.enqueue_dma source(%dma_start3A_74 : memref<128x128xf32, #tpu.memory_space<hbm>>) target(%arg11 : memref<128x128xf32, #tpu.memory_space<vmem>>) target_semaphore(%run_scoped3A_69 : memref<!tpu.dma_semaphore, #tpu.memory_space<semaphore_mem>>)
            %dma_wait3A = arith.constant 0 : i32
            %dma_wait3A_75 = tpu.memref_slice %arg5[%run_scoped3A_65, %mul3A_62, %dma_wait3A] : memref<2x160000x128xf32, #tpu.memory_space<hbm>> -> memref<1x128x128xf32, #tpu.memory_space<hbm>>
            %dma_wait3A_76 = tpu.memref_squeeze %dma_wait3A_75 : memref<1x128x128xf32, #tpu.memory_space<hbm>> -> memref<128x128xf32, #tpu.memory_space<hbm>>
            %dma_wait3A_77 = arith.constant 0 : i32
            %dma_wait3A_78 = tpu.memref_slice %arg5[%run_scoped3A_65, %mul3A_62, %dma_wait3A_77] : memref<2x160000x128xf32, #tpu.memory_space<hbm>> -> memref<1x128x128xf32, #tpu.memory_space<hbm>>
            %dma_wait3A_79 = tpu.memref_squeeze %dma_wait3A_78 : memref<1x128x128xf32, #tpu.memory_space<hbm>> -> memref<128x128xf32, #tpu.memory_space<hbm>>
            tpu.wait_dma2 semaphore(%run_scoped3A_69 : memref<!tpu.dma_semaphore, #tpu.memory_space<semaphore_mem>>) src(%dma_wait3A_79 : memref<128x128xf32, #tpu.memory_space<hbm>>) dst(%arg11 : memref<128x128xf32, #tpu.memory_space<vmem>>)
            tpu.yield
          }) : () -> ()
          %parallel_loop3A = arith.constant 0 : i32
          %parallel_loop3A_66 = arith.constant 128 : i32
          %parallel_loop3A_67 = arith.constant 1 : i32
          scf.for %parallel_loop3A_69 = %parallel_loop3A to %parallel_loop3A_66 step %parallel_loop3A_67  : i32 {
            %parallel_loop3A_70 = arith.index_cast %parallel_loop3A_69 : i32 to index
            %parallel_loop3A_71 = arith.constant 0 : index
            %parallel_loop3A_72 = tpu.vector_load %arg9[%parallel_loop3A_70, %parallel_loop3A_71] {strides = array<i32>} : memref<128x128xf32, #tpu.memory_space<vmem>>, vector<1x16xf32>,
            %parallel_loop3A_73 = vector.shape_cast %parallel_loop3A_72 : vector<1x16xf32> to vector<16xf32>
            %parallel_loop3A_74 = arith.index_cast %parallel_loop3A_69 : i32 to index
            %parallel_loop3A_75 = arith.constant 0 : index
            %parallel_loop3A_76 = tpu.vector_load %arg10[%parallel_loop3A_74, %parallel_loop3A_75] {strides = array<i32>} : memref<128x128xf32, #tpu.memory_space<vmem>>, vector<1x16xf32>,
            %parallel_loop3A_77 = vector.shape_cast %parallel_loop3A_76 : vector<1x16xf32> to vector<16xf32>
            %parallel_loop3A_78 = arith.addf %parallel_loop3A_73, %parallel_loop3A_77 : vector<16xf32>
            %parallel_loop3A_79 = arith.index_cast %parallel_loop3A_69 : i32 to index
            %parallel_loop3A_80 = arith.constant 0 : index
            %parallel_loop3A_81 = tpu.vector_load %arg11[%parallel_loop3A_79, %parallel_loop3A_80] {strides = array<i32>} : memref<128x128xf32, #tpu.memory_space<vmem>>, vector<1x16xf32>,
            %parallel_loop3A_82 = vector.shape_cast %parallel_loop3A_81 : vector<1x16xf32> to vector<16xf32>
            %parallel_loop3A_83 = arith.addf %parallel_loop3A_78, %parallel_loop3A_82 : vector<16xf32>
            %parallel_loop3A_84 = arith.constant 0.000000e+00 : f32
            %parallel_loop3A_85 = vector.broadcast %parallel_loop3A_84 : f32 to vector<16xf32>
            %parallel_loop3A_86 = arith.maximumf %parallel_loop3A_83, %parallel_loop3A_85 : vector<16xf32>
            %parallel_loop3A_87 = arith.index_cast %parallel_loop3A_69 : i32 to index
            %parallel_loop3A_88 = arith.constant 0 : index
            %parallel_loop3A_89 = tpu.vector_load %arg9[%parallel_loop3A_87, %parallel_loop3A_88] {strides = array<i32>} : memref<128x128xf32, #tpu.memory_space<vmem>>, vector<1x16xf32>,
            %parallel_loop3A_90 = vector.shape_cast %parallel_loop3A_89 : vector<1x16xf32> to vector<16xf32>
            %parallel_loop3A_91 = vector.shape_cast %parallel_loop3A_86 : vector<16xf32> to vector<1x16xf32>
            tpu.vector_store %arg9[%parallel_loop3A_87, %parallel_loop3A_88], %parallel_loop3A_91 {strides = array<i32>} : memref<128x128xf32, #tpu.memory_space<vmem>>, vector<1x16xf32>,
            %parallel_loop3A_92 = arith.index_cast %parallel_loop3A_69 : i32 to index
            %parallel_loop3A_93 = arith.constant 16 : index
            %parallel_loop3A_94 = tpu.vector_load %arg9[%parallel_loop3A_92, %parallel_loop3A_93] {strides = array<i32>} : memref<128x128xf32, #tpu.memory_space<vmem>>, vector<1x16xf32>,
            %parallel_loop3A_95 = vector.shape_cast %parallel_loop3A_94 : vector<1x16xf32> to vector<16xf32>
            %parallel_loop3A_96 = arith.index_cast %parallel_loop3A_69 : i32 to index
            %parallel_loop3A_97 = arith.constant 16 : index
            %parallel_loop3A_98 = tpu.vector_load %arg10[%parallel_loop3A_96, %parallel_loop3A_97] {strides = array<i32>} : memref<128x128xf32, #tpu.memory_space<vmem>>, vector<1x16xf32>,
            %parallel_loop3A_99 = vector.shape_cast %parallel_loop3A_98 : vector<1x16xf32> to vector<16xf32>
            %parallel_loop3A_100 = arith.addf %parallel_loop3A_95, %parallel_loop3A_99 : vector<16xf32>
            %parallel_loop3A_101 = arith.index_cast %parallel_loop3A_69 : i32 to index
            %parallel_loop3A_102 = arith.constant 16 : index
            %parallel_loop3A_103 = tpu.vector_load %arg11[%parallel_loop3A_101, %parallel_loop3A_102] {strides = array<i32>} : memref<128x128xf32, #tpu.memory_space<vmem>>, vector<1x16xf32>,
            %parallel_loop3A_104 = vector.shape_cast %parallel_loop3A_103 : vector<1x16xf32> to vector<16xf32>
            %parallel_loop3A_105 = arith.addf %parallel_loop3A_100, %parallel_loop3A_104 : vector<16xf32>
            %parallel_loop3A_106 = arith.constant 0.000000e+00 : f32
            %parallel_loop3A_107 = vector.broadcast %parallel_loop3A_106 : f32 to vector<16xf32>
            %parallel_loop3A_108 = arith.maximumf %parallel_loop3A_105, %parallel_loop3A_107 : vector<16xf32>
            %parallel_loop3A_109 = arith.index_cast %parallel_loop3A_69 : i32 to index
            %parallel_loop3A_110 = arith.constant 16 : index
            %parallel_loop3A_111 = tpu.vector_load %arg9[%parallel_loop3A_109, %parallel_loop3A_110] {strides = array<i32>} : memref<128x128xf32, #tpu.memory_space<vmem>>, vector<1x16xf32>,
            %parallel_loop3A_112 = vector.shape_cast %parallel_loop3A_111 : vector<1x16xf32> to vector<16xf32>
            %parallel_loop3A_113 = vector.shape_cast %parallel_loop3A_108 : vector<16xf32> to vector<1x16xf32>
            tpu.vector_store %arg9[%parallel_loop3A_109, %parallel_loop3A_110], %parallel_loop3A_113 {strides = array<i32>} : memref<128x128xf32, #tpu.memory_space<vmem>>, vector<1x16xf32>,
            %parallel_loop3A_114 = arith.index_cast %parallel_loop3A_69 : i32 to index
            %parallel_loop3A_115 = arith.constant 32 : index
            %parallel_loop3A_116 = tpu.vector_load %arg9[%parallel_loop3A_114, %parallel_loop3A_115] {strides = array<i32>} : memref<128x128xf32, #tpu.memory_space<vmem>>, vector<1x16xf32>,
            %parallel_loop3A_117 = vector.shape_cast %parallel_loop3A_116 : vector<1x16xf32> to vector<16xf32>
            %parallel_loop3A_118 = arith.index_cast %parallel_loop3A_69 : i32 to index
            %parallel_loop3A_119 = arith.constant 32 : index
            %parallel_loop3A_120 = tpu.vector_load %arg10[%parallel_loop3A_118, %parallel_loop3A_119] {strides = array<i32>} : memref<128x128xf32, #tpu.memory_space<vmem>>, vector<1x16xf32>,
            %parallel_loop3A_121 = vector.shape_cast %parallel_loop3A_120 : vector<1x16xf32> to vector<16xf32>
            %parallel_loop3A_122 = arith.addf %parallel_loop3A_117, %parallel_loop3A_121 : vector<16xf32>
            %parallel_loop3A_123 = arith.index_cast %parallel_loop3A_69 : i32 to index
            %parallel_loop3A_124 = arith.constant 32 : index
            %parallel_loop3A_125 = tpu.vector_load %arg11[%parallel_loop3A_123, %parallel_loop3A_124] {strides = array<i32>} : memref<128x128xf32, #tpu.memory_space<vmem>>, vector<1x16xf32>,
            %parallel_loop3A_126 = vector.shape_cast %parallel_loop3A_125 : vector<1x16xf32> to vector<16xf32>
            %parallel_loop3A_127 = arith.addf %parallel_loop3A_122, %parallel_loop3A_126 : vector<16xf32>
            %parallel_loop3A_128 = arith.constant 0.000000e+00 : f32
            %parallel_loop3A_129 = vector.broadcast %parallel_loop3A_128 : f32 to vector<16xf32>
            %parallel_loop3A_130 = arith.maximumf %parallel_loop3A_127, %parallel_loop3A_129 : vector<16xf32>
            %parallel_loop3A_131 = arith.index_cast %parallel_loop3A_69 : i32 to index
            %parallel_loop3A_132 = arith.constant 32 : index
            %parallel_loop3A_133 = tpu.vector_load %arg9[%parallel_loop3A_131, %parallel_loop3A_132] {strides = array<i32>} : memref<128x128xf32, #tpu.memory_space<vmem>>, vector<1x16xf32>,
            %parallel_loop3A_134 = vector.shape_cast %parallel_loop3A_133 : vector<1x16xf32> to vector<16xf32>
            %parallel_loop3A_135 = vector.shape_cast %parallel_loop3A_130 : vector<16xf32> to vector<1x16xf32>
            tpu.vector_store %arg9[%parallel_loop3A_131, %parallel_loop3A_132], %parallel_loop3A_135 {strides = array<i32>} : memref<128x128xf32, #tpu.memory_space<vmem>>, vector<1x16xf32>,
            %parallel_loop3A_136 = arith.index_cast %parallel_loop3A_69 : i32 to index
            %parallel_loop3A_137 = arith.constant 48 : index
            %parallel_loop3A_138 = tpu.vector_load %arg9[%parallel_loop3A_136, %parallel_loop3A_137] {strides = array<i32>} : memref<128x128xf32, #tpu.memory_space<vmem>>, vector<1x16xf32>,
            %parallel_loop3A_139 = vector.shape_cast %parallel_loop3A_138 : vector<1x16xf32> to vector<16xf32>
            %parallel_loop3A_140 = arith.index_cast %parallel_loop3A_69 : i32 to index
            %parallel_loop3A_141 = arith.constant 48 : index
            %parallel_loop3A_142 = tpu.vector_load %arg10[%parallel_loop3A_140, %parallel_loop3A_141] {strides = array<i32>} : memref<128x128xf32, #tpu.memory_space<vmem>>, vector<1x16xf32>,
            %parallel_loop3A_143 = vector.shape_cast %parallel_loop3A_142 : vector<1x16xf32> to vector<16xf32>
            %parallel_loop3A_144 = arith.addf %parallel_loop3A_139, %parallel_loop3A_143 : vector<16xf32>
            %parallel_loop3A_145 = arith.index_cast %parallel_loop3A_69 : i32 to index
            %parallel_loop3A_146 = arith.constant 48 : index
            %parallel_loop3A_147 = tpu.vector_load %arg11[%parallel_loop3A_145, %parallel_loop3A_146] {strides = array<i32>} : memref<128x128xf32, #tpu.memory_space<vmem>>, vector<1x16xf32>,
            %parallel_loop3A_148 = vector.shape_cast %parallel_loop3A_147 : vector<1x16xf32> to vector<16xf32>
            %parallel_loop3A_149 = arith.addf %parallel_loop3A_144, %parallel_loop3A_148 : vector<16xf32>
            %parallel_loop3A_150 = arith.constant 0.000000e+00 : f32
            %parallel_loop3A_151 = vector.broadcast %parallel_loop3A_150 : f32 to vector<16xf32>
            %parallel_loop3A_152 = arith.maximumf %parallel_loop3A_149, %parallel_loop3A_151 : vector<16xf32>
            %parallel_loop3A_153 = arith.index_cast %parallel_loop3A_69 : i32 to index
            %parallel_loop3A_154 = arith.constant 48 : index
            %parallel_loop3A_155 = tpu.vector_load %arg9[%parallel_loop3A_153, %parallel_loop3A_154] {strides = array<i32>} : memref<128x128xf32, #tpu.memory_space<vmem>>, vector<1x16xf32>,
            %parallel_loop3A_156 = vector.shape_cast %parallel_loop3A_155 : vector<1x16xf32> to vector<16xf32>
            %parallel_loop3A_157 = vector.shape_cast %parallel_loop3A_152 : vector<16xf32> to vector<1x16xf32>
            tpu.vector_store %arg9[%parallel_loop3A_153, %parallel_loop3A_154], %parallel_loop3A_157 {strides = array<i32>} : memref<128x128xf32, #tpu.memory_space<vmem>>, vector<1x16xf32>,
            %parallel_loop3A_158 = arith.index_cast %parallel_loop3A_69 : i32 to index
            %parallel_loop3A_159 = arith.constant 64 : index
            %parallel_loop3A_160 = tpu.vector_load %arg9[%parallel_loop3A_158, %parallel_loop3A_159] {strides = array<i32>} : memref<128x128xf32, #tpu.memory_space<vmem>>, vector<1x16xf32>,
            %parallel_loop3A_161 = vector.shape_cast %parallel_loop3A_160 : vector<1x16xf32> to vector<16xf32>
            %parallel_loop3A_162 = arith.index_cast %parallel_loop3A_69 : i32 to index
            %parallel_loop3A_163 = arith.constant 64 : index
            %parallel_loop3A_164 = tpu.vector_load %arg10[%parallel_loop3A_162, %parallel_loop3A_163] {strides = array<i32>} : memref<128x128xf32, #tpu.memory_space<vmem>>, vector<1x16xf32>,
            %parallel_loop3A_165 = vector.shape_cast %parallel_loop3A_164 : vector<1x16xf32> to vector<16xf32>
            %parallel_loop3A_166 = arith.addf %parallel_loop3A_161, %parallel_loop3A_165 : vector<16xf32>
            %parallel_loop3A_167 = arith.index_cast %parallel_loop3A_69 : i32 to index
            %parallel_loop3A_168 = arith.constant 64 : index
            %parallel_loop3A_169 = tpu.vector_load %arg11[%parallel_loop3A_167, %parallel_loop3A_168] {strides = array<i32>} : memref<128x128xf32, #tpu.memory_space<vmem>>, vector<1x16xf32>,
            %parallel_loop3A_170 = vector.shape_cast %parallel_loop3A_169 : vector<1x16xf32> to vector<16xf32>
            %parallel_loop3A_171 = arith.addf %parallel_loop3A_166, %parallel_loop3A_170 : vector<16xf32>
            %parallel_loop3A_172 = arith.constant 0.000000e+00 : f32
            %parallel_loop3A_173 = vector.broadcast %parallel_loop3A_172 : f32 to vector<16xf32>
            %parallel_loop3A_174 = arith.maximumf %parallel_loop3A_171, %parallel_loop3A_173 : vector<16xf32>
            %parallel_loop3A_175 = arith.index_cast %parallel_loop3A_69 : i32 to index
            %parallel_loop3A_176 = arith.constant 64 : index
            %parallel_loop3A_177 = tpu.vector_load %arg9[%parallel_loop3A_175, %parallel_loop3A_176] {strides = array<i32>} : memref<128x128xf32, #tpu.memory_space<vmem>>, vector<1x16xf32>,
            %parallel_loop3A_178 = vector.shape_cast %parallel_loop3A_177 : vector<1x16xf32> to vector<16xf32>
            %parallel_loop3A_179 = vector.shape_cast %parallel_loop3A_174 : vector<16xf32> to vector<1x16xf32>
            tpu.vector_store %arg9[%parallel_loop3A_175, %parallel_loop3A_176], %parallel_loop3A_179 {strides = array<i32>} : memref<128x128xf32, #tpu.memory_space<vmem>>, vector<1x16xf32>,
            %parallel_loop3A_180 = arith.index_cast %parallel_loop3A_69 : i32 to index
            %parallel_loop3A_181 = arith.constant 80 : index
            %parallel_loop3A_182 = tpu.vector_load %arg9[%parallel_loop3A_180, %parallel_loop3A_181] {strides = array<i32>} : memref<128x128xf32, #tpu.memory_space<vmem>>, vector<1x16xf32>,
            %parallel_loop3A_183 = vector.shape_cast %parallel_loop3A_182 : vector<1x16xf32> to vector<16xf32>
            %parallel_loop3A_184 = arith.index_cast %parallel_loop3A_69 : i32 to index
            %parallel_loop3A_185 = arith.constant 80 : index
            %parallel_loop3A_186 = tpu.vector_load %arg10[%parallel_loop3A_184, %parallel_loop3A_185] {strides = array<i32>} : memref<128x128xf32, #tpu.memory_space<vmem>>, vector<1x16xf32>,
            %parallel_loop3A_187 = vector.shape_cast %parallel_loop3A_186 : vector<1x16xf32> to vector<16xf32>
            %parallel_loop3A_188 = arith.addf %parallel_loop3A_183, %parallel_loop3A_187 : vector<16xf32>
            %parallel_loop3A_189 = arith.index_cast %parallel_loop3A_69 : i32 to index
            %parallel_loop3A_190 = arith.constant 80 : index
            %parallel_loop3A_191 = tpu.vector_load %arg11[%parallel_loop3A_189, %parallel_loop3A_190] {strides = array<i32>} : memref<128x128xf32, #tpu.memory_space<vmem>>, vector<1x16xf32>,
            %parallel_loop3A_192 = vector.shape_cast %parallel_loop3A_191 : vector<1x16xf32> to vector<16xf32>
            %parallel_loop3A_193 = arith.addf %parallel_loop3A_188, %parallel_loop3A_192 : vector<16xf32>
            %parallel_loop3A_194 = arith.constant 0.000000e+00 : f32
            %parallel_loop3A_195 = vector.broadcast %parallel_loop3A_194 : f32 to vector<16xf32>
            %parallel_loop3A_196 = arith.maximumf %parallel_loop3A_193, %parallel_loop3A_195 : vector<16xf32>
            %parallel_loop3A_197 = arith.index_cast %parallel_loop3A_69 : i32 to index
            %parallel_loop3A_198 = arith.constant 80 : index
            %parallel_loop3A_199 = tpu.vector_load %arg9[%parallel_loop3A_197, %parallel_loop3A_198] {strides = array<i32>} : memref<128x128xf32, #tpu.memory_space<vmem>>, vector<1x16xf32>,
            %parallel_loop3A_200 = vector.shape_cast %parallel_loop3A_199 : vector<1x16xf32> to vector<16xf32>
            %parallel_loop3A_201 = vector.shape_cast %parallel_loop3A_196 : vector<16xf32> to vector<1x16xf32>
            tpu.vector_store %arg9[%parallel_loop3A_197, %parallel_loop3A_198], %parallel_loop3A_201 {strides = array<i32>} : memref<128x128xf32, #tpu.memory_space<vmem>>, vector<1x16xf32>,
            %parallel_loop3A_202 = arith.index_cast %parallel_loop3A_69 : i32 to index
            %parallel_loop3A_203 = arith.constant 96 : index
            %parallel_loop3A_204 = tpu.vector_load %arg9[%parallel_loop3A_202, %parallel_loop3A_203] {strides = array<i32>} : memref<128x128xf32, #tpu.memory_space<vmem>>, vector<1x16xf32>,
            %parallel_loop3A_205 = vector.shape_cast %parallel_loop3A_204 : vector<1x16xf32> to vector<16xf32>
            %parallel_loop3A_206 = arith.index_cast %parallel_loop3A_69 : i32 to index
            %parallel_loop3A_207 = arith.constant 96 : index
            %parallel_loop3A_208 = tpu.vector_load %arg10[%parallel_loop3A_206, %parallel_loop3A_207] {strides = array<i32>} : memref<128x128xf32, #tpu.memory_space<vmem>>, vector<1x16xf32>,
            %parallel_loop3A_209 = vector.shape_cast %parallel_loop3A_208 : vector<1x16xf32> to vector<16xf32>
            %parallel_loop3A_210 = arith.addf %parallel_loop3A_205, %parallel_loop3A_209 : vector<16xf32>
            %parallel_loop3A_211 = arith.index_cast %parallel_loop3A_69 : i32 to index
            %parallel_loop3A_212 = arith.constant 96 : index
            %parallel_loop3A_213 = tpu.vector_load %arg11[%parallel_loop3A_211, %parallel_loop3A_212] {strides = array<i32>} : memref<128x128xf32, #tpu.memory_space<vmem>>, vector<1x16xf32>,
            %parallel_loop3A_214 = vector.shape_cast %parallel_loop3A_213 : vector<1x16xf32> to vector<16xf32>
            %parallel_loop3A_215 = arith.addf %parallel_loop3A_210, %parallel_loop3A_214 : vector<16xf32>
            %parallel_loop3A_216 = arith.constant 0.000000e+00 : f32
            %parallel_loop3A_217 = vector.broadcast %parallel_loop3A_216 : f32 to vector<16xf32>
            %parallel_loop3A_218 = arith.maximumf %parallel_loop3A_215, %parallel_loop3A_217 : vector<16xf32>
            %parallel_loop3A_219 = arith.index_cast %parallel_loop3A_69 : i32 to index
            %parallel_loop3A_220 = arith.constant 96 : index
            %parallel_loop3A_221 = tpu.vector_load %arg9[%parallel_loop3A_219, %parallel_loop3A_220] {strides = array<i32>} : memref<128x128xf32, #tpu.memory_space<vmem>>, vector<1x16xf32>,
            %parallel_loop3A_222 = vector.shape_cast %parallel_loop3A_221 : vector<1x16xf32> to vector<16xf32>
            %parallel_loop3A_223 = vector.shape_cast %parallel_loop3A_218 : vector<16xf32> to vector<1x16xf32>
            tpu.vector_store %arg9[%parallel_loop3A_219, %parallel_loop3A_220], %parallel_loop3A_223 {strides = array<i32>} : memref<128x128xf32, #tpu.memory_space<vmem>>, vector<1x16xf32>,
            %parallel_loop3A_224 = arith.index_cast %parallel_loop3A_69 : i32 to index
            %parallel_loop3A_225 = arith.constant 112 : index
            %parallel_loop3A_226 = tpu.vector_load %arg9[%parallel_loop3A_224, %parallel_loop3A_225] {strides = array<i32>} : memref<128x128xf32, #tpu.memory_space<vmem>>, vector<1x16xf32>,
            %parallel_loop3A_227 = vector.shape_cast %parallel_loop3A_226 : vector<1x16xf32> to vector<16xf32>
            %parallel_loop3A_228 = arith.index_cast %parallel_loop3A_69 : i32 to index
            %parallel_loop3A_229 = arith.constant 112 : index
            %parallel_loop3A_230 = tpu.vector_load %arg10[%parallel_loop3A_228, %parallel_loop3A_229] {strides = array<i32>} : memref<128x128xf32, #tpu.memory_space<vmem>>, vector<1x16xf32>,
            %parallel_loop3A_231 = vector.shape_cast %parallel_loop3A_230 : vector<1x16xf32> to vector<16xf32>
            %parallel_loop3A_232 = arith.addf %parallel_loop3A_227, %parallel_loop3A_231 : vector<16xf32>
            %parallel_loop3A_233 = arith.index_cast %parallel_loop3A_69 : i32 to index
            %parallel_loop3A_234 = arith.constant 112 : index
            %parallel_loop3A_235 = tpu.vector_load %arg11[%parallel_loop3A_233, %parallel_loop3A_234] {strides = array<i32>} : memref<128x128xf32, #tpu.memory_space<vmem>>, vector<1x16xf32>,
            %parallel_loop3A_236 = vector.shape_cast %parallel_loop3A_235 : vector<1x16xf32> to vector<16xf32>
            %parallel_loop3A_237 = arith.addf %parallel_loop3A_232, %parallel_loop3A_236 : vector<16xf32>
            %parallel_loop3A_238 = arith.constant 0.000000e+00 : f32
            %parallel_loop3A_239 = vector.broadcast %parallel_loop3A_238 : f32 to vector<16xf32>
            %parallel_loop3A_240 = arith.maximumf %parallel_loop3A_237, %parallel_loop3A_239 : vector<16xf32>
            %parallel_loop3A_241 = arith.index_cast %parallel_loop3A_69 : i32 to index
            %parallel_loop3A_242 = arith.constant 112 : index
            %parallel_loop3A_243 = tpu.vector_load %arg9[%parallel_loop3A_241, %parallel_loop3A_242] {strides = array<i32>} : memref<128x128xf32, #tpu.memory_space<vmem>>, vector<1x16xf32>,
            %parallel_loop3A_244 = vector.shape_cast %parallel_loop3A_243 : vector<1x16xf32> to vector<16xf32>
            %parallel_loop3A_245 = vector.shape_cast %parallel_loop3A_240 : vector<16xf32> to vector<1x16xf32>
            tpu.vector_store %arg9[%parallel_loop3A_241, %parallel_loop3A_242], %parallel_loop3A_245 {strides = array<i32>} : memref<128x128xf32, #tpu.memory_space<vmem>>, vector<1x16xf32>,
          } {sc.loop_unroll_factor = 4 : i64, sc.parallel_access}
          %run_scoped3A_68 = arith.constant 1 : i32
          "tpu.region"() ({
            %run_scoped3A_69 = tpu.sem_alloc : memref<!tpu.dma_semaphore, #tpu.memory_space<semaphore_mem>>
            %dma_start3A = arith.constant 0 : i32
            %dma_start3A_70 = tpu.memref_slice %arg8[%run_scoped3A_68, %dma_start3A] : memref<2x128xi32, #tpu.memory_space<vmem>> -> memref<1x128xi32, #tpu.memory_space<vmem>>
            %dma_start3A_71 = tpu.memref_squeeze %dma_start3A_70 : memref<1x128xi32, #tpu.memory_space<vmem>> -> memref<128xi32, #tpu.memory_space<vmem>>
            %dma_start3A_72 = arith.constant 0 : i32
            %dma_start3A_73 = arith.constant 0 : i32
            %dma_start3A_74 = tpu.memref_slice %arg12[%dma_start3A_72, %dma_start3A_73] : memref<10112x128xf32, #tpu.memory_space<vmem_shared>> -> memref<10112x128xf32, #tpu.memory_space<vmem_shared>>
            tpu.enqueue_indirect_dma source(%arg9 : memref<128x128xf32, #tpu.memory_space<vmem>>) target(%dma_start3A_74 : memref<10112x128xf32, #tpu.memory_space<vmem_shared>>) offsets(%dma_start3A_71 : memref<128xi32, #tpu.memory_space<vmem>>) semaphore(%run_scoped3A_69 : memref<!tpu.dma_semaphore, #tpu.memory_space<semaphore_mem>>) {add = true}
            %dma_wait3A = arith.constant 0 : i32
            %dma_wait3A_75 = tpu.memref_slice %arg8[%run_scoped3A_68, %dma_wait3A] : memref<2x128xi32, #tpu.memory_space<vmem>> -> memref<1x128xi32, #tpu.memory_space<vmem>>
            %dma_wait3A_76 = tpu.memref_squeeze %dma_wait3A_75 : memref<1x128xi32, #tpu.memory_space<vmem>> -> memref<128xi32, #tpu.memory_space<vmem>>
            %dma_wait3A_77 = arith.constant 0 : i32
            %dma_wait3A_78 = arith.constant 0 : i32
            %dma_wait3A_79 = tpu.memref_slice %arg12[%dma_wait3A_77, %dma_wait3A_78] : memref<10112x128xf32, #tpu.memory_space<vmem_shared>> -> memref<10112x128xf32, #tpu.memory_space<vmem_shared>>
            tpu.wait_indirect_dma semaphore(%run_scoped3A_69 : memref<!tpu.dma_semaphore, #tpu.memory_space<semaphore_mem>>) src(%arg9 : memref<128x128xf32, #tpu.memory_space<vmem>>) dst(%dma_wait3A_79 : memref<10112x128xf32, #tpu.memory_space<vmem_shared>>)
            tpu.yield
          }) : () -> ()
        } else {
        }
        %scan3A_60 = arith.constant 0 : i32
        scf.yield %scan3A_60 : i32
      }
      %scan3A_50 = arith.constant 79 : i32
    } else {
    }
    %eq3A_26 = arith.constant 1 : i32
    %eq3A_27 = arith.cmpi eq, %arg0, %eq3A_26 : i32
    %convert_element_type3A_28 = arith.extui %eq3A_27 : i1 to i32
    %cond3A_29 = arith.constant 0 : i32
    %cond3A_30 = arith.cmpi ne, %convert_element_type3A_28, %cond3A_29 : i32
    scf.if %cond3A_30 {
      %scan3A_44 = arith.constant 0 : i32
      %scan3A_45 = arith.constant 0 : i32
      %scan3A_46 = arith.constant 79 : i32
      %scan3A_47 = arith.addi %scan3A_45, %scan3A_46 : i32
      %scan3A_48 = arith.constant 1 : i32
      %scan3A_49 = scf.for %scan3A_51 = %scan3A_45 to %scan3A_47 step %scan3A_48 iter_args(%scan3A_52 = %scan3A_44) -> (i32)  : i32 {
        %mul3A_53 = arith.constant 16 : i32
        %mul3A_54 = arith.muli %mul3A_53, %scan3A_51 : i32
        %add3A_55 = arith.addi %arg1, %mul3A_54 : i32
        %lt3A = arith.constant 1250 : i32
        %lt3A_56 = arith.cmpi slt, %add3A_55, %lt3A : i32
        %convert_element_type3A_57 = arith.extui %lt3A_56 : i1 to i32
        %cond3A_58 = arith.constant 0 : i32
        %cond3A_59 = arith.cmpi ne, %convert_element_type3A_57, %cond3A_58 : i32
        scf.if %cond3A_59 {
          %mul3A_61 = arith.constant 128 : i32
          %mul3A_62 = arith.muli %add3A_55, %mul3A_61 : i32
          %run_scoped3A = arith.constant 1 : i32
          "tpu.region"() ({
            %run_scoped3A_69 = tpu.sem_alloc : memref<!tpu.dma_semaphore, #tpu.memory_space<semaphore_mem>>
            %dma_start3A = arith.constant 0 : i32
            %dma_start3A_70 = tpu.memref_slice %arg2[%run_scoped3A, %dma_start3A, %mul3A_62] : memref<2x2x160000xi32, #tpu.memory_space<hbm>> -> memref<1x2x128xi32, #tpu.memory_space<hbm>>
            %dma_start3A_71 = tpu.memref_squeeze %dma_start3A_70 : memref<1x2x128xi32, #tpu.memory_space<hbm>> -> memref<2x128xi32, #tpu.memory_space<hbm>>
            %dma_start3A_72 = arith.constant 0 : i32
            %dma_start3A_73 = tpu.memref_slice %arg2[%run_scoped3A, %dma_start3A_72, %mul3A_62] : memref<2x2x160000xi32, #tpu.memory_space<hbm>> -> memref<1x2x128xi32, #tpu.memory_space<hbm>>
            %dma_start3A_74 = tpu.memref_squeeze %dma_start3A_73 : memref<1x2x128xi32, #tpu.memory_space<hbm>> -> memref<2x128xi32, #tpu.memory_space<hbm>>
            tpu.enqueue_dma source(%dma_start3A_74 : memref<2x128xi32, #tpu.memory_space<hbm>>) target(%arg8 : memref<2x128xi32, #tpu.memory_space<vmem>>) target_semaphore(%run_scoped3A_69 : memref<!tpu.dma_semaphore, #tpu.memory_space<semaphore_mem>>)
            %dma_wait3A = arith.constant 0 : i32
            %dma_wait3A_75 = tpu.memref_slice %arg2[%run_scoped3A, %dma_wait3A, %mul3A_62] : memref<2x2x160000xi32, #tpu.memory_space<hbm>> -> memref<1x2x128xi32, #tpu.memory_space<hbm>>
            %dma_wait3A_76 = tpu.memref_squeeze %dma_wait3A_75 : memref<1x2x128xi32, #tpu.memory_space<hbm>> -> memref<2x128xi32, #tpu.memory_space<hbm>>
            %dma_wait3A_77 = arith.constant 0 : i32
            %dma_wait3A_78 = tpu.memref_slice %arg2[%run_scoped3A, %dma_wait3A_77, %mul3A_62] : memref<2x2x160000xi32, #tpu.memory_space<hbm>> -> memref<1x2x128xi32, #tpu.memory_space<hbm>>
            %dma_wait3A_79 = tpu.memref_squeeze %dma_wait3A_78 : memref<1x2x128xi32, #tpu.memory_space<hbm>> -> memref<2x128xi32, #tpu.memory_space<hbm>>
            tpu.wait_dma2 semaphore(%run_scoped3A_69 : memref<!tpu.dma_semaphore, #tpu.memory_space<semaphore_mem>>) src(%dma_wait3A_79 : memref<2x128xi32, #tpu.memory_space<hbm>>) dst(%arg8 : memref<2x128xi32, #tpu.memory_space<vmem>>)
            tpu.yield
          }) : () -> ()
          %run_scoped3A_63 = arith.constant 0 : i32
          "tpu.region"() ({
            %run_scoped3A_69 = tpu.sem_alloc : memref<!tpu.dma_semaphore, #tpu.memory_space<semaphore_mem>>
            %dma_start3A = arith.constant 0 : i32
            %dma_start3A_70 = tpu.memref_slice %arg8[%run_scoped3A_63, %dma_start3A] : memref<2x128xi32, #tpu.memory_space<vmem>> -> memref<1x128xi32, #tpu.memory_space<vmem>>
            %dma_start3A_71 = tpu.memref_squeeze %dma_start3A_70 : memref<1x128xi32, #tpu.memory_space<vmem>> -> memref<128xi32, #tpu.memory_space<vmem>>
            %dma_start3A_72 = arith.constant 0 : i32
            %dma_start3A_73 = arith.constant 0 : i32
            %dma_start3A_74 = tpu.memref_slice %arg3[%dma_start3A_72, %dma_start3A_73] : memref<10000x128xf32, #tpu.memory_space<hbm>> -> memref<10000x128xf32, #tpu.memory_space<hbm>>
            tpu.enqueue_indirect_dma source(%dma_start3A_74 : memref<10000x128xf32, #tpu.memory_space<hbm>>) target(%arg9 : memref<128x128xf32, #tpu.memory_space<vmem>>) offsets(%dma_start3A_71 : memref<128xi32, #tpu.memory_space<vmem>>) semaphore(%run_scoped3A_69 : memref<!tpu.dma_semaphore, #tpu.memory_space<semaphore_mem>>)
            %dma_wait3A = arith.constant 0 : i32
            %dma_wait3A_75 = tpu.memref_slice %arg8[%run_scoped3A_63, %dma_wait3A] : memref<2x128xi32, #tpu.memory_space<vmem>> -> memref<1x128xi32, #tpu.memory_space<vmem>>
            %dma_wait3A_76 = tpu.memref_squeeze %dma_wait3A_75 : memref<1x128xi32, #tpu.memory_space<vmem>> -> memref<128xi32, #tpu.memory_space<vmem>>
            %dma_wait3A_77 = arith.constant 0 : i32
            %dma_wait3A_78 = arith.constant 0 : i32
            %dma_wait3A_79 = tpu.memref_slice %arg3[%dma_wait3A_77, %dma_wait3A_78] : memref<10000x128xf32, #tpu.memory_space<hbm>> -> memref<10000x128xf32, #tpu.memory_space<hbm>>
            tpu.wait_indirect_dma semaphore(%run_scoped3A_69 : memref<!tpu.dma_semaphore, #tpu.memory_space<semaphore_mem>>) src(%dma_wait3A_79 : memref<10000x128xf32, #tpu.memory_space<hbm>>) dst(%arg9 : memref<128x128xf32, #tpu.memory_space<vmem>>)
            tpu.yield
          }) : () -> ()
          %run_scoped3A_64 = arith.constant 1 : i32
          "tpu.region"() ({
            %run_scoped3A_69 = tpu.sem_alloc : memref<!tpu.dma_semaphore, #tpu.memory_space<semaphore_mem>>
            %dma_start3A = arith.constant 0 : i32
            %dma_start3A_70 = tpu.memref_slice %arg8[%run_scoped3A_64, %dma_start3A] : memref<2x128xi32, #tpu.memory_space<vmem>> -> memref<1x128xi32, #tpu.memory_space<vmem>>
            %dma_start3A_71 = tpu.memref_squeeze %dma_start3A_70 : memref<1x128xi32, #tpu.memory_space<vmem>> -> memref<128xi32, #tpu.memory_space<vmem>>
            %dma_start3A_72 = arith.constant 0 : i32
            %dma_start3A_73 = arith.constant 0 : i32
            %dma_start3A_74 = tpu.memref_slice %arg4[%dma_start3A_72, %dma_start3A_73] : memref<10000x128xf32, #tpu.memory_space<hbm>> -> memref<10000x128xf32, #tpu.memory_space<hbm>>
            tpu.enqueue_indirect_dma source(%dma_start3A_74 : memref<10000x128xf32, #tpu.memory_space<hbm>>) target(%arg10 : memref<128x128xf32, #tpu.memory_space<vmem>>) offsets(%dma_start3A_71 : memref<128xi32, #tpu.memory_space<vmem>>) semaphore(%run_scoped3A_69 : memref<!tpu.dma_semaphore, #tpu.memory_space<semaphore_mem>>)
            %dma_wait3A = arith.constant 0 : i32
            %dma_wait3A_75 = tpu.memref_slice %arg8[%run_scoped3A_64, %dma_wait3A] : memref<2x128xi32, #tpu.memory_space<vmem>> -> memref<1x128xi32, #tpu.memory_space<vmem>>
            %dma_wait3A_76 = tpu.memref_squeeze %dma_wait3A_75 : memref<1x128xi32, #tpu.memory_space<vmem>> -> memref<128xi32, #tpu.memory_space<vmem>>
            %dma_wait3A_77 = arith.constant 0 : i32
            %dma_wait3A_78 = arith.constant 0 : i32
            %dma_wait3A_79 = tpu.memref_slice %arg4[%dma_wait3A_77, %dma_wait3A_78] : memref<10000x128xf32, #tpu.memory_space<hbm>> -> memref<10000x128xf32, #tpu.memory_space<hbm>>
            tpu.wait_indirect_dma semaphore(%run_scoped3A_69 : memref<!tpu.dma_semaphore, #tpu.memory_space<semaphore_mem>>) src(%dma_wait3A_79 : memref<10000x128xf32, #tpu.memory_space<hbm>>) dst(%arg10 : memref<128x128xf32, #tpu.memory_space<vmem>>)
            tpu.yield
          }) : () -> ()
          %run_scoped3A_65 = arith.constant 1 : i32
          "tpu.region"() ({
            %run_scoped3A_69 = tpu.sem_alloc : memref<!tpu.dma_semaphore, #tpu.memory_space<semaphore_mem>>
            %dma_start3A = arith.constant 0 : i32
            %dma_start3A_70 = tpu.memref_slice %arg5[%run_scoped3A_65, %mul3A_62, %dma_start3A] : memref<2x160000x128xf32, #tpu.memory_space<hbm>> -> memref<1x128x128xf32, #tpu.memory_space<hbm>>
            %dma_start3A_71 = tpu.memref_squeeze %dma_start3A_70 : memref<1x128x128xf32, #tpu.memory_space<hbm>> -> memref<128x128xf32, #tpu.memory_space<hbm>>
            %dma_start3A_72 = arith.constant 0 : i32
            %dma_start3A_73 = tpu.memref_slice %arg5[%run_scoped3A_65, %mul3A_62, %dma_start3A_72] : memref<2x160000x128xf32, #tpu.memory_space<hbm>> -> memref<1x128x128xf32, #tpu.memory_space<hbm>>
            %dma_start3A_74 = tpu.memref_squeeze %dma_start3A_73 : memref<1x128x128xf32, #tpu.memory_space<hbm>> -> memref<128x128xf32, #tpu.memory_space<hbm>>
            tpu.enqueue_dma source(%dma_start3A_74 : memref<128x128xf32, #tpu.memory_space<hbm>>) target(%arg11 : memref<128x128xf32, #tpu.memory_space<vmem>>) target_semaphore(%run_scoped3A_69 : memref<!tpu.dma_semaphore, #tpu.memory_space<semaphore_mem>>)
            %dma_wait3A = arith.constant 0 : i32
            %dma_wait3A_75 = tpu.memref_slice %arg5[%run_scoped3A_65, %mul3A_62, %dma_wait3A] : memref<2x160000x128xf32, #tpu.memory_space<hbm>> -> memref<1x128x128xf32, #tpu.memory_space<hbm>>
            %dma_wait3A_76 = tpu.memref_squeeze %dma_wait3A_75 : memref<1x128x128xf32, #tpu.memory_space<hbm>> -> memref<128x128xf32, #tpu.memory_space<hbm>>
            %dma_wait3A_77 = arith.constant 0 : i32
            %dma_wait3A_78 = tpu.memref_slice %arg5[%run_scoped3A_65, %mul3A_62, %dma_wait3A_77] : memref<2x160000x128xf32, #tpu.memory_space<hbm>> -> memref<1x128x128xf32, #tpu.memory_space<hbm>>
            %dma_wait3A_79 = tpu.memref_squeeze %dma_wait3A_78 : memref<1x128x128xf32, #tpu.memory_space<hbm>> -> memref<128x128xf32, #tpu.memory_space<hbm>>
            tpu.wait_dma2 semaphore(%run_scoped3A_69 : memref<!tpu.dma_semaphore, #tpu.memory_space<semaphore_mem>>) src(%dma_wait3A_79 : memref<128x128xf32, #tpu.memory_space<hbm>>) dst(%arg11 : memref<128x128xf32, #tpu.memory_space<vmem>>)
            tpu.yield
          }) : () -> ()
          %parallel_loop3A = arith.constant 0 : i32
          %parallel_loop3A_66 = arith.constant 128 : i32
          %parallel_loop3A_67 = arith.constant 1 : i32
          scf.for %parallel_loop3A_69 = %parallel_loop3A to %parallel_loop3A_66 step %parallel_loop3A_67  : i32 {
            %parallel_loop3A_70 = arith.index_cast %parallel_loop3A_69 : i32 to index
            %parallel_loop3A_71 = arith.constant 0 : index
            %parallel_loop3A_72 = tpu.vector_load %arg9[%parallel_loop3A_70, %parallel_loop3A_71] {strides = array<i32>} : memref<128x128xf32, #tpu.memory_space<vmem>>, vector<1x16xf32>,
            %parallel_loop3A_73 = vector.shape_cast %parallel_loop3A_72 : vector<1x16xf32> to vector<16xf32>
            %parallel_loop3A_74 = arith.index_cast %parallel_loop3A_69 : i32 to index
            %parallel_loop3A_75 = arith.constant 0 : index
            %parallel_loop3A_76 = tpu.vector_load %arg10[%parallel_loop3A_74, %parallel_loop3A_75] {strides = array<i32>} : memref<128x128xf32, #tpu.memory_space<vmem>>, vector<1x16xf32>,
            %parallel_loop3A_77 = vector.shape_cast %parallel_loop3A_76 : vector<1x16xf32> to vector<16xf32>
            %parallel_loop3A_78 = arith.addf %parallel_loop3A_73, %parallel_loop3A_77 : vector<16xf32>
            %parallel_loop3A_79 = arith.index_cast %parallel_loop3A_69 : i32 to index
            %parallel_loop3A_80 = arith.constant 0 : index
            %parallel_loop3A_81 = tpu.vector_load %arg11[%parallel_loop3A_79, %parallel_loop3A_80] {strides = array<i32>} : memref<128x128xf32, #tpu.memory_space<vmem>>, vector<1x16xf32>,
            %parallel_loop3A_82 = vector.shape_cast %parallel_loop3A_81 : vector<1x16xf32> to vector<16xf32>
            %parallel_loop3A_83 = arith.addf %parallel_loop3A_78, %parallel_loop3A_82 : vector<16xf32>
            %parallel_loop3A_84 = arith.constant 0.000000e+00 : f32
            %parallel_loop3A_85 = vector.broadcast %parallel_loop3A_84 : f32 to vector<16xf32>
            %parallel_loop3A_86 = arith.maximumf %parallel_loop3A_83, %parallel_loop3A_85 : vector<16xf32>
            %parallel_loop3A_87 = arith.index_cast %parallel_loop3A_69 : i32 to index
            %parallel_loop3A_88 = arith.constant 0 : index
            %parallel_loop3A_89 = tpu.vector_load %arg9[%parallel_loop3A_87, %parallel_loop3A_88] {strides = array<i32>} : memref<128x128xf32, #tpu.memory_space<vmem>>, vector<1x16xf32>,
            %parallel_loop3A_90 = vector.shape_cast %parallel_loop3A_89 : vector<1x16xf32> to vector<16xf32>
            %parallel_loop3A_91 = vector.shape_cast %parallel_loop3A_86 : vector<16xf32> to vector<1x16xf32>
            tpu.vector_store %arg9[%parallel_loop3A_87, %parallel_loop3A_88], %parallel_loop3A_91 {strides = array<i32>} : memref<128x128xf32, #tpu.memory_space<vmem>>, vector<1x16xf32>,
            %parallel_loop3A_92 = arith.index_cast %parallel_loop3A_69 : i32 to index
            %parallel_loop3A_93 = arith.constant 16 : index
            %parallel_loop3A_94 = tpu.vector_load %arg9[%parallel_loop3A_92, %parallel_loop3A_93] {strides = array<i32>} : memref<128x128xf32, #tpu.memory_space<vmem>>, vector<1x16xf32>,
            %parallel_loop3A_95 = vector.shape_cast %parallel_loop3A_94 : vector<1x16xf32> to vector<16xf32>
            %parallel_loop3A_96 = arith.index_cast %parallel_loop3A_69 : i32 to index
            %parallel_loop3A_97 = arith.constant 16 : index
            %parallel_loop3A_98 = tpu.vector_load %arg10[%parallel_loop3A_96, %parallel_loop3A_97] {strides = array<i32>} : memref<128x128xf32, #tpu.memory_space<vmem>>, vector<1x16xf32>,
            %parallel_loop3A_99 = vector.shape_cast %parallel_loop3A_98 : vector<1x16xf32> to vector<16xf32>
            %parallel_loop3A_100 = arith.addf %parallel_loop3A_95, %parallel_loop3A_99 : vector<16xf32>
            %parallel_loop3A_101 = arith.index_cast %parallel_loop3A_69 : i32 to index
            %parallel_loop3A_102 = arith.constant 16 : index
            %parallel_loop3A_103 = tpu.vector_load %arg11[%parallel_loop3A_101, %parallel_loop3A_102] {strides = array<i32>} : memref<128x128xf32, #tpu.memory_space<vmem>>, vector<1x16xf32>,
            %parallel_loop3A_104 = vector.shape_cast %parallel_loop3A_103 : vector<1x16xf32> to vector<16xf32>
            %parallel_loop3A_105 = arith.addf %parallel_loop3A_100, %parallel_loop3A_104 : vector<16xf32>
            %parallel_loop3A_106 = arith.constant 0.000000e+00 : f32
            %parallel_loop3A_107 = vector.broadcast %parallel_loop3A_106 : f32 to vector<16xf32>
            %parallel_loop3A_108 = arith.maximumf %parallel_loop3A_105, %parallel_loop3A_107 : vector<16xf32>
            %parallel_loop3A_109 = arith.index_cast %parallel_loop3A_69 : i32 to index
            %parallel_loop3A_110 = arith.constant 16 : index
            %parallel_loop3A_111 = tpu.vector_load %arg9[%parallel_loop3A_109, %parallel_loop3A_110] {strides = array<i32>} : memref<128x128xf32, #tpu.memory_space<vmem>>, vector<1x16xf32>,
            %parallel_loop3A_112 = vector.shape_cast %parallel_loop3A_111 : vector<1x16xf32> to vector<16xf32>
            %parallel_loop3A_113 = vector.shape_cast %parallel_loop3A_108 : vector<16xf32> to vector<1x16xf32>
            tpu.vector_store %arg9[%parallel_loop3A_109, %parallel_loop3A_110], %parallel_loop3A_113 {strides = array<i32>} : memref<128x128xf32, #tpu.memory_space<vmem>>, vector<1x16xf32>,
            %parallel_loop3A_114 = arith.index_cast %parallel_loop3A_69 : i32 to index
            %parallel_loop3A_115 = arith.constant 32 : index
            %parallel_loop3A_116 = tpu.vector_load %arg9[%parallel_loop3A_114, %parallel_loop3A_115] {strides = array<i32>} : memref<128x128xf32, #tpu.memory_space<vmem>>, vector<1x16xf32>,
            %parallel_loop3A_117 = vector.shape_cast %parallel_loop3A_116 : vector<1x16xf32> to vector<16xf32>
            %parallel_loop3A_118 = arith.index_cast %parallel_loop3A_69 : i32 to index
            %parallel_loop3A_119 = arith.constant 32 : index
            %parallel_loop3A_120 = tpu.vector_load %arg10[%parallel_loop3A_118, %parallel_loop3A_119] {strides = array<i32>} : memref<128x128xf32, #tpu.memory_space<vmem>>, vector<1x16xf32>,
            %parallel_loop3A_121 = vector.shape_cast %parallel_loop3A_120 : vector<1x16xf32> to vector<16xf32>
            %parallel_loop3A_122 = arith.addf %parallel_loop3A_117, %parallel_loop3A_121 : vector<16xf32>
            %parallel_loop3A_123 = arith.index_cast %parallel_loop3A_69 : i32 to index
            %parallel_loop3A_124 = arith.constant 32 : index
            %parallel_loop3A_125 = tpu.vector_load %arg11[%parallel_loop3A_123, %parallel_loop3A_124] {strides = array<i32>} : memref<128x128xf32, #tpu.memory_space<vmem>>, vector<1x16xf32>,
            %parallel_loop3A_126 = vector.shape_cast %parallel_loop3A_125 : vector<1x16xf32> to vector<16xf32>
            %parallel_loop3A_127 = arith.addf %parallel_loop3A_122, %parallel_loop3A_126 : vector<16xf32>
            %parallel_loop3A_128 = arith.constant 0.000000e+00 : f32
            %parallel_loop3A_129 = vector.broadcast %parallel_loop3A_128 : f32 to vector<16xf32>
            %parallel_loop3A_130 = arith.maximumf %parallel_loop3A_127, %parallel_loop3A_129 : vector<16xf32>
            %parallel_loop3A_131 = arith.index_cast %parallel_loop3A_69 : i32 to index
            %parallel_loop3A_132 = arith.constant 32 : index
            %parallel_loop3A_133 = tpu.vector_load %arg9[%parallel_loop3A_131, %parallel_loop3A_132] {strides = array<i32>} : memref<128x128xf32, #tpu.memory_space<vmem>>, vector<1x16xf32>,
            %parallel_loop3A_134 = vector.shape_cast %parallel_loop3A_133 : vector<1x16xf32> to vector<16xf32>
            %parallel_loop3A_135 = vector.shape_cast %parallel_loop3A_130 : vector<16xf32> to vector<1x16xf32>
            tpu.vector_store %arg9[%parallel_loop3A_131, %parallel_loop3A_132], %parallel_loop3A_135 {strides = array<i32>} : memref<128x128xf32, #tpu.memory_space<vmem>>, vector<1x16xf32>,
            %parallel_loop3A_136 = arith.index_cast %parallel_loop3A_69 : i32 to index
            %parallel_loop3A_137 = arith.constant 48 : index
            %parallel_loop3A_138 = tpu.vector_load %arg9[%parallel_loop3A_136, %parallel_loop3A_137] {strides = array<i32>} : memref<128x128xf32, #tpu.memory_space<vmem>>, vector<1x16xf32>,
            %parallel_loop3A_139 = vector.shape_cast %parallel_loop3A_138 : vector<1x16xf32> to vector<16xf32>
            %parallel_loop3A_140 = arith.index_cast %parallel_loop3A_69 : i32 to index
            %parallel_loop3A_141 = arith.constant 48 : index
            %parallel_loop3A_142 = tpu.vector_load %arg10[%parallel_loop3A_140, %parallel_loop3A_141] {strides = array<i32>} : memref<128x128xf32, #tpu.memory_space<vmem>>, vector<1x16xf32>,
            %parallel_loop3A_143 = vector.shape_cast %parallel_loop3A_142 : vector<1x16xf32> to vector<16xf32>
            %parallel_loop3A_144 = arith.addf %parallel_loop3A_139, %parallel_loop3A_143 : vector<16xf32>
            %parallel_loop3A_145 = arith.index_cast %parallel_loop3A_69 : i32 to index
            %parallel_loop3A_146 = arith.constant 48 : index
            %parallel_loop3A_147 = tpu.vector_load %arg11[%parallel_loop3A_145, %parallel_loop3A_146] {strides = array<i32>} : memref<128x128xf32, #tpu.memory_space<vmem>>, vector<1x16xf32>,
            %parallel_loop3A_148 = vector.shape_cast %parallel_loop3A_147 : vector<1x16xf32> to vector<16xf32>
            %parallel_loop3A_149 = arith.addf %parallel_loop3A_144, %parallel_loop3A_148 : vector<16xf32>
            %parallel_loop3A_150 = arith.constant 0.000000e+00 : f32
            %parallel_loop3A_151 = vector.broadcast %parallel_loop3A_150 : f32 to vector<16xf32>
            %parallel_loop3A_152 = arith.maximumf %parallel_loop3A_149, %parallel_loop3A_151 : vector<16xf32>
            %parallel_loop3A_153 = arith.index_cast %parallel_loop3A_69 : i32 to index
            %parallel_loop3A_154 = arith.constant 48 : index
            %parallel_loop3A_155 = tpu.vector_load %arg9[%parallel_loop3A_153, %parallel_loop3A_154] {strides = array<i32>} : memref<128x128xf32, #tpu.memory_space<vmem>>, vector<1x16xf32>,
            %parallel_loop3A_156 = vector.shape_cast %parallel_loop3A_155 : vector<1x16xf32> to vector<16xf32>
            %parallel_loop3A_157 = vector.shape_cast %parallel_loop3A_152 : vector<16xf32> to vector<1x16xf32>
            tpu.vector_store %arg9[%parallel_loop3A_153, %parallel_loop3A_154], %parallel_loop3A_157 {strides = array<i32>} : memref<128x128xf32, #tpu.memory_space<vmem>>, vector<1x16xf32>,
            %parallel_loop3A_158 = arith.index_cast %parallel_loop3A_69 : i32 to index
            %parallel_loop3A_159 = arith.constant 64 : index
            %parallel_loop3A_160 = tpu.vector_load %arg9[%parallel_loop3A_158, %parallel_loop3A_159] {strides = array<i32>} : memref<128x128xf32, #tpu.memory_space<vmem>>, vector<1x16xf32>,
            %parallel_loop3A_161 = vector.shape_cast %parallel_loop3A_160 : vector<1x16xf32> to vector<16xf32>
            %parallel_loop3A_162 = arith.index_cast %parallel_loop3A_69 : i32 to index
            %parallel_loop3A_163 = arith.constant 64 : index
            %parallel_loop3A_164 = tpu.vector_load %arg10[%parallel_loop3A_162, %parallel_loop3A_163] {strides = array<i32>} : memref<128x128xf32, #tpu.memory_space<vmem>>, vector<1x16xf32>,
            %parallel_loop3A_165 = vector.shape_cast %parallel_loop3A_164 : vector<1x16xf32> to vector<16xf32>
            %parallel_loop3A_166 = arith.addf %parallel_loop3A_161, %parallel_loop3A_165 : vector<16xf32>
            %parallel_loop3A_167 = arith.index_cast %parallel_loop3A_69 : i32 to index
            %parallel_loop3A_168 = arith.constant 64 : index
            %parallel_loop3A_169 = tpu.vector_load %arg11[%parallel_loop3A_167, %parallel_loop3A_168] {strides = array<i32>} : memref<128x128xf32, #tpu.memory_space<vmem>>, vector<1x16xf32>,
            %parallel_loop3A_170 = vector.shape_cast %parallel_loop3A_169 : vector<1x16xf32> to vector<16xf32>
            %parallel_loop3A_171 = arith.addf %parallel_loop3A_166, %parallel_loop3A_170 : vector<16xf32>
            %parallel_loop3A_172 = arith.constant 0.000000e+00 : f32
            %parallel_loop3A_173 = vector.broadcast %parallel_loop3A_172 : f32 to vector<16xf32>
            %parallel_loop3A_174 = arith.maximumf %parallel_loop3A_171, %parallel_loop3A_173 : vector<16xf32>
            %parallel_loop3A_175 = arith.index_cast %parallel_loop3A_69 : i32 to index
            %parallel_loop3A_176 = arith.constant 64 : index
            %parallel_loop3A_177 = tpu.vector_load %arg9[%parallel_loop3A_175, %parallel_loop3A_176] {strides = array<i32>} : memref<128x128xf32, #tpu.memory_space<vmem>>, vector<1x16xf32>,
            %parallel_loop3A_178 = vector.shape_cast %parallel_loop3A_177 : vector<1x16xf32> to vector<16xf32>
            %parallel_loop3A_179 = vector.shape_cast %parallel_loop3A_174 : vector<16xf32> to vector<1x16xf32>
            tpu.vector_store %arg9[%parallel_loop3A_175, %parallel_loop3A_176], %parallel_loop3A_179 {strides = array<i32>} : memref<128x128xf32, #tpu.memory_space<vmem>>, vector<1x16xf32>,
            %parallel_loop3A_180 = arith.index_cast %parallel_loop3A_69 : i32 to index
            %parallel_loop3A_181 = arith.constant 80 : index
            %parallel_loop3A_182 = tpu.vector_load %arg9[%parallel_loop3A_180, %parallel_loop3A_181] {strides = array<i32>} : memref<128x128xf32, #tpu.memory_space<vmem>>, vector<1x16xf32>,
            %parallel_loop3A_183 = vector.shape_cast %parallel_loop3A_182 : vector<1x16xf32> to vector<16xf32>
            %parallel_loop3A_184 = arith.index_cast %parallel_loop3A_69 : i32 to index
            %parallel_loop3A_185 = arith.constant 80 : index
            %parallel_loop3A_186 = tpu.vector_load %arg10[%parallel_loop3A_184, %parallel_loop3A_185] {strides = array<i32>} : memref<128x128xf32, #tpu.memory_space<vmem>>, vector<1x16xf32>,
            %parallel_loop3A_187 = vector.shape_cast %parallel_loop3A_186 : vector<1x16xf32> to vector<16xf32>
            %parallel_loop3A_188 = arith.addf %parallel_loop3A_183, %parallel_loop3A_187 : vector<16xf32>
            %parallel_loop3A_189 = arith.index_cast %parallel_loop3A_69 : i32 to index
            %parallel_loop3A_190 = arith.constant 80 : index
            %parallel_loop3A_191 = tpu.vector_load %arg11[%parallel_loop3A_189, %parallel_loop3A_190] {strides = array<i32>} : memref<128x128xf32, #tpu.memory_space<vmem>>, vector<1x16xf32>,
            %parallel_loop3A_192 = vector.shape_cast %parallel_loop3A_191 : vector<1x16xf32> to vector<16xf32>
            %parallel_loop3A_193 = arith.addf %parallel_loop3A_188, %parallel_loop3A_192 : vector<16xf32>
            %parallel_loop3A_194 = arith.constant 0.000000e+00 : f32
            %parallel_loop3A_195 = vector.broadcast %parallel_loop3A_194 : f32 to vector<16xf32>
            %parallel_loop3A_196 = arith.maximumf %parallel_loop3A_193, %parallel_loop3A_195 : vector<16xf32>
            %parallel_loop3A_197 = arith.index_cast %parallel_loop3A_69 : i32 to index
            %parallel_loop3A_198 = arith.constant 80 : index
            %parallel_loop3A_199 = tpu.vector_load %arg9[%parallel_loop3A_197, %parallel_loop3A_198] {strides = array<i32>} : memref<128x128xf32, #tpu.memory_space<vmem>>, vector<1x16xf32>,
            %parallel_loop3A_200 = vector.shape_cast %parallel_loop3A_199 : vector<1x16xf32> to vector<16xf32>
            %parallel_loop3A_201 = vector.shape_cast %parallel_loop3A_196 : vector<16xf32> to vector<1x16xf32>
            tpu.vector_store %arg9[%parallel_loop3A_197, %parallel_loop3A_198], %parallel_loop3A_201 {strides = array<i32>} : memref<128x128xf32, #tpu.memory_space<vmem>>, vector<1x16xf32>,
            %parallel_loop3A_202 = arith.index_cast %parallel_loop3A_69 : i32 to index
            %parallel_loop3A_203 = arith.constant 96 : index
            %parallel_loop3A_204 = tpu.vector_load %arg9[%parallel_loop3A_202, %parallel_loop3A_203] {strides = array<i32>} : memref<128x128xf32, #tpu.memory_space<vmem>>, vector<1x16xf32>,
            %parallel_loop3A_205 = vector.shape_cast %parallel_loop3A_204 : vector<1x16xf32> to vector<16xf32>
            %parallel_loop3A_206 = arith.index_cast %parallel_loop3A_69 : i32 to index
            %parallel_loop3A_207 = arith.constant 96 : index
            %parallel_loop3A_208 = tpu.vector_load %arg10[%parallel_loop3A_206, %parallel_loop3A_207] {strides = array<i32>} : memref<128x128xf32, #tpu.memory_space<vmem>>, vector<1x16xf32>,
            %parallel_loop3A_209 = vector.shape_cast %parallel_loop3A_208 : vector<1x16xf32> to vector<16xf32>
            %parallel_loop3A_210 = arith.addf %parallel_loop3A_205, %parallel_loop3A_209 : vector<16xf32>
            %parallel_loop3A_211 = arith.index_cast %parallel_loop3A_69 : i32 to index
            %parallel_loop3A_212 = arith.constant 96 : index
            %parallel_loop3A_213 = tpu.vector_load %arg11[%parallel_loop3A_211, %parallel_loop3A_212] {strides = array<i32>} : memref<128x128xf32, #tpu.memory_space<vmem>>, vector<1x16xf32>,
            %parallel_loop3A_214 = vector.shape_cast %parallel_loop3A_213 : vector<1x16xf32> to vector<16xf32>
            %parallel_loop3A_215 = arith.addf %parallel_loop3A_210, %parallel_loop3A_214 : vector<16xf32>
            %parallel_loop3A_216 = arith.constant 0.000000e+00 : f32
            %parallel_loop3A_217 = vector.broadcast %parallel_loop3A_216 : f32 to vector<16xf32>
            %parallel_loop3A_218 = arith.maximumf %parallel_loop3A_215, %parallel_loop3A_217 : vector<16xf32>
            %parallel_loop3A_219 = arith.index_cast %parallel_loop3A_69 : i32 to index
            %parallel_loop3A_220 = arith.constant 96 : index
            %parallel_loop3A_221 = tpu.vector_load %arg9[%parallel_loop3A_219, %parallel_loop3A_220] {strides = array<i32>} : memref<128x128xf32, #tpu.memory_space<vmem>>, vector<1x16xf32>,
            %parallel_loop3A_222 = vector.shape_cast %parallel_loop3A_221 : vector<1x16xf32> to vector<16xf32>
            %parallel_loop3A_223 = vector.shape_cast %parallel_loop3A_218 : vector<16xf32> to vector<1x16xf32>
            tpu.vector_store %arg9[%parallel_loop3A_219, %parallel_loop3A_220], %parallel_loop3A_223 {strides = array<i32>} : memref<128x128xf32, #tpu.memory_space<vmem>>, vector<1x16xf32>,
            %parallel_loop3A_224 = arith.index_cast %parallel_loop3A_69 : i32 to index
            %parallel_loop3A_225 = arith.constant 112 : index
            %parallel_loop3A_226 = tpu.vector_load %arg9[%parallel_loop3A_224, %parallel_loop3A_225] {strides = array<i32>} : memref<128x128xf32, #tpu.memory_space<vmem>>, vector<1x16xf32>,
            %parallel_loop3A_227 = vector.shape_cast %parallel_loop3A_226 : vector<1x16xf32> to vector<16xf32>
            %parallel_loop3A_228 = arith.index_cast %parallel_loop3A_69 : i32 to index
            %parallel_loop3A_229 = arith.constant 112 : index
            %parallel_loop3A_230 = tpu.vector_load %arg10[%parallel_loop3A_228, %parallel_loop3A_229] {strides = array<i32>} : memref<128x128xf32, #tpu.memory_space<vmem>>, vector<1x16xf32>,
            %parallel_loop3A_231 = vector.shape_cast %parallel_loop3A_230 : vector<1x16xf32> to vector<16xf32>
            %parallel_loop3A_232 = arith.addf %parallel_loop3A_227, %parallel_loop3A_231 : vector<16xf32>
            %parallel_loop3A_233 = arith.index_cast %parallel_loop3A_69 : i32 to index
            %parallel_loop3A_234 = arith.constant 112 : index
            %parallel_loop3A_235 = tpu.vector_load %arg11[%parallel_loop3A_233, %parallel_loop3A_234] {strides = array<i32>} : memref<128x128xf32, #tpu.memory_space<vmem>>, vector<1x16xf32>,
            %parallel_loop3A_236 = vector.shape_cast %parallel_loop3A_235 : vector<1x16xf32> to vector<16xf32>
            %parallel_loop3A_237 = arith.addf %parallel_loop3A_232, %parallel_loop3A_236 : vector<16xf32>
            %parallel_loop3A_238 = arith.constant 0.000000e+00 : f32
            %parallel_loop3A_239 = vector.broadcast %parallel_loop3A_238 : f32 to vector<16xf32>
            %parallel_loop3A_240 = arith.maximumf %parallel_loop3A_237, %parallel_loop3A_239 : vector<16xf32>
            %parallel_loop3A_241 = arith.index_cast %parallel_loop3A_69 : i32 to index
            %parallel_loop3A_242 = arith.constant 112 : index
            %parallel_loop3A_243 = tpu.vector_load %arg9[%parallel_loop3A_241, %parallel_loop3A_242] {strides = array<i32>} : memref<128x128xf32, #tpu.memory_space<vmem>>, vector<1x16xf32>,
            %parallel_loop3A_244 = vector.shape_cast %parallel_loop3A_243 : vector<1x16xf32> to vector<16xf32>
            %parallel_loop3A_245 = vector.shape_cast %parallel_loop3A_240 : vector<16xf32> to vector<1x16xf32>
            tpu.vector_store %arg9[%parallel_loop3A_241, %parallel_loop3A_242], %parallel_loop3A_245 {strides = array<i32>} : memref<128x128xf32, #tpu.memory_space<vmem>>, vector<1x16xf32>,
          } {sc.loop_unroll_factor = 4 : i64, sc.parallel_access}
          %run_scoped3A_68 = arith.constant 1 : i32
          "tpu.region"() ({
            %run_scoped3A_69 = tpu.sem_alloc : memref<!tpu.dma_semaphore, #tpu.memory_space<semaphore_mem>>
            %dma_start3A = arith.constant 0 : i32
            %dma_start3A_70 = tpu.memref_slice %arg8[%run_scoped3A_68, %dma_start3A] : memref<2x128xi32, #tpu.memory_space<vmem>> -> memref<1x128xi32, #tpu.memory_space<vmem>>
            %dma_start3A_71 = tpu.memref_squeeze %dma_start3A_70 : memref<1x128xi32, #tpu.memory_space<vmem>> -> memref<128xi32, #tpu.memory_space<vmem>>
            %dma_start3A_72 = arith.constant 0 : i32
            %dma_start3A_73 = arith.constant 0 : i32
            %dma_start3A_74 = tpu.memref_slice %arg12[%dma_start3A_72, %dma_start3A_73] : memref<10112x128xf32, #tpu.memory_space<vmem_shared>> -> memref<10112x128xf32, #tpu.memory_space<vmem_shared>>
            tpu.enqueue_indirect_dma source(%arg9 : memref<128x128xf32, #tpu.memory_space<vmem>>) target(%dma_start3A_74 : memref<10112x128xf32, #tpu.memory_space<vmem_shared>>) offsets(%dma_start3A_71 : memref<128xi32, #tpu.memory_space<vmem>>) semaphore(%run_scoped3A_69 : memref<!tpu.dma_semaphore, #tpu.memory_space<semaphore_mem>>) {add = true}
            %dma_wait3A = arith.constant 0 : i32
            %dma_wait3A_75 = tpu.memref_slice %arg8[%run_scoped3A_68, %dma_wait3A] : memref<2x128xi32, #tpu.memory_space<vmem>> -> memref<1x128xi32, #tpu.memory_space<vmem>>
            %dma_wait3A_76 = tpu.memref_squeeze %dma_wait3A_75 : memref<1x128xi32, #tpu.memory_space<vmem>> -> memref<128xi32, #tpu.memory_space<vmem>>
            %dma_wait3A_77 = arith.constant 0 : i32
            %dma_wait3A_78 = arith.constant 0 : i32
            %dma_wait3A_79 = tpu.memref_slice %arg12[%dma_wait3A_77, %dma_wait3A_78] : memref<10112x128xf32, #tpu.memory_space<vmem_shared>> -> memref<10112x128xf32, #tpu.memory_space<vmem_shared>>
            tpu.wait_indirect_dma semaphore(%run_scoped3A_69 : memref<!tpu.dma_semaphore, #tpu.memory_space<semaphore_mem>>) src(%arg9 : memref<128x128xf32, #tpu.memory_space<vmem>>) dst(%dma_wait3A_79 : memref<10112x128xf32, #tpu.memory_space<vmem_shared>>)
            tpu.yield
          }) : () -> ()
        } else {
        }
        %scan3A_60 = arith.constant 0 : i32
        scf.yield %scan3A_60 : i32
      }
      %scan3A_50 = arith.constant 79 : i32
    } else {
    }
    %barrier3A_31 = arith.constant 0 : index
    tpu.barrier barrier_id(%barrier3A_31)
    %mul3A_32 = arith.constant 632 : i32
    %mul3A_33 = arith.muli %arg1, %mul3A_32 : i32
    %eq3A_34 = arith.constant 0 : i32
    %eq3A_35 = arith.cmpi eq, %arg0, %eq3A_34 : i32
    %convert_element_type3A_36 = arith.extui %eq3A_35 : i1 to i32
    %cond3A_37 = arith.constant 0 : i32
    %cond3A_38 = arith.cmpi ne, %convert_element_type3A_36, %cond3A_37 : i32
    scf.if %cond3A_38 {
      %mul3A_44 = arith.constant 632 : i32
      %mul3A_45 = arith.muli %arg1, %mul3A_44 : i32
      "tpu.region"() ({
        %run_scoped3A = tpu.sem_alloc : memref<!tpu.dma_semaphore, #tpu.memory_space<semaphore_mem>>
        %dma_start3A = arith.constant 0 : i32
        %dma_start3A_46 = tpu.memref_slice %arg6[%mul3A_45, %dma_start3A] : memref<10112x128xf32, #tpu.memory_space<hbm>> -> memref<632x128xf32, #tpu.memory_space<hbm>>
        %dma_start3A_47 = arith.constant 0 : i32
        %dma_start3A_48 = tpu.memref_slice %arg12[%mul3A_33, %dma_start3A_47] : memref<10112x128xf32, #tpu.memory_space<vmem_shared>> -> memref<632x128xf32, #tpu.memory_space<vmem_shared>>
        tpu.enqueue_dma source(%dma_start3A_48 : memref<632x128xf32, #tpu.memory_space<vmem_shared>>) target(%dma_start3A_46 : memref<632x128xf32, #tpu.memory_space<hbm>>) target_semaphore(%run_scoped3A : memref<!tpu.dma_semaphore, #tpu.memory_space<semaphore_mem>>)
        %dma_wait3A = arith.constant 0 : i32
        %dma_wait3A_49 = tpu.memref_slice %arg6[%mul3A_45, %dma_wait3A] : memref<10112x128xf32, #tpu.memory_space<hbm>> -> memref<632x128xf32, #tpu.memory_space<hbm>>
        %dma_wait3A_50 = arith.constant 0 : i32
        %dma_wait3A_51 = tpu.memref_slice %arg12[%mul3A_33, %dma_wait3A_50] : memref<10112x128xf32, #tpu.memory_space<vmem_shared>> -> memref<632x128xf32, #tpu.memory_space<vmem_shared>>
        tpu.wait_dma2 semaphore(%run_scoped3A : memref<!tpu.dma_semaphore, #tpu.memory_space<semaphore_mem>>) src(%dma_wait3A_51 : memref<632x128xf32, #tpu.memory_space<vmem_shared>>) dst(%dma_wait3A_49 : memref<632x128xf32, #tpu.memory_space<hbm>>)
        tpu.yield
      }) : () -> ()
    } else {
    }
    %eq3A_39 = arith.constant 1 : i32
    %eq3A_40 = arith.cmpi eq, %arg0, %eq3A_39 : i32
    %convert_element_type3A_41 = arith.extui %eq3A_40 : i1 to i32
    %cond3A_42 = arith.constant 0 : i32
    %cond3A_43 = arith.cmpi ne, %convert_element_type3A_41, %cond3A_42 : i32
    scf.if %cond3A_43 {
      %mul3A_44 = arith.constant 632 : i32
      %mul3A_45 = arith.muli %arg1, %mul3A_44 : i32
      "tpu.region"() ({
        %run_scoped3A = tpu.sem_alloc : memref<!tpu.dma_semaphore, #tpu.memory_space<semaphore_mem>>
        %dma_start3A = arith.constant 0 : i32
        %dma_start3A_46 = tpu.memref_slice %arg7[%mul3A_45, %dma_start3A] : memref<10112x128xf32, #tpu.memory_space<hbm>> -> memref<632x128xf32, #tpu.memory_space<hbm>>
        %dma_start3A_47 = arith.constant 0 : i32
        %dma_start3A_48 = tpu.memref_slice %arg12[%mul3A_33, %dma_start3A_47] : memref<10112x128xf32, #tpu.memory_space<vmem_shared>> -> memref<632x128xf32, #tpu.memory_space<vmem_shared>>
        tpu.enqueue_dma source(%dma_start3A_48 : memref<632x128xf32, #tpu.memory_space<vmem_shared>>) target(%dma_start3A_46 : memref<632x128xf32, #tpu.memory_space<hbm>>) target_semaphore(%run_scoped3A : memref<!tpu.dma_semaphore, #tpu.memory_space<semaphore_mem>>)
        %dma_wait3A = arith.constant 0 : i32
        %dma_wait3A_49 = tpu.memref_slice %arg7[%mul3A_45, %dma_wait3A] : memref<10112x128xf32, #tpu.memory_space<hbm>> -> memref<632x128xf32, #tpu.memory_space<hbm>>
        %dma_wait3A_50 = arith.constant 0 : i32
        %dma_wait3A_51 = tpu.memref_slice %arg12[%mul3A_33, %dma_wait3A_50] : memref<10112x128xf32, #tpu.memory_space<vmem_shared>> -> memref<632x128xf32, #tpu.memory_space<vmem_shared>>
        tpu.wait_dma2 semaphore(%run_scoped3A : memref<!tpu.dma_semaphore, #tpu.memory_space<semaphore_mem>>) src(%dma_wait3A_51 : memref<632x128xf32, #tpu.memory_space<vmem_shared>>) dst(%dma_wait3A_49 : memref<632x128xf32, #tpu.memory_space<hbm>>)
        tpu.yield
      }) : () -> ()
    } else {
    }
    return
  }
}

#map = affine_map<(d0, d1) -> (0, 0)>
module attributes {stable_mosaic.version = 14 : i64} {
  func.func @body(%arg0: i32, %arg1: i32, %arg2: memref<2x160000xi32, #tpu.memory_space<hbm>>, %arg3: memref<10112x128xf32, #tpu.memory_space<hbm>>, %arg4: memref<10112x128xf32, #tpu.memory_space<hbm>>, %arg5: memref<128xi32, #tpu.memory_space<vmem>>, %arg6: memref<128x128xf32, #tpu.memory_space<vmem>>, %arg7: memref<10112x128xf32, #tpu.memory_space<vmem_shared>>) attributes {dimension_semantics = [#tpu.dimension_semantics<core_parallel>, #tpu.dimension_semantics<subcore_parallel>], iteration_bounds = array<i64: 2, 16>, scalar_prefetch = 0 : i64, scratch_operands = 3 : i64, tpu.core_type = #tpu.core_type<sc_vector_subcore>, window_params = [{transform_indices = #map}, {transform_indices = #map}, {transform_indices = #map}]} {
    %scan3A = arith.constant 0 : i32
    %scan3A_0 = arith.constant 0 : i32
    %scan3A_1 = arith.constant 128 : i32
    %scan3A_2 = arith.addi %scan3A_0, %scan3A_1 : i32
    %scan3A_3 = arith.constant 1 : i32
    %scan3A_4 = scf.for %scan3A_56 = %scan3A_0 to %scan3A_2 step %scan3A_3 iter_args(%scan3A_57 = %scan3A) -> (i32)  : i32 {
      %broadcast_in_dim3A_58 = arith.constant 0.000000e+00 : f32
      %broadcast_in_dim3A_59 = vector.broadcast %broadcast_in_dim3A_58 : f32 to vector<16xf32>
      %swap3A = arith.index_cast %scan3A_56 : i32 to index
      %swap3A_60 = arith.constant 0 : index
      %swap3A_61 = tpu.vector_load %arg6[%swap3A, %swap3A_60] {strides = array<i32>} : memref<128x128xf32, #tpu.memory_space<vmem>>, vector<1x16xf32>,
      %swap3A_62 = vector.shape_cast %swap3A_61 : vector<1x16xf32> to vector<16xf32>
      %swap3A_63 = vector.shape_cast %broadcast_in_dim3A_59 : vector<16xf32> to vector<1x16xf32>
      tpu.vector_store %arg6[%swap3A, %swap3A_60], %swap3A_63 {strides = array<i32>} : memref<128x128xf32, #tpu.memory_space<vmem>>, vector<1x16xf32>,
      %broadcast_in_dim3A_64 = arith.constant 0.000000e+00 : f32
      %broadcast_in_dim3A_65 = vector.broadcast %broadcast_in_dim3A_64 : f32 to vector<16xf32>
      %swap3A_66 = arith.index_cast %scan3A_56 : i32 to index
      %swap3A_67 = arith.constant 16 : index
      %swap3A_68 = tpu.vector_load %arg6[%swap3A_66, %swap3A_67] {strides = array<i32>} : memref<128x128xf32, #tpu.memory_space<vmem>>, vector<1x16xf32>,
      %swap3A_69 = vector.shape_cast %swap3A_68 : vector<1x16xf32> to vector<16xf32>
      %swap3A_70 = vector.shape_cast %broadcast_in_dim3A_65 : vector<16xf32> to vector<1x16xf32>
      tpu.vector_store %arg6[%swap3A_66, %swap3A_67], %swap3A_70 {strides = array<i32>} : memref<128x128xf32, #tpu.memory_space<vmem>>, vector<1x16xf32>,
      %broadcast_in_dim3A_71 = arith.constant 0.000000e+00 : f32
      %broadcast_in_dim3A_72 = vector.broadcast %broadcast_in_dim3A_71 : f32 to vector<16xf32>
      %swap3A_73 = arith.index_cast %scan3A_56 : i32 to index
      %swap3A_74 = arith.constant 32 : index
      %swap3A_75 = tpu.vector_load %arg6[%swap3A_73, %swap3A_74] {strides = array<i32>} : memref<128x128xf32, #tpu.memory_space<vmem>>, vector<1x16xf32>,
      %swap3A_76 = vector.shape_cast %swap3A_75 : vector<1x16xf32> to vector<16xf32>
      %swap3A_77 = vector.shape_cast %broadcast_in_dim3A_72 : vector<16xf32> to vector<1x16xf32>
      tpu.vector_store %arg6[%swap3A_73, %swap3A_74], %swap3A_77 {strides = array<i32>} : memref<128x128xf32, #tpu.memory_space<vmem>>, vector<1x16xf32>,
      %broadcast_in_dim3A_78 = arith.constant 0.000000e+00 : f32
      %broadcast_in_dim3A_79 = vector.broadcast %broadcast_in_dim3A_78 : f32 to vector<16xf32>
      %swap3A_80 = arith.index_cast %scan3A_56 : i32 to index
      %swap3A_81 = arith.constant 48 : index
      %swap3A_82 = tpu.vector_load %arg6[%swap3A_80, %swap3A_81] {strides = array<i32>} : memref<128x128xf32, #tpu.memory_space<vmem>>, vector<1x16xf32>,
      %swap3A_83 = vector.shape_cast %swap3A_82 : vector<1x16xf32> to vector<16xf32>
      %swap3A_84 = vector.shape_cast %broadcast_in_dim3A_79 : vector<16xf32> to vector<1x16xf32>
      tpu.vector_store %arg6[%swap3A_80, %swap3A_81], %swap3A_84 {strides = array<i32>} : memref<128x128xf32, #tpu.memory_space<vmem>>, vector<1x16xf32>,
      %broadcast_in_dim3A_85 = arith.constant 0.000000e+00 : f32
      %broadcast_in_dim3A_86 = vector.broadcast %broadcast_in_dim3A_85 : f32 to vector<16xf32>
      %swap3A_87 = arith.index_cast %scan3A_56 : i32 to index
      %swap3A_88 = arith.constant 64 : index
      %swap3A_89 = tpu.vector_load %arg6[%swap3A_87, %swap3A_88] {strides = array<i32>} : memref<128x128xf32, #tpu.memory_space<vmem>>, vector<1x16xf32>,
      %swap3A_90 = vector.shape_cast %swap3A_89 : vector<1x16xf32> to vector<16xf32>
      %swap3A_91 = vector.shape_cast %broadcast_in_dim3A_86 : vector<16xf32> to vector<1x16xf32>
      tpu.vector_store %arg6[%swap3A_87, %swap3A_88], %swap3A_91 {strides = array<i32>} : memref<128x128xf32, #tpu.memory_space<vmem>>, vector<1x16xf32>,
      %broadcast_in_dim3A_92 = arith.constant 0.000000e+00 : f32
      %broadcast_in_dim3A_93 = vector.broadcast %broadcast_in_dim3A_92 : f32 to vector<16xf32>
      %swap3A_94 = arith.index_cast %scan3A_56 : i32 to index
      %swap3A_95 = arith.constant 80 : index
      %swap3A_96 = tpu.vector_load %arg6[%swap3A_94, %swap3A_95] {strides = array<i32>} : memref<128x128xf32, #tpu.memory_space<vmem>>, vector<1x16xf32>,
      %swap3A_97 = vector.shape_cast %swap3A_96 : vector<1x16xf32> to vector<16xf32>
      %swap3A_98 = vector.shape_cast %broadcast_in_dim3A_93 : vector<16xf32> to vector<1x16xf32>
      tpu.vector_store %arg6[%swap3A_94, %swap3A_95], %swap3A_98 {strides = array<i32>} : memref<128x128xf32, #tpu.memory_space<vmem>>, vector<1x16xf32>,
      %broadcast_in_dim3A_99 = arith.constant 0.000000e+00 : f32
      %broadcast_in_dim3A_100 = vector.broadcast %broadcast_in_dim3A_99 : f32 to vector<16xf32>
      %swap3A_101 = arith.index_cast %scan3A_56 : i32 to index
      %swap3A_102 = arith.constant 96 : index
      %swap3A_103 = tpu.vector_load %arg6[%swap3A_101, %swap3A_102] {strides = array<i32>} : memref<128x128xf32, #tpu.memory_space<vmem>>, vector<1x16xf32>,
      %swap3A_104 = vector.shape_cast %swap3A_103 : vector<1x16xf32> to vector<16xf32>
      %swap3A_105 = vector.shape_cast %broadcast_in_dim3A_100 : vector<16xf32> to vector<1x16xf32>
      tpu.vector_store %arg6[%swap3A_101, %swap3A_102], %swap3A_105 {strides = array<i32>} : memref<128x128xf32, #tpu.memory_space<vmem>>, vector<1x16xf32>,
      %broadcast_in_dim3A_106 = arith.constant 0.000000e+00 : f32
      %broadcast_in_dim3A_107 = vector.broadcast %broadcast_in_dim3A_106 : f32 to vector<16xf32>
      %swap3A_108 = arith.index_cast %scan3A_56 : i32 to index
      %swap3A_109 = arith.constant 112 : index
      %swap3A_110 = tpu.vector_load %arg6[%swap3A_108, %swap3A_109] {strides = array<i32>} : memref<128x128xf32, #tpu.memory_space<vmem>>, vector<1x16xf32>,
      %swap3A_111 = vector.shape_cast %swap3A_110 : vector<1x16xf32> to vector<16xf32>
      %swap3A_112 = vector.shape_cast %broadcast_in_dim3A_107 : vector<16xf32> to vector<1x16xf32>
      tpu.vector_store %arg6[%swap3A_108, %swap3A_109], %swap3A_112 {strides = array<i32>} : memref<128x128xf32, #tpu.memory_space<vmem>>, vector<1x16xf32>,
      %scan3A_113 = arith.constant 0 : i32
      scf.yield %scan3A_113 : i32
    }
    %scan3A_5 = arith.constant 128 : i32
    %mul3A = arith.constant 632 : i32
    %mul3A_6 = arith.muli %arg1, %mul3A : i32
    %add3A = arith.constant 0 : i32
    %add3A_7 = arith.addi %mul3A_6, %add3A : i32
    "tpu.region"() ({
      %run_scoped3A = tpu.sem_alloc : memref<!tpu.dma_semaphore, #tpu.memory_space<semaphore_mem>>
      %dma_start3A = arith.constant 0 : i32
      %dma_start3A_56 = arith.constant 0 : i32
      %dma_start3A_57 = tpu.memref_slice %arg6[%dma_start3A, %dma_start3A_56] : memref<128x128xf32, #tpu.memory_space<vmem>> -> memref<128x128xf32, #tpu.memory_space<vmem>>
      %dma_start3A_58 = arith.constant 0 : i32
      %dma_start3A_59 = tpu.memref_slice %arg7[%add3A_7, %dma_start3A_58] : memref<10112x128xf32, #tpu.memory_space<vmem_shared>> -> memref<128x128xf32, #tpu.memory_space<vmem_shared>>
      %dma_start3A_60 = arith.constant 0 : i32
      %dma_start3A_61 = tpu.memref_slice %arg7[%add3A_7, %dma_start3A_60] : memref<10112x128xf32, #tpu.memory_space<vmem_shared>> -> memref<128x128xf32, #tpu.memory_space<vmem_shared>>
      %dma_start3A_62 = arith.constant 0 : i32
      %dma_start3A_63 = arith.constant 0 : i32
      %dma_start3A_64 = tpu.memref_slice %arg6[%dma_start3A_62, %dma_start3A_63] : memref<128x128xf32, #tpu.memory_space<vmem>> -> memref<128x128xf32, #tpu.memory_space<vmem>>
      tpu.enqueue_dma source(%dma_start3A_64 : memref<128x128xf32, #tpu.memory_space<vmem>>) target(%dma_start3A_61 : memref<128x128xf32, #tpu.memory_space<vmem_shared>>) target_semaphore(%run_scoped3A : memref<!tpu.dma_semaphore, #tpu.memory_space<semaphore_mem>>)
      %dma_wait3A = arith.constant 0 : i32
      %dma_wait3A_65 = arith.constant 0 : i32
      %dma_wait3A_66 = tpu.memref_slice %arg6[%dma_wait3A, %dma_wait3A_65] : memref<128x128xf32, #tpu.memory_space<vmem>> -> memref<128x128xf32, #tpu.memory_space<vmem>>
      %dma_wait3A_67 = arith.constant 0 : i32
      %dma_wait3A_68 = tpu.memref_slice %arg7[%add3A_7, %dma_wait3A_67] : memref<10112x128xf32, #tpu.memory_space<vmem_shared>> -> memref<128x128xf32, #tpu.memory_space<vmem_shared>>
      %dma_wait3A_69 = arith.constant 0 : i32
      %dma_wait3A_70 = tpu.memref_slice %arg7[%add3A_7, %dma_wait3A_69] : memref<10112x128xf32, #tpu.memory_space<vmem_shared>> -> memref<128x128xf32, #tpu.memory_space<vmem_shared>>
      %dma_wait3A_71 = arith.constant 0 : i32
      %dma_wait3A_72 = arith.constant 0 : i32
      %dma_wait3A_73 = tpu.memref_slice %arg6[%dma_wait3A_71, %dma_wait3A_72] : memref<128x128xf32, #tpu.memory_space<vmem>> -> memref<128x128xf32, #tpu.memory_space<vmem>>
      tpu.wait_dma2 semaphore(%run_scoped3A : memref<!tpu.dma_semaphore, #tpu.memory_space<semaphore_mem>>) src(%dma_wait3A_73 : memref<128x128xf32, #tpu.memory_space<vmem>>) dst(%dma_wait3A_70 : memref<128x128xf32, #tpu.memory_space<vmem_shared>>)
      tpu.yield
    }) : () -> ()
    %mul3A_8 = arith.constant 632 : i32
    %mul3A_9 = arith.muli %arg1, %mul3A_8 : i32
    %add3A_10 = arith.constant 128 : i32
    %add3A_11 = arith.addi %mul3A_9, %add3A_10 : i32
    "tpu.region"() ({
      %run_scoped3A = tpu.sem_alloc : memref<!tpu.dma_semaphore, #tpu.memory_space<semaphore_mem>>
      %dma_start3A = arith.constant 0 : i32
      %dma_start3A_56 = arith.constant 0 : i32
      %dma_start3A_57 = tpu.memref_slice %arg6[%dma_start3A, %dma_start3A_56] : memref<128x128xf32, #tpu.memory_space<vmem>> -> memref<128x128xf32, #tpu.memory_space<vmem>>
      %dma_start3A_58 = arith.constant 0 : i32
      %dma_start3A_59 = tpu.memref_slice %arg7[%add3A_11, %dma_start3A_58] : memref<10112x128xf32, #tpu.memory_space<vmem_shared>> -> memref<128x128xf32, #tpu.memory_space<vmem_shared>>
      %dma_start3A_60 = arith.constant 0 : i32
      %dma_start3A_61 = tpu.memref_slice %arg7[%add3A_11, %dma_start3A_60] : memref<10112x128xf32, #tpu.memory_space<vmem_shared>> -> memref<128x128xf32, #tpu.memory_space<vmem_shared>>
      %dma_start3A_62 = arith.constant 0 : i32
      %dma_start3A_63 = arith.constant 0 : i32
      %dma_start3A_64 = tpu.memref_slice %arg6[%dma_start3A_62, %dma_start3A_63] : memref<128x128xf32, #tpu.memory_space<vmem>> -> memref<128x128xf32, #tpu.memory_space<vmem>>
      tpu.enqueue_dma source(%dma_start3A_64 : memref<128x128xf32, #tpu.memory_space<vmem>>) target(%dma_start3A_61 : memref<128x128xf32, #tpu.memory_space<vmem_shared>>) target_semaphore(%run_scoped3A : memref<!tpu.dma_semaphore, #tpu.memory_space<semaphore_mem>>)
      %dma_wait3A = arith.constant 0 : i32
      %dma_wait3A_65 = arith.constant 0 : i32
      %dma_wait3A_66 = tpu.memref_slice %arg6[%dma_wait3A, %dma_wait3A_65] : memref<128x128xf32, #tpu.memory_space<vmem>> -> memref<128x128xf32, #tpu.memory_space<vmem>>
      %dma_wait3A_67 = arith.constant 0 : i32
      %dma_wait3A_68 = tpu.memref_slice %arg7[%add3A_11, %dma_wait3A_67] : memref<10112x128xf32, #tpu.memory_space<vmem_shared>> -> memref<128x128xf32, #tpu.memory_space<vmem_shared>>
      %dma_wait3A_69 = arith.constant 0 : i32
      %dma_wait3A_70 = tpu.memref_slice %arg7[%add3A_11, %dma_wait3A_69] : memref<10112x128xf32, #tpu.memory_space<vmem_shared>> -> memref<128x128xf32, #tpu.memory_space<vmem_shared>>
      %dma_wait3A_71 = arith.constant 0 : i32
      %dma_wait3A_72 = arith.constant 0 : i32
      %dma_wait3A_73 = tpu.memref_slice %arg6[%dma_wait3A_71, %dma_wait3A_72] : memref<128x128xf32, #tpu.memory_space<vmem>> -> memref<128x128xf32, #tpu.memory_space<vmem>>
      tpu.wait_dma2 semaphore(%run_scoped3A : memref<!tpu.dma_semaphore, #tpu.memory_space<semaphore_mem>>) src(%dma_wait3A_73 : memref<128x128xf32, #tpu.memory_space<vmem>>) dst(%dma_wait3A_70 : memref<128x128xf32, #tpu.memory_space<vmem_shared>>)
      tpu.yield
    }) : () -> ()
    %mul3A_12 = arith.constant 632 : i32
    %mul3A_13 = arith.muli %arg1, %mul3A_12 : i32
    %add3A_14 = arith.constant 256 : i32
    %add3A_15 = arith.addi %mul3A_13, %add3A_14 : i32
    "tpu.region"() ({
      %run_scoped3A = tpu.sem_alloc : memref<!tpu.dma_semaphore, #tpu.memory_space<semaphore_mem>>
      %dma_start3A = arith.constant 0 : i32
      %dma_start3A_56 = arith.constant 0 : i32
      %dma_start3A_57 = tpu.memref_slice %arg6[%dma_start3A, %dma_start3A_56] : memref<128x128xf32, #tpu.memory_space<vmem>> -> memref<128x128xf32, #tpu.memory_space<vmem>>
      %dma_start3A_58 = arith.constant 0 : i32
      %dma_start3A_59 = tpu.memref_slice %arg7[%add3A_15, %dma_start3A_58] : memref<10112x128xf32, #tpu.memory_space<vmem_shared>> -> memref<128x128xf32, #tpu.memory_space<vmem_shared>>
      %dma_start3A_60 = arith.constant 0 : i32
      %dma_start3A_61 = tpu.memref_slice %arg7[%add3A_15, %dma_start3A_60] : memref<10112x128xf32, #tpu.memory_space<vmem_shared>> -> memref<128x128xf32, #tpu.memory_space<vmem_shared>>
      %dma_start3A_62 = arith.constant 0 : i32
      %dma_start3A_63 = arith.constant 0 : i32
      %dma_start3A_64 = tpu.memref_slice %arg6[%dma_start3A_62, %dma_start3A_63] : memref<128x128xf32, #tpu.memory_space<vmem>> -> memref<128x128xf32, #tpu.memory_space<vmem>>
      tpu.enqueue_dma source(%dma_start3A_64 : memref<128x128xf32, #tpu.memory_space<vmem>>) target(%dma_start3A_61 : memref<128x128xf32, #tpu.memory_space<vmem_shared>>) target_semaphore(%run_scoped3A : memref<!tpu.dma_semaphore, #tpu.memory_space<semaphore_mem>>)
      %dma_wait3A = arith.constant 0 : i32
      %dma_wait3A_65 = arith.constant 0 : i32
      %dma_wait3A_66 = tpu.memref_slice %arg6[%dma_wait3A, %dma_wait3A_65] : memref<128x128xf32, #tpu.memory_space<vmem>> -> memref<128x128xf32, #tpu.memory_space<vmem>>
      %dma_wait3A_67 = arith.constant 0 : i32
      %dma_wait3A_68 = tpu.memref_slice %arg7[%add3A_15, %dma_wait3A_67] : memref<10112x128xf32, #tpu.memory_space<vmem_shared>> -> memref<128x128xf32, #tpu.memory_space<vmem_shared>>
      %dma_wait3A_69 = arith.constant 0 : i32
      %dma_wait3A_70 = tpu.memref_slice %arg7[%add3A_15, %dma_wait3A_69] : memref<10112x128xf32, #tpu.memory_space<vmem_shared>> -> memref<128x128xf32, #tpu.memory_space<vmem_shared>>
      %dma_wait3A_71 = arith.constant 0 : i32
      %dma_wait3A_72 = arith.constant 0 : i32
      %dma_wait3A_73 = tpu.memref_slice %arg6[%dma_wait3A_71, %dma_wait3A_72] : memref<128x128xf32, #tpu.memory_space<vmem>> -> memref<128x128xf32, #tpu.memory_space<vmem>>
      tpu.wait_dma2 semaphore(%run_scoped3A : memref<!tpu.dma_semaphore, #tpu.memory_space<semaphore_mem>>) src(%dma_wait3A_73 : memref<128x128xf32, #tpu.memory_space<vmem>>) dst(%dma_wait3A_70 : memref<128x128xf32, #tpu.memory_space<vmem_shared>>)
      tpu.yield
    }) : () -> ()
    %mul3A_16 = arith.constant 632 : i32
    %mul3A_17 = arith.muli %arg1, %mul3A_16 : i32
    %add3A_18 = arith.constant 384 : i32
    %add3A_19 = arith.addi %mul3A_17, %add3A_18 : i32
    "tpu.region"() ({
      %run_scoped3A = tpu.sem_alloc : memref<!tpu.dma_semaphore, #tpu.memory_space<semaphore_mem>>
      %dma_start3A = arith.constant 0 : i32
      %dma_start3A_56 = arith.constant 0 : i32
      %dma_start3A_57 = tpu.memref_slice %arg6[%dma_start3A, %dma_start3A_56] : memref<128x128xf32, #tpu.memory_space<vmem>> -> memref<128x128xf32, #tpu.memory_space<vmem>>
      %dma_start3A_58 = arith.constant 0 : i32
      %dma_start3A_59 = tpu.memref_slice %arg7[%add3A_19, %dma_start3A_58] : memref<10112x128xf32, #tpu.memory_space<vmem_shared>> -> memref<128x128xf32, #tpu.memory_space<vmem_shared>>
      %dma_start3A_60 = arith.constant 0 : i32
      %dma_start3A_61 = tpu.memref_slice %arg7[%add3A_19, %dma_start3A_60] : memref<10112x128xf32, #tpu.memory_space<vmem_shared>> -> memref<128x128xf32, #tpu.memory_space<vmem_shared>>
      %dma_start3A_62 = arith.constant 0 : i32
      %dma_start3A_63 = arith.constant 0 : i32
      %dma_start3A_64 = tpu.memref_slice %arg6[%dma_start3A_62, %dma_start3A_63] : memref<128x128xf32, #tpu.memory_space<vmem>> -> memref<128x128xf32, #tpu.memory_space<vmem>>
      tpu.enqueue_dma source(%dma_start3A_64 : memref<128x128xf32, #tpu.memory_space<vmem>>) target(%dma_start3A_61 : memref<128x128xf32, #tpu.memory_space<vmem_shared>>) target_semaphore(%run_scoped3A : memref<!tpu.dma_semaphore, #tpu.memory_space<semaphore_mem>>)
      %dma_wait3A = arith.constant 0 : i32
      %dma_wait3A_65 = arith.constant 0 : i32
      %dma_wait3A_66 = tpu.memref_slice %arg6[%dma_wait3A, %dma_wait3A_65] : memref<128x128xf32, #tpu.memory_space<vmem>> -> memref<128x128xf32, #tpu.memory_space<vmem>>
      %dma_wait3A_67 = arith.constant 0 : i32
      %dma_wait3A_68 = tpu.memref_slice %arg7[%add3A_19, %dma_wait3A_67] : memref<10112x128xf32, #tpu.memory_space<vmem_shared>> -> memref<128x128xf32, #tpu.memory_space<vmem_shared>>
      %dma_wait3A_69 = arith.constant 0 : i32
      %dma_wait3A_70 = tpu.memref_slice %arg7[%add3A_19, %dma_wait3A_69] : memref<10112x128xf32, #tpu.memory_space<vmem_shared>> -> memref<128x128xf32, #tpu.memory_space<vmem_shared>>
      %dma_wait3A_71 = arith.constant 0 : i32
      %dma_wait3A_72 = arith.constant 0 : i32
      %dma_wait3A_73 = tpu.memref_slice %arg6[%dma_wait3A_71, %dma_wait3A_72] : memref<128x128xf32, #tpu.memory_space<vmem>> -> memref<128x128xf32, #tpu.memory_space<vmem>>
      tpu.wait_dma2 semaphore(%run_scoped3A : memref<!tpu.dma_semaphore, #tpu.memory_space<semaphore_mem>>) src(%dma_wait3A_73 : memref<128x128xf32, #tpu.memory_space<vmem>>) dst(%dma_wait3A_70 : memref<128x128xf32, #tpu.memory_space<vmem_shared>>)
      tpu.yield
    }) : () -> ()
    %mul3A_20 = arith.constant 632 : i32
    %mul3A_21 = arith.muli %arg1, %mul3A_20 : i32
    %add3A_22 = arith.constant 512 : i32
    %add3A_23 = arith.addi %mul3A_21, %add3A_22 : i32
    "tpu.region"() ({
      %run_scoped3A = tpu.sem_alloc : memref<!tpu.dma_semaphore, #tpu.memory_space<semaphore_mem>>
      %dma_start3A = arith.constant 0 : i32
      %dma_start3A_56 = arith.constant 0 : i32
      %dma_start3A_57 = tpu.memref_slice %arg6[%dma_start3A, %dma_start3A_56] : memref<128x128xf32, #tpu.memory_space<vmem>> -> memref<120x128xf32, #tpu.memory_space<vmem>>
      %dma_start3A_58 = arith.constant 0 : i32
      %dma_start3A_59 = tpu.memref_slice %arg7[%add3A_23, %dma_start3A_58] : memref<10112x128xf32, #tpu.memory_space<vmem_shared>> -> memref<120x128xf32, #tpu.memory_space<vmem_shared>>
      %dma_start3A_60 = arith.constant 0 : i32
      %dma_start3A_61 = tpu.memref_slice %arg7[%add3A_23, %dma_start3A_60] : memref<10112x128xf32, #tpu.memory_space<vmem_shared>> -> memref<120x128xf32, #tpu.memory_space<vmem_shared>>
      %dma_start3A_62 = arith.constant 0 : i32
      %dma_start3A_63 = arith.constant 0 : i32
      %dma_start3A_64 = tpu.memref_slice %arg6[%dma_start3A_62, %dma_start3A_63] : memref<128x128xf32, #tpu.memory_space<vmem>> -> memref<120x128xf32, #tpu.memory_space<vmem>>
      tpu.enqueue_dma source(%dma_start3A_64 : memref<120x128xf32, #tpu.memory_space<vmem>>) target(%dma_start3A_61 : memref<120x128xf32, #tpu.memory_space<vmem_shared>>) target_semaphore(%run_scoped3A : memref<!tpu.dma_semaphore, #tpu.memory_space<semaphore_mem>>)
      %dma_wait3A = arith.constant 0 : i32
      %dma_wait3A_65 = arith.constant 0 : i32
      %dma_wait3A_66 = tpu.memref_slice %arg6[%dma_wait3A, %dma_wait3A_65] : memref<128x128xf32, #tpu.memory_space<vmem>> -> memref<120x128xf32, #tpu.memory_space<vmem>>
      %dma_wait3A_67 = arith.constant 0 : i32
      %dma_wait3A_68 = tpu.memref_slice %arg7[%add3A_23, %dma_wait3A_67] : memref<10112x128xf32, #tpu.memory_space<vmem_shared>> -> memref<120x128xf32, #tpu.memory_space<vmem_shared>>
      %dma_wait3A_69 = arith.constant 0 : i32
      %dma_wait3A_70 = tpu.memref_slice %arg7[%add3A_23, %dma_wait3A_69] : memref<10112x128xf32, #tpu.memory_space<vmem_shared>> -> memref<120x128xf32, #tpu.memory_space<vmem_shared>>
      %dma_wait3A_71 = arith.constant 0 : i32
      %dma_wait3A_72 = arith.constant 0 : i32
      %dma_wait3A_73 = tpu.memref_slice %arg6[%dma_wait3A_71, %dma_wait3A_72] : memref<128x128xf32, #tpu.memory_space<vmem>> -> memref<120x128xf32, #tpu.memory_space<vmem>>
      tpu.wait_dma2 semaphore(%run_scoped3A : memref<!tpu.dma_semaphore, #tpu.memory_space<semaphore_mem>>) src(%dma_wait3A_73 : memref<120x128xf32, #tpu.memory_space<vmem>>) dst(%dma_wait3A_70 : memref<120x128xf32, #tpu.memory_space<vmem_shared>>)
      tpu.yield
    }) : () -> ()
    %iota3A = tpu.iota {dimensions = array<i32: 0>} : vector<16xi32>
    %eq3A = arith.constant 0 : i32
    %eq3A_24 = vector.broadcast %eq3A : i32 to vector<16xi32>
    %eq3A_25 = arith.cmpi eq, %iota3A, %eq3A_24 : vector<16xi32>
    %jit3A = arith.constant 1.000000e+00 : f32
    %jit3A_26 = arith.constant 0.000000e+00 : f32
    %broadcast_in_dim3A = vector.broadcast %jit3A : f32 to vector<16xf32>
    %broadcast_in_dim3A_27 = vector.broadcast %jit3A_26 : f32 to vector<16xf32>
    %select_n3A = arith.select %eq3A_25, %broadcast_in_dim3A, %broadcast_in_dim3A_27 : vector<16xi1>, vector<16xf32>
    %scan3A_28 = arith.constant 0 : i32
    %scan3A_29 = arith.constant 0 : i32
    %scan3A_30 = arith.constant 128 : i32
    %scan3A_31 = arith.addi %scan3A_29, %scan3A_30 : i32
    %scan3A_32 = arith.constant 1 : i32
    %scan3A_33 = scf.for %scan3A_56 = %scan3A_29 to %scan3A_31 step %scan3A_32 iter_args(%scan3A_57 = %scan3A_28) -> (i32)  : i32 {
      %swap3A = arith.index_cast %scan3A_56 : i32 to index
      %swap3A_58 = arith.constant 0 : index
      %swap3A_59 = tpu.vector_load %arg6[%swap3A, %swap3A_58] {strides = array<i32>} : memref<128x128xf32, #tpu.memory_space<vmem>>, vector<1x16xf32>,
      %swap3A_60 = vector.shape_cast %swap3A_59 : vector<1x16xf32> to vector<16xf32>
      %swap3A_61 = vector.shape_cast %select_n3A : vector<16xf32> to vector<1x16xf32>
      tpu.vector_store %arg6[%swap3A, %swap3A_58], %swap3A_61 {strides = array<i32>} : memref<128x128xf32, #tpu.memory_space<vmem>>, vector<1x16xf32>,
      %scan3A_62 = arith.constant 0 : i32
      scf.yield %scan3A_62 : i32
    }
    %scan3A_34 = arith.constant 128 : i32
    %barrier3A = arith.constant 0 : index
    tpu.barrier barrier_id(%barrier3A)
    %eq3A_35 = arith.constant 0 : i32
    %eq3A_36 = arith.cmpi eq, %arg0, %eq3A_35 : i32
    %convert_element_type3A = arith.extui %eq3A_36 : i1 to i32
    %cond3A = arith.constant 0 : i32
    %cond3A_37 = arith.cmpi ne, %convert_element_type3A, %cond3A : i32
    scf.if %cond3A_37 {
      %scan3A_56 = arith.constant 0 : i32
      %scan3A_57 = arith.constant 0 : i32
      %scan3A_58 = arith.constant 79 : i32
      %scan3A_59 = arith.addi %scan3A_57, %scan3A_58 : i32
      %scan3A_60 = arith.constant 1 : i32
      %scan3A_61 = scf.for %scan3A_63 = %scan3A_57 to %scan3A_59 step %scan3A_60 iter_args(%scan3A_64 = %scan3A_56) -> (i32)  : i32 {
        %mul3A_65 = arith.constant 16 : i32
        %mul3A_66 = arith.muli %mul3A_65, %scan3A_63 : i32
        %add3A_67 = arith.addi %arg1, %mul3A_66 : i32
        %lt3A = arith.constant 1250 : i32
        %lt3A_68 = arith.cmpi slt, %add3A_67, %lt3A : i32
        %convert_element_type3A_69 = arith.extui %lt3A_68 : i1 to i32
        %cond3A_70 = arith.constant 0 : i32
        %cond3A_71 = arith.cmpi ne, %convert_element_type3A_69, %cond3A_70 : i32
        scf.if %cond3A_71 {
          %mul3A_73 = arith.constant 128 : i32
          %mul3A_74 = arith.muli %add3A_67, %mul3A_73 : i32
          %run_scoped3A = arith.constant 0 : i32
          "tpu.region"() ({
            %run_scoped3A_75 = tpu.sem_alloc : memref<!tpu.dma_semaphore, #tpu.memory_space<semaphore_mem>>
            %dma_start3A = tpu.memref_slice %arg2[%run_scoped3A, %mul3A_74] : memref<2x160000xi32, #tpu.memory_space<hbm>> -> memref<1x128xi32, #tpu.memory_space<hbm>>
            %dma_start3A_76 = tpu.memref_squeeze %dma_start3A : memref<1x128xi32, #tpu.memory_space<hbm>> -> memref<128xi32, #tpu.memory_space<hbm>>
            %dma_start3A_77 = tpu.memref_slice %arg2[%run_scoped3A, %mul3A_74] : memref<2x160000xi32, #tpu.memory_space<hbm>> -> memref<1x128xi32, #tpu.memory_space<hbm>>
            %dma_start3A_78 = tpu.memref_squeeze %dma_start3A_77 : memref<1x128xi32, #tpu.memory_space<hbm>> -> memref<128xi32, #tpu.memory_space<hbm>>
            tpu.enqueue_dma source(%dma_start3A_78 : memref<128xi32, #tpu.memory_space<hbm>>) target(%arg5 : memref<128xi32, #tpu.memory_space<vmem>>) target_semaphore(%run_scoped3A_75 : memref<!tpu.dma_semaphore, #tpu.memory_space<semaphore_mem>>)
            %dma_wait3A = tpu.memref_slice %arg2[%run_scoped3A, %mul3A_74] : memref<2x160000xi32, #tpu.memory_space<hbm>> -> memref<1x128xi32, #tpu.memory_space<hbm>>
            %dma_wait3A_79 = tpu.memref_squeeze %dma_wait3A : memref<1x128xi32, #tpu.memory_space<hbm>> -> memref<128xi32, #tpu.memory_space<hbm>>
            %dma_wait3A_80 = tpu.memref_slice %arg2[%run_scoped3A, %mul3A_74] : memref<2x160000xi32, #tpu.memory_space<hbm>> -> memref<1x128xi32, #tpu.memory_space<hbm>>
            %dma_wait3A_81 = tpu.memref_squeeze %dma_wait3A_80 : memref<1x128xi32, #tpu.memory_space<hbm>> -> memref<128xi32, #tpu.memory_space<hbm>>
            tpu.wait_dma2 semaphore(%run_scoped3A_75 : memref<!tpu.dma_semaphore, #tpu.memory_space<semaphore_mem>>) src(%dma_wait3A_81 : memref<128xi32, #tpu.memory_space<hbm>>) dst(%arg5 : memref<128xi32, #tpu.memory_space<vmem>>)
            tpu.yield
          }) : () -> ()
          "tpu.region"() ({
            %run_scoped3A_75 = tpu.sem_alloc : memref<!tpu.dma_semaphore, #tpu.memory_space<semaphore_mem>>
            %dma_start3A = arith.constant 0 : i32
            %dma_start3A_76 = arith.constant 0 : i32
            %dma_start3A_77 = tpu.memref_slice %arg7[%dma_start3A, %dma_start3A_76] : memref<10112x128xf32, #tpu.memory_space<vmem_shared>> -> memref<10112x128xf32, #tpu.memory_space<vmem_shared>>
            tpu.enqueue_indirect_dma source(%arg6 : memref<128x128xf32, #tpu.memory_space<vmem>>) target(%dma_start3A_77 : memref<10112x128xf32, #tpu.memory_space<vmem_shared>>) offsets(%arg5 : memref<128xi32, #tpu.memory_space<vmem>>) semaphore(%run_scoped3A_75 : memref<!tpu.dma_semaphore, #tpu.memory_space<semaphore_mem>>) {add = true}
            %dma_wait3A = arith.constant 0 : i32
            %dma_wait3A_78 = arith.constant 0 : i32
            %dma_wait3A_79 = tpu.memref_slice %arg7[%dma_wait3A, %dma_wait3A_78] : memref<10112x128xf32, #tpu.memory_space<vmem_shared>> -> memref<10112x128xf32, #tpu.memory_space<vmem_shared>>
            tpu.wait_indirect_dma semaphore(%run_scoped3A_75 : memref<!tpu.dma_semaphore, #tpu.memory_space<semaphore_mem>>) src(%arg6 : memref<128x128xf32, #tpu.memory_space<vmem>>) dst(%dma_wait3A_79 : memref<10112x128xf32, #tpu.memory_space<vmem_shared>>)
            tpu.yield
          }) : () -> ()
        } else {
        }
        %scan3A_72 = arith.constant 0 : i32
        scf.yield %scan3A_72 : i32
      }
      %scan3A_62 = arith.constant 79 : i32
    } else {
    }
    %eq3A_38 = arith.constant 1 : i32
    %eq3A_39 = arith.cmpi eq, %arg0, %eq3A_38 : i32
    %convert_element_type3A_40 = arith.extui %eq3A_39 : i1 to i32
    %cond3A_41 = arith.constant 0 : i32
    %cond3A_42 = arith.cmpi ne, %convert_element_type3A_40, %cond3A_41 : i32
    scf.if %cond3A_42 {
      %scan3A_56 = arith.constant 0 : i32
      %scan3A_57 = arith.constant 0 : i32
      %scan3A_58 = arith.constant 79 : i32
      %scan3A_59 = arith.addi %scan3A_57, %scan3A_58 : i32
      %scan3A_60 = arith.constant 1 : i32
      %scan3A_61 = scf.for %scan3A_63 = %scan3A_57 to %scan3A_59 step %scan3A_60 iter_args(%scan3A_64 = %scan3A_56) -> (i32)  : i32 {
        %mul3A_65 = arith.constant 16 : i32
        %mul3A_66 = arith.muli %mul3A_65, %scan3A_63 : i32
        %add3A_67 = arith.addi %arg1, %mul3A_66 : i32
        %lt3A = arith.constant 1250 : i32
        %lt3A_68 = arith.cmpi slt, %add3A_67, %lt3A : i32
        %convert_element_type3A_69 = arith.extui %lt3A_68 : i1 to i32
        %cond3A_70 = arith.constant 0 : i32
        %cond3A_71 = arith.cmpi ne, %convert_element_type3A_69, %cond3A_70 : i32
        scf.if %cond3A_71 {
          %mul3A_73 = arith.constant 128 : i32
          %mul3A_74 = arith.muli %add3A_67, %mul3A_73 : i32
          %run_scoped3A = arith.constant 1 : i32
          "tpu.region"() ({
            %run_scoped3A_75 = tpu.sem_alloc : memref<!tpu.dma_semaphore, #tpu.memory_space<semaphore_mem>>
            %dma_start3A = tpu.memref_slice %arg2[%run_scoped3A, %mul3A_74] : memref<2x160000xi32, #tpu.memory_space<hbm>> -> memref<1x128xi32, #tpu.memory_space<hbm>>
            %dma_start3A_76 = tpu.memref_squeeze %dma_start3A : memref<1x128xi32, #tpu.memory_space<hbm>> -> memref<128xi32, #tpu.memory_space<hbm>>
            %dma_start3A_77 = tpu.memref_slice %arg2[%run_scoped3A, %mul3A_74] : memref<2x160000xi32, #tpu.memory_space<hbm>> -> memref<1x128xi32, #tpu.memory_space<hbm>>
            %dma_start3A_78 = tpu.memref_squeeze %dma_start3A_77 : memref<1x128xi32, #tpu.memory_space<hbm>> -> memref<128xi32, #tpu.memory_space<hbm>>
            tpu.enqueue_dma source(%dma_start3A_78 : memref<128xi32, #tpu.memory_space<hbm>>) target(%arg5 : memref<128xi32, #tpu.memory_space<vmem>>) target_semaphore(%run_scoped3A_75 : memref<!tpu.dma_semaphore, #tpu.memory_space<semaphore_mem>>)
            %dma_wait3A = tpu.memref_slice %arg2[%run_scoped3A, %mul3A_74] : memref<2x160000xi32, #tpu.memory_space<hbm>> -> memref<1x128xi32, #tpu.memory_space<hbm>>
            %dma_wait3A_79 = tpu.memref_squeeze %dma_wait3A : memref<1x128xi32, #tpu.memory_space<hbm>> -> memref<128xi32, #tpu.memory_space<hbm>>
            %dma_wait3A_80 = tpu.memref_slice %arg2[%run_scoped3A, %mul3A_74] : memref<2x160000xi32, #tpu.memory_space<hbm>> -> memref<1x128xi32, #tpu.memory_space<hbm>>
            %dma_wait3A_81 = tpu.memref_squeeze %dma_wait3A_80 : memref<1x128xi32, #tpu.memory_space<hbm>> -> memref<128xi32, #tpu.memory_space<hbm>>
            tpu.wait_dma2 semaphore(%run_scoped3A_75 : memref<!tpu.dma_semaphore, #tpu.memory_space<semaphore_mem>>) src(%dma_wait3A_81 : memref<128xi32, #tpu.memory_space<hbm>>) dst(%arg5 : memref<128xi32, #tpu.memory_space<vmem>>)
            tpu.yield
          }) : () -> ()
          "tpu.region"() ({
            %run_scoped3A_75 = tpu.sem_alloc : memref<!tpu.dma_semaphore, #tpu.memory_space<semaphore_mem>>
            %dma_start3A = arith.constant 0 : i32
            %dma_start3A_76 = arith.constant 0 : i32
            %dma_start3A_77 = tpu.memref_slice %arg7[%dma_start3A, %dma_start3A_76] : memref<10112x128xf32, #tpu.memory_space<vmem_shared>> -> memref<10112x128xf32, #tpu.memory_space<vmem_shared>>
            tpu.enqueue_indirect_dma source(%arg6 : memref<128x128xf32, #tpu.memory_space<vmem>>) target(%dma_start3A_77 : memref<10112x128xf32, #tpu.memory_space<vmem_shared>>) offsets(%arg5 : memref<128xi32, #tpu.memory_space<vmem>>) semaphore(%run_scoped3A_75 : memref<!tpu.dma_semaphore, #tpu.memory_space<semaphore_mem>>) {add = true}
            %dma_wait3A = arith.constant 0 : i32
            %dma_wait3A_78 = arith.constant 0 : i32
            %dma_wait3A_79 = tpu.memref_slice %arg7[%dma_wait3A, %dma_wait3A_78] : memref<10112x128xf32, #tpu.memory_space<vmem_shared>> -> memref<10112x128xf32, #tpu.memory_space<vmem_shared>>
            tpu.wait_indirect_dma semaphore(%run_scoped3A_75 : memref<!tpu.dma_semaphore, #tpu.memory_space<semaphore_mem>>) src(%arg6 : memref<128x128xf32, #tpu.memory_space<vmem>>) dst(%dma_wait3A_79 : memref<10112x128xf32, #tpu.memory_space<vmem_shared>>)
            tpu.yield
          }) : () -> ()
        } else {
        }
        %scan3A_72 = arith.constant 0 : i32
        scf.yield %scan3A_72 : i32
      }
      %scan3A_62 = arith.constant 79 : i32
    } else {
    }
    %barrier3A_43 = arith.constant 0 : index
    tpu.barrier barrier_id(%barrier3A_43)
    %mul3A_44 = arith.constant 632 : i32
    %mul3A_45 = arith.muli %arg1, %mul3A_44 : i32
    %eq3A_46 = arith.constant 0 : i32
    %eq3A_47 = arith.cmpi eq, %arg0, %eq3A_46 : i32
    %convert_element_type3A_48 = arith.extui %eq3A_47 : i1 to i32
    %cond3A_49 = arith.constant 0 : i32
    %cond3A_50 = arith.cmpi ne, %convert_element_type3A_48, %cond3A_49 : i32
    scf.if %cond3A_50 {
      %mul3A_56 = arith.constant 632 : i32
      %mul3A_57 = arith.muli %arg1, %mul3A_56 : i32
      "tpu.region"() ({
        %run_scoped3A = tpu.sem_alloc : memref<!tpu.dma_semaphore, #tpu.memory_space<semaphore_mem>>
        %dma_start3A = arith.constant 0 : i32
        %dma_start3A_58 = tpu.memref_slice %arg3[%mul3A_57, %dma_start3A] : memref<10112x128xf32, #tpu.memory_space<hbm>> -> memref<632x128xf32, #tpu.memory_space<hbm>>
        %dma_start3A_59 = arith.constant 0 : i32
        %dma_start3A_60 = tpu.memref_slice %arg7[%mul3A_45, %dma_start3A_59] : memref<10112x128xf32, #tpu.memory_space<vmem_shared>> -> memref<632x128xf32, #tpu.memory_space<vmem_shared>>
        tpu.enqueue_dma source(%dma_start3A_60 : memref<632x128xf32, #tpu.memory_space<vmem_shared>>) target(%dma_start3A_58 : memref<632x128xf32, #tpu.memory_space<hbm>>) target_semaphore(%run_scoped3A : memref<!tpu.dma_semaphore, #tpu.memory_space<semaphore_mem>>)
        %dma_wait3A = arith.constant 0 : i32
        %dma_wait3A_61 = tpu.memref_slice %arg3[%mul3A_57, %dma_wait3A] : memref<10112x128xf32, #tpu.memory_space<hbm>> -> memref<632x128xf32, #tpu.memory_space<hbm>>
        %dma_wait3A_62 = arith.constant 0 : i32
        %dma_wait3A_63 = tpu.memref_slice %arg7[%mul3A_45, %dma_wait3A_62] : memref<10112x128xf32, #tpu.memory_space<vmem_shared>> -> memref<632x128xf32, #tpu.memory_space<vmem_shared>>
        tpu.wait_dma2 semaphore(%run_scoped3A : memref<!tpu.dma_semaphore, #tpu.memory_space<semaphore_mem>>) src(%dma_wait3A_63 : memref<632x128xf32, #tpu.memory_space<vmem_shared>>) dst(%dma_wait3A_61 : memref<632x128xf32, #tpu.memory_space<hbm>>)
        tpu.yield
      }) : () -> ()
    } else {
    }
    %eq3A_51 = arith.constant 1 : i32
    %eq3A_52 = arith.cmpi eq, %arg0, %eq3A_51 : i32
    %convert_element_type3A_53 = arith.extui %eq3A_52 : i1 to i32
    %cond3A_54 = arith.constant 0 : i32
    %cond3A_55 = arith.cmpi ne, %convert_element_type3A_53, %cond3A_54 : i32
    scf.if %cond3A_55 {
      %mul3A_56 = arith.constant 632 : i32
      %mul3A_57 = arith.muli %arg1, %mul3A_56 : i32
      "tpu.region"() ({
        %run_scoped3A = tpu.sem_alloc : memref<!tpu.dma_semaphore, #tpu.memory_space<semaphore_mem>>
        %dma_start3A = arith.constant 0 : i32
        %dma_start3A_58 = tpu.memref_slice %arg4[%mul3A_57, %dma_start3A] : memref<10112x128xf32, #tpu.memory_space<hbm>> -> memref<632x128xf32, #tpu.memory_space<hbm>>
        %dma_start3A_59 = arith.constant 0 : i32
        %dma_start3A_60 = tpu.memref_slice %arg7[%mul3A_45, %dma_start3A_59] : memref<10112x128xf32, #tpu.memory_space<vmem_shared>> -> memref<632x128xf32, #tpu.memory_space<vmem_shared>>
        tpu.enqueue_dma source(%dma_start3A_60 : memref<632x128xf32, #tpu.memory_space<vmem_shared>>) target(%dma_start3A_58 : memref<632x128xf32, #tpu.memory_space<hbm>>) target_semaphore(%run_scoped3A : memref<!tpu.dma_semaphore, #tpu.memory_space<semaphore_mem>>)
        %dma_wait3A = arith.constant 0 : i32
        %dma_wait3A_61 = tpu.memref_slice %arg4[%mul3A_57, %dma_wait3A] : memref<10112x128xf32, #tpu.memory_space<hbm>> -> memref<632x128xf32, #tpu.memory_space<hbm>>
        %dma_wait3A_62 = arith.constant 0 : i32
        %dma_wait3A_63 = tpu.memref_slice %arg7[%mul3A_45, %dma_wait3A_62] : memref<10112x128xf32, #tpu.memory_space<vmem_shared>> -> memref<632x128xf32, #tpu.memory_space<vmem_shared>>
        tpu.wait_dma2 semaphore(%run_scoped3A : memref<!tpu.dma_semaphore, #tpu.memory_space<semaphore_mem>>) src(%dma_wait3A_63 : memref<632x128xf32, #tpu.memory_space<vmem_shared>>) dst(%dma_wait3A_61 : memref<632x128xf32, #tpu.memory_space<hbm>>)
        tpu.yield
      }) : () -> ()
    } else {
    }
    return
  }
}

module attributes {stable_mosaic.version = 14 : i64} {
  func.func @body(%arg0: i32, %arg1: i32, %arg2: memref<1000x128xf32, #tpu.memory_space<vmem>>, %arg3: memref<128x128xf32, #tpu.memory_space<vmem>>, %arg4: memref<1x1000x128xf32, #tpu.memory_space<vmem>>) attributes {dimension_semantics = [#tpu.dimension_semantics<arbitrary>, #tpu.dimension_semantics<arbitrary>], iteration_bounds = array<i64: 10, 6>, scalar_prefetch = 0 : i64, scratch_operands = 0 : i64, tpu.core_type = #tpu.core_type<tc>, window_params = [{transform_indices = @transform_0, window_bounds = array<i64: 1000, 128>}, {transform_indices = @transform_1, window_bounds = array<i64: 128, 128>}, {transform_indices = @transform_2, window_bounds = array<i64: 1, 1000, 128>}]} {
    %get3A = arith.constant 0 : index
    %get3A_0 = arith.constant 0 : index
    %get3A_1 = vector.load %arg2[%get3A, %get3A_0] : memref<1000x128xf32, #tpu.memory_space<vmem>>, vector<1000x128xf32>
    %get3A_2 = arith.constant 0 : index
    %get3A_3 = arith.constant 0 : index
    %get3A_4 = vector.load %arg3[%get3A_2, %get3A_3] : memref<128x128xf32, #tpu.memory_space<vmem>>, vector<128x128xf32>
    %dot_general3A = arith.constant dense<0.000000e+00> : vector<1000x128xf32>
    %dot_general3A_5 = tpu.matmul %get3A_1, %get3A_4, %dot_general3A {dimension_numbers = #tpu.dot_dimension_numbers<[1], [0], [0], [1], [0, 0, 1, 1], [], []>, transpose_lhs_hint = false} : vector<1000x128xf32>, vector<128x128xf32>, vector<1000x128xf32> -> vector<1000x128xf32>
    %swap3A = arith.constant 0 : index
    %swap3A_6 = arith.constant 0 : index
    %swap3A_7 = arith.constant 0 : index
    %swap3A_8 = vector.load %arg4[%swap3A, %swap3A_6, %swap3A_7] : memref<1x1000x128xf32, #tpu.memory_space<vmem>>, vector<1x1000x128xf32>
    %swap3A_9 = vector.shape_cast %swap3A_8 : vector<1x1000x128xf32> to vector<1000x128xf32>
    %swap3A_10 = vector.shape_cast %dot_general3A_5 : vector<1000x128xf32> to vector<1x1000x128xf32>
    tpu.vector_store %arg4[%swap3A, %swap3A_6, %swap3A_7], %swap3A_10 {strides = array<i32>} : memref<1x1000x128xf32, #tpu.memory_space<vmem>>, vector<1x1000x128xf32>,
    return
  }
  func.func @transform_0(%arg0: i32, %arg1: i32) -> (i32, i32) {
    %c0_i32 = arith.constant 0 : i32
    %c0_i32_0 = arith.constant 0 : i32
    return %arg0, %c0_i32 : i32, i32
  }
  func.func @transform_1(%arg0: i32, %arg1: i32) -> (i32, i32) {
    %c0_i32 = arith.constant 0 : i32
    %c0_i32_0 = arith.constant 0 : i32
    return %c0_i32, %arg1 : i32, i32
  }
  func.func @transform_2(%arg0: i32, %arg1: i32) -> (i32, i32, i32) {
    %c0_i32 = arith.constant 0 : i32
    %c0_i32_0 = arith.constant 0 : i32
    return %arg1, %arg0, %c0_i32 : i32, i32, i32
  }
}

module attributes {stable_mosaic.version = 14 : i64} {
  func.func @body(%arg0: i32, %arg1: i32, %arg2: memref<2000x16xf32, #tpu.memory_space<vmem>>, %arg3: memref<16x128xf32, #tpu.memory_space<vmem>>, %arg4: memref<1x8x128xf32, #tpu.memory_space<vmem>>, %arg5: memref<1x2000x128xf32, #tpu.memory_space<vmem>>) attributes {dimension_semantics = [#tpu.dimension_semantics<arbitrary>, #tpu.dimension_semantics<arbitrary>], iteration_bounds = array<i64: 160, 2>, scalar_prefetch = 0 : i64, scratch_operands = 0 : i64, tpu.core_type = #tpu.core_type<tc>, window_params = [{transform_indices = @transform_0, window_bounds = array<i64: 2000, 16>}, {transform_indices = @transform_1, window_bounds = array<i64: 16, 128>}, {transform_indices = @transform_2, window_bounds = array<i64: 1, 8, 128>}, {transform_indices = @transform_3, window_bounds = array<i64: 1, 2000, 128>}]} {
    %get3A = arith.constant 0 : index
    %get3A_0 = arith.constant 0 : index
    %get3A_1 = vector.load %arg2[%get3A, %get3A_0] : memref<2000x16xf32, #tpu.memory_space<vmem>>, vector<2000x16xf32>
    %get3A_2 = arith.constant 0 : index
    %get3A_3 = arith.constant 0 : index
    %get3A_4 = vector.load %arg3[%get3A_2, %get3A_3] : memref<16x128xf32, #tpu.memory_space<vmem>>, vector<16x128xf32>
    %dot_general3A = arith.constant dense<0.000000e+00> : vector<2000x128xf32>
    %dot_general3A_5 = tpu.matmul %get3A_1, %get3A_4, %dot_general3A {dimension_numbers = #tpu.dot_dimension_numbers<[1], [0], [0], [1], [0, 0, 1, 1], [], []>, transpose_lhs_hint = false} : vector<2000x16xf32>, vector<16x128xf32>, vector<2000x128xf32> -> vector<2000x128xf32>
    %get3A_6 = arith.constant 0 : index
    %get3A_7 = arith.constant 0 : index
    %get3A_8 = arith.constant 0 : index
    %get3A_9 = vector.load %arg4[%get3A_6, %get3A_7, %get3A_8] : memref<1x8x128xf32, #tpu.memory_space<vmem>>, vector<1x1x128xf32>
    %get3A_10 = vector.shape_cast %get3A_9 : vector<1x1x128xf32> to vector<1x128xf32>
    %add3A = vector.broadcast %get3A_10 : vector<1x128xf32> to vector<2000x128xf32>
    %add3A_11 = arith.addf %dot_general3A_5, %add3A : vector<2000x128xf32>
    %swap3A = arith.constant 0 : index
    %swap3A_12 = arith.constant 0 : index
    %swap3A_13 = arith.constant 0 : index
    %swap3A_14 = vector.load %arg5[%swap3A, %swap3A_12, %swap3A_13] : memref<1x2000x128xf32, #tpu.memory_space<vmem>>, vector<1x2000x128xf32>
    %swap3A_15 = vector.shape_cast %swap3A_14 : vector<1x2000x128xf32> to vector<2000x128xf32>
    %swap3A_16 = vector.shape_cast %add3A_11 : vector<2000x128xf32> to vector<1x2000x128xf32>
    tpu.vector_store %arg5[%swap3A, %swap3A_12, %swap3A_13], %swap3A_16 {strides = array<i32>} : memref<1x2000x128xf32, #tpu.memory_space<vmem>>, vector<1x2000x128xf32>,
    return
  }
  func.func @transform_0(%arg0: i32, %arg1: i32) -> (i32, i32) {
    %c0_i32 = arith.constant 0 : i32
    %c0_i32_0 = arith.constant 0 : i32
    return %arg0, %c0_i32 : i32, i32
  }
  func.func @transform_1(%arg0: i32, %arg1: i32) -> (i32, i32) {
    %c0_i32 = arith.constant 0 : i32
    %c0_i32_0 = arith.constant 0 : i32
    return %c0_i32, %arg1 : i32, i32
  }
  func.func @transform_2(%arg0: i32, %arg1: i32) -> (i32, i32, i32) {
    %c0_i32 = arith.constant 0 : i32
    %c0_i32_0 = arith.constant 0 : i32
    %c0_i32_1 = arith.constant 0 : i32
    return %arg1, %c0_i32, %c0_i32_0 : i32, i32, i32
  }
  func.func @transform_3(%arg0: i32, %arg1: i32) -> (i32, i32, i32) {
    %c0_i32 = arith.constant 0 : i32
    %c0_i32_0 = arith.constant 0 : i32
    return %arg1, %arg0, %c0_i32 : i32, i32, i32
  }
}

module attributes {stable_mosaic.version = 14 : i64} {
  func.func @body(%arg0: i32, %arg1: memref<2x1000x128xf32, #tpu.memory_space<vmem>>, %arg2: memref<1000x128xf32, #tpu.memory_space<vmem>>, %arg3: memref<1000x128xf32, #tpu.memory_space<vmem>>, %arg4: memref<2x1000x128xf32, #tpu.memory_space<vmem>>, %arg5: memref<256x256xf32, #tpu.memory_space<vmem>>, %arg6: memref<256x384xf32, #tpu.memory_space<vmem>>, %arg7: memref<1x256xf32, #tpu.memory_space<vmem>>, %arg8: memref<1x384xf32, #tpu.memory_space<vmem>>, %arg9: memref<1000x384xf32, #tpu.memory_space<vmem>>) attributes {dimension_semantics = [#tpu.dimension_semantics<arbitrary>], iteration_bounds = array<i64: 10>, scalar_prefetch = 0 : i64, scratch_operands = 0 : i64, tpu.core_type = #tpu.core_type<tc>, window_params = [{transform_indices = @transform_0, window_bounds = array<i64: 2, 1000, 128>}, {transform_indices = @transform_1, window_bounds = array<i64: 1000, 128>}, {transform_indices = @transform_2, window_bounds = array<i64: 1000, 128>}, {transform_indices = @transform_3, window_bounds = array<i64: 2, 1000, 128>}, {pipeline_mode = #tpu.pipeline_mode<synchronous>, transform_indices = @transform_4, window_bounds = array<i64: 256, 256>}, {pipeline_mode = #tpu.pipeline_mode<synchronous>, transform_indices = @transform_5, window_bounds = array<i64: 256, 384>}, {pipeline_mode = #tpu.pipeline_mode<synchronous>, transform_indices = @transform_6, window_bounds = array<i64: 1, 256>}, {pipeline_mode = #tpu.pipeline_mode<synchronous>, transform_indices = @transform_7, window_bounds = array<i64: 1, 384>}, {transform_indices = @transform_8, window_bounds = array<i64: 1000, 384>}]} {
    %get3A = arith.constant 0 : index
    %get3A_0 = arith.constant 0 : index
    %get3A_1 = vector.load %arg2[%get3A, %get3A_0] : memref<1000x128xf32, #tpu.memory_space<vmem>>, vector<1000x128xf32>
    %slice3A = vector.extract_strided_slice %get3A_1 {offsets = [0, 0], sizes = [1000, 1], strides = [1, 1]} : vector<1000x128xf32> to vector<1000x1xf32>
    %get3A_2 = arith.constant 0 : index
    %get3A_3 = arith.constant 0 : index
    %get3A_4 = vector.load %arg3[%get3A_2, %get3A_3] : memref<1000x128xf32, #tpu.memory_space<vmem>>, vector<1000x128xf32>
    %slice3A_5 = vector.extract_strided_slice %get3A_4 {offsets = [0, 0], sizes = [1000, 1], strides = [1, 1]} : vector<1000x128xf32> to vector<1000x1xf32>
    %add3A = arith.addf %slice3A, %slice3A_5 : vector<1000x1xf32>
    %max3A = arith.constant 1.000000e+00 : f32
    %max3A_6 = vector.broadcast %max3A : f32 to vector<1000x1xf32>
    %max3A_7 = arith.maximumf %add3A, %max3A_6 : vector<1000x1xf32>
    %div3A = arith.constant 1.000000e+00 : f32
    %div3A_8 = vector.broadcast %div3A : f32 to vector<1000x1xf32>
    %div3A_9 = arith.divf %div3A_8, %max3A_7 : vector<1000x1xf32>
    %get3A_10 = arith.constant 0 : index
    %get3A_11 = arith.constant 0 : index
    %get3A_12 = arith.constant 0 : index
    %get3A_13 = vector.load %arg1[%get3A_10, %get3A_11, %get3A_12] : memref<2x1000x128xf32, #tpu.memory_space<vmem>>, vector<1x1000x128xf32>
    %get3A_14 = vector.shape_cast %get3A_13 : vector<1x1000x128xf32> to vector<1000x128xf32>
    %get3A_15 = arith.constant 1 : index
    %get3A_16 = arith.constant 0 : index
    %get3A_17 = arith.constant 0 : index
    %get3A_18 = vector.load %arg1[%get3A_15, %get3A_16, %get3A_17] : memref<2x1000x128xf32, #tpu.memory_space<vmem>>, vector<1x1000x128xf32>
    %get3A_19 = vector.shape_cast %get3A_18 : vector<1x1000x128xf32> to vector<1000x128xf32>
    %concatenate3A = tpu.concatenate %get3A_14, %get3A_19 in 1 : vector<1000x128xf32>, vector<1000x128xf32> -> vector<1000x256xf32>
    %mul3A = vector.broadcast %div3A_9 : vector<1000x1xf32> to vector<1000x256xf32>
    %mul3A_20 = arith.mulf %concatenate3A, %mul3A : vector<1000x256xf32>
    %get3A_21 = arith.constant 0 : index
    %get3A_22 = arith.constant 0 : index
    %get3A_23 = arith.constant 0 : index
    %get3A_24 = vector.load %arg4[%get3A_21, %get3A_22, %get3A_23] : memref<2x1000x128xf32, #tpu.memory_space<vmem>>, vector<1x1000x128xf32>
    %get3A_25 = vector.shape_cast %get3A_24 : vector<1x1000x128xf32> to vector<1000x128xf32>
    %get3A_26 = arith.constant 1 : index
    %get3A_27 = arith.constant 0 : index
    %get3A_28 = arith.constant 0 : index
    %get3A_29 = vector.load %arg4[%get3A_26, %get3A_27, %get3A_28] : memref<2x1000x128xf32, #tpu.memory_space<vmem>>, vector<1x1000x128xf32>
    %get3A_30 = vector.shape_cast %get3A_29 : vector<1x1000x128xf32> to vector<1000x128xf32>
    %concatenate3A_31 = tpu.concatenate %get3A_25, %get3A_30 in 1 : vector<1000x128xf32>, vector<1000x128xf32> -> vector<1000x256xf32>
    %get3A_32 = arith.constant 0 : index
    %get3A_33 = arith.constant 0 : index
    %get3A_34 = vector.load %arg5[%get3A_32, %get3A_33] : memref<256x256xf32, #tpu.memory_space<vmem>>, vector<256x256xf32>
    %dot_general3A = arith.constant dense<0.000000e+00> : vector<1000x256xf32>
    %dot_general3A_35 = tpu.matmul %mul3A_20, %get3A_34, %dot_general3A {dimension_numbers = #tpu.dot_dimension_numbers<[1], [0], [0], [1], [0, 0, 1, 1], [], []>, transpose_lhs_hint = false} : vector<1000x256xf32>, vector<256x256xf32>, vector<1000x256xf32> -> vector<1000x256xf32>
    %add3A_36 = arith.addf %dot_general3A_35, %concatenate3A_31 : vector<1000x256xf32>
    %get3A_37 = arith.constant 0 : index
    %get3A_38 = arith.constant 0 : index
    %get3A_39 = vector.load %arg7[%get3A_37, %get3A_38] : memref<1x256xf32, #tpu.memory_space<vmem>>, vector<1x256xf32>
    %add3A_40 = vector.broadcast %get3A_39 : vector<1x256xf32> to vector<1000x256xf32>
    %add3A_41 = arith.addf %add3A_36, %add3A_40 : vector<1000x256xf32>
    %max3A_42 = arith.constant 0.000000e+00 : f32
    %max3A_43 = vector.broadcast %max3A_42 : f32 to vector<1000x256xf32>
    %max3A_44 = arith.maximumf %add3A_41, %max3A_43 : vector<1000x256xf32>
    %get3A_45 = arith.constant 0 : index
    %get3A_46 = arith.constant 0 : index
    %get3A_47 = vector.load %arg6[%get3A_45, %get3A_46] : memref<256x384xf32, #tpu.memory_space<vmem>>, vector<256x384xf32>
    %dot_general3A_48 = arith.constant dense<0.000000e+00> : vector<1000x384xf32>
    %dot_general3A_49 = tpu.matmul %max3A_44, %get3A_47, %dot_general3A_48 {dimension_numbers = #tpu.dot_dimension_numbers<[1], [0], [0], [1], [0, 0, 1, 1], [], []>, transpose_lhs_hint = false} : vector<1000x256xf32>, vector<256x384xf32>, vector<1000x384xf32> -> vector<1000x384xf32>
    %get3A_50 = arith.constant 0 : index
    %get3A_51 = arith.constant 0 : index
    %get3A_52 = vector.load %arg8[%get3A_50, %get3A_51] : memref<1x384xf32, #tpu.memory_space<vmem>>, vector<1x384xf32>
    %add3A_53 = vector.broadcast %get3A_52 : vector<1x384xf32> to vector<1000x384xf32>
    %add3A_54 = arith.addf %dot_general3A_49, %add3A_53 : vector<1000x384xf32>
    %swap3A = arith.constant 0 : index
    %swap3A_55 = arith.constant 0 : index
    %swap3A_56 = vector.load %arg9[%swap3A, %swap3A_55] : memref<1000x384xf32, #tpu.memory_space<vmem>>, vector<1000x384xf32>
    tpu.vector_store %arg9[%swap3A, %swap3A_55], %add3A_54 {strides = array<i32>} : memref<1000x384xf32, #tpu.memory_space<vmem>>, vector<1000x384xf32>,
    return
  }
  func.func @transform_0(%arg0: i32) -> (i32, i32, i32) {
    %c0_i32 = arith.constant 0 : i32
    %c0_i32_0 = arith.constant 0 : i32
    %c0_i32_1 = arith.constant 0 : i32
    return %c0_i32, %arg0, %c0_i32_0 : i32, i32, i32
  }
  func.func @transform_1(%arg0: i32) -> (i32, i32) {
    %c0_i32 = arith.constant 0 : i32
    %c0_i32_0 = arith.constant 0 : i32
    return %arg0, %c0_i32 : i32, i32
  }
  func.func @transform_2(%arg0: i32) -> (i32, i32) {
    %c0_i32 = arith.constant 0 : i32
    %c0_i32_0 = arith.constant 0 : i32
    return %arg0, %c0_i32 : i32, i32
  }
  func.func @transform_3(%arg0: i32) -> (i32, i32, i32) {
    %c2_i32 = arith.constant 2 : i32
    %c0_i32 = arith.constant 0 : i32
    %c0_i32_0 = arith.constant 0 : i32
    return %c2_i32, %arg0, %c0_i32 : i32, i32, i32
  }
  func.func @transform_4(%arg0: i32) -> (i32, i32) {
    %c0_i32 = arith.constant 0 : i32
    %c0_i32_0 = arith.constant 0 : i32
    %c0_i32_1 = arith.constant 0 : i32
    return %c0_i32, %c0_i32_0 : i32, i32
  }
  func.func @transform_5(%arg0: i32) -> (i32, i32) {
    %c0_i32 = arith.constant 0 : i32
    %c0_i32_0 = arith.constant 0 : i32
    %c0_i32_1 = arith.constant 0 : i32
    return %c0_i32, %c0_i32_0 : i32, i32
  }
  func.func @transform_6(%arg0: i32) -> (i32, i32) {
    %c0_i32 = arith.constant 0 : i32
    %c0_i32_0 = arith.constant 0 : i32
    %c0_i32_1 = arith.constant 0 : i32
    return %c0_i32, %c0_i32_0 : i32, i32
  }
  func.func @transform_7(%arg0: i32) -> (i32, i32) {
    %c0_i32 = arith.constant 0 : i32
    %c0_i32_0 = arith.constant 0 : i32
    %c0_i32_1 = arith.constant 0 : i32
    return %c0_i32, %c0_i32_0 : i32, i32
  }
  func.func @transform_8(%arg0: i32) -> (i32, i32) {
    %c0_i32 = arith.constant 0 : i32
    %c0_i32_0 = arith.constant 0 : i32
    return %arg0, %c0_i32 : i32, i32
  }
}

module attributes {stable_mosaic.version = 14 : i64} {
  func.func @body(%arg0: i32, %arg1: memref<2x2000x128xf32, #tpu.memory_space<vmem>>, %arg2: memref<2x128x128xf32, #tpu.memory_space<vmem>>, %arg3: memref<1x128xf32, #tpu.memory_space<vmem>>, %arg4: memref<2000x128xf32, #tpu.memory_space<vmem>>) attributes {dimension_semantics = [#tpu.dimension_semantics<arbitrary>], iteration_bounds = array<i64: 160>, scalar_prefetch = 0 : i64, scratch_operands = 0 : i64, tpu.core_type = #tpu.core_type<tc>, window_params = [{transform_indices = @transform_0, window_bounds = array<i64: 2, 2000, 128>}, {pipeline_mode = #tpu.pipeline_mode<synchronous>, transform_indices = @transform_1, window_bounds = array<i64: 2, 128, 128>}, {pipeline_mode = #tpu.pipeline_mode<synchronous>, transform_indices = @transform_2, window_bounds = array<i64: 1, 128>}, {transform_indices = @transform_3, window_bounds = array<i64: 2000, 128>}]} {
    %get3A = arith.constant 0 : index
    %get3A_0 = arith.constant 0 : index
    %get3A_1 = arith.constant 0 : index
    %get3A_2 = vector.load %arg1[%get3A, %get3A_0, %get3A_1] : memref<2x2000x128xf32, #tpu.memory_space<vmem>>, vector<1x2000x128xf32>
    %get3A_3 = vector.shape_cast %get3A_2 : vector<1x2000x128xf32> to vector<2000x128xf32>
    %get3A_4 = arith.constant 0 : index
    %get3A_5 = arith.constant 0 : index
    %get3A_6 = arith.constant 0 : index
    %get3A_7 = vector.load %arg2[%get3A_4, %get3A_5, %get3A_6] : memref<2x128x128xf32, #tpu.memory_space<vmem>>, vector<1x128x128xf32>
    %get3A_8 = vector.shape_cast %get3A_7 : vector<1x128x128xf32> to vector<128x128xf32>
    %dot_general3A = arith.constant dense<0.000000e+00> : vector<2000x128xf32>
    %dot_general3A_9 = tpu.matmul %get3A_3, %get3A_8, %dot_general3A {dimension_numbers = #tpu.dot_dimension_numbers<[1], [0], [0], [1], [0, 0, 1, 1], [], []>, transpose_lhs_hint = false} : vector<2000x128xf32>, vector<128x128xf32>, vector<2000x128xf32> -> vector<2000x128xf32>
    %get3A_10 = arith.constant 1 : index
    %get3A_11 = arith.constant 0 : index
    %get3A_12 = arith.constant 0 : index
    %get3A_13 = vector.load %arg1[%get3A_10, %get3A_11, %get3A_12] : memref<2x2000x128xf32, #tpu.memory_space<vmem>>, vector<1x2000x128xf32>
    %get3A_14 = vector.shape_cast %get3A_13 : vector<1x2000x128xf32> to vector<2000x128xf32>
    %get3A_15 = arith.constant 1 : index
    %get3A_16 = arith.constant 0 : index
    %get3A_17 = arith.constant 0 : index
    %get3A_18 = vector.load %arg2[%get3A_15, %get3A_16, %get3A_17] : memref<2x128x128xf32, #tpu.memory_space<vmem>>, vector<1x128x128xf32>
    %get3A_19 = vector.shape_cast %get3A_18 : vector<1x128x128xf32> to vector<128x128xf32>
    %dot_general3A_20 = arith.constant dense<0.000000e+00> : vector<2000x128xf32>
    %dot_general3A_21 = tpu.matmul %get3A_14, %get3A_19, %dot_general3A_20 {dimension_numbers = #tpu.dot_dimension_numbers<[1], [0], [0], [1], [0, 0, 1, 1], [], []>, transpose_lhs_hint = false} : vector<2000x128xf32>, vector<128x128xf32>, vector<2000x128xf32> -> vector<2000x128xf32>
    %add3A = arith.addf %dot_general3A_9, %dot_general3A_21 : vector<2000x128xf32>
    %get3A_22 = arith.constant 0 : index
    %get3A_23 = arith.constant 0 : index
    %get3A_24 = vector.load %arg3[%get3A_22, %get3A_23] : memref<1x128xf32, #tpu.memory_space<vmem>>, vector<1x128xf32>
    %add3A_25 = vector.broadcast %get3A_24 : vector<1x128xf32> to vector<2000x128xf32>
    %add3A_26 = arith.addf %add3A, %add3A_25 : vector<2000x128xf32>
    %swap3A = arith.constant 0 : index
    %swap3A_27 = arith.constant 0 : index
    %swap3A_28 = vector.load %arg4[%swap3A, %swap3A_27] : memref<2000x128xf32, #tpu.memory_space<vmem>>, vector<2000x128xf32>
    tpu.vector_store %arg4[%swap3A, %swap3A_27], %add3A_26 {strides = array<i32>} : memref<2000x128xf32, #tpu.memory_space<vmem>>, vector<2000x128xf32>,
    return
  }
  func.func @transform_0(%arg0: i32) -> (i32, i32, i32) {
    %c0_i32 = arith.constant 0 : i32
    %c0_i32_0 = arith.constant 0 : i32
    %c0_i32_1 = arith.constant 0 : i32
    return %c0_i32, %arg0, %c0_i32_0 : i32, i32, i32
  }
  func.func @transform_1(%arg0: i32) -> (i32, i32, i32) {
    %c0_i32 = arith.constant 0 : i32
    %c0_i32_0 = arith.constant 0 : i32
    %c0_i32_1 = arith.constant 0 : i32
    %c0_i32_2 = arith.constant 0 : i32
    return %c0_i32, %c0_i32_0, %c0_i32_1 : i32, i32, i32
  }
  func.func @transform_2(%arg0: i32) -> (i32, i32) {
    %c0_i32 = arith.constant 0 : i32
    %c0_i32_0 = arith.constant 0 : i32
    %c0_i32_1 = arith.constant 0 : i32
    return %c0_i32, %c0_i32_0 : i32, i32
  }
  func.func @transform_3(%arg0: i32) -> (i32, i32) {
    %c0_i32 = arith.constant 0 : i32
    %c0_i32_0 = arith.constant 0 : i32
    return %arg0, %c0_i32 : i32, i32
  }
}

module attributes {stable_mosaic.version = 14 : i64} {
  func.func @body(%arg0: i32, %arg1: memref<1000x128xf32, #tpu.memory_space<vmem>>, %arg2: memref<1000x128xf32, #tpu.memory_space<vmem>>, %arg3: memref<1000x128xf32, #tpu.memory_space<vmem>>, %arg4: memref<1000x128xf32, #tpu.memory_space<vmem>>, %arg5: memref<1000x128xf32, #tpu.memory_space<vmem>>, %arg6: memref<128x128xf32, #tpu.memory_space<vmem>>, %arg7: memref<1x8x128xf32, #tpu.memory_space<vmem>>, %arg8: memref<1x8x128xf32, #tpu.memory_space<vmem>>) attributes {dimension_semantics = [#tpu.dimension_semantics<arbitrary>], iteration_bounds = array<i64: 10>, scalar_prefetch = 0 : i64, scratch_operands = 0 : i64, tpu.core_type = #tpu.core_type<tc>, window_params = [{transform_indices = @transform_0, window_bounds = array<i64: 1000, 128>}, {transform_indices = @transform_1, window_bounds = array<i64: 1000, 128>}, {transform_indices = @transform_2, window_bounds = array<i64: 1000, 128>}, {transform_indices = @transform_3, window_bounds = array<i64: 1000, 128>}, {transform_indices = @transform_4, window_bounds = array<i64: 1000, 128>}, {pipeline_mode = #tpu.pipeline_mode<synchronous>, transform_indices = @transform_5, window_bounds = array<i64: 128, 128>}, {transform_indices = @transform_6, window_bounds = array<i64: 1, 8, 128>}, {transform_indices = @transform_7, window_bounds = array<i64: 1, 8, 128>}]} {
    %get3A = arith.constant 0 : index
    %get3A_0 = arith.constant 0 : index
    %get3A_1 = vector.load %arg2[%get3A, %get3A_0] : memref<1000x128xf32, #tpu.memory_space<vmem>>, vector<1000x128xf32>
    %get3A_2 = arith.constant 0 : index
    %get3A_3 = arith.constant 0 : index
    %get3A_4 = vector.load %arg3[%get3A_2, %get3A_3] : memref<1000x128xf32, #tpu.memory_space<vmem>>, vector<1000x128xf32>
    %add3A = arith.addf %get3A_1, %get3A_4 : vector<1000x128xf32>
    %reduce_sum3A = arith.constant dense<0.000000e+00> : vector<128xf32>
    %reduce_sum3A_5 = vector.multi_reduction <add>, %add3A, %reduce_sum3A [0] : vector<1000x128xf32> to vector<128xf32>
    %broadcast_in_dim3A = vector.shape_cast %reduce_sum3A_5 : vector<128xf32> to vector<1x128xf32>
    %broadcast_in_dim3A_6 = vector.shape_cast %broadcast_in_dim3A : vector<1x128xf32> to vector<1x128xf32>
    %broadcast_in_dim3A_7 = vector.broadcast %broadcast_in_dim3A_6 : vector<1x128xf32> to vector<8x128xf32>
    %swap3A = arith.constant 0 : index
    %swap3A_8 = arith.constant 0 : index
    %swap3A_9 = arith.constant 0 : index
    %swap3A_10 = vector.load %arg8[%swap3A, %swap3A_8, %swap3A_9] : memref<1x8x128xf32, #tpu.memory_space<vmem>>, vector<1x8x128xf32>
    %swap3A_11 = vector.shape_cast %swap3A_10 : vector<1x8x128xf32> to vector<8x128xf32>
    %swap3A_12 = vector.shape_cast %broadcast_in_dim3A_7 : vector<8x128xf32> to vector<1x8x128xf32>
    tpu.vector_store %arg8[%swap3A, %swap3A_8, %swap3A_9], %swap3A_12 {strides = array<i32>} : memref<1x8x128xf32, #tpu.memory_space<vmem>>, vector<1x8x128xf32>,
    %get3A_13 = arith.constant 0 : index
    %get3A_14 = arith.constant 0 : index
    %get3A_15 = vector.load %arg4[%get3A_13, %get3A_14] : memref<1000x128xf32, #tpu.memory_space<vmem>>, vector<1000x128xf32>
    %slice3A = vector.extract_strided_slice %get3A_15 {offsets = [0, 0], sizes = [1000, 1], strides = [1, 1]} : vector<1000x128xf32> to vector<1000x1xf32>
    %get3A_16 = arith.constant 0 : index
    %get3A_17 = arith.constant 0 : index
    %get3A_18 = vector.load %arg5[%get3A_16, %get3A_17] : memref<1000x128xf32, #tpu.memory_space<vmem>>, vector<1000x128xf32>
    %slice3A_19 = vector.extract_strided_slice %get3A_18 {offsets = [0, 0], sizes = [1000, 1], strides = [1, 1]} : vector<1000x128xf32> to vector<1000x1xf32>
    %add3A_20 = arith.addf %slice3A, %slice3A_19 : vector<1000x1xf32>
    %max3A = arith.constant 1.000000e+00 : f32
    %max3A_21 = vector.broadcast %max3A : f32 to vector<1000x1xf32>
    %max3A_22 = arith.maximumf %add3A_20, %max3A_21 : vector<1000x1xf32>
    %div3A = arith.constant 1.000000e+00 : f32
    %div3A_23 = vector.broadcast %div3A : f32 to vector<1000x1xf32>
    %div3A_24 = arith.divf %div3A_23, %max3A_22 : vector<1000x1xf32>
    %get3A_25 = arith.constant 0 : index
    %get3A_26 = arith.constant 0 : index
    %get3A_27 = vector.load %arg1[%get3A_25, %get3A_26] : memref<1000x128xf32, #tpu.memory_space<vmem>>, vector<1000x128xf32>
    %mul3A = vector.broadcast %div3A_24 : vector<1000x1xf32> to vector<1000x128xf32>
    %mul3A_28 = arith.mulf %add3A, %mul3A : vector<1000x128xf32>
    %get3A_29 = arith.constant 0 : index
    %get3A_30 = arith.constant 0 : index
    %get3A_31 = vector.load %arg6[%get3A_29, %get3A_30] : memref<128x128xf32, #tpu.memory_space<vmem>>, vector<128x128xf32>
    %dot_general3A = arith.constant dense<0.000000e+00> : vector<1000x128xf32>
    %dot_general3A_32 = tpu.matmul %mul3A_28, %get3A_31, %dot_general3A {dimension_numbers = #tpu.dot_dimension_numbers<[1], [0], [0], [1], [0, 0, 1, 1], [], []>, transpose_lhs_hint = false} : vector<1000x128xf32>, vector<128x128xf32>, vector<1000x128xf32> -> vector<1000x128xf32>
    %add3A_33 = arith.addf %get3A_27, %dot_general3A_32 : vector<1000x128xf32>
    %max3A_34 = arith.constant 0.000000e+00 : f32
    %max3A_35 = vector.broadcast %max3A_34 : f32 to vector<1000x128xf32>
    %max3A_36 = arith.maximumf %add3A_33, %max3A_35 : vector<1000x128xf32>
    %reduce_sum3A_37 = arith.constant dense<0.000000e+00> : vector<128xf32>
    %reduce_sum3A_38 = vector.multi_reduction <add>, %max3A_36, %reduce_sum3A_37 [0] : vector<1000x128xf32> to vector<128xf32>
    %broadcast_in_dim3A_39 = vector.shape_cast %reduce_sum3A_38 : vector<128xf32> to vector<1x128xf32>
    %broadcast_in_dim3A_40 = vector.shape_cast %broadcast_in_dim3A_39 : vector<1x128xf32> to vector<1x128xf32>
    %broadcast_in_dim3A_41 = vector.broadcast %broadcast_in_dim3A_40 : vector<1x128xf32> to vector<8x128xf32>
    %swap3A_42 = arith.constant 0 : index
    %swap3A_43 = arith.constant 0 : index
    %swap3A_44 = arith.constant 0 : index
    %swap3A_45 = vector.load %arg7[%swap3A_42, %swap3A_43, %swap3A_44] : memref<1x8x128xf32, #tpu.memory_space<vmem>>, vector<1x8x128xf32>
    %swap3A_46 = vector.shape_cast %swap3A_45 : vector<1x8x128xf32> to vector<8x128xf32>
    %swap3A_47 = vector.shape_cast %broadcast_in_dim3A_41 : vector<8x128xf32> to vector<1x8x128xf32>
    tpu.vector_store %arg7[%swap3A_42, %swap3A_43, %swap3A_44], %swap3A_47 {strides = array<i32>} : memref<1x8x128xf32, #tpu.memory_space<vmem>>, vector<1x8x128xf32>,
    return
  }
  func.func @transform_0(%arg0: i32) -> (i32, i32) {
    %c2_i32 = arith.constant 2 : i32
    %c0_i32 = arith.constant 0 : i32
    return %arg0, %c2_i32 : i32, i32
  }
  func.func @transform_1(%arg0: i32) -> (i32, i32) {
    %c0_i32 = arith.constant 0 : i32
    %c0_i32_0 = arith.constant 0 : i32
    return %arg0, %c0_i32 : i32, i32
  }
  func.func @transform_2(%arg0: i32) -> (i32, i32) {
    %c0_i32 = arith.constant 0 : i32
    %c0_i32_0 = arith.constant 0 : i32
    return %arg0, %c0_i32 : i32, i32
  }
  func.func @transform_3(%arg0: i32) -> (i32, i32) {
    %c0_i32 = arith.constant 0 : i32
    %c0_i32_0 = arith.constant 0 : i32
    return %arg0, %c0_i32 : i32, i32
  }
  func.func @transform_4(%arg0: i32) -> (i32, i32) {
    %c0_i32 = arith.constant 0 : i32
    %c0_i32_0 = arith.constant 0 : i32
    return %arg0, %c0_i32 : i32, i32
  }
  func.func @transform_5(%arg0: i32) -> (i32, i32) {
    %c0_i32 = arith.constant 0 : i32
    %c0_i32_0 = arith.constant 0 : i32
    %c0_i32_1 = arith.constant 0 : i32
    return %c0_i32, %c0_i32_0 : i32, i32
  }
  func.func @transform_6(%arg0: i32) -> (i32, i32, i32) {
    %c0_i32 = arith.constant 0 : i32
    %c0_i32_0 = arith.constant 0 : i32
    %c0_i32_1 = arith.constant 0 : i32
    return %arg0, %c0_i32, %c0_i32_0 : i32, i32, i32
  }
  func.func @transform_7(%arg0: i32) -> (i32, i32, i32) {
    %c0_i32 = arith.constant 0 : i32
    %c0_i32_0 = arith.constant 0 : i32
    %c0_i32_1 = arith.constant 0 : i32
    return %arg0, %c0_i32, %c0_i32_0 : i32, i32, i32
  }
}

module attributes {stable_mosaic.version = 14 : i64} {
  func.func @body(%arg0: memref<80x128xf32, #tpu.memory_space<vmem>>, %arg1: memref<80x128xf32, #tpu.memory_space<vmem>>, %arg2: memref<256x128xf32, #tpu.memory_space<vmem>>, %arg3: memref<8x128xf32, #tpu.memory_space<vmem>>) attributes {dimension_semantics = [], scalar_prefetch = 0 : i64, scratch_operands = 0 : i64, tpu.core_type = #tpu.core_type<tc>} {
    %get3A = arith.constant 0 : index
    %get3A_0 = arith.constant 0 : index
    %get3A_1 = vector.load %arg0[%get3A, %get3A_0] : memref<80x128xf32, #tpu.memory_space<vmem>>, vector<80x128xf32>
    %reduce_sum3A = arith.constant dense<0.000000e+00> : vector<128xf32>
    %reduce_sum3A_2 = vector.multi_reduction <add>, %get3A_1, %reduce_sum3A [0] : vector<80x128xf32> to vector<128xf32>
    %broadcast_in_dim3A = vector.shape_cast %reduce_sum3A_2 : vector<128xf32> to vector<1x128xf32>
    %div3A = arith.constant 8.000000e+00 : f32
    %div3A_3 = vector.broadcast %div3A : f32 to vector<1x128xf32>
    %div3A_4 = arith.divf %broadcast_in_dim3A, %div3A_3 : vector<1x128xf32>
    %get3A_5 = arith.constant 0 : index
    %get3A_6 = arith.constant 0 : index
    %get3A_7 = vector.load %arg1[%get3A_5, %get3A_6] : memref<80x128xf32, #tpu.memory_space<vmem>>, vector<80x128xf32>
    %reduce_sum3A_8 = arith.constant dense<0.000000e+00> : vector<128xf32>
    %reduce_sum3A_9 = vector.multi_reduction <add>, %get3A_7, %reduce_sum3A_8 [0] : vector<80x128xf32> to vector<128xf32>
    %broadcast_in_dim3A_10 = vector.shape_cast %reduce_sum3A_9 : vector<128xf32> to vector<1x128xf32>
    %div3A_11 = arith.constant 8.000000e+00 : f32
    %div3A_12 = vector.broadcast %div3A_11 : f32 to vector<1x128xf32>
    %div3A_13 = arith.divf %broadcast_in_dim3A_10, %div3A_12 : vector<1x128xf32>
    %div3A_14 = arith.constant 1.000000e+04 : f32
    %div3A_15 = vector.broadcast %div3A_14 : f32 to vector<1x128xf32>
    %div3A_16 = arith.divf %div3A_4, %div3A_15 : vector<1x128xf32>
    %div3A_17 = arith.constant 3.200000e+05 : f32
    %div3A_18 = vector.broadcast %div3A_17 : f32 to vector<1x128xf32>
    %div3A_19 = arith.divf %div3A_13, %div3A_18 : vector<1x128xf32>
    %concatenate3A = tpu.concatenate %div3A_16, %div3A_19 in 1 : vector<1x128xf32>, vector<1x128xf32> -> vector<1x256xf32>
    %get3A_20 = arith.constant 0 : index
    %get3A_21 = arith.constant 0 : index
    %get3A_22 = vector.load %arg2[%get3A_20, %get3A_21] : memref<256x128xf32, #tpu.memory_space<vmem>>, vector<256x128xf32>
    %slice3A = vector.extract_strided_slice %get3A_22 {offsets = [0, 0], sizes = [256, 1], strides = [1, 1]} : vector<256x128xf32> to vector<256x1xf32>
    %squeeze3A = vector.shape_cast %slice3A : vector<256x1xf32> to vector<256xf32>
    %broadcast_in_dim3A_23 = vector.shape_cast %squeeze3A : vector<256xf32> to vector<1x256xf32>
    %mul3A = arith.mulf %concatenate3A, %broadcast_in_dim3A_23 : vector<1x256xf32>
    %reduce_sum3A_24 = vector.shape_cast %mul3A : vector<1x256xf32> to vector<1x1x256xf32>
    %reduce_sum3A_25 = arith.constant dense<0.000000e+00> : vector<1xf32>
    %reduce_sum3A_26 = vector.multi_reduction <add>, %reduce_sum3A_24, %reduce_sum3A_25 [1, 2] : vector<1x1x256xf32> to vector<1xf32>
    %reduce_sum3A_27 = vector.shape_cast %reduce_sum3A_26 : vector<1xf32> to vector<1x1x1xf32>
    %reduce_sum3A_28 = vector.extract %reduce_sum3A_27[0, 0, 0] : f32 from vector<1x1x1xf32>
    %broadcast_in_dim3A_29 = vector.broadcast %reduce_sum3A_28 : f32 to vector<8x128xf32>
    %swap3A = arith.constant 0 : index
    %swap3A_30 = arith.constant 0 : index
    %swap3A_31 = vector.load %arg3[%swap3A, %swap3A_30] : memref<8x128xf32, #tpu.memory_space<vmem>>, vector<8x128xf32>
    tpu.vector_store %arg3[%swap3A, %swap3A_30], %broadcast_in_dim3A_29 {strides = array<i32>} : memref<8x128xf32, #tpu.memory_space<vmem>>, vector<8x128xf32>,
    return
  }
}

</mosaic_0001>

<sc_bundles>
// kernel: kernel.11.cloned.1.call-start
scs
__scs_entry_jumppad:
0x0: {  	(pc) =	sbr.rel $0x88, $3  }
0x1: {  	(tag) =	ssettag $0x0;
	lr =	simm.s32 $0x1  }
0x2: {  	[smem:$0x3F8D] =	sst lr;
	_ =	strace $0xD0000000  }
0x3: {  	_ = 	snop  }
0x4: {  	_ = 	snop  }
0x5: {  	_ = 	snop  }
0x6: {  	_ = 	snop  }
0x7: {  	_ = 	snop  }
__scs_overlays_trampoline_lowered:
0x8: {  	[smem:$0x3F9C] =	sst s0  }
0x9: {  	[smem:$0x3F9D] =	sst s1  }
0xa: {  	[smem:$0x3F9E] =	sst s2  }
0xb: {  	[smem:$0x3F9F] =	sst s3  }
0xc: {  	[smem:$0x3FA0] =	sst s4  }
0xd: {  	[smem:$0x3FA1] =	sst s5  }
0xe: {  	[smem:$0x3FA2] =	sst s6  }
0xf: {  	[smem:$0x3FA3] =	sst s7  }
0x10: {  	[smem:$0x3FA4] =	sst s8  }
0x11: {  	[smem:$0x3FA5] =	sst s9;
	s0 =	simm.s32 @!p0 $0x0  }
0x12: {  	s1 =	sld [smem:$0x3F8B];
	s0 =	simm.s32 @p0 $0x1  }
0x13: {  	[smem:$0x3FA6] =	sst s0;
	s0 =	simm.s32 @!p1 $0x0  }
0x14: {  	s2 =	sld [smem:$0x3F8A];
	s0 =	simm.s32 @p1 $0x1  }
0x15: {  	[smem:$0x3FA7] =	sst s0;
	s0 =	simm.s32 @!p2 $0x0  }
0x16: {  	s3 =	sld [smem:$0x3FDB];
	s0 =	simm.s32 @p2 $0x1  }
0x17: {  	s4 =	simm.s32 $0x1BF5;
	[smem:$0x3FA9] =	sst s0  }
0x18: {  	s0 =	sld [smem:$0x3F8C];
	_ =	swait.ge [sflag:s4], $0x0  }
0x19: {  	s7 =	sld [smem:$0x3F8D]  }
0x1a: {  	s8 =	sadd.s32 $0xFFFFE003, lr  }
0x1b: {  	s9 =	sadd.s32 $0xFFFFFEF7, lr;
	s5 =	simm.s32 $0xFFFFFFFF;
	p2 =	slt.u32 s8, $0xFFFFF086  }
0x1c: {  	p1 =	slt.u32 s9, $0xF7A;
	s5 =	simm.s32 @!p2 $0x0  }
0x1d: {  	s5 =	simm.s32 @p1 $0x1;
	p0 =	seq.s32 s7, s2  }
0x1e: {  	s7 =	smul.u32 @!p0 $0xF7A, s2;
	p2 =	seq.s32 @!p0 s5, $0x0  }
0x1f: {  	s9 =	smul.u32 $0xF7A, s1;
	s8 =	simm.s32 @!p0 $0x1BF5;
	p2 =	por !p2, p0  }
0x20: {  	[sflag:s8] =	ssyncset.s32 @!p0 $0xFFFFF086;
	s6 =	sadd.s32 @!p0 s3, s7;
	s7 =	simm.s32 @!p0 $0x108  }
0x21: {  	s3 =	sadd.s32 s3, s9;
	s6 =	sadd.s32 @!p0 $0x88, s6;
	s7 =	simm.s32 @p2 $0x1082  }
0x22: {  	[simem:s7], [sflag:s8] =	dma.local @!p0 [hbm:s6], $0xF7A  }
0x23: {  	s9 =	sor.u32 $0xD0000000, s2;
	s6 =	simm.s32 $0x108;
	_ =	swait.ge @!p0 [sflag:s8], $0x0  }
0x24: {  	s3 =	sadd.s32 $0x88, s3;
	s6 =	simm.s32 @!p1 $0x1082;
	[sflag:s4] =	ssyncset.s32 $0xFFFFF086  }
0x25: {  	[simem:s6], [sflag:s4] =	dma.local [hbm:s3], $0xF7A  }
0x26: {  	[smem:$0x3F8D] =	sst s1;
	(tag) =	ssettag s2;
	_ =	strace s9  }
0x27: {  	s1 =	sld [smem:$0x3F9D]  }
0x28: {  	s2 =	sld [smem:$0x3F9E]  }
0x29: {  	s4 =	sld [smem:$0x3FA0]  }
0x2a: {  	p0 =	seq.s32 s5, $0x0;
	s5 =	sld [smem:$0x3FA1]  }
0x2b: {  	s6 =	sld [smem:$0x3FA2]  }
0x2c: {  	s7 =	sld [smem:$0x3FA3]  }
0x2d: {  	s3 =	simm.s32 $0x108;
	s8 =	sld [smem:$0x3FA4]  }
0x2e: {  	s3 =	simm.s32 @!p0 $0x1082;
	s9 =	sld [smem:$0x3FA5]  }
0x2f: {  	lr =	sadd.s32 s0, s3;
	s0 =	sld [smem:$0x3F9C]  }
0x30: {  	s3 =	sld [smem:$0x3F9F]  }
0x31: {  	[smem:$0x3FA8] =	sst s10  }
0x32: {  	s10 =	sld [smem:$0x3FA6];
	_ =	sdelay $0x3  }
0x33: {  	p0 =	seq.s32 s10, $0x1;
	s10 =	sld [smem:$0x3FA8];
	_ =	sdelay $0x3  }
0x34: {  	[smem:$0x3FA8] =	sst s10  }
0x35: {  	s10 =	sld [smem:$0x3FA7];
	_ =	sdelay $0x3  }
0x36: {  	p1 =	seq.s32 s10, $0x1;
	s10 =	sld [smem:$0x3FA8];
	_ =	sdelay $0x3  }
0x37: {  	[smem:$0x3FA8] =	sst s10  }
0x38: {  	s10 =	sld [smem:$0x3FA9]  }
0x39: {  	_ = 	snop;
	(pc) =	sbr.ind lr, $3  }
0x3a: {  	_ = 	snop  }
0x3b: {  	_ = 	snop  }
0x3c: {  	p2 =	seq.s32 s10, $0x1;
	s10 =	sld [smem:$0x3FA8]  }
0x3d: {  	_ =	shalt  }
0x3e: {  	_ =	shalt  }
0x3f: {  	_ =	shalt  }
0x40: {  	_ =	shalt  }
0x41: {  	_ =	shalt  }
0x42: {  	_ =	shalt  }
0x43: {  	_ =	shalt  }
0x44: {  	_ =	shalt  }
0x45: {  	_ =	shalt  }
0x46: {  	_ =	shalt  }
0x47: {  	_ =	shalt  }
0x48: {  	_ =	shalt  }
0x49: {  	_ =	shalt  }
0x4a: {  	_ =	shalt  }
0x4b: {  	_ =	shalt  }
0x4c: {  	_ =	shalt  }
0x4d: {  	_ =	shalt  }
0x4e: {  	_ =	shalt  }
0x4f: {  	_ =	shalt  }
0x50: {  	_ =	shalt  }
0x51: {  	_ =	shalt  }
0x52: {  	_ =	shalt  }
0x53: {  	_ =	shalt  }
0x54: {  	_ =	shalt  }
0x55: {  	_ =	shalt  }
0x56: {  	_ =	shalt  }
0x57: {  	_ =	shalt  }
0x58: {  	_ =	shalt  }
0x59: {  	_ =	shalt  }
0x5a: {  	_ =	shalt  }
0x5b: {  	_ =	shalt  }
0x5c: {  	_ =	shalt  }
0x5d: {  	_ =	shalt  }
0x5e: {  	_ =	shalt  }
0x5f: {  	_ =	shalt  }
0x60: {  	_ =	shalt  }
0x61: {  	_ =	shalt  }
0x62: {  	_ =	shalt  }
0x63: {  	_ =	shalt  }
0x64: {  	_ =	shalt  }
0x65: {  	_ =	shalt  }
0x66: {  	_ =	shalt  }
0x67: {  	_ =	shalt  }
0x68: {  	_ =	shalt  }
0x69: {  	_ =	shalt  }
0x6a: {  	_ =	shalt  }
0x6b: {  	_ =	shalt  }
0x6c: {  	_ =	shalt  }
0x6d: {  	_ =	shalt  }
0x6e: {  	_ =	shalt  }
0x6f: {  	_ =	shalt  }
0x70: {  	_ =	shalt  }
0x71: {  	_ =	shalt  }
0x72: {  	_ =	shalt  }
0x73: {  	_ =	shalt  }
0x74: {  	_ =	shalt  }
0x75: {  	_ =	shalt  }
0x76: {  	_ =	shalt  }
0x77: {  	_ =	shalt  }
0x78: {  	_ =	shalt  }
0x79: {  	_ =	shalt  }
0x7a: {  	_ =	shalt  }
0x7b: {  	_ =	shalt  }
0x7c: {  	_ =	shalt  }
0x7d: {  	_ =	shalt  }
0x7e: {  	_ =	shalt  }
0x7f: {  	_ =	shalt  }
0x80: {  	_ =	shalt  }
0x81: {  	_ =	shalt  }
0x82: {  	_ =	shalt  }
0x83: {  	_ =	shalt  }
0x84: {  	_ =	shalt  }
0x85: {  	_ =	shalt  }
0x86: {  	_ =	shalt  }
0x87: {  	_ =	shalt  }
.Lfunc_end0:
.L_simem_size_0:
called_computation_lowered:
.L_overlay_start_0:
0x88: {  	s2 =	sld [smem:$0x3FD9]  }
0x89: {  	s3 =	sld [smem:$0x3FFE];
	_ =	sdelay $0x1  }
0x8a: {  	s1 =	srdreg.scid  }
0x8b: {  	s0 =	sand.u32 $0x1, s1  }
0x8c: {  	s17 =	sshll.u32 s0, $0xA;
	s2 =	sadd.s32 s3, s2  }
0x8d: {  	s2 =	sadd.s32 s2, s17  }
0x8e: {  	[smem:$0x3FB4] =	sst s2  }
0x8f: {  	_ = 	snop  }
0x90: {  	(tm) =	ssettm $0x1  }
0x91: {  	s18 =	sld [smem:$0x3FFB];
	_ =	sdelay $0x3  }
0x92: {  	_ =	strace s18  }
0x93: {  	s2 =	sld [smem:$0x3FFC];
	_ =	sdelay $0x3  }
0x94: {  	_ =	strace s2  }
0x95: {  	s2 =	sld [smem:$0x3FFD];
	_ =	sdelay $0x3  }
0x96: {  	_ =	strace s2  }
0x97: {  	_ =	strace $0x8FFFFFFF  }
0x98: {  	s19 =	sld [smem:$0x3FDB];
	_ =	sdelay $0x1  }
0x99: {  	s20 =	simm.s32 $_scs_section_size  }
0x9a: {  	s4 =	simm.s32 $_size__tile_overlayer_lowered;
	s5 =	simm.s32 $_tile_overlayer_lowered  }
0x9b: {  	s6 =	simm.s32 $0x1BFF;
	s21 =	sshll.u32 s5, $0x1;
	s3 =	sadd.s32 s20, s19  }
0x9c: {  	s22 =	simm.s32 $0x0;
	s4 =	sshll.u32 s4, $0x1;
	s5 =	sadd.s32 s21, s3  }
0x9d: {  	[timem:s22], [sflag:s6] =	dma.local [hbm:s5], s4  }
0x9e: {  	_ =	swait.ge [sflag:s6], s4  }
0x9f: {  	s4 =	ssub.s32 $0x0, s4;
	[sflag:s6] =	ssyncset.done $0x0  }
0xa0: {  	[sflag:s6] =	ssyncadd.s32 s4;
	_ =	sdelay $0x1  }
0xa1: {  	s23 =	simm.s32 $0x1B8B  }
0xa2: {  	_ =	swait.ge [sflag:s23], $0x1  }
0xa3: {  	[sflag:s23] =	ssyncset.done $0x0  }
0xa4: {  	[sflag:s23] =	ssyncadd.s32 $0xFFFFFFFF  }
0xa5: {  	s4 =	sld [smem:$0x0]  }
0xa6: {  	s5 =	sand.u32 $0xFFFFFFFE, s1  }
0xa7: {  	p0 =	sne.s32 s1, s5  }
0xa8: {  	s5 =	sshll.u32 @p0 s5, $0xE  }
0xa9: {  	s5 =	sadd.s32 @p0 $0x11B8D, s5;
	s6 =	sshll.u32 @p0 s4, $0x11  }
0xaa: {  	s5 =	sor.u32 @p0 s6, s5  }
0xab: {  	[sflag:s5] =	ssyncadd.remote.s32 @p0 $0x1;
	_ =	sdelay $0x1  }
0xac: {  	s5 =	simm.s32 @p0 $0x1B8D  }
0xad: {  	_ =	swait.eq @p0 [sflag:s5], $0x1  }
0xae: {  	[sflag:s5] =	ssyncadd.s32 @p0 $0xFFFFFFFF  }
0xaf: {  	s6 =	sshll.u32 @!p0 s1, $0xE  }
0xb0: {  	s6 =	sor.u32 @!p0 $0x4000, s6;
	s5 =	simm.s32 @!p0 $0x1B8D  }
0xb1: {  	s4 =	sshll.u32 @!p0 s4, $0x11;
	s6 =	sadd.s32 @!p0 $0x11B8D, s6;
	_ =	swait.eq @!p0 [sflag:s5], $0x1  }
0xb2: {  	s4 =	sor.u32 @!p0 s4, s6;
	[sflag:s5] =	ssyncadd.s32 @!p0 $0xFFFFFFFF  }
0xb3: {  	s25 =	simm.s32 $0x1B8E;
	s24 =	sld [smem:$0x3FFE];
	[sflag:s4] =	ssyncadd.remote.s32 @!p0 $0x1  }
0xb4: {  	s26 =	simm.s32 $execute0_lowered;
	[smem:$0x3FD2] =	sst s25  }
0xb5: {  	s5 =	sshll.u32 s26, $0x1;
	_ =	strace $0x80000049;
	[dreg:$0x1] =	wrdreg $0xFFFFFFFF  }
0xb6: {  	s28 =	simm.s32 $_size_execute0_lowered;
	s3 =	sadd.s32 s3, s5;
	[dreg:$0x0] =	wrdreg $0x0  }
0xb7: {  	s5 =	sshll.u32 s28, $0x1;
	[dreg:$0x2] =	wrdreg s3  }
0xb8: {  	[dreg:$0x3] =	wrdreg s5  }
0xb9: {  	[dreg:$0x4] =	wrdreg $0xC0  }
0xba: {  	_ =	task [dreg:s22], $0x5FFFF  }
0xbb: {  	[dreg:$0x1] =	wrdreg $0xFFFFFFFF  }
0xbc: {  	[dreg:$0x0] =	wrdreg $0x60  }
0xbd: {  	[dreg:$0x2] =	wrdreg s24  }
0xbe: {  	[dreg:$0x3] =	wrdreg $0x40800  }
0xbf: {  	[dreg:$0x4] =	wrdreg $0x9  }
0xc0: {  	_ =	task.clear_ibuf [dreg:s22], $0x5FFFF;
	_ =	strace $0x90000049  }
0xc1: {  	s29 =	simm.s32 $0x9;
	_ =	strace $0x8000004B  }
0xc2: {  	_ =	swait.ge [sflag:s29], $0x1  }
0xc3: {  	[sflag:s29] =	ssyncadd.s32 $0xFFFFFFFF  }
0xc4: {  	_ =	strace $0x9000004B  }
0xc5: {  	_ =	sfence  }
0xc6: {  	s30 =	sld [smem:$0x0];
	_ =	sdelay $0x2  }
0xc7: {  	s31 =	sshll.u32 s1, $0xD;
	s1 =	sshrl.u32 s1, $0x2  }
0xc8: {  	s4 =	sand.u32 $0x4000, s31;
	s1 =	sadd.s32 s1, s30  }
0xc9: {  	s0 =	sor.u32 s4, s0;
	s1 =	sshll.u32 s1, $0x11  }
0xca: {  	s0 =	sor.u32 s1, s0  }
0xcb: {  	s0 =	sadd.s32 $0x8F2B, s0  }
0xcc: {  	[sflag:s0] =	ssyncadd.remote.s32 $0x1  }
0xcd: {  	_ =	sfence.sel $0xFFFF  }
0xce: {  	[dreg:$0x0] =	wrdreg $0xFFFFFFFF;
	(pc) =	sbr.abs _section_cstart, $3  }
0xcf: {  	[dreg:$0x1] =	wrdreg $0xFFFFFFFF  }
0xd0: {  	_ =	task.clear_ibuf [dreg:s22], $0x2FFFF;
	_ =	strace $0x9FFFFFFF  }
0xd1: {  	(tm) =	ssettm $0x7FFFFFFF  }
tec
execute0_lowered:
.L_overlay_start_1:
0x0: {  	(tag) =	ssettag $0x1  }
0x1: {  	s5 =	rddreg [dreg:$0x0]  }
0x2: {  	s2 =	rddreg [dreg:$0x1]  }
0x3: {  	s0 =	rddreg [dreg:$0x2];
	s3 =	simm.s32 $0x0  }
0x4: {  	s1 =	stileid.u32;
	s6 =	srdreg.scid;
	s15 =	simm.s32 $0x80  }
0x5: {  	s16 =	simm.s32 $0x1;
	[smem:$0x7FF] =	sst s3;
	s7 =	smul.u32 $0x4F000, s1  }
0x6: {  	s4 =	sshll.u32 s1, $0x5;
	s17 =	sand.u32 $0x1, s6;
	s11 =	smul.u32 $0x2780, s1  }
0x7: {  	_ =	strace $0x8000004A;
	s14 =	sadd.s32 s4, s5;
	s4 =	sadd.s32 $0x1E5800, s5  }
.Ltmp0:
0x8: {  	s8 =	ssub.s32 $0x2, s17;
	s5 =	sadd.s32 $0x20D000, s5;
	(pc) =	sbr.rel .LBB2_1-.Ltmp0, $4  }
0x9: {  	p0 =	sne.s32 s17, $0x0;
	s30 =	sshrl.u32 s7, $0x2;
	s31 =	sshrl.u32 s8, $0x1  }
0xa: {  	s13 =	sadd.s32 $0x1DBA00, s14;
	s14 =	sadd.s32 $0x1DBA10, s14;
	s6 =	sadd.s32 s30, s2  }
0xb: {  	v0 =	vimm.f32 $0.0e+00;
	vm0 =	vcmask $0x300;
	s12 =	ssub.s32 s8, s31;
	s7 =	sadd.s32 $0x4000, s6;
	s8 =	sadd.s32 $0x8000, s6  }
0xc: {  	v1 =	vsel vm0, $0x3F800000, v0;
	s9 =	sadd.s32 $0xC000, s6;
	s10 =	sadd.s32 $0x10000, s6;
	s12 =	smax.u32 s12, $0x1  }
.LBB2_11:
0xd: {  	s17 =	simm.s32 @!p1 $0x0;
	s20 =	simm.s32 @!p1 $0x2;
	[sflag:s19] =	ssyncadd.s32 @!p2 $0xFFFFC000  }
0xe: {  	[tilespmem:s17], [sflag:$0x2] =	stream.linear.gather @!p1 [hbm4b:s18+s17], $0x80, $0x38;
	[tilespmem:$0x17C80] =	vst v63  }
0xf: {  	_ =	swait.ge @!p1 [sflag:s20], $0x80  }
0x10: {  	[sflag:s20] =	ssyncset.done @!p1 $0x0  }
0x11: {  	s19 =	simm.s32 @!p1 $0x1;
	s18 =	simm.s32 @!p1 $0x80;
	[sflag:s20] =	ssyncadd.s32 @!p1 $0xFFFFFF80  }
0x12: {  	[spmem:s2] =	stream.indirect.scatter.add.f32 @!p1 [tilespmem:s18], [sflag:$0x1], $0x80, s17, s18, $0xb8;
	[tilespmem:$0x17C80] =	vst v63  }
0x13: {  	_ =	swait.ge @!p1 [sflag:s19], $0x4000;
	p1 =	por p1, p1  }
0x14: {  	[sflag:s19] =	ssyncset.done @!p1 $0x0  }
0x15: {  	s17 =	smov.u32 s5;
	[sflag:s19] =	ssyncadd.s32 @!p1 $0xFFFFC000  }
.LBB2_12:
0x16: {  	s17 =	sadd.s32 s17, s11;
	s3 =	sadd.s32 $0x1, s3  }
0x17: {  	s18 =	sshll.u32 s1, $0x6;
	[bflag:$0x0] =	sbarrier.arrive $0xFFFF;
	p1 =	sne.s32 s3, s12  }
.Ltmp1:
0x18: {  	s19 =	sshrl.u32 s6, $0x3;
	s18 =	sor.u32 $0x1C01, s18;
	(pc) =	sbr.rel @!p1 .LBB2_13-.Ltmp1, $4  }
0x19: {  	[hbm:s17], [sflag:s18] =	dma.local [spmem:s19], $0x2780  }
0x1a: {  	_ =	swait.ge [sflag:s16], $0x2780  }
0x1b: {  	[sflag:s16] =	ssyncset.done $0x0  }
0x1c: {  	[sflag:s16] =	ssyncadd.s32 $0xFFFFD880  }
.LBB2_1:
0x1d: {  	s17 =	simm.s32 $0x0;
	s18 =	simm.s32 $0x200  }
.LBB2_2:
0x1e: {  	p1 =	sne.s32 s18, $0xFE00;
	[tilespmem:s17+$0xF0] =	vst v0  }
0x1f: {  	[tilespmem:s17+$0x80] =	vst v0  }
0x20: {  	[tilespmem:s17+$0x90] =	vst v0  }
.Ltmp2:
0x21: {  	[tilespmem:s17+$0xA0] =	vst v0;
	(pc) =	sbr.rel @p1 .LBB2_2-.Ltmp2, $4  }
0x22: {  	[tilespmem:s17+$0xB0] =	vst v0  }
0x23: {  	[tilespmem:s17+$0xC0] =	vst v0  }
0x24: {  	[tilespmem:s17+$0xD0] =	vst v0  }
0x25: {  	[tilespmem:s17+$0xE0] =	vst v0;
	s17 =	sshra.s32 s18, $0x2;
	s18 =	sadd.s32 $0x200, s18  }
0x26: {  	[tilespmem:s17+$0xF0] =	vst v0  }
0x27: {  	[tilespmem:s17+$0x80] =	vst v0  }
0x28: {  	[tilespmem:s17+$0x90] =	vst v0  }
0x29: {  	[tilespmem:s17+$0xA0] =	vst v0  }
0x2a: {  	[tilespmem:s17+$0xB0] =	vst v0  }
0x2b: {  	[tilespmem:s17+$0xC0] =	vst v0  }
0x2c: {  	[tilespmem:s17+$0xD0] =	vst v0  }
0x2d: {  	[tilespmem:s17+$0xE0] =	vst v0  }
0x2e: {  	[spmem:s6] =	stream.linear.scatter [tilespmem:s15], [sflag:$0x1], $0x4000, $0x38;
	[tilespmem:$0x17C80] =	vst v63  }
0x2f: {  	_ =	swait.ge [sflag:s16], $0x4000  }
0x30: {  	[sflag:s16] =	ssyncset.done $0x0  }
0x31: {  	[sflag:s16] =	ssyncadd.s32 $0xFFFFC000  }
0x32: {  	[spmem:s7] =	stream.linear.scatter [tilespmem:s15], [sflag:$0x1], $0x4000, $0x38;
	[tilespmem:$0x17C80] =	vst v63  }
0x33: {  	_ =	swait.ge [sflag:s16], $0x4000  }
0x34: {  	[sflag:s16] =	ssyncset.done $0x0  }
0x35: {  	[sflag:s16] =	ssyncadd.s32 $0xFFFFC000  }
0x36: {  	[spmem:s8] =	stream.linear.scatter [tilespmem:s15], [sflag:$0x1], $0x4000, $0x38;
	[tilespmem:$0x17C80] =	vst v63  }
0x37: {  	_ =	swait.ge [sflag:s16], $0x4000  }
0x38: {  	[sflag:s16] =	ssyncset.done $0x0  }
0x39: {  	[sflag:s16] =	ssyncadd.s32 $0xFFFFC000  }
0x3a: {  	[spmem:s9] =	stream.linear.scatter [tilespmem:s15], [sflag:$0x1], $0x4000, $0x38;
	[tilespmem:$0x17C80] =	vst v63  }
0x3b: {  	_ =	swait.ge [sflag:s16], $0x4000  }
0x3c: {  	[sflag:s16] =	ssyncset.done $0x0  }
0x3d: {  	[sflag:s16] =	ssyncadd.s32 $0xFFFFC000  }
0x3e: {  	[spmem:s10] =	stream.linear.scatter [tilespmem:s15], [sflag:$0x1], $0x3C00, $0x38;
	[tilespmem:$0x17C80] =	vst v63  }
0x3f: {  	_ =	swait.ge [sflag:s16], $0x3C00  }
0x40: {  	[sflag:s16] =	ssyncset.done $0x0  }
0x41: {  	s17 =	simm.s32 $0x200;
	s18 =	simm.s32 $0x0;
	[sflag:s16] =	ssyncadd.s32 $0xFFFFC400  }
.LBB2_4:
0x42: {  	p1 =	sne.s32 s17, $0xFE00;
	[tilespmem:s18+$0x80] =	vst v1;
	s18 =	smov.u32 s17;
	s17 =	sadd.s32 $0x200, s17  }
.Ltmp3:
0x43: {  	(pc) =	sbr.rel @p1 .LBB2_4-.Ltmp3, $2  }
0x44: {  	_ =	sdelay $0x2  }
0x45: {  	s18 =	sshra.s32 s18, $0x2  }
.Ltmp4:
0x46: {  	(pc) =	sbr.rel @p0 .LBB2_9-.Ltmp4, $4  }
0x47: {  	_ = 	snop  }
0x48: {  	[tilespmem:s18+$0x80] =	vst v1  }
0x49: {  	s17 =	sadd.s32 $0x0, s1;
	[bflag:$0x0] =	sbarrier.arrive $0xFFFF  }
0x4a: {  	p1 =	sgt.u32 s17, $0x4E1  }
0x4b: {  	s18 =	simm.s32 @!p1 $0x0;
	s19 =	simm.s32 @!p1 $0x2  }
0x4c: {  	[tilespmem:s18], [sflag:$0x2] =	stream.linear.gather @!p1 [hbm4b:s13+s18], $0x80, $0x38;
	[tilespmem:$0x17C80] =	vst v63  }
0x4d: {  	_ =	swait.ge @!p1 [sflag:s19], $0x80  }
0x4e: {  	s17 =	simm.s32 $0x20;
	[sflag:s19] =	ssyncset.done @!p1 $0x0  }
0x4f: {  	s20 =	simm.s32 @!p1 $0x80;
	[sflag:s19] =	ssyncadd.s32 @!p1 $0xFFFFFF80;
	s19 =	simm.s32 @!p1 $0x1  }
0x50: {  	[spmem:s2] =	stream.indirect.scatter.add.f32 @!p1 [tilespmem:s20], [sflag:$0x1], $0x80, s18, s20, $0xb8;
	[tilespmem:$0x17C80] =	vst v63  }
0x51: {  	s31 =	sadd.s32 $0x10, s1;
	p2 =	por p1, p1;
	_ =	swait.ge @!p1 [sflag:s19], $0x4000  }
0x52: {  	s18 =	sadd.s32 $0x200, s13;
	p1 =	sgt.u32 s31, $0x4E1;
	[sflag:s19] =	ssyncset.done @!p2 $0x0  }
.LBB2_7:
0x53: {  	s20 =	simm.s32 @!p1 $0x0;
	s21 =	simm.s32 @!p1 $0x2  }
0x54: {  	[sflag:s19] =	ssyncadd.s32 @!p2 $0xFFFFC000;
	s22 =	smov.u32 s17;
	s17 =	sadd.s32 $0x10, s17  }
0x55: {  	[tilespmem:s20], [sflag:$0x2] =	stream.linear.gather @!p1 [hbm4b:s18+s20], $0x80, $0x38;
	[tilespmem:$0x17C80] =	vst v63  }
0x56: {  	p3 =	seq.s32 s17, $0x4F0;
	_ =	swait.ge @!p1 [sflag:s21], $0x80  }
.Ltmp5:
0x57: {  	[sflag:s21] =	ssyncset.done @!p1 $0x0;
	(pc) =	sbr.rel @!p3 .LBB2_7-.Ltmp5, $4  }
0x58: {  	s19 =	simm.s32 @!p1 $0x1;
	[sflag:s21] =	ssyncadd.s32 @!p1 $0xFFFFFF80;
	s21 =	simm.s32 @!p1 $0x80  }
0x59: {  	[spmem:s2] =	stream.indirect.scatter.add.f32 @!p1 [tilespmem:s21], [sflag:$0x1], $0x80, s20, s21, $0xb8;
	[tilespmem:$0x17C80] =	vst v63  }
0x5a: {  	p2 =	por p1, p1;
	s20 =	sadd.s32 s22, s1;
	_ =	swait.ge @!p1 [sflag:s19], $0x4000  }
0x5b: {  	s18 =	sadd.s32 $0x200, s18;
	p1 =	sgt.u32 s20, $0x4E1;
	[sflag:s19] =	ssyncset.done @!p2 $0x0  }
0x5c: {  	s17 =	simm.s32 @!p1 $0x0;
	s20 =	simm.s32 @!p1 $0x2;
	[sflag:s19] =	ssyncadd.s32 @!p2 $0xFFFFC000  }
0x5d: {  	[tilespmem:s17], [sflag:$0x2] =	stream.linear.gather @!p1 [hbm4b:s18+s17], $0x80, $0x38;
	[tilespmem:$0x17C80] =	vst v63  }
0x5e: {  	_ =	swait.ge @!p1 [sflag:s20], $0x80  }
0x5f: {  	s19 =	simm.s32 @!p1 $0x1;
	[sflag:s20] =	ssyncset.done @!p1 $0x0  }
.Ltmp6:
0x60: {  	s18 =	simm.s32 @!p1 $0x80;
	[sflag:s20] =	ssyncadd.s32 @!p1 $0xFFFFFF80;
	(pc) =	sbr.rel .LBB2_12-.Ltmp6, $4  }
0x61: {  	[spmem:s2] =	stream.indirect.scatter.add.f32 @!p1 [tilespmem:s18], [sflag:$0x1], $0x80, s17, s18, $0xb8;
	[tilespmem:$0x17C80] =	vst v63  }
0x62: {  	_ =	swait.ge @!p1 [sflag:s19], $0x4000;
	p1 =	por p1, p1  }
0x63: {  	[sflag:s19] =	ssyncset.done @!p1 $0x0  }
0x64: {  	s17 =	smov.u32 s4;
	[sflag:s19] =	ssyncadd.s32 @!p1 $0xFFFFC000  }
.LBB2_9:
0x65: {  	s18 =	simm.s32 @!p1 $0x0;
	s19 =	simm.s32 @!p1 $0x2  }
0x66: {  	[tilespmem:s18], [sflag:$0x2] =	stream.linear.gather @!p1 [hbm4b:s14+s18], $0x80, $0x38;
	[tilespmem:$0x17C80] =	vst v63  }
0x67: {  	_ =	swait.ge @!p1 [sflag:s19], $0x80  }
0x68: {  	s17 =	simm.s32 $0x20;
	[sflag:s19] =	ssyncset.done @!p1 $0x0  }
0x69: {  	s20 =	simm.s32 @!p1 $0x80;
	[sflag:s19] =	ssyncadd.s32 @!p1 $0xFFFFFF80;
	s19 =	simm.s32 @!p1 $0x1  }
0x6a: {  	[spmem:s2] =	stream.indirect.scatter.add.f32 @!p1 [tilespmem:s20], [sflag:$0x1], $0x80, s18, s20, $0xb8;
	[tilespmem:$0x17C80] =	vst v63  }
0x6b: {  	s31 =	sadd.s32 $0x10, s1;
	p2 =	por p1, p1;
	_ =	swait.ge @!p1 [sflag:s19], $0x4000  }
0x6c: {  	s18 =	sadd.s32 $0x200, s14;
	p1 =	sgt.u32 s31, $0x4E1;
	[sflag:s19] =	ssyncset.done @!p2 $0x0  }
.LBB2_10:
0x6d: {  	s20 =	simm.s32 @!p1 $0x0;
	s21 =	simm.s32 @!p1 $0x2  }
0x6e: {  	[sflag:s19] =	ssyncadd.s32 @!p2 $0xFFFFC000;
	s22 =	smov.u32 s17;
	s17 =	sadd.s32 $0x10, s17  }
0x6f: {  	[tilespmem:s20], [sflag:$0x2] =	stream.linear.gather @!p1 [hbm4b:s18+s20], $0x80, $0x38;
	[tilespmem:$0x17C80] =	vst v63  }
0x70: {  	p3 =	sne.s32 s17, $0x4F0;
	_ =	swait.ge @!p1 [sflag:s21], $0x80  }
.Ltmp7:
0x71: {  	[sflag:s21] =	ssyncset.done @!p1 $0x0;
	(pc) =	sbr.rel @p3 .LBB2_10-.Ltmp7, $4  }
0x72: {  	s19 =	simm.s32 @!p1 $0x1;
	[sflag:s21] =	ssyncadd.s32 @!p1 $0xFFFFFF80;
	s21 =	simm.s32 @!p1 $0x80  }
0x73: {  	[spmem:s2] =	stream.indirect.scatter.add.f32 @!p1 [tilespmem:s21], [sflag:$0x1], $0x80, s20, s21, $0xb8;
	[tilespmem:$0x17C80] =	vst v63  }
0x74: {  	p2 =	por p1, p1;
	s20 =	sadd.s32 s22, s1;
	_ =	swait.ge @!p1 [sflag:s19], $0x4000  }
0x75: {  	s18 =	sadd.s32 $0x200, s18;
	p1 =	sgt.u32 s20, $0x4E1;
	[sflag:s19] =	ssyncset.done @!p2 $0x0  }
.Ltmp8:
0x76: {  	_ = 	snop;
	(pc) =	sbr.rel .LBB2_11-.Ltmp8, $1  }
0x77: {  	_ =	sdelay $0x3  }
.LBB2_13:
0x78: {  	_ =	sfence.sel $0x180000  }
0x79: {  	[bflag:$0x0] =	sbarrier.arrive $0xFFFF  }
0x7a: {  	p0 =	sne.s32 s1, $0x0;
	_ =	strace $0x9000004A  }
0x7b: {  	s0 =	sadd.s32 @!p0 $0x100000, s0;
	[bflag:$0x2] =	sbarrier.arrive $0xFFFF  }
0x7c: {  	[sflag:s0] =	ssyncadd.tile.s32 @!p0 $0x1;
	_ =	shalt  }
.Lfunc_end2:
_tile_overlayer_lowered:
.L_overlay_start_2:
0x7d: {  	(tag) =	ssettag $0x2  }
0x7e: {  	s0 =	rddreg [dreg:$0x0];
	s2 =	stileid.u32  }
0x7f: {  	s1 =	rddreg [dreg:$0x1];
	p0 =	sne.s32 s2, $0x0  }
0x80: {  	s3 =	rddreg [dreg:$0x2];
	[bflag:$0x3] =	sbarrier.arrive $0xFFFF;
	s2 =	simm.s32 @!p0 $0x1C01  }
0x81: {  	[timem:s3], [sflag:s2] =	dma.local @!p0 [hbm:s0], s1  }
0x82: {  	s0 =	simm.s32 @!p0 $0x1  }
0x83: {  	_ =	swait.ge @!p0 [sflag:s0], s1  }
0x84: {  	s1 =	ssub.s32 @!p0 $0x0, s1;
	[sflag:s0] =	ssyncset.done @!p0 $0x0  }
0x85: {  	[sflag:s0] =	ssyncadd.s32 @!p0 s1  }
0x86: {  	[bflag:$0x3] =	sbarrier.arrive $0xFFFF  }
0x87: {  	_ =	shalt  }

// kernel: kernel.14.cloned.1.call-start
scs
__scs_entry_jumppad:
0x0: {  	(pc) =	sbr.rel $0x88, $3  }
0x1: {  	(tag) =	ssettag $0x0;
	lr =	simm.s32 $0x1  }
0x2: {  	[smem:$0x3F8D] =	sst lr;
	_ =	strace $0xD0000000  }
0x3: {  	_ = 	snop  }
0x4: {  	_ = 	snop  }
0x5: {  	_ = 	snop  }
0x6: {  	_ = 	snop  }
0x7: {  	_ = 	snop  }
__scs_overlays_trampoline_lowered:
0x8: {  	[smem:$0x3F9C] =	sst s0  }
0x9: {  	[smem:$0x3F9D] =	sst s1  }
0xa: {  	[smem:$0x3F9E] =	sst s2  }
0xb: {  	[smem:$0x3F9F] =	sst s3  }
0xc: {  	[smem:$0x3FA0] =	sst s4  }
0xd: {  	[smem:$0x3FA1] =	sst s5  }
0xe: {  	[smem:$0x3FA2] =	sst s6  }
0xf: {  	[smem:$0x3FA3] =	sst s7  }
0x10: {  	[smem:$0x3FA4] =	sst s8  }
0x11: {  	[smem:$0x3FA5] =	sst s9;
	s0 =	simm.s32 @!p0 $0x0  }
0x12: {  	s1 =	sld [smem:$0x3F8B];
	s0 =	simm.s32 @p0 $0x1  }
0x13: {  	[smem:$0x3FA6] =	sst s0;
	s0 =	simm.s32 @!p1 $0x0  }
0x14: {  	s2 =	sld [smem:$0x3F8A];
	s0 =	simm.s32 @p1 $0x1  }
0x15: {  	[smem:$0x3FA7] =	sst s0;
	s0 =	simm.s32 @!p2 $0x0  }
0x16: {  	s3 =	sld [smem:$0x3FDB];
	s0 =	simm.s32 @p2 $0x1  }
0x17: {  	s4 =	simm.s32 $0x1BF5;
	[smem:$0x3FA9] =	sst s0  }
0x18: {  	s0 =	sld [smem:$0x3F8C];
	_ =	swait.ge [sflag:s4], $0x0  }
0x19: {  	s7 =	sld [smem:$0x3F8D]  }
0x1a: {  	s8 =	sadd.s32 $0xFFFFE003, lr  }
0x1b: {  	s9 =	sadd.s32 $0xFFFFFEF7, lr;
	s5 =	simm.s32 $0xFFFFFFFF;
	p2 =	slt.u32 s8, $0xFFFFF086  }
0x1c: {  	p1 =	slt.u32 s9, $0xF7A;
	s5 =	simm.s32 @!p2 $0x0  }
0x1d: {  	s5 =	simm.s32 @p1 $0x1;
	p0 =	seq.s32 s7, s2  }
0x1e: {  	s7 =	smul.u32 @!p0 $0xF7A, s2;
	p2 =	seq.s32 @!p0 s5, $0x0  }
0x1f: {  	s9 =	smul.u32 $0xF7A, s1;
	s8 =	simm.s32 @!p0 $0x1BF5;
	p2 =	por !p2, p0  }
0x20: {  	[sflag:s8] =	ssyncset.s32 @!p0 $0xFFFFF086;
	s6 =	sadd.s32 @!p0 s3, s7;
	s7 =	simm.s32 @!p0 $0x108  }
0x21: {  	s3 =	sadd.s32 s3, s9;
	s6 =	sadd.s32 @!p0 $0x88, s6;
	s7 =	simm.s32 @p2 $0x1082  }
0x22: {  	[simem:s7], [sflag:s8] =	dma.local @!p0 [hbm:s6], $0xF7A  }
0x23: {  	s9 =	sor.u32 $0xD0000000, s2;
	s6 =	simm.s32 $0x108;
	_ =	swait.ge @!p0 [sflag:s8], $0x0  }
0x24: {  	s3 =	sadd.s32 $0x88, s3;
	s6 =	simm.s32 @!p1 $0x1082;
	[sflag:s4] =	ssyncset.s32 $0xFFFFF086  }
0x25: {  	[simem:s6], [sflag:s4] =	dma.local [hbm:s3], $0xF7A  }
0x26: {  	[smem:$0x3F8D] =	sst s1;
	(tag) =	ssettag s2;
	_ =	strace s9  }
0x27: {  	s1 =	sld [smem:$0x3F9D]  }
0x28: {  	s2 =	sld [smem:$0x3F9E]  }
0x29: {  	s4 =	sld [smem:$0x3FA0]  }
0x2a: {  	p0 =	seq.s32 s5, $0x0;
	s5 =	sld [smem:$0x3FA1]  }
0x2b: {  	s6 =	sld [smem:$0x3FA2]  }
0x2c: {  	s7 =	sld [smem:$0x3FA3]  }
0x2d: {  	s3 =	simm.s32 $0x108;
	s8 =	sld [smem:$0x3FA4]  }
0x2e: {  	s3 =	simm.s32 @!p0 $0x1082;
	s9 =	sld [smem:$0x3FA5]  }
0x2f: {  	lr =	sadd.s32 s0, s3;
	s0 =	sld [smem:$0x3F9C]  }
0x30: {  	s3 =	sld [smem:$0x3F9F]  }
0x31: {  	[smem:$0x3FA8] =	sst s10  }
0x32: {  	s10 =	sld [smem:$0x3FA6];
	_ =	sdelay $0x3  }
0x33: {  	p0 =	seq.s32 s10, $0x1;
	s10 =	sld [smem:$0x3FA8];
	_ =	sdelay $0x3  }
0x34: {  	[smem:$0x3FA8] =	sst s10  }
0x35: {  	s10 =	sld [smem:$0x3FA7];
	_ =	sdelay $0x3  }
0x36: {  	p1 =	seq.s32 s10, $0x1;
	s10 =	sld [smem:$0x3FA8];
	_ =	sdelay $0x3  }
0x37: {  	[smem:$0x3FA8] =	sst s10  }
0x38: {  	s10 =	sld [smem:$0x3FA9]  }
0x39: {  	_ = 	snop;
	(pc) =	sbr.ind lr, $3  }
0x3a: {  	_ = 	snop  }
0x3b: {  	_ = 	snop  }
0x3c: {  	p2 =	seq.s32 s10, $0x1;
	s10 =	sld [smem:$0x3FA8]  }
0x3d: {  	_ =	shalt  }
0x3e: {  	_ =	shalt  }
0x3f: {  	_ =	shalt  }
0x40: {  	_ =	shalt  }
0x41: {  	_ =	shalt  }
0x42: {  	_ =	shalt  }
0x43: {  	_ =	shalt  }
0x44: {  	_ =	shalt  }
0x45: {  	_ =	shalt  }
0x46: {  	_ =	shalt  }
0x47: {  	_ =	shalt  }
0x48: {  	_ =	shalt  }
0x49: {  	_ =	shalt  }
0x4a: {  	_ =	shalt  }
0x4b: {  	_ =	shalt  }
0x4c: {  	_ =	shalt  }
0x4d: {  	_ =	shalt  }
0x4e: {  	_ =	shalt  }
0x4f: {  	_ =	shalt  }
0x50: {  	_ =	shalt  }
0x51: {  	_ =	shalt  }
0x52: {  	_ =	shalt  }
0x53: {  	_ =	shalt  }
0x54: {  	_ =	shalt  }
0x55: {  	_ =	shalt  }
0x56: {  	_ =	shalt  }
0x57: {  	_ =	shalt  }
0x58: {  	_ =	shalt  }
0x59: {  	_ =	shalt  }
0x5a: {  	_ =	shalt  }
0x5b: {  	_ =	shalt  }
0x5c: {  	_ =	shalt  }
0x5d: {  	_ =	shalt  }
0x5e: {  	_ =	shalt  }
0x5f: {  	_ =	shalt  }
0x60: {  	_ =	shalt  }
0x61: {  	_ =	shalt  }
0x62: {  	_ =	shalt  }
0x63: {  	_ =	shalt  }
0x64: {  	_ =	shalt  }
0x65: {  	_ =	shalt  }
0x66: {  	_ =	shalt  }
0x67: {  	_ =	shalt  }
0x68: {  	_ =	shalt  }
0x69: {  	_ =	shalt  }
0x6a: {  	_ =	shalt  }
0x6b: {  	_ =	shalt  }
0x6c: {  	_ =	shalt  }
0x6d: {  	_ =	shalt  }
0x6e: {  	_ =	shalt  }
0x6f: {  	_ =	shalt  }
0x70: {  	_ =	shalt  }
0x71: {  	_ =	shalt  }
0x72: {  	_ =	shalt  }
0x73: {  	_ =	shalt  }
0x74: {  	_ =	shalt  }
0x75: {  	_ =	shalt  }
0x76: {  	_ =	shalt  }
0x77: {  	_ =	shalt  }
0x78: {  	_ =	shalt  }
0x79: {  	_ =	shalt  }
0x7a: {  	_ =	shalt  }
0x7b: {  	_ =	shalt  }
0x7c: {  	_ =	shalt  }
0x7d: {  	_ =	shalt  }
0x7e: {  	_ =	shalt  }
0x7f: {  	_ =	shalt  }
0x80: {  	_ =	shalt  }
0x81: {  	_ =	shalt  }
0x82: {  	_ =	shalt  }
0x83: {  	_ =	shalt  }
0x84: {  	_ =	shalt  }
0x85: {  	_ =	shalt  }
0x86: {  	_ =	shalt  }
0x87: {  	_ =	shalt  }
.Lfunc_end0:
.L_simem_size_0:
called_computation.1_lowered:
.L_overlay_start_0:
0x88: {  	s2 =	sld [smem:$0x3FD9]  }
0x89: {  	s3 =	sld [smem:$0x3FFE];
	_ =	sdelay $0x1  }
0x8a: {  	s1 =	srdreg.scid  }
0x8b: {  	s0 =	sand.u32 $0x1, s1  }
0x8c: {  	s17 =	sshll.u32 s0, $0xA;
	s2 =	sadd.s32 s3, s2  }
0x8d: {  	s2 =	sadd.s32 s2, s17  }
0x8e: {  	[smem:$0x3FB4] =	sst s2  }
0x8f: {  	_ = 	snop  }
0x90: {  	s2 =	sld [smem:$0x3FC8];
	(tm) =	ssettm $0x1  }
0x91: {  	s18 =	sld [smem:$0x3FFB];
	_ =	sdelay $0x3  }
0x92: {  	_ =	strace s18  }
0x93: {  	s3 =	sld [smem:$0x3FFC];
	_ =	sdelay $0x3  }
0x94: {  	_ =	strace s3  }
0x95: {  	s3 =	sld [smem:$0x3FFD];
	_ =	sdelay $0x3  }
0x96: {  	_ =	strace s3  }
0x97: {  	_ =	strace $0x8FFFFFFF  }
0x98: {  	s19 =	sld [smem:$0x3FDB];
	_ =	sdelay $0x1  }
0x99: {  	s4 =	simm.s32 $_scs_section_size  }
0x9a: {  	s5 =	simm.s32 $_size__tile_overlayer_lowered;
	s6 =	simm.s32 $_tile_overlayer_lowered  }
0x9b: {  	s22 =	simm.s32 $0x1BFF;
	s21 =	sshll.u32 s6, $0x1;
	s3 =	sadd.s32 s4, s19  }
0x9c: {  	s7 =	simm.s32 $0x0;
	s20 =	sshll.u32 s5, $0x1;
	s5 =	sadd.s32 s21, s3  }
0x9d: {  	[timem:s7], [sflag:s22] =	dma.local [hbm:s5], s20  }
0x9e: {  	_ =	swait.ge [sflag:s22], s20  }
0x9f: {  	s4 =	ssub.s32 $0x0, s20;
	[sflag:s22] =	ssyncset.done $0x0  }
0xa0: {  	[sflag:s22] =	ssyncadd.s32 s4;
	_ =	sdelay $0x1  }
0xa1: {  	s23 =	simm.s32 $0x1B8B  }
0xa2: {  	_ =	swait.ge [sflag:s23], $0x1  }
0xa3: {  	[sflag:s23] =	ssyncset.done $0x0  }
0xa4: {  	s25 =	simm.s32 $0x1B8E;
	s24 =	sld [smem:$0x3FFE];
	[sflag:s23] =	ssyncadd.s32 $0xFFFFFFFF  }
0xa5: {  	s26 =	simm.s32 $execute0_lowered;
	[smem:$0x3FD2] =	sst s25  }
0xa6: {  	s5 =	sshll.u32 s26, $0x1;
	_ =	strace $0x80000046;
	[dreg:$0x1] =	wrdreg $0xFFFFFFFF  }
0xa7: {  	s28 =	simm.s32 $_size_execute0_lowered;
	s3 =	sadd.s32 s3, s5;
	[dreg:$0x0] =	wrdreg $0x0  }
0xa8: {  	s5 =	sshll.u32 s28, $0x1;
	[dreg:$0x2] =	wrdreg s3  }
0xa9: {  	[dreg:$0x3] =	wrdreg s5  }
0xaa: {  	[dreg:$0x4] =	wrdreg $0xC0  }
0xab: {  	_ =	task [dreg:s7], $0x5FFFF  }
0xac: {  	[dreg:$0x1] =	wrdreg $0xFFFFFFFF  }
0xad: {  	[dreg:$0x0] =	wrdreg $0x60  }
0xae: {  	[dreg:$0x2] =	wrdreg s2  }
0xaf: {  	[dreg:$0x3] =	wrdreg s24  }
0xb0: {  	[dreg:$0x4] =	wrdreg $0xC1000  }
0xb1: {  	[dreg:$0x5] =	wrdreg $0xA  }
0xb2: {  	_ =	task.clear_ibuf [dreg:s7], $0x6FFFF;
	_ =	strace $0x90000046  }
0xb3: {  	s29 =	simm.s32 $0xA;
	_ =	strace $0x80000048  }
0xb4: {  	_ =	swait.ge [sflag:s29], $0x1  }
0xb5: {  	[sflag:s29] =	ssyncadd.s32 $0xFFFFFFFF  }
0xb6: {  	_ =	strace $0x90000048  }
0xb7: {  	_ =	sfence  }
0xb8: {  	s30 =	sld [smem:$0x0];
	_ =	sdelay $0x2  }
0xb9: {  	s31 =	sshll.u32 s1, $0xD;
	s1 =	sshrl.u32 s1, $0x2  }
0xba: {  	s3 =	sand.u32 $0x4000, s31;
	s1 =	sadd.s32 s1, s30  }
0xbb: {  	s0 =	sor.u32 s3, s0;
	s1 =	sshll.u32 s1, $0x11  }
0xbc: {  	s0 =	sor.u32 s1, s0  }
0xbd: {  	s0 =	sadd.s32 $0x8F2B, s0  }
0xbe: {  	[sflag:s0] =	ssyncadd.remote.s32 $0x1  }
0xbf: {  	_ =	sfence.sel $0xFFFF  }
0xc0: {  	[dreg:$0x0] =	wrdreg $0xFFFFFFFF;
	(pc) =	sbr.abs _section_cstart, $3  }
0xc1: {  	[dreg:$0x1] =	wrdreg $0xFFFFFFFF  }
0xc2: {  	_ =	task.clear_ibuf [dreg:s7], $0x2FFFF;
	_ =	strace $0x9FFFFFFF  }
0xc3: {  	(tm) =	ssettm $0x7FFFFFFF  }
tec
execute0_lowered:
.L_overlay_start_1:
0x0: {  	(tag) =	ssettag $0x1  }
0x1: {  	s1 =	rddreg [dreg:$0x0]  }
0x2: {  	s0 =	rddreg [dreg:$0x1]  }
0x3: {  	s2 =	rddreg [dreg:$0x2];
	s3 =	simm.s32 $0x0;
	s4 =	stileid.u32  }
0x4: {  	s10 =	srdreg.scid;
	s20 =	simm.s32 $0x100;
	s21 =	simm.s32 $0x1  }
0x5: {  	s22 =	simm.s32 $0x2;
	s24 =	simm.s32 $0x4100;
	s25 =	simm.s32 $0x8100  }
0x6: {  	s23 =	simm.s32 $0x80;
	s5 =	sadd.s32 $0x165800, s0;
	s6 =	sadd.s32 $0x13E600, s0  }
0x7: {  	[smem:$0x7FF] =	sst s3;
	s7 =	sadd.s32 $0x117400, s0;
	s11 =	smul.u32 $0x4F000, s4  }
0x8: {  	s9 =	sadd.s32 $0x66EA00, s0;
	s12 =	sand.u32 $0x1, s10;
	s10 =	sadd.s32 $0x1032A00, s0  }
0x9: {  	s8 =	sadd.s32 $0xF0200, s0;
	s16 =	smul.u32 $0x13C00, s4;
	s0 =	sadd.s32 $0x18CA00, s0  }
0xa: {  	s26 =	simm.s32 $0x0;
	s31 =	smul.u32 $0x2780, s4;
	_ =	strace $0x80000047  }
0xb: {  	s13 =	ssub.s32 $0x2, s12;
	[dreg:$0x4] =	wrdreg s0;
	p0 =	sne.s32 s12, $0x0  }
.Ltmp0:
0xc: {  	s11 =	sshrl.u32 s11, $0x2;
	s14 =	sshrl.u32 s13, $0x1;
	(pc) =	sbr.rel .LBB2_1-.Ltmp0, $4  }
0xd: {  	s30 =	sshrl.u32 s16, $0x3;
	[dreg:$0x7] =	wrdreg s31;
	s11 =	sadd.s32 s11, s2  }
0xe: {  	s28 =	ssub.s32 s13, s14;
	s13 =	sadd.s32 $0x27800, s30;
	s29 =	sadd.s32 $0x4000, s11  }
0xf: {  	s14 =	sadd.s32 $0x8000, s11;
	s15 =	sadd.s32 $0xC000, s11;
	[dreg:$0x6] =	wrdreg s13  }
0x10: {  	v0 =	vimm.f32 $0.0e+00;
	s16 =	sadd.s32 $0x10000, s11;
	s19 =	smax.u32 s28, $0x1;
	[dreg:$0x5] =	wrdreg s29  }
.LBB2_15:
0x11: {  	s0 =	rddreg [dreg:$0x6]  }
.LBB2_16:
0x12: {  	s12 =	rddreg [dreg:$0x4];
	s31 =	sshll.u32 s4, $0x6;
	s26 =	sadd.s32 $0x1, s26  }
0x13: {  	[bflag:$0x0] =	sbarrier.arrive $0xFFFF;
	s13 =	sshrl.u32 s11, $0x3;
	p1 =	sne.s32 s26, s19  }
.Ltmp1:
0x14: {  	s0 =	sadd.s32 s12, s0;
	s12 =	sor.u32 $0x1C01, s31;
	(pc) =	sbr.rel @!p1 .LBB2_17-.Ltmp1, $4  }
0x15: {  	[hbm:s0], [sflag:s12] =	dma.local [spmem:s13], $0x2780  }
0x16: {  	_ =	swait.ge [sflag:s21], $0x2780  }
0x17: {  	[sflag:s21] =	ssyncset.done $0x0  }
0x18: {  	[sflag:s21] =	ssyncadd.s32 $0xFFFFD880  }
.LBB2_1:
0x19: {  	s0 =	simm.s32 $0x0;
	s12 =	simm.s32 $0x200  }
.LBB2_2:
0x1a: {  	p1 =	sne.s32 s12, $0xFE00;
	[tilespmem:s0+$0x170] =	vst v0  }
0x1b: {  	[tilespmem:s0+$0x100] =	vst v0  }
0x1c: {  	[tilespmem:s0+$0x110] =	vst v0  }
.Ltmp2:
0x1d: {  	[tilespmem:s0+$0x120] =	vst v0;
	(pc) =	sbr.rel @p1 .LBB2_2-.Ltmp2, $4  }
0x1e: {  	[tilespmem:s0+$0x130] =	vst v0  }
0x1f: {  	[tilespmem:s0+$0x140] =	vst v0  }
0x20: {  	[tilespmem:s0+$0x150] =	vst v0  }
0x21: {  	[tilespmem:s0+$0x160] =	vst v0;
	s0 =	sshra.s32 s12, $0x2;
	s12 =	sadd.s32 $0x200, s12  }
0x22: {  	[tilespmem:s0+$0x170] =	vst v0  }
0x23: {  	[tilespmem:s0+$0x100] =	vst v0  }
0x24: {  	[tilespmem:s0+$0x110] =	vst v0  }
0x25: {  	[tilespmem:s0+$0x120] =	vst v0  }
0x26: {  	[tilespmem:s0+$0x130] =	vst v0  }
0x27: {  	[tilespmem:s0+$0x140] =	vst v0  }
0x28: {  	[tilespmem:s0+$0x150] =	vst v0  }
0x29: {  	[tilespmem:s0+$0x160] =	vst v0  }
0x2a: {  	[spmem:s11] =	stream.linear.scatter [tilespmem:s20], [sflag:$0x1], $0x4000, $0x38;
	[tilespmem:$0x1FD00] =	vst v63  }
0x2b: {  	_ =	swait.ge [sflag:s21], $0x4000  }
0x2c: {  	[sflag:s21] =	ssyncset.done $0x0  }
0x2d: {  	s31 =	rddreg [dreg:$0x5];
	[sflag:s21] =	ssyncadd.s32 $0xFFFFC000  }
0x2e: {  	[spmem:s31] =	stream.linear.scatter [tilespmem:s20], [sflag:$0x1], $0x4000, $0x38;
	[tilespmem:$0x1FD00] =	vst v63  }
0x2f: {  	_ =	swait.ge [sflag:s21], $0x4000  }
0x30: {  	[sflag:s21] =	ssyncset.done $0x0  }
0x31: {  	[sflag:s21] =	ssyncadd.s32 $0xFFFFC000  }
0x32: {  	[spmem:s14] =	stream.linear.scatter [tilespmem:s20], [sflag:$0x1], $0x4000, $0x38;
	[tilespmem:$0x1FD00] =	vst v63  }
0x33: {  	_ =	swait.ge [sflag:s21], $0x4000  }
0x34: {  	[sflag:s21] =	ssyncset.done $0x0  }
0x35: {  	[sflag:s21] =	ssyncadd.s32 $0xFFFFC000  }
0x36: {  	[spmem:s15] =	stream.linear.scatter [tilespmem:s20], [sflag:$0x1], $0x4000, $0x38;
	[tilespmem:$0x1FD00] =	vst v63  }
0x37: {  	_ =	swait.ge [sflag:s21], $0x4000  }
0x38: {  	[sflag:s21] =	ssyncset.done $0x0  }
0x39: {  	[sflag:s21] =	ssyncadd.s32 $0xFFFFC000  }
0x3a: {  	[spmem:s16] =	stream.linear.scatter [tilespmem:s20], [sflag:$0x1], $0x3C00, $0x38;
	[tilespmem:$0x1FD00] =	vst v63  }
.Ltmp3:
0x3b: {  	_ =	swait.ge [sflag:s21], $0x3C00;
	(pc) =	sbr.rel @p0 .LBB2_10-.Ltmp3, $4  }
.Ltmp4:
0x3c: {  	[sflag:s21] =	ssyncset.done $0x0;
	(pc) =	sbr.rel @!p0 .LBB2_4-.Ltmp4, $4  }
0x3d: {  	[sflag:s21] =	ssyncadd.s32 $0xFFFFC400  }
0x3e: {  	[bflag:$0x0] =	sbarrier.arrive $0xFFFF  }
0x3f: {  	s28 =	simm.s32 $0x0  }
0x40: {  	_ = 	snop  }
.LBB2_8:
0x41: {  	s28 =	sadd.s32 $0x1, s28  }
0x42: {  	p1 =	seq.s32 s28, $0x9D  }
.Ltmp5:
0x43: {  	_ = 	snop;
	(pc) =	sbr.rel @p1 .LBB2_9-.Ltmp5, $1  }
0x44: {  	_ =	sdelay $0x3  }
.LBB2_4:
0x45: {  	s0 =	sshll.u32 s28, $0x4  }
0x46: {  	s0 =	sor.u32 s4, s0  }
0x47: {  	p1 =	sgt.u32 s0, $0x9C3  }
.Ltmp6:
0x48: {  	_ = 	snop;
	(pc) =	sbr.rel @p1 .LBB2_8-.Ltmp6, $1  }
0x49: {  	_ =	sdelay $0x3  }
0x4a: {  	s12 =	sshll.u32 s0, $0x5  }
0x4b: {  	s12 =	sadd.s32 s1, s12  }
0x4c: {  	[tilespmem:s3], [sflag:$0x2] =	stream.linear.gather [hbm4b:s12+s3], $0x100, $0x38;
	[tilespmem:$0x1FD00] =	vst v63  }
0x4d: {  	_ =	swait.ge [sflag:s22], $0x100  }
0x4e: {  	[sflag:s22] =	ssyncset.done $0x0  }
0x4f: {  	[sflag:s22] =	ssyncadd.s32 $0xFFFFFF00  }
0x50: {  	[tilespmem:s20], [sflag:$0x2] =	stream.indirect.gather [hbm4b:s5+s23], $0x80, s3, s23, $0xb8;
	[tilespmem:$0x1FD00] =	vst v63  }
0x51: {  	_ =	swait.ge [sflag:s22], $0x4000  }
0x52: {  	[sflag:s22] =	ssyncset.done $0x0  }
0x53: {  	[sflag:s22] =	ssyncadd.s32 $0xFFFFC000  }
0x54: {  	[tilespmem:s24], [sflag:$0x2] =	stream.indirect.gather [hbm4b:s7+s23], $0x80, s23, s23, $0xb8;
	[tilespmem:$0x1FD00] =	vst v63  }
0x55: {  	_ =	swait.ge [sflag:s22], $0x4000  }
0x56: {  	s29 =	sshll.u32 s0, $0xB;
	[sflag:s22] =	ssyncset.done $0x0  }
0x57: {  	s0 =	sadd.s32 s9, s29;
	[sflag:s22] =	ssyncadd.s32 $0xFFFFC000  }
0x58: {  	[tilespmem:s25], [sflag:$0x2] =	stream.linear.gather [hbm4b:s0+s3], $0x4000, $0x38;
	[tilespmem:$0x1FD00] =	vst v63  }
0x59: {  	_ =	swait.ge [sflag:s22], $0x4000  }
0x5a: {  	[sflag:s22] =	ssyncset.done $0x0  }
0x5b: {  	s30 =	simm.s32 $0x200;
	[sflag:s22] =	ssyncadd.s32 $0xFFFFC000  }
0x5c: {  	s13 =	simm.s32 $0x4200;
	v1 =	vld [tilespmem:s30+$0x80]  }
0x5d: {  	s18 =	simm.s32 $0x8200;
	v2 =	vld [tilespmem:s13+$0x80]  }
0x5e: {  	v3 =	vld [tilespmem:s18+$0x80]  }
0x5f: {  	v4 =	vld [tilespmem:s18+$0xFFFFFF00]  }
0x60: {  	v6 =	vld [tilespmem:s30+$0xFFFFFF80]  }
0x61: {  	v8 =	vld [tilespmem:s13+$0xFFFFFF80]  }
0x62: {  	s31 =	simm.s32 $0x400;
	v9 =	vld [tilespmem:s13+$0x0]  }
0x63: {  	s0 =	simm.s32 $0x4400;
	v13 =	vld [tilespmem:s31+$0x80]  }
0x64: {  	v14 =	vld [tilespmem:s0+$0x80]  }
0x65: {  	v16 =	vld [tilespmem:s31+$0xFFFFFF80];
	v1 =	vadd.f32 v2, v1  }
0x66: {  	v17 =	vld [tilespmem:s0+$0xFFFFFF80]  }
0x67: {  	v2 =	vld [tilespmem:s13+$0xFFFFFF00];
	v1 =	vadd.f32 v3, v1  }
0x68: {  	s17 =	simm.s32 $0x8400;
	v3 =	vld [tilespmem:s30+$0xFFFFFF00]  }
0x69: {  	v18 =	vld [tilespmem:s17+$0x0];
	v1 =	vmax.f32 v1, $0.0e+00  }
0x6a: {  	[tilespmem:s30+$0x80] =	vst v1;
	v1 =	vld [tilespmem:s30+$0x90]  }
0x6b: {  	v5 =	vld [tilespmem:s13+$0x90]  }
0x6c: {  	v7 =	vld [tilespmem:s18+$0x90]  }
0x6d: {  	v2 =	vadd.f32 v2, v3;
	v3 =	vld [tilespmem:s30+$0x0]  }
0x6e: {  	v19 =	vld [tilespmem:s31+$0xFFFFFF90]  }
0x6f: {  	v38 =	vld [tilespmem:s31+$0x10]  }
0x70: {  	v2 =	vadd.f32 v4, v2;
	v4 =	vld [tilespmem:s18+$0xFFFFFF80];
	v1 =	vadd.f32 v5, v1  }
0x71: {  	v5 =	vld [tilespmem:s30+$0xFFFFFF10]  }
0x72: {  	v2 =	vmax.f32 v2, $0.0e+00;
	v3 =	vadd.f32 v9, v3;
	v9 =	vld [tilespmem:s30+$0x10];
	v1 =	vadd.f32 v7, v1  }
0x73: {  	[tilespmem:s30+$0xFFFFFF00] =	vst v2;
	v7 =	vld [tilespmem:s18+$0x0]  }
0x74: {  	v2 =	vld [tilespmem:s13+$0xFFFFFF10];
	v1 =	vmax.f32 v1, $0.0e+00  }
0x75: {  	v10 =	vld [tilespmem:s18+$0xFFFFFF10];
	[tilespmem:s30+$0x90] =	vst v1;
	v1 =	vadd.f32 v8, v6  }
0x76: {  	v6 =	vld [tilespmem:s30+$0xA0]  }
0x77: {  	v8 =	vld [tilespmem:s13+$0xA0];
	v1 =	vadd.f32 v4, v1  }
0x78: {  	v4 =	vld [tilespmem:s30+$0xFFFFFF90];
	v3 =	vadd.f32 v7, v3  }
0x79: {  	v7 =	vld [tilespmem:s18+$0xA0];
	v2 =	vadd.f32 v2, v5;
	v1 =	vmax.f32 v1, $0.0e+00  }
0x7a: {  	v5 =	vld [tilespmem:s30+$0xFFFFFF20];
	[tilespmem:s30+$0xFFFFFF80] =	vst v1;
	v1 =	vmax.f32 v3, $0.0e+00  }
0x7b: {  	v3 =	vld [tilespmem:s13+$0xFFFFFF90];
	[tilespmem:s30+$0x0] =	vst v1;
	v1 =	vadd.f32 v10, v2  }
0x7c: {  	v2 =	vadd.f32 v8, v6;
	v8 =	vld [tilespmem:s18+$0xFFFFFF90]  }
0x7d: {  	v6 =	vld [tilespmem:s13+$0x10];
	v1 =	vmax.f32 v1, $0.0e+00  }
0x7e: {  	v2 =	vadd.f32 v7, v2;
	v7 =	vld [tilespmem:s18+$0x10];
	[tilespmem:s30+$0xFFFFFF10] =	vst v1  }
0x7f: {  	v1 =	vld [tilespmem:s13+$0xFFFFFF20]  }
0x80: {  	v2 =	vmax.f32 v2, $0.0e+00;
	v10 =	vld [tilespmem:s18+$0xFFFFFF20]  }
0x81: {  	[tilespmem:s30+$0xA0] =	vst v2;
	v2 =	vadd.f32 v3, v4;
	v3 =	vld [tilespmem:s30+$0xB0]  }
0x82: {  	v4 =	vadd.f32 v6, v9;
	v6 =	vld [tilespmem:s13+$0xB0]  }
0x83: {  	v9 =	vld [tilespmem:s30+$0xFFFFFFA0];
	v2 =	vadd.f32 v8, v2  }
0x84: {  	v8 =	vld [tilespmem:s30+$0x20]  }
0x85: {  	v4 =	vadd.f32 v7, v4;
	v7 =	vld [tilespmem:s18+$0xB0];
	v2 =	vmax.f32 v2, $0.0e+00;
	v1 =	vadd.f32 v1, v5  }
0x86: {  	v5 =	vld [tilespmem:s30+$0xFFFFFF30];
	[tilespmem:s30+$0xFFFFFF90] =	vst v2  }
0x87: {  	v2 =	vmax.f32 v4, $0.0e+00;
	v4 =	vld [tilespmem:s13+$0xFFFFFFA0];
	v1 =	vadd.f32 v10, v1  }
0x88: {  	[tilespmem:s30+$0x10] =	vst v2;
	v2 =	vadd.f32 v6, v3;
	v6 =	vld [tilespmem:s18+$0xFFFFFFA0]  }
0x89: {  	v3 =	vld [tilespmem:s13+$0x20];
	v1 =	vmax.f32 v1, $0.0e+00  }
0x8a: {  	v2 =	vadd.f32 v7, v2;
	v7 =	vld [tilespmem:s18+$0x20];
	[tilespmem:s30+$0xFFFFFF20] =	vst v1  }
0x8b: {  	v1 =	vld [tilespmem:s13+$0xFFFFFF30]  }
0x8c: {  	v2 =	vmax.f32 v2, $0.0e+00;
	v10 =	vld [tilespmem:s18+$0xFFFFFF30]  }
0x8d: {  	[tilespmem:s30+$0xB0] =	vst v2;
	v2 =	vadd.f32 v4, v9;
	v4 =	vld [tilespmem:s30+$0xC0]  }
0x8e: {  	v9 =	vld [tilespmem:s30+$0xFFFFFFB0];
	v3 =	vadd.f32 v3, v8  }
0x8f: {  	v8 =	vld [tilespmem:s13+$0xC0];
	v2 =	vadd.f32 v6, v2  }
0x90: {  	v6 =	vld [tilespmem:s18+$0xC0];
	v3 =	vadd.f32 v7, v3  }
0x91: {  	v7 =	vld [tilespmem:s30+$0x30];
	v2 =	vmax.f32 v2, $0.0e+00;
	v1 =	vadd.f32 v1, v5  }
0x92: {  	v5 =	vld [tilespmem:s30+$0xFFFFFF40];
	[tilespmem:s30+$0xFFFFFFA0] =	vst v2;
	v2 =	vmax.f32 v3, $0.0e+00  }
0x93: {  	[tilespmem:s30+$0x20] =	vst v2;
	v1 =	vadd.f32 v10, v1;
	v2 =	vld [tilespmem:s13+$0xFFFFFFB0]  }
0x94: {  	v3 =	vadd.f32 v8, v4;
	v4 =	vld [tilespmem:s13+$0x30]  }
0x95: {  	v8 =	vld [tilespmem:s18+$0xFFFFFFB0];
	v1 =	vmax.f32 v1, $0.0e+00  }
0x96: {  	v3 =	vadd.f32 v6, v3;
	[tilespmem:s30+$0xFFFFFF30] =	vst v1;
	v1 =	vld [tilespmem:s18+$0x30]  }
0x97: {  	v6 =	vld [tilespmem:s13+$0xFFFFFF40]  }
0x98: {  	v3 =	vmax.f32 v3, $0.0e+00;
	v10 =	vld [tilespmem:s18+$0xFFFFFF40];
	v2 =	vadd.f32 v2, v9  }
0x99: {  	[tilespmem:s30+$0xC0] =	vst v3;
	v3 =	vadd.f32 v4, v7;
	v4 =	vld [tilespmem:s30+$0xD0]  }
0x9a: {  	v7 =	vld [tilespmem:s13+$0xD0];
	v2 =	vadd.f32 v8, v2  }
0x9b: {  	v9 =	vld [tilespmem:s30+$0xFFFFFFC0]  }
0x9c: {  	v1 =	vadd.f32 v1, v3;
	v3 =	vld [tilespmem:s18+$0xD0];
	v2 =	vmax.f32 v2, $0.0e+00  }
0x9d: {  	v8 =	vld [tilespmem:s30+$0x40];
	[tilespmem:s30+$0xFFFFFFB0] =	vst v2  }
0x9e: {  	v1 =	vmax.f32 v1, $0.0e+00;
	v2 =	vld [tilespmem:s13+$0xFFFFFFC0]  }
0x9f: {  	[tilespmem:s30+$0x30] =	vst v1;
	v4 =	vadd.f32 v7, v4;
	v7 =	vld [tilespmem:s18+$0xFFFFFFC0]  }
0xa0: {  	v5 =	vadd.f32 v6, v5;
	v1 =	vld [tilespmem:s13+$0x40]  }
0xa1: {  	v6 =	vld [tilespmem:s18+$0x40];
	v3 =	vadd.f32 v3, v4  }
0xa2: {  	v5 =	vadd.f32 v10, v5;
	v4 =	vld [tilespmem:s30+$0xFFFFFF50]  }
0xa3: {  	v3 =	vmax.f32 v3, $0.0e+00;
	v2 =	vadd.f32 v2, v9;
	v9 =	vld [tilespmem:s30+$0xFFFFFFD0]  }
0xa4: {  	[tilespmem:s30+$0xD0] =	vst v3;
	v3 =	vmax.f32 v5, $0.0e+00;
	v5 =	vld [tilespmem:s30+$0xE0]  }
0xa5: {  	v1 =	vadd.f32 v1, v8;
	v8 =	vld [tilespmem:s30+$0x50];
	v2 =	vadd.f32 v7, v2  }
0xa6: {  	[tilespmem:s30+$0xFFFFFF40] =	vst v3;
	v3 =	vld [tilespmem:s13+$0xE0]  }
0xa7: {  	v1 =	vadd.f32 v6, v1;
	v6 =	vld [tilespmem:s13+$0xFFFFFF50];
	v2 =	vmax.f32 v2, $0.0e+00  }
0xa8: {  	[tilespmem:s30+$0xFFFFFFC0] =	vst v2;
	v2 =	vld [tilespmem:s18+$0xE0]  }
0xa9: {  	v10 =	vld [tilespmem:s18+$0xFFFFFF50];
	v1 =	vmax.f32 v1, $0.0e+00  }
0xaa: {  	v7 =	vld [tilespmem:s13+$0xFFFFFFD0];
	[tilespmem:s30+$0x40] =	vst v1  }
0xab: {  	v3 =	vadd.f32 v3, v5;
	v1 =	vld [tilespmem:s13+$0x50]  }
0xac: {  	v5 =	vld [tilespmem:s18+$0xFFFFFFD0]  }
0xad: {  	v11 =	vld [tilespmem:s18+$0x50];
	v2 =	vadd.f32 v2, v3;
	v3 =	vadd.f32 v6, v4  }
0xae: {  	v42 =	vld [tilespmem:s31+$0xFFFFFFA0]  }
0xaf: {  	v43 =	vld [tilespmem:s31+$0x20];
	v6 =	vadd.f32 v7, v9;
	v3 =	vadd.f32 v10, v3  }
0xb0: {  	v4 =	vld [tilespmem:s30+$0xFFFFFF60];
	v8 =	vadd.f32 v1, v8  }
0xb1: {  	v7 =	vld [tilespmem:s30+$0xFFFFFFE0];
	v5 =	vadd.f32 v5, v6;
	v3 =	vmax.f32 v3, $0.0e+00  }
0xb2: {  	v6 =	vadd.f32 v11, v8;
	v8 =	vld [tilespmem:s30+$0x60];
	[tilespmem:s30+$0xFFFFFF50] =	vst v3  }
0xb3: {  	v3 =	vmax.f32 v5, $0.0e+00;
	v5 =	vld [tilespmem:s13+$0xFFFFFF60]  }
0xb4: {  	[tilespmem:s30+$0xFFFFFFD0] =	vst v3;
	v3 =	vmax.f32 v6, $0.0e+00;
	v10 =	vld [tilespmem:s18+$0xFFFFFF60]  }
0xb5: {  	v6 =	vld [tilespmem:s13+$0xFFFFFFE0];
	[tilespmem:s30+$0x50] =	vst v3  }
0xb6: {  	v3 =	vld [tilespmem:s13+$0x60]  }
0xb7: {  	v11 =	vld [tilespmem:s18+$0xFFFFFFE0]  }
0xb8: {  	v12 =	vld [tilespmem:s18+$0x60];
	v4 =	vadd.f32 v5, v4  }
0xb9: {  	v47 =	vld [tilespmem:s31+$0xFFFFFFB0]  }
0xba: {  	v6 =	vadd.f32 v6, v7;
	v7 =	vadd.f32 v10, v4;
	v10 =	vld [tilespmem:s17+$0x80]  }
0xbb: {  	v48 =	vld [tilespmem:s31+$0x30];
	v3 =	vadd.f32 v3, v8  }
0xbc: {  	v51 =	vld [tilespmem:s31+$0xFFFFFFC0];
	v6 =	vadd.f32 v11, v6  }
0xbd: {  	v54 =	vld [tilespmem:s31+$0xFFFFFF50];
	v11 =	vadd.f32 v12, v3;
	v12 =	vadd.f32 v14, v13  }
0xbe: {  	v55 =	vld [tilespmem:s31+$0xFFFFFFD0]  }
0xbf: {  	v14 =	vld [tilespmem:s17+$0xFFFFFF00];
	v6 =	vmax.f32 v6, $0.0e+00;
	v10 =	vadd.f32 v10, v12  }
0xc0: {  	[tilespmem:s30+$0xFFFFFFE0] =	vst v6;
	v6 =	vmax.f32 v11, $0.0e+00;
	v11 =	vld [tilespmem:s0+$0xFFFFFF00]  }
0xc1: {  	v12 =	vld [tilespmem:s31+$0xFFFFFF00];
	v10 =	vmax.f32 v10, $0.0e+00  }
0xc2: {  	[tilespmem:s31+$0x80] =	vst v10;
	v10 =	vld [tilespmem:s31+$0x90]  }
0xc3: {  	v13 =	vld [tilespmem:s0+$0x90]  }
0xc4: {  	v56 =	vld [tilespmem:s31+$0x50]  }
0xc5: {  	v15 =	vld [tilespmem:s17+$0x90]  }
0xc6: {  	v58 =	vld [tilespmem:s31+$0xFFFFFF60];
	v11 =	vadd.f32 v11, v12  }
0xc7: {  	v1 =	vld [tilespmem:s30+$0xF0]  }
0xc8: {  	v12 =	vld [tilespmem:s31+$0x0];
	v11 =	vadd.f32 v14, v11;
	v10 =	vadd.f32 v13, v10  }
0xc9: {  	v13 =	vld [tilespmem:s0+$0x0]  }
0xca: {  	v14 =	vld [tilespmem:s17+$0xFFFFFF80];
	v11 =	vmax.f32 v11, $0.0e+00;
	v10 =	vadd.f32 v15, v10  }
0xcb: {  	[tilespmem:s31+$0xFFFFFF00] =	vst v11;
	v15 =	vld [tilespmem:s31+$0xFFFFFF10]  }
0xcc: {  	v11 =	vld [tilespmem:s0+$0xFFFFFF10];
	v10 =	vmax.f32 v10, $0.0e+00  }
0xcd: {  	v16 =	vadd.f32 v17, v16;
	[tilespmem:s31+$0x90] =	vst v10;
	v10 =	vld [tilespmem:s31+$0xA0]  }
0xce: {  	v2 =	vmax.f32 v2, $0.0e+00;
	v12 =	vadd.f32 v13, v12;
	v13 =	vld [tilespmem:s17+$0xFFFFFF10]  }
0xcf: {  	[tilespmem:s30+$0xE0] =	vst v2;
	v14 =	vadd.f32 v14, v16;
	v36 =	vld [tilespmem:s0+$0xA0]  }
0xd0: {  	v2 =	vld [tilespmem:s13+$0xF0];
	v12 =	vadd.f32 v18, v12  }
0xd1: {  	v14 =	vmax.f32 v14, $0.0e+00;
	v37 =	vld [tilespmem:s17+$0xA0];
	v11 =	vadd.f32 v11, v15  }
0xd2: {  	[tilespmem:s31+$0xFFFFFF80] =	vst v14;
	v15 =	vld [tilespmem:s31+$0xFFFFFF20];
	v12 =	vmax.f32 v12, $0.0e+00  }
0xd3: {  	v14 =	vld [tilespmem:s0+$0xFFFFFF90];
	[tilespmem:s31+$0x0] =	vst v12;
	v11 =	vadd.f32 v13, v11  }
0xd4: {  	v10 =	vadd.f32 v36, v10;
	v12 =	vld [tilespmem:s0+$0x10]  }
0xd5: {  	v13 =	vld [tilespmem:s17+$0xFFFFFF90];
	v11 =	vmax.f32 v11, $0.0e+00  }
0xd6: {  	v39 =	vld [tilespmem:s17+$0x10];
	v10 =	vadd.f32 v37, v10;
	[tilespmem:s31+$0xFFFFFF10] =	vst v11  }
0xd7: {  	v11 =	vld [tilespmem:s0+$0xFFFFFF20]  }
0xd8: {  	v14 =	vadd.f32 v14, v19;
	v41 =	vld [tilespmem:s17+$0xFFFFFF20];
	v10 =	vmax.f32 v10, $0.0e+00  }
0xd9: {  	[tilespmem:s31+$0xA0] =	vst v10;
	v10 =	vld [tilespmem:s31+$0xB0];
	v12 =	vadd.f32 v12, v38  }
0xda: {  	v13 =	vadd.f32 v13, v14;
	v40 =	vld [tilespmem:s0+$0xB0]  }
0xdb: {  	v9 =	vld [tilespmem:s18+$0xF0];
	v12 =	vadd.f32 v39, v12  }
0xdc: {  	v14 =	vld [tilespmem:s17+$0xB0];
	v13 =	vmax.f32 v13, $0.0e+00;
	v11 =	vadd.f32 v11, v15  }
0xdd: {  	[tilespmem:s31+$0xFFFFFF90] =	vst v13;
	v15 =	vld [tilespmem:s31+$0xFFFFFF30];
	v12 =	vmax.f32 v12, $0.0e+00  }
0xde: {  	v13 =	vld [tilespmem:s0+$0xFFFFFFA0];
	[tilespmem:s31+$0x10] =	vst v12;
	v11 =	vadd.f32 v41, v11  }
0xdf: {  	v10 =	vadd.f32 v40, v10;
	v12 =	vld [tilespmem:s0+$0x20]  }
0xe0: {  	v44 =	vld [tilespmem:s17+$0x20];
	v11 =	vmax.f32 v11, $0.0e+00  }
0xe1: {  	v10 =	vadd.f32 v14, v10;
	v14 =	vld [tilespmem:s17+$0xFFFFFFA0];
	[tilespmem:s31+$0xFFFFFF20] =	vst v11  }
0xe2: {  	v11 =	vld [tilespmem:s0+$0xFFFFFF30]  }
0xe3: {  	v46 =	vld [tilespmem:s17+$0xFFFFFF30];
	v10 =	vmax.f32 v10, $0.0e+00  }
0xe4: {  	v13 =	vadd.f32 v13, v42;
	[tilespmem:s31+$0xB0] =	vst v10;
	v10 =	vld [tilespmem:s31+$0xC0]  }
0xe5: {  	v12 =	vadd.f32 v12, v43;
	v45 =	vld [tilespmem:s0+$0xC0]  }
0xe6: {  	v59 =	vld [tilespmem:s31+$0xFFFFFFE0];
	v13 =	vadd.f32 v14, v13  }
0xe7: {  	v1 =	vadd.f32 v2, v1;
	v14 =	vld [tilespmem:s17+$0xC0];
	v12 =	vadd.f32 v44, v12  }
0xe8: {  	v5 =	vld [tilespmem:s30+$0xFFFFFF70];
	v11 =	vadd.f32 v11, v15;
	v13 =	vmax.f32 v13, $0.0e+00  }
0xe9: {  	v1 =	vadd.f32 v9, v1;
	v9 =	vld [tilespmem:s31+$0xFFFFFFF0];
	v12 =	vmax.f32 v12, $0.0e+00;
	[tilespmem:s31+$0xFFFFFFA0] =	vst v13  }
0xea: {  	[tilespmem:s31+$0x20] =	vst v12;
	v11 =	vadd.f32 v46, v11;
	v10 =	vadd.f32 v45, v10;
	v12 =	vld [tilespmem:s0+$0xFFFFFFB0]  }
0xeb: {  	v13 =	vld [tilespmem:s0+$0x30]  }
0xec: {  	v11 =	vmax.f32 v11, $0.0e+00;
	v10 =	vadd.f32 v14, v10;
	v14 =	vld [tilespmem:s17+$0xFFFFFFB0]  }
0xed: {  	[tilespmem:s31+$0xFFFFFF30] =	vst v11;
	v11 =	vld [tilespmem:s17+$0x30]  }
0xee: {  	v15 =	vld [tilespmem:s31+$0xFFFFFF40];
	v10 =	vmax.f32 v10, $0.0e+00  }
0xef: {  	v49 =	vld [tilespmem:s0+$0xFFFFFF40];
	[tilespmem:s31+$0xC0] =	vst v10;
	v10 =	vadd.f32 v12, v47  }
0xf0: {  	v12 =	vld [tilespmem:s31+$0xD0];
	v13 =	vadd.f32 v13, v48  }
0xf1: {  	v50 =	vld [tilespmem:s0+$0xD0];
	v10 =	vadd.f32 v14, v10  }
0xf2: {  	v52 =	vld [tilespmem:s17+$0xFFFFFF40];
	v11 =	vadd.f32 v11, v13  }
0xf3: {  	v13 =	vld [tilespmem:s17+$0xD0];
	v10 =	vmax.f32 v10, $0.0e+00  }
0xf4: {  	v14 =	vld [tilespmem:s31+$0x40];
	[tilespmem:s31+$0xFFFFFFB0] =	vst v10;
	v10 =	vmax.f32 v11, $0.0e+00  }
0xf5: {  	v11 =	vld [tilespmem:s0+$0xFFFFFFC0];
	[tilespmem:s31+$0x30] =	vst v10  }
0xf6: {  	v10 =	vadd.f32 v50, v12;
	v12 =	vld [tilespmem:s0+$0x40]  }
0xf7: {  	v53 =	vld [tilespmem:s17+$0xFFFFFFC0]  }
0xf8: {  	v4 =	vld [tilespmem:s30+$0xFFFFFFF0];
	v10 =	vadd.f32 v13, v10  }
0xf9: {  	v15 =	vadd.f32 v49, v15;
	v13 =	vld [tilespmem:s17+$0x40]  }
0xfa: {  	v3 =	vld [tilespmem:s30+$0x70];
	v10 =	vmax.f32 v10, $0.0e+00;
	v11 =	vadd.f32 v11, v51  }
0xfb: {  	v7 =	vmax.f32 v7, $0.0e+00;
	[tilespmem:s31+$0xD0] =	vst v10;
	v10 =	vadd.f32 v52, v15;
	v12 =	vadd.f32 v12, v14;
	v14 =	vld [tilespmem:s31+$0xE0]  }
0xfc: {  	[tilespmem:s30+$0xFFFFFF60] =	vst v7;
	v15 =	vld [tilespmem:s0+$0xE0];
	v11 =	vadd.f32 v53, v11  }
0xfd: {  	v8 =	vld [tilespmem:s13+$0xFFFFFF70];
	v10 =	vmax.f32 v10, $0.0e+00  }
0xfe: {  	v12 =	vadd.f32 v13, v12;
	[tilespmem:s31+$0xFFFFFF40] =	vst v10;
	v10 =	vmax.f32 v11, $0.0e+00;
	v11 =	vld [tilespmem:s17+$0xE0]  }
0xff: {  	v13 =	vld [tilespmem:s0+$0xFFFFFF50];
	[tilespmem:s31+$0xFFFFFFC0] =	vst v10  }
0x100: {  	v10 =	vmax.f32 v12, $0.0e+00;
	v12 =	vld [tilespmem:s0+$0xFFFFFFD0]  }
0x101: {  	[tilespmem:s31+$0x40] =	vst v10;
	v14 =	vadd.f32 v15, v14;
	v15 =	vld [tilespmem:s17+$0xFFFFFF50]  }
0x102: {  	v10 =	vld [tilespmem:s0+$0x50]  }
0x103: {  	v57 =	vld [tilespmem:s17+$0xFFFFFFD0];
	v11 =	vadd.f32 v11, v14  }
0x104: {  	v14 =	vld [tilespmem:s17+$0x50];
	v13 =	vadd.f32 v13, v54  }
0x105: {  	v63 =	vld [tilespmem:s18+$0xFFFFFF70];
	v11 =	vmax.f32 v11, $0.0e+00  }
0x106: {  	v7 =	vld [tilespmem:s13+$0xFFFFFFF0];
	v12 =	vadd.f32 v12, v55;
	[tilespmem:s31+$0xE0] =	vst v11;
	v11 =	vadd.f32 v15, v13  }
0x107: {  	v10 =	vadd.f32 v10, v56;
	v13 =	vld [tilespmem:s31+$0xF0]  }
0x108: {  	v12 =	vadd.f32 v57, v12;
	v15 =	vld [tilespmem:s0+$0xF0];
	v11 =	vmax.f32 v11, $0.0e+00  }
0x109: {  	v10 =	vadd.f32 v14, v10;
	v14 =	vld [tilespmem:s31+$0x60];
	[tilespmem:s31+$0xFFFFFF50] =	vst v11  }
0x10a: {  	v11 =	vmax.f32 v12, $0.0e+00;
	v12 =	vld [tilespmem:s0+$0xFFFFFF60]  }
0x10b: {  	[tilespmem:s31+$0xFFFFFFD0] =	vst v11;
	v10 =	vmax.f32 v10, $0.0e+00;
	v20 =	vld [tilespmem:s17+$0xFFFFFF60]  }
0x10c: {  	v61 =	vld [tilespmem:s0+$0xFFFFFFE0];
	[tilespmem:s31+$0x50] =	vst v10  }
0x10d: {  	v10 =	vld [tilespmem:s0+$0x60]  }
0x10e: {  	v21 =	vld [tilespmem:s17+$0xFFFFFFE0]  }
0x10f: {  	v2 =	vld [tilespmem:s17+$0x60]  }
0x110: {  	[tilespmem:s30+$0x60] =	vst v6;
	v60 =	vld [tilespmem:s17+$0xF0];
	v12 =	vadd.f32 v12, v58  }
0x111: {  	v6 =	vld [tilespmem:s13+$0x70];
	v62 =	vadd.f32 v61, v59  }
0x112: {  	v11 =	vld [tilespmem:s31+$0xFFFFFF70];
	v14 =	vadd.f32 v10, v14;
	v12 =	vadd.f32 v20, v12  }
0x113: {  	v1 =	vmax.f32 v1, $0.0e+00;
	v13 =	vadd.f32 v15, v13;
	v10 =	vld [tilespmem:s31+$0x70];
	v15 =	vadd.f32 v21, v62  }
0x114: {  	[tilespmem:s30+$0xF0] =	vst v1;
	v1 =	vmax.f32 v12, $0.0e+00;
	v2 =	vadd.f32 v2, v14;
	v12 =	vld [tilespmem:s18+$0xFFFFFFF0]  }
0x115: {  	v14 =	vadd.f32 v60, v13;
	v13 =	vld [tilespmem:s18+$0x70];
	[tilespmem:s31+$0xFFFFFF60] =	vst v1;
	v1 =	vmax.f32 v15, $0.0e+00  }
0x116: {  	v15 =	vadd.f32 v8, v5;
	[tilespmem:s31+$0xFFFFFFE0] =	vst v1;
	v8 =	vld [tilespmem:s0+$0xFFFFFF70];
	v2 =	vmax.f32 v2, $0.0e+00  }
0x117: {  	v1 =	vadd.f32 v7, v4;
	v5 =	vmax.f32 v14, $0.0e+00;
	v4 =	vld [tilespmem:s0+$0xFFFFFFF0];
	[tilespmem:s31+$0x60] =	vst v2  }
0x118: {  	s12 =	simm.s32 $0x8400;
	s13 =	simm.s32 $0x600;
	s18 =	simm.s32 $0x4;
	v2 =	vadd.f32 v6, v3;
	[tilespmem:s31+$0xF0] =	vst v5;
	v3 =	vadd.f32 v63, v15;
	v5 =	vld [tilespmem:s0+$0x70]  }
.LBB2_6:
0x119: {  	v6 =	vld [tilespmem:s13+$0x80];
	s0 =	sadd.s32 $0x200, s0;
	v1 =	vadd.f32 v12, v1  }
0x11a: {  	s18 =	sadd.s32 $0x4, s18;
	v7 =	vld [tilespmem:s0+$0x80];
	v12 =	vmax.f32 v3, $0.0e+00;
	v2 =	vadd.f32 v13, v2  }
0x11b: {  	s17 =	sadd.s32 $0x200, s17;
	p1 =	slt.u32 s18, $0x7C;
	v13 =	vld [tilespmem:s0+$0xFFFFFF00];
	v3 =	vadd.f32 v8, v11;
	[tilespmem:s30+$0xFFFFFF70] =	vst v12;
	v8 =	vmax.f32 v1, $0.0e+00  }
0x11c: {  	v11 =	vld [tilespmem:s17+$0x80];
	v1 =	vadd.f32 v4, v9;
	[tilespmem:s30+$0xFFFFFFF0] =	vst v8;
	v4 =	vmax.f32 v2, $0.0e+00  }
0x11d: {  	v8 =	vld [tilespmem:s13+$0xFFFFFF80];
	v2 =	vadd.f32 v5, v10;
	[tilespmem:s30+$0x70] =	vst v4;
	s30 =	smov.u32 s31;
	s31 =	smov.u32 s13  }
0x11e: {  	v4 =	vld [tilespmem:s0+$0xFFFFFF80]  }
0x11f: {  	v5 =	vld [tilespmem:s13+$0x0];
	v6 =	vadd.f32 v7, v6  }
0x120: {  	v7 =	vld [tilespmem:s0+$0x0]  }
0x121: {  	v9 =	vld [tilespmem:s13+$0xFFFFFF00];
	v6 =	vadd.f32 v11, v6  }
0x122: {  	v10 =	vld [tilespmem:s17+$0xFFFFFF00]  }
0x123: {  	v4 =	vadd.f32 v4, v8;
	v8 =	vld [tilespmem:s17+$0xFFFFFF80];
	v6 =	vmax.f32 v6, $0.0e+00  }
0x124: {  	[tilespmem:s13+$0x80] =	vst v6;
	v6 =	vld [tilespmem:s13+$0x90]  }
0x125: {  	v5 =	vadd.f32 v7, v5;
	v7 =	vld [tilespmem:s0+$0x90]  }
0x126: {  	v9 =	vadd.f32 v13, v9;
	v11 =	vld [tilespmem:s17+$0x0]  }
0x127: {  	v12 =	vld [tilespmem:s17+$0x90]  }
0x128: {  	v9 =	vadd.f32 v10, v9;
	v10 =	vld [tilespmem:s13+$0xFFFFFF10];
	v4 =	vadd.f32 v8, v4  }
0x129: {  	v8 =	vld [tilespmem:s13+$0xFFFFFF90]  }
0x12a: {  	v9 =	vmax.f32 v9, $0.0e+00;
	v4 =	vmax.f32 v4, $0.0e+00;
	v13 =	vld [tilespmem:s13+$0x10];
	v6 =	vadd.f32 v7, v6  }
0x12b: {  	[tilespmem:s13+$0xFFFFFF00] =	vst v9;
	v7 =	vld [tilespmem:s13+$0xFFFFFF20];
	v5 =	vadd.f32 v11, v5  }
0x12c: {  	v9 =	vld [tilespmem:s0+$0xFFFFFF10];
	[tilespmem:s13+$0xFFFFFF80] =	vst v4;
	v4 =	vadd.f32 v12, v6  }
0x12d: {  	v6 =	vld [tilespmem:s0+$0xFFFFFF90];
	v5 =	vmax.f32 v5, $0.0e+00  }
0x12e: {  	v11 =	vld [tilespmem:s17+$0xFFFFFF10];
	[tilespmem:s13+$0x0] =	vst v5;
	v4 =	vmax.f32 v4, $0.0e+00  }
0x12f: {  	[tilespmem:s13+$0x90] =	vst v4;
	v4 =	vld [tilespmem:s13+$0xA0]  }
0x130: {  	v5 =	vld [tilespmem:s0+$0xA0]  }
0x131: {  	v9 =	vadd.f32 v9, v10;
	v10 =	vld [tilespmem:s0+$0x10]  }
0x132: {  	v6 =	vadd.f32 v6, v8;
	v8 =	vld [tilespmem:s17+$0xA0]  }
0x133: {  	v9 =	vadd.f32 v11, v9;
	v11 =	vld [tilespmem:s17+$0xFFFFFF90]  }
0x134: {  	v12 =	vld [tilespmem:s17+$0x10]  }
0x135: {  	v9 =	vmax.f32 v9, $0.0e+00;
	v14 =	vld [tilespmem:s13+$0xFFFFFFA0];
	v4 =	vadd.f32 v5, v4  }
0x136: {  	[tilespmem:s13+$0xFFFFFF10] =	vst v9;
	v5 =	vadd.f32 v10, v13;
	v9 =	vld [tilespmem:s13+$0x20]  }
0x137: {  	v10 =	vld [tilespmem:s0+$0xFFFFFF20];
	v4 =	vadd.f32 v8, v4  }
0x138: {  	v8 =	vld [tilespmem:s17+$0xFFFFFF20];
	v6 =	vadd.f32 v11, v6  }
0x139: {  	v11 =	vld [tilespmem:s13+$0xFFFFFF30];
	v5 =	vadd.f32 v12, v5;
	v4 =	vmax.f32 v4, $0.0e+00  }
0x13a: {  	v6 =	vmax.f32 v6, $0.0e+00;
	[tilespmem:s13+$0xA0] =	vst v4;
	v4 =	vld [tilespmem:s13+$0xB0]  }
0x13b: {  	[tilespmem:s13+$0xFFFFFF90] =	vst v6;
	v5 =	vmax.f32 v5, $0.0e+00;
	v6 =	vld [tilespmem:s0+$0xB0]  }
0x13c: {  	v7 =	vadd.f32 v10, v7;
	v10 =	vld [tilespmem:s0+$0xFFFFFFA0];
	[tilespmem:s13+$0x10] =	vst v5  }
0x13d: {  	v5 =	vld [tilespmem:s17+$0xB0]  }
0x13e: {  	v7 =	vadd.f32 v8, v7;
	v8 =	vld [tilespmem:s0+$0x20]  }
0x13f: {  	v12 =	vld [tilespmem:s17+$0xFFFFFFA0]  }
0x140: {  	v7 =	vmax.f32 v7, $0.0e+00;
	v13 =	vld [tilespmem:s17+$0x20];
	v4 =	vadd.f32 v6, v4  }
0x141: {  	[tilespmem:s13+$0xFFFFFF20] =	vst v7;
	v6 =	vadd.f32 v10, v14;
	v7 =	vld [tilespmem:s13+$0xFFFFFFB0]  }
0x142: {  	v10 =	vld [tilespmem:s0+$0xFFFFFF30];
	v4 =	vadd.f32 v5, v4  }
0x143: {  	v5 =	vadd.f32 v8, v9;
	v8 =	vld [tilespmem:s13+$0x30]  }
0x144: {  	v9 =	vld [tilespmem:s17+$0xFFFFFF30];
	v6 =	vadd.f32 v12, v6;
	v4 =	vmax.f32 v4, $0.0e+00  }
0x145: {  	v5 =	vadd.f32 v13, v5;
	[tilespmem:s13+$0xB0] =	vst v4;
	v4 =	vld [tilespmem:s13+$0xC0]  }
0x146: {  	v6 =	vmax.f32 v6, $0.0e+00;
	v12 =	vld [tilespmem:s0+$0xC0]  }
0x147: {  	v10 =	vadd.f32 v10, v11;
	v11 =	vld [tilespmem:s13+$0xFFFFFF40];
	[tilespmem:s13+$0xFFFFFFA0] =	vst v6;
	v5 =	vmax.f32 v5, $0.0e+00  }
0x148: {  	[tilespmem:s13+$0x20] =	vst v5;
	v5 =	vld [tilespmem:s17+$0xC0]  }
0x149: {  	v6 =	vadd.f32 v9, v10;
	v9 =	vld [tilespmem:s0+$0xFFFFFFB0]  }
0x14a: {  	v10 =	vld [tilespmem:s0+$0x30]  }
0x14b: {  	v6 =	vmax.f32 v6, $0.0e+00;
	v13 =	vld [tilespmem:s17+$0xFFFFFFB0];
	v4 =	vadd.f32 v12, v4  }
0x14c: {  	[tilespmem:s13+$0xFFFFFF30] =	vst v6;
	v6 =	vld [tilespmem:s17+$0x30]  }
0x14d: {  	v12 =	vld [tilespmem:s0+$0xFFFFFF40];
	v4 =	vadd.f32 v5, v4  }
0x14e: {  	v5 =	vadd.f32 v9, v7;
	v7 =	vld [tilespmem:s13+$0xFFFFFFC0]  }
0x14f: {  	v8 =	vadd.f32 v10, v8;
	v9 =	vld [tilespmem:s13+$0x40];
	v4 =	vmax.f32 v4, $0.0e+00  }
0x150: {  	v5 =	vadd.f32 v13, v5;
	[tilespmem:s13+$0xC0] =	vst v4;
	v4 =	vld [tilespmem:s13+$0xD0]  }
0x151: {  	v6 =	vadd.f32 v6, v8;
	v8 =	vld [tilespmem:s0+$0xD0]  }
0x152: {  	v10 =	vadd.f32 v12, v11;
	v11 =	vld [tilespmem:s17+$0xFFFFFF40];
	v5 =	vmax.f32 v5, $0.0e+00  }
0x153: {  	[tilespmem:s13+$0xFFFFFFB0] =	vst v5;
	v5 =	vmax.f32 v6, $0.0e+00;
	v6 =	vld [tilespmem:s17+$0xD0]  }
0x154: {  	v12 =	vld [tilespmem:s0+$0xFFFFFFC0];
	[tilespmem:s13+$0x30] =	vst v5  }
0x155: {  	v5 =	vld [tilespmem:s0+$0x40]  }
0x156: {  	v13 =	vld [tilespmem:s17+$0xFFFFFFC0];
	v4 =	vadd.f32 v8, v4  }
0x157: {  	v8 =	vadd.f32 v11, v10;
	v10 =	vld [tilespmem:s17+$0x40]  }
0x158: {  	v11 =	vld [tilespmem:s13+$0xFFFFFF50];
	v4 =	vadd.f32 v6, v4  }
0x159: {  	v6 =	vmax.f32 v8, $0.0e+00;
	v7 =	vadd.f32 v12, v7;
	v8 =	vld [tilespmem:s13+$0xFFFFFFD0]  }
0x15a: {  	[tilespmem:s13+$0xFFFFFF40] =	vst v6;
	v5 =	vadd.f32 v5, v9;
	v6 =	vld [tilespmem:s13+$0x50];
	v4 =	vmax.f32 v4, $0.0e+00  }
0x15b: {  	v7 =	vadd.f32 v13, v7;
	[tilespmem:s13+$0xD0] =	vst v4;
	v4 =	vld [tilespmem:s13+$0xE0]  }
0x15c: {  	v5 =	vadd.f32 v10, v5;
	v9 =	vld [tilespmem:s0+$0xE0]  }
0x15d: {  	v10 =	vld [tilespmem:s0+$0xFFFFFF50];
	v7 =	vmax.f32 v7, $0.0e+00  }
0x15e: {  	[tilespmem:s13+$0xFFFFFFC0] =	vst v7;
	v5 =	vmax.f32 v5, $0.0e+00;
	v7 =	vld [tilespmem:s17+$0xE0]  }
0x15f: {  	v12 =	vld [tilespmem:s0+$0xFFFFFFD0];
	[tilespmem:s13+$0x40] =	vst v5  }
0x160: {  	v5 =	vld [tilespmem:s0+$0x50]  }
0x161: {  	v13 =	vld [tilespmem:s17+$0xFFFFFF50];
	v4 =	vadd.f32 v9, v4  }
0x162: {  	v9 =	vadd.f32 v10, v11;
	v10 =	vld [tilespmem:s17+$0xFFFFFFD0]  }
0x163: {  	v11 =	vld [tilespmem:s17+$0x50];
	v4 =	vadd.f32 v7, v4  }
0x164: {  	v7 =	vld [tilespmem:s13+$0xFFFFFF60];
	v8 =	vadd.f32 v12, v8  }
0x165: {  	v12 =	vld [tilespmem:s13+$0xFFFFFFE0];
	v5 =	vadd.f32 v5, v6;
	v4 =	vmax.f32 v4, $0.0e+00  }
0x166: {  	v6 =	vadd.f32 v13, v9;
	[tilespmem:s13+$0xE0] =	vst v4;
	v4 =	vld [tilespmem:s13+$0xF0]  }
0x167: {  	v8 =	vadd.f32 v10, v8;
	v9 =	vld [tilespmem:s0+$0xF0]  }
0x168: {  	v6 =	vmax.f32 v6, $0.0e+00;
	v5 =	vadd.f32 v11, v5;
	v10 =	vld [tilespmem:s13+$0x60]  }
0x169: {  	[tilespmem:s13+$0xFFFFFF50] =	vst v6;
	v6 =	vmax.f32 v8, $0.0e+00;
	v8 =	vld [tilespmem:s17+$0xF0]  }
0x16a: {  	v11 =	vld [tilespmem:s0+$0xFFFFFF60];
	[tilespmem:s13+$0xFFFFFFD0] =	vst v6;
	v5 =	vmax.f32 v5, $0.0e+00  }
0x16b: {  	v6 =	vld [tilespmem:s0+$0xFFFFFFE0];
	[tilespmem:s13+$0x50] =	vst v5  }
0x16c: {  	v5 =	vld [tilespmem:s0+$0x60];
	v4 =	vadd.f32 v9, v4  }
0x16d: {  	v13 =	vld [tilespmem:s17+$0xFFFFFF60]  }
0x16e: {  	v14 =	vld [tilespmem:s17+$0xFFFFFFE0];
	v4 =	vadd.f32 v8, v4  }
0x16f: {  	v7 =	vadd.f32 v11, v7;
	v8 =	vld [tilespmem:s17+$0x60]  }
0x170: {  	v11 =	vld [tilespmem:s13+$0xFFFFFF70];
	v6 =	vadd.f32 v6, v12;
	v4 =	vmax.f32 v4, $0.0e+00  }
0x171: {  	v9 =	vld [tilespmem:s13+$0xFFFFFFF0];
	v5 =	vadd.f32 v5, v10;
	[tilespmem:s13+$0xF0] =	vst v4  }
0x172: {  	v4 =	vadd.f32 v13, v7;
	v10 =	vld [tilespmem:s13+$0x70]  }
0x173: {  	v6 =	vadd.f32 v14, v6;
	v7 =	vld [tilespmem:s12+$0xFFFFFF70]  }
.Ltmp7:
0x174: {  	v4 =	vmax.f32 v4, $0.0e+00;
	v5 =	vadd.f32 v8, v5;
	v12 =	vld [tilespmem:s12+$0xFFFFFFF0];
	(pc) =	sbr.rel @p1 .LBB2_6-.Ltmp7, $4  }
0x175: {  	[tilespmem:s13+$0xFFFFFF60] =	vst v4;
	v4 =	vmax.f32 v6, $0.0e+00;
	v13 =	vld [tilespmem:s12+$0x70];
	s12 =	smov.u32 s17  }
0x176: {  	v8 =	vld [tilespmem:s0+$0xFFFFFF70];
	[tilespmem:s13+$0xFFFFFFE0] =	vst v4;
	v5 =	vmax.f32 v5, $0.0e+00  }
0x177: {  	v4 =	vld [tilespmem:s0+$0xFFFFFFF0];
	[tilespmem:s13+$0x60] =	vst v5  }
0x178: {  	s13 =	sadd.s32 $0x200, s13;
	v5 =	vld [tilespmem:s0+$0x70];
	v3 =	vadd.f32 v7, v3  }
0x179: {  	v6 =	vld [tilespmem:s12+$0xFFFFFF70]  }
0x17a: {  	v7 =	vld [tilespmem:s12+$0xFFFFFFF0]  }
0x17b: {  	v14 =	vld [tilespmem:s12+$0x70]  }
0x17c: {  	v1 =	vadd.f32 v12, v1;
	v8 =	vadd.f32 v8, v11  }
0x17d: {  	v2 =	vadd.f32 v13, v2;
	v3 =	vmax.f32 v3, $0.0e+00;
	v4 =	vadd.f32 v4, v9  }
0x17e: {  	[tilespmem:s30+$0xFFFFFF70] =	vst v3;
	v1 =	vmax.f32 v1, $0.0e+00;
	v3 =	vadd.f32 v5, v10;
	v63 =	vadd.f32 v6, v8  }
0x17f: {  	[tilespmem:s30+$0xFFFFFFF0] =	vst v1;
	v1 =	vmax.f32 v2, $0.0e+00;
	v2 =	vadd.f32 v7, v4  }
0x180: {  	[tilespmem:s30+$0x70] =	vst v1;
	v3 =	vadd.f32 v14, v3;
	v1 =	vmax.f32 v63, $0.0e+00  }
0x181: {  	[tilespmem:s31+$0xFFFFFF70] =	vst v1;
	v1 =	vmax.f32 v2, $0.0e+00  }
0x182: {  	[tilespmem:s31+$0xFFFFFFF0] =	vst v1;
	v1 =	vmax.f32 v3, $0.0e+00  }
0x183: {  	s0 =	sadd.s32 s10, s29;
	[tilespmem:s31+$0x70] =	vst v1  }
0x184: {  	[hbm4b:s0+s3] =	stream.linear.scatter [tilespmem:s20], [sflag:$0x2], $0x4000, $0x38;
	[tilespmem:$0x1FD00] =	vst v63  }
0x185: {  	_ =	swait.ge [sflag:s22], $0x4000  }
0x186: {  	[sflag:s22] =	ssyncset.done $0x0  }
.Ltmp8:
0x187: {  	[sflag:s22] =	ssyncadd.s32 $0xFFFFC000;
	(pc) =	sbr.rel .LBB2_8-.Ltmp8, $4  }
0x188: {  	[spmem:s2] =	stream.indirect.scatter.add.f32 [tilespmem:s20], [sflag:$0x1], $0x80, s23, s23, $0xb8;
	[tilespmem:$0x1FD00] =	vst v63  }
0x189: {  	_ =	swait.ge [sflag:s21], $0x4000  }
0x18a: {  	[sflag:s21] =	ssyncset.done $0x0  }
0x18b: {  	[sflag:s21] =	ssyncadd.s32 $0xFFFFC000  }
.LBB2_13:
0x18c: {  	v6 =	vld [tilespmem:s12+$0xFFFFFF70]  }
0x18d: {  	v7 =	vld [tilespmem:s12+$0xFFFFFFF0]  }
0x18e: {  	v14 =	vld [tilespmem:s12+$0x70]  }
0x18f: {  	v1 =	vadd.f32 v12, v1;
	v8 =	vadd.f32 v8, v11  }
0x190: {  	v2 =	vadd.f32 v13, v2;
	v3 =	vmax.f32 v3, $0.0e+00;
	v4 =	vadd.f32 v4, v9  }
0x191: {  	[tilespmem:s30+$0xFFFFFF70] =	vst v3;
	v3 =	vadd.f32 v5, v10;
	v1 =	vmax.f32 v1, $0.0e+00;
	v63 =	vadd.f32 v6, v8  }
0x192: {  	[tilespmem:s30+$0xFFFFFFF0] =	vst v1;
	v1 =	vmax.f32 v2, $0.0e+00;
	v2 =	vadd.f32 v7, v4  }
0x193: {  	[tilespmem:s30+$0x70] =	vst v1;
	v3 =	vadd.f32 v14, v3;
	v1 =	vmax.f32 v63, $0.0e+00  }
0x194: {  	[tilespmem:s31+$0xFFFFFF70] =	vst v1;
	v1 =	vmax.f32 v2, $0.0e+00  }
0x195: {  	[tilespmem:s31+$0xFFFFFFF0] =	vst v1;
	v1 =	vmax.f32 v3, $0.0e+00  }
0x196: {  	s0 =	sadd.s32 s10, s29;
	[tilespmem:s31+$0x70] =	vst v1  }
0x197: {  	[hbm4b:s0+s3] =	stream.linear.scatter [tilespmem:s20], [sflag:$0x2], $0x4000, $0x38;
	[tilespmem:$0x1FD00] =	vst v63  }
0x198: {  	_ =	swait.ge [sflag:s22], $0x4000  }
0x199: {  	[sflag:s22] =	ssyncset.done $0x0  }
0x19a: {  	[sflag:s22] =	ssyncadd.s32 $0xFFFFC000  }
0x19b: {  	[spmem:s2] =	stream.indirect.scatter.add.f32 [tilespmem:s20], [sflag:$0x1], $0x80, s23, s23, $0xb8;
	[tilespmem:$0x1FD00] =	vst v63  }
0x19c: {  	_ =	swait.ge [sflag:s21], $0x4000  }
0x19d: {  	[sflag:s21] =	ssyncset.done $0x0  }
0x19e: {  	[sflag:s21] =	ssyncadd.s32 $0xFFFFC000  }
.LBB2_14:
0x19f: {  	s28 =	sadd.s32 $0x1, s28  }
0x1a0: {  	p1 =	sne.s32 s28, $0x9D  }
.Ltmp9:
0x1a1: {  	_ = 	snop;
	(pc) =	sbr.rel @!p1 .LBB2_15-.Ltmp9, $1  }
0x1a2: {  	_ =	sdelay $0x3  }
.LBB2_10:
0x1a3: {  	s0 =	sshll.u32 s28, $0x4  }
0x1a4: {  	s0 =	sor.u32 s4, s0  }
0x1a5: {  	p1 =	sgt.u32 s0, $0x9C3  }
.Ltmp10:
0x1a6: {  	_ = 	snop;
	(pc) =	sbr.rel @p1 .LBB2_14-.Ltmp10, $1  }
0x1a7: {  	_ =	sdelay $0x3  }
0x1a8: {  	s12 =	sshll.u32 s0, $0x5  }
0x1a9: {  	s12 =	sadd.s32 s1, s12  }
0x1aa: {  	[tilespmem:s3], [sflag:$0x2] =	stream.linear.gather [hbm4b:s12+s3], $0x100, $0x38;
	[tilespmem:$0x1FD00] =	vst v63  }
0x1ab: {  	_ =	swait.ge [sflag:s22], $0x100  }
0x1ac: {  	[sflag:s22] =	ssyncset.done $0x0  }
0x1ad: {  	[sflag:s22] =	ssyncadd.s32 $0xFFFFFF00  }
0x1ae: {  	[tilespmem:s20], [sflag:$0x2] =	stream.indirect.gather [hbm4b:s6+s23], $0x80, s3, s23, $0xb8;
	[tilespmem:$0x1FD00] =	vst v63  }
0x1af: {  	_ =	swait.ge [sflag:s22], $0x4000  }
0x1b0: {  	[sflag:s22] =	ssyncset.done $0x0  }
0x1b1: {  	[sflag:s22] =	ssyncadd.s32 $0xFFFFC000  }
0x1b2: {  	[tilespmem:s24], [sflag:$0x2] =	stream.indirect.gather [hbm4b:s8+s23], $0x80, s23, s23, $0xb8;
	[tilespmem:$0x1FD00] =	vst v63  }
0x1b3: {  	s12 =	sshll.u32 s0, $0xB;
	_ =	swait.ge [sflag:s22], $0x4000  }
0x1b4: {  	s29 =	sadd.s32 $0x4E2000, s12;
	[sflag:s22] =	ssyncset.done $0x0  }
0x1b5: {  	s0 =	sadd.s32 s9, s29;
	[sflag:s22] =	ssyncadd.s32 $0xFFFFC000  }
0x1b6: {  	[tilespmem:s25], [sflag:$0x2] =	stream.linear.gather [hbm4b:s0+s3], $0x4000, $0x38;
	[tilespmem:$0x1FD00] =	vst v63  }
0x1b7: {  	_ =	swait.ge [sflag:s22], $0x4000  }
0x1b8: {  	[sflag:s22] =	ssyncset.done $0x0  }
0x1b9: {  	s30 =	simm.s32 $0x200;
	[sflag:s22] =	ssyncadd.s32 $0xFFFFC000  }
0x1ba: {  	s13 =	simm.s32 $0x4200;
	v1 =	vld [tilespmem:s30+$0x80]  }
0x1bb: {  	s18 =	simm.s32 $0x8200;
	v2 =	vld [tilespmem:s13+$0x80]  }
0x1bc: {  	v3 =	vld [tilespmem:s18+$0x80]  }
0x1bd: {  	v4 =	vld [tilespmem:s18+$0xFFFFFF00]  }
0x1be: {  	v6 =	vld [tilespmem:s30+$0xFFFFFF80]  }
0x1bf: {  	v8 =	vld [tilespmem:s13+$0xFFFFFF80]  }
0x1c0: {  	s31 =	simm.s32 $0x400;
	v9 =	vld [tilespmem:s13+$0x0]  }
0x1c1: {  	s0 =	simm.s32 $0x4400;
	v13 =	vld [tilespmem:s31+$0x80]  }
0x1c2: {  	v14 =	vld [tilespmem:s0+$0x80]  }
0x1c3: {  	v16 =	vld [tilespmem:s31+$0xFFFFFF80];
	v1 =	vadd.f32 v2, v1  }
0x1c4: {  	v17 =	vld [tilespmem:s0+$0xFFFFFF80]  }
0x1c5: {  	v2 =	vld [tilespmem:s13+$0xFFFFFF00];
	v1 =	vadd.f32 v3, v1  }
0x1c6: {  	s17 =	simm.s32 $0x8400;
	v3 =	vld [tilespmem:s30+$0xFFFFFF00]  }
0x1c7: {  	v18 =	vld [tilespmem:s17+$0x0];
	v1 =	vmax.f32 v1, $0.0e+00  }
0x1c8: {  	[tilespmem:s30+$0x80] =	vst v1;
	v1 =	vld [tilespmem:s30+$0x90]  }
0x1c9: {  	v5 =	vld [tilespmem:s13+$0x90]  }
0x1ca: {  	v7 =	vld [tilespmem:s18+$0x90]  }
0x1cb: {  	v2 =	vadd.f32 v2, v3;
	v3 =	vld [tilespmem:s30+$0x0]  }
0x1cc: {  	v19 =	vld [tilespmem:s31+$0xFFFFFF90]  }
0x1cd: {  	v38 =	vld [tilespmem:s31+$0x10]  }
0x1ce: {  	v2 =	vadd.f32 v4, v2;
	v4 =	vld [tilespmem:s18+$0xFFFFFF80];
	v1 =	vadd.f32 v5, v1  }
0x1cf: {  	v5 =	vld [tilespmem:s30+$0xFFFFFF10]  }
0x1d0: {  	v2 =	vmax.f32 v2, $0.0e+00;
	v3 =	vadd.f32 v9, v3;
	v9 =	vld [tilespmem:s30+$0x10];
	v1 =	vadd.f32 v7, v1  }
0x1d1: {  	[tilespmem:s30+$0xFFFFFF00] =	vst v2;
	v7 =	vld [tilespmem:s18+$0x0]  }
0x1d2: {  	v2 =	vld [tilespmem:s13+$0xFFFFFF10];
	v1 =	vmax.f32 v1, $0.0e+00  }
0x1d3: {  	v10 =	vld [tilespmem:s18+$0xFFFFFF10];
	[tilespmem:s30+$0x90] =	vst v1;
	v1 =	vadd.f32 v8, v6  }
0x1d4: {  	v6 =	vld [tilespmem:s30+$0xA0]  }
0x1d5: {  	v8 =	vld [tilespmem:s13+$0xA0];
	v1 =	vadd.f32 v4, v1  }
0x1d6: {  	v4 =	vld [tilespmem:s30+$0xFFFFFF90];
	v3 =	vadd.f32 v7, v3  }
0x1d7: {  	v7 =	vld [tilespmem:s18+$0xA0];
	v2 =	vadd.f32 v2, v5;
	v1 =	vmax.f32 v1, $0.0e+00  }
0x1d8: {  	v5 =	vld [tilespmem:s30+$0xFFFFFF20];
	[tilespmem:s30+$0xFFFFFF80] =	vst v1;
	v1 =	vmax.f32 v3, $0.0e+00  }
0x1d9: {  	v3 =	vld [tilespmem:s13+$0xFFFFFF90];
	[tilespmem:s30+$0x0] =	vst v1;
	v1 =	vadd.f32 v10, v2  }
0x1da: {  	v2 =	vadd.f32 v8, v6;
	v8 =	vld [tilespmem:s18+$0xFFFFFF90]  }
0x1db: {  	v6 =	vld [tilespmem:s13+$0x10];
	v1 =	vmax.f32 v1, $0.0e+00  }
0x1dc: {  	v2 =	vadd.f32 v7, v2;
	v7 =	vld [tilespmem:s18+$0x10];
	[tilespmem:s30+$0xFFFFFF10] =	vst v1  }
0x1dd: {  	v1 =	vld [tilespmem:s13+$0xFFFFFF20]  }
0x1de: {  	v2 =	vmax.f32 v2, $0.0e+00;
	v10 =	vld [tilespmem:s18+$0xFFFFFF20]  }
0x1df: {  	[tilespmem:s30+$0xA0] =	vst v2;
	v2 =	vadd.f32 v3, v4;
	v3 =	vld [tilespmem:s30+$0xB0]  }
0x1e0: {  	v4 =	vadd.f32 v6, v9;
	v6 =	vld [tilespmem:s13+$0xB0]  }
0x1e1: {  	v9 =	vld [tilespmem:s30+$0xFFFFFFA0];
	v2 =	vadd.f32 v8, v2  }
0x1e2: {  	v8 =	vld [tilespmem:s30+$0x20]  }
0x1e3: {  	v4 =	vadd.f32 v7, v4;
	v7 =	vld [tilespmem:s18+$0xB0];
	v2 =	vmax.f32 v2, $0.0e+00;
	v1 =	vadd.f32 v1, v5  }
0x1e4: {  	v5 =	vld [tilespmem:s30+$0xFFFFFF30];
	[tilespmem:s30+$0xFFFFFF90] =	vst v2  }
0x1e5: {  	v2 =	vmax.f32 v4, $0.0e+00;
	v4 =	vld [tilespmem:s13+$0xFFFFFFA0];
	v1 =	vadd.f32 v10, v1  }
0x1e6: {  	[tilespmem:s30+$0x10] =	vst v2;
	v2 =	vadd.f32 v6, v3;
	v6 =	vld [tilespmem:s18+$0xFFFFFFA0]  }
0x1e7: {  	v3 =	vld [tilespmem:s13+$0x20];
	v1 =	vmax.f32 v1, $0.0e+00  }
0x1e8: {  	v2 =	vadd.f32 v7, v2;
	v7 =	vld [tilespmem:s18+$0x20];
	[tilespmem:s30+$0xFFFFFF20] =	vst v1  }
0x1e9: {  	v1 =	vld [tilespmem:s13+$0xFFFFFF30]  }
0x1ea: {  	v2 =	vmax.f32 v2, $0.0e+00;
	v10 =	vld [tilespmem:s18+$0xFFFFFF30]  }
0x1eb: {  	[tilespmem:s30+$0xB0] =	vst v2;
	v2 =	vadd.f32 v4, v9;
	v4 =	vld [tilespmem:s30+$0xC0]  }
0x1ec: {  	v9 =	vld [tilespmem:s30+$0xFFFFFFB0];
	v3 =	vadd.f32 v3, v8  }
0x1ed: {  	v8 =	vld [tilespmem:s13+$0xC0];
	v2 =	vadd.f32 v6, v2  }
0x1ee: {  	v6 =	vld [tilespmem:s18+$0xC0];
	v3 =	vadd.f32 v7, v3  }
0x1ef: {  	v7 =	vld [tilespmem:s30+$0x30];
	v2 =	vmax.f32 v2, $0.0e+00;
	v1 =	vadd.f32 v1, v5  }
0x1f0: {  	v5 =	vld [tilespmem:s30+$0xFFFFFF40];
	[tilespmem:s30+$0xFFFFFFA0] =	vst v2;
	v2 =	vmax.f32 v3, $0.0e+00  }
0x1f1: {  	[tilespmem:s30+$0x20] =	vst v2;
	v1 =	vadd.f32 v10, v1;
	v2 =	vld [tilespmem:s13+$0xFFFFFFB0]  }
0x1f2: {  	v3 =	vadd.f32 v8, v4;
	v4 =	vld [tilespmem:s13+$0x30]  }
0x1f3: {  	v8 =	vld [tilespmem:s18+$0xFFFFFFB0];
	v1 =	vmax.f32 v1, $0.0e+00  }
0x1f4: {  	v3 =	vadd.f32 v6, v3;
	[tilespmem:s30+$0xFFFFFF30] =	vst v1;
	v1 =	vld [tilespmem:s18+$0x30]  }
0x1f5: {  	v6 =	vld [tilespmem:s13+$0xFFFFFF40]  }
0x1f6: {  	v3 =	vmax.f32 v3, $0.0e+00;
	v10 =	vld [tilespmem:s18+$0xFFFFFF40];
	v2 =	vadd.f32 v2, v9  }
0x1f7: {  	[tilespmem:s30+$0xC0] =	vst v3;
	v3 =	vadd.f32 v4, v7;
	v4 =	vld [tilespmem:s30+$0xD0]  }
0x1f8: {  	v7 =	vld [tilespmem:s13+$0xD0];
	v2 =	vadd.f32 v8, v2  }
0x1f9: {  	v9 =	vld [tilespmem:s30+$0xFFFFFFC0]  }
0x1fa: {  	v1 =	vadd.f32 v1, v3;
	v3 =	vld [tilespmem:s18+$0xD0];
	v2 =	vmax.f32 v2, $0.0e+00  }
0x1fb: {  	v8 =	vld [tilespmem:s30+$0x40];
	[tilespmem:s30+$0xFFFFFFB0] =	vst v2  }
0x1fc: {  	v1 =	vmax.f32 v1, $0.0e+00;
	v2 =	vld [tilespmem:s13+$0xFFFFFFC0]  }
0x1fd: {  	[tilespmem:s30+$0x30] =	vst v1;
	v4 =	vadd.f32 v7, v4;
	v7 =	vld [tilespmem:s18+$0xFFFFFFC0]  }
0x1fe: {  	v5 =	vadd.f32 v6, v5;
	v1 =	vld [tilespmem:s13+$0x40]  }
0x1ff: {  	v6 =	vld [tilespmem:s18+$0x40];
	v3 =	vadd.f32 v3, v4  }
0x200: {  	v5 =	vadd.f32 v10, v5;
	v4 =	vld [tilespmem:s30+$0xFFFFFF50]  }
0x201: {  	v3 =	vmax.f32 v3, $0.0e+00;
	v2 =	vadd.f32 v2, v9;
	v9 =	vld [tilespmem:s30+$0xFFFFFFD0]  }
0x202: {  	[tilespmem:s30+$0xD0] =	vst v3;
	v3 =	vmax.f32 v5, $0.0e+00;
	v5 =	vld [tilespmem:s30+$0xE0]  }
0x203: {  	v1 =	vadd.f32 v1, v8;
	v8 =	vld [tilespmem:s30+$0x50];
	v2 =	vadd.f32 v7, v2  }
0x204: {  	[tilespmem:s30+$0xFFFFFF40] =	vst v3;
	v3 =	vld [tilespmem:s13+$0xE0]  }
0x205: {  	v1 =	vadd.f32 v6, v1;
	v6 =	vld [tilespmem:s13+$0xFFFFFF50];
	v2 =	vmax.f32 v2, $0.0e+00  }
0x206: {  	[tilespmem:s30+$0xFFFFFFC0] =	vst v2;
	v2 =	vld [tilespmem:s18+$0xE0]  }
0x207: {  	v10 =	vld [tilespmem:s18+$0xFFFFFF50];
	v1 =	vmax.f32 v1, $0.0e+00  }
0x208: {  	v7 =	vld [tilespmem:s13+$0xFFFFFFD0];
	[tilespmem:s30+$0x40] =	vst v1  }
0x209: {  	v3 =	vadd.f32 v3, v5;
	v1 =	vld [tilespmem:s13+$0x50]  }
0x20a: {  	v5 =	vld [tilespmem:s18+$0xFFFFFFD0]  }
0x20b: {  	v11 =	vld [tilespmem:s18+$0x50];
	v2 =	vadd.f32 v2, v3;
	v3 =	vadd.f32 v6, v4  }
0x20c: {  	v42 =	vld [tilespmem:s31+$0xFFFFFFA0]  }
0x20d: {  	v43 =	vld [tilespmem:s31+$0x20];
	v6 =	vadd.f32 v7, v9;
	v3 =	vadd.f32 v10, v3  }
0x20e: {  	v4 =	vld [tilespmem:s30+$0xFFFFFF60];
	v8 =	vadd.f32 v1, v8  }
0x20f: {  	v7 =	vld [tilespmem:s30+$0xFFFFFFE0];
	v5 =	vadd.f32 v5, v6;
	v3 =	vmax.f32 v3, $0.0e+00  }
0x210: {  	v6 =	vadd.f32 v11, v8;
	v8 =	vld [tilespmem:s30+$0x60];
	[tilespmem:s30+$0xFFFFFF50] =	vst v3  }
0x211: {  	v3 =	vmax.f32 v5, $0.0e+00;
	v5 =	vld [tilespmem:s13+$0xFFFFFF60]  }
0x212: {  	[tilespmem:s30+$0xFFFFFFD0] =	vst v3;
	v3 =	vmax.f32 v6, $0.0e+00;
	v10 =	vld [tilespmem:s18+$0xFFFFFF60]  }
0x213: {  	v6 =	vld [tilespmem:s13+$0xFFFFFFE0];
	[tilespmem:s30+$0x50] =	vst v3  }
0x214: {  	v3 =	vld [tilespmem:s13+$0x60]  }
0x215: {  	v11 =	vld [tilespmem:s18+$0xFFFFFFE0]  }
0x216: {  	v12 =	vld [tilespmem:s18+$0x60];
	v4 =	vadd.f32 v5, v4  }
0x217: {  	v47 =	vld [tilespmem:s31+$0xFFFFFFB0]  }
0x218: {  	v6 =	vadd.f32 v6, v7;
	v7 =	vadd.f32 v10, v4;
	v10 =	vld [tilespmem:s17+$0x80]  }
0x219: {  	v48 =	vld [tilespmem:s31+$0x30];
	v3 =	vadd.f32 v3, v8  }
0x21a: {  	v51 =	vld [tilespmem:s31+$0xFFFFFFC0];
	v6 =	vadd.f32 v11, v6  }
0x21b: {  	v54 =	vld [tilespmem:s31+$0xFFFFFF50];
	v11 =	vadd.f32 v12, v3;
	v12 =	vadd.f32 v14, v13  }
0x21c: {  	v55 =	vld [tilespmem:s31+$0xFFFFFFD0]  }
0x21d: {  	v14 =	vld [tilespmem:s17+$0xFFFFFF00];
	v6 =	vmax.f32 v6, $0.0e+00;
	v10 =	vadd.f32 v10, v12  }
0x21e: {  	[tilespmem:s30+$0xFFFFFFE0] =	vst v6;
	v6 =	vmax.f32 v11, $0.0e+00;
	v11 =	vld [tilespmem:s0+$0xFFFFFF00]  }
0x21f: {  	v12 =	vld [tilespmem:s31+$0xFFFFFF00];
	v10 =	vmax.f32 v10, $0.0e+00  }
0x220: {  	[tilespmem:s31+$0x80] =	vst v10;
	v10 =	vld [tilespmem:s31+$0x90]  }
0x221: {  	v13 =	vld [tilespmem:s0+$0x90]  }
0x222: {  	v56 =	vld [tilespmem:s31+$0x50]  }
0x223: {  	v15 =	vld [tilespmem:s17+$0x90]  }
0x224: {  	v58 =	vld [tilespmem:s31+$0xFFFFFF60];
	v11 =	vadd.f32 v11, v12  }
0x225: {  	v1 =	vld [tilespmem:s30+$0xF0]  }
0x226: {  	v12 =	vld [tilespmem:s31+$0x0];
	v11 =	vadd.f32 v14, v11;
	v10 =	vadd.f32 v13, v10  }
0x227: {  	v13 =	vld [tilespmem:s0+$0x0]  }
0x228: {  	v14 =	vld [tilespmem:s17+$0xFFFFFF80];
	v11 =	vmax.f32 v11, $0.0e+00;
	v10 =	vadd.f32 v15, v10  }
0x229: {  	[tilespmem:s31+$0xFFFFFF00] =	vst v11;
	v15 =	vld [tilespmem:s31+$0xFFFFFF10]  }
0x22a: {  	v11 =	vld [tilespmem:s0+$0xFFFFFF10];
	v10 =	vmax.f32 v10, $0.0e+00  }
0x22b: {  	v16 =	vadd.f32 v17, v16;
	[tilespmem:s31+$0x90] =	vst v10;
	v10 =	vld [tilespmem:s31+$0xA0]  }
0x22c: {  	v2 =	vmax.f32 v2, $0.0e+00;
	v12 =	vadd.f32 v13, v12;
	v13 =	vld [tilespmem:s17+$0xFFFFFF10]  }
0x22d: {  	[tilespmem:s30+$0xE0] =	vst v2;
	v14 =	vadd.f32 v14, v16;
	v36 =	vld [tilespmem:s0+$0xA0]  }
0x22e: {  	v2 =	vld [tilespmem:s13+$0xF0];
	v12 =	vadd.f32 v18, v12  }
0x22f: {  	v14 =	vmax.f32 v14, $0.0e+00;
	v37 =	vld [tilespmem:s17+$0xA0];
	v11 =	vadd.f32 v11, v15  }
0x230: {  	[tilespmem:s31+$0xFFFFFF80] =	vst v14;
	v15 =	vld [tilespmem:s31+$0xFFFFFF20];
	v12 =	vmax.f32 v12, $0.0e+00  }
0x231: {  	v14 =	vld [tilespmem:s0+$0xFFFFFF90];
	[tilespmem:s31+$0x0] =	vst v12;
	v11 =	vadd.f32 v13, v11  }
0x232: {  	v10 =	vadd.f32 v36, v10;
	v12 =	vld [tilespmem:s0+$0x10]  }
0x233: {  	v13 =	vld [tilespmem:s17+$0xFFFFFF90];
	v11 =	vmax.f32 v11, $0.0e+00  }
0x234: {  	v39 =	vld [tilespmem:s17+$0x10];
	v10 =	vadd.f32 v37, v10;
	[tilespmem:s31+$0xFFFFFF10] =	vst v11  }
0x235: {  	v11 =	vld [tilespmem:s0+$0xFFFFFF20]  }
0x236: {  	v14 =	vadd.f32 v14, v19;
	v41 =	vld [tilespmem:s17+$0xFFFFFF20];
	v10 =	vmax.f32 v10, $0.0e+00  }
0x237: {  	[tilespmem:s31+$0xA0] =	vst v10;
	v10 =	vld [tilespmem:s31+$0xB0];
	v12 =	vadd.f32 v12, v38  }
0x238: {  	v13 =	vadd.f32 v13, v14;
	v40 =	vld [tilespmem:s0+$0xB0]  }
0x239: {  	v9 =	vld [tilespmem:s18+$0xF0];
	v12 =	vadd.f32 v39, v12  }
0x23a: {  	v14 =	vld [tilespmem:s17+$0xB0];
	v13 =	vmax.f32 v13, $0.0e+00;
	v11 =	vadd.f32 v11, v15  }
0x23b: {  	[tilespmem:s31+$0xFFFFFF90] =	vst v13;
	v15 =	vld [tilespmem:s31+$0xFFFFFF30];
	v12 =	vmax.f32 v12, $0.0e+00  }
0x23c: {  	v13 =	vld [tilespmem:s0+$0xFFFFFFA0];
	[tilespmem:s31+$0x10] =	vst v12;
	v11 =	vadd.f32 v41, v11  }
0x23d: {  	v10 =	vadd.f32 v40, v10;
	v12 =	vld [tilespmem:s0+$0x20]  }
0x23e: {  	v44 =	vld [tilespmem:s17+$0x20];
	v11 =	vmax.f32 v11, $0.0e+00  }
0x23f: {  	v10 =	vadd.f32 v14, v10;
	v14 =	vld [tilespmem:s17+$0xFFFFFFA0];
	[tilespmem:s31+$0xFFFFFF20] =	vst v11  }
0x240: {  	v11 =	vld [tilespmem:s0+$0xFFFFFF30]  }
0x241: {  	v46 =	vld [tilespmem:s17+$0xFFFFFF30];
	v10 =	vmax.f32 v10, $0.0e+00  }
0x242: {  	v13 =	vadd.f32 v13, v42;
	[tilespmem:s31+$0xB0] =	vst v10;
	v10 =	vld [tilespmem:s31+$0xC0]  }
0x243: {  	v12 =	vadd.f32 v12, v43;
	v45 =	vld [tilespmem:s0+$0xC0]  }
0x244: {  	v59 =	vld [tilespmem:s31+$0xFFFFFFE0];
	v13 =	vadd.f32 v14, v13  }
0x245: {  	v1 =	vadd.f32 v2, v1;
	v14 =	vld [tilespmem:s17+$0xC0];
	v12 =	vadd.f32 v44, v12  }
0x246: {  	v5 =	vld [tilespmem:s30+$0xFFFFFF70];
	v11 =	vadd.f32 v11, v15;
	v13 =	vmax.f32 v13, $0.0e+00  }
0x247: {  	v1 =	vadd.f32 v9, v1;
	v9 =	vld [tilespmem:s31+$0xFFFFFFF0];
	v12 =	vmax.f32 v12, $0.0e+00;
	[tilespmem:s31+$0xFFFFFFA0] =	vst v13  }
0x248: {  	[tilespmem:s31+$0x20] =	vst v12;
	v11 =	vadd.f32 v46, v11;
	v10 =	vadd.f32 v45, v10;
	v12 =	vld [tilespmem:s0+$0xFFFFFFB0]  }
0x249: {  	v13 =	vld [tilespmem:s0+$0x30]  }
0x24a: {  	v11 =	vmax.f32 v11, $0.0e+00;
	v10 =	vadd.f32 v14, v10;
	v14 =	vld [tilespmem:s17+$0xFFFFFFB0]  }
0x24b: {  	[tilespmem:s31+$0xFFFFFF30] =	vst v11;
	v11 =	vld [tilespmem:s17+$0x30]  }
0x24c: {  	v15 =	vld [tilespmem:s31+$0xFFFFFF40];
	v10 =	vmax.f32 v10, $0.0e+00  }
0x24d: {  	v49 =	vld [tilespmem:s0+$0xFFFFFF40];
	[tilespmem:s31+$0xC0] =	vst v10;
	v10 =	vadd.f32 v12, v47  }
0x24e: {  	v12 =	vld [tilespmem:s31+$0xD0];
	v13 =	vadd.f32 v13, v48  }
0x24f: {  	v50 =	vld [tilespmem:s0+$0xD0];
	v10 =	vadd.f32 v14, v10  }
0x250: {  	v52 =	vld [tilespmem:s17+$0xFFFFFF40];
	v11 =	vadd.f32 v11, v13  }
0x251: {  	v13 =	vld [tilespmem:s17+$0xD0];
	v10 =	vmax.f32 v10, $0.0e+00  }
0x252: {  	v14 =	vld [tilespmem:s31+$0x40];
	[tilespmem:s31+$0xFFFFFFB0] =	vst v10;
	v10 =	vmax.f32 v11, $0.0e+00  }
0x253: {  	v11 =	vld [tilespmem:s0+$0xFFFFFFC0];
	[tilespmem:s31+$0x30] =	vst v10  }
0x254: {  	v10 =	vadd.f32 v50, v12;
	v12 =	vld [tilespmem:s0+$0x40]  }
0x255: {  	v53 =	vld [tilespmem:s17+$0xFFFFFFC0]  }
0x256: {  	v4 =	vld [tilespmem:s30+$0xFFFFFFF0];
	v10 =	vadd.f32 v13, v10  }
0x257: {  	v15 =	vadd.f32 v49, v15;
	v13 =	vld [tilespmem:s17+$0x40]  }
0x258: {  	v3 =	vld [tilespmem:s30+$0x70];
	v10 =	vmax.f32 v10, $0.0e+00;
	v11 =	vadd.f32 v11, v51  }
0x259: {  	v7 =	vmax.f32 v7, $0.0e+00;
	[tilespmem:s31+$0xD0] =	vst v10;
	v10 =	vadd.f32 v52, v15;
	v12 =	vadd.f32 v12, v14;
	v14 =	vld [tilespmem:s31+$0xE0]  }
0x25a: {  	[tilespmem:s30+$0xFFFFFF60] =	vst v7;
	v15 =	vld [tilespmem:s0+$0xE0];
	v11 =	vadd.f32 v53, v11  }
0x25b: {  	v8 =	vld [tilespmem:s13+$0xFFFFFF70];
	v10 =	vmax.f32 v10, $0.0e+00  }
0x25c: {  	v12 =	vadd.f32 v13, v12;
	[tilespmem:s31+$0xFFFFFF40] =	vst v10;
	v10 =	vmax.f32 v11, $0.0e+00;
	v11 =	vld [tilespmem:s17+$0xE0]  }
0x25d: {  	v13 =	vld [tilespmem:s0+$0xFFFFFF50];
	[tilespmem:s31+$0xFFFFFFC0] =	vst v10  }
0x25e: {  	v10 =	vmax.f32 v12, $0.0e+00;
	v12 =	vld [tilespmem:s0+$0xFFFFFFD0]  }
0x25f: {  	[tilespmem:s31+$0x40] =	vst v10;
	v14 =	vadd.f32 v15, v14;
	v15 =	vld [tilespmem:s17+$0xFFFFFF50]  }
0x260: {  	v10 =	vld [tilespmem:s0+$0x50]  }
0x261: {  	v57 =	vld [tilespmem:s17+$0xFFFFFFD0];
	v11 =	vadd.f32 v11, v14  }
0x262: {  	v14 =	vld [tilespmem:s17+$0x50];
	v13 =	vadd.f32 v13, v54  }
0x263: {  	v63 =	vld [tilespmem:s18+$0xFFFFFF70];
	v11 =	vmax.f32 v11, $0.0e+00  }
0x264: {  	v7 =	vld [tilespmem:s13+$0xFFFFFFF0];
	v12 =	vadd.f32 v12, v55;
	[tilespmem:s31+$0xE0] =	vst v11;
	v11 =	vadd.f32 v15, v13  }
0x265: {  	v10 =	vadd.f32 v10, v56;
	v13 =	vld [tilespmem:s31+$0xF0]  }
0x266: {  	v12 =	vadd.f32 v57, v12;
	v15 =	vld [tilespmem:s0+$0xF0];
	v11 =	vmax.f32 v11, $0.0e+00  }
0x267: {  	v10 =	vadd.f32 v14, v10;
	v14 =	vld [tilespmem:s31+$0x60];
	[tilespmem:s31+$0xFFFFFF50] =	vst v11  }
0x268: {  	v11 =	vmax.f32 v12, $0.0e+00;
	v12 =	vld [tilespmem:s0+$0xFFFFFF60]  }
0x269: {  	[tilespmem:s31+$0xFFFFFFD0] =	vst v11;
	v10 =	vmax.f32 v10, $0.0e+00;
	v20 =	vld [tilespmem:s17+$0xFFFFFF60]  }
0x26a: {  	v61 =	vld [tilespmem:s0+$0xFFFFFFE0];
	[tilespmem:s31+$0x50] =	vst v10  }
0x26b: {  	v10 =	vld [tilespmem:s0+$0x60]  }
0x26c: {  	v21 =	vld [tilespmem:s17+$0xFFFFFFE0]  }
0x26d: {  	v2 =	vld [tilespmem:s17+$0x60]  }
0x26e: {  	[tilespmem:s30+$0x60] =	vst v6;
	v60 =	vld [tilespmem:s17+$0xF0];
	v12 =	vadd.f32 v12, v58  }
0x26f: {  	v6 =	vld [tilespmem:s13+$0x70];
	v62 =	vadd.f32 v61, v59  }
0x270: {  	v11 =	vld [tilespmem:s31+$0xFFFFFF70];
	v14 =	vadd.f32 v10, v14;
	v12 =	vadd.f32 v20, v12  }
0x271: {  	v1 =	vmax.f32 v1, $0.0e+00;
	v13 =	vadd.f32 v15, v13;
	v10 =	vld [tilespmem:s31+$0x70];
	v15 =	vadd.f32 v21, v62  }
0x272: {  	[tilespmem:s30+$0xF0] =	vst v1;
	v1 =	vmax.f32 v12, $0.0e+00;
	v2 =	vadd.f32 v2, v14;
	v12 =	vld [tilespmem:s18+$0xFFFFFFF0]  }
0x273: {  	v14 =	vadd.f32 v60, v13;
	v13 =	vld [tilespmem:s18+$0x70];
	[tilespmem:s31+$0xFFFFFF60] =	vst v1;
	v1 =	vmax.f32 v15, $0.0e+00  }
0x274: {  	v15 =	vadd.f32 v8, v5;
	[tilespmem:s31+$0xFFFFFFE0] =	vst v1;
	v8 =	vld [tilespmem:s0+$0xFFFFFF70];
	v2 =	vmax.f32 v2, $0.0e+00  }
0x275: {  	v1 =	vadd.f32 v7, v4;
	v5 =	vmax.f32 v14, $0.0e+00;
	v4 =	vld [tilespmem:s0+$0xFFFFFFF0];
	[tilespmem:s31+$0x60] =	vst v2  }
0x276: {  	s12 =	simm.s32 $0x8400;
	s13 =	simm.s32 $0x600;
	s18 =	simm.s32 $0x4;
	v2 =	vadd.f32 v6, v3;
	[tilespmem:s31+$0xF0] =	vst v5;
	v3 =	vadd.f32 v63, v15;
	v5 =	vld [tilespmem:s0+$0x70]  }
.LBB2_12:
0x277: {  	v6 =	vld [tilespmem:s13+$0x80];
	s0 =	sadd.s32 $0x200, s0;
	v1 =	vadd.f32 v12, v1  }
0x278: {  	s18 =	sadd.s32 $0x4, s18;
	v12 =	vmax.f32 v3, $0.0e+00;
	v2 =	vadd.f32 v13, v2;
	v7 =	vld [tilespmem:s0+$0x80]  }
0x279: {  	v3 =	vadd.f32 v8, v11;
	s17 =	sadd.s32 $0x200, s17;
	p1 =	slt.u32 s18, $0x7C;
	v13 =	vld [tilespmem:s0+$0xFFFFFF00];
	[tilespmem:s30+$0xFFFFFF70] =	vst v12;
	v8 =	vmax.f32 v1, $0.0e+00  }
0x27a: {  	v1 =	vadd.f32 v4, v9;
	v4 =	vmax.f32 v2, $0.0e+00;
	v11 =	vld [tilespmem:s17+$0x80];
	[tilespmem:s30+$0xFFFFFFF0] =	vst v8  }
0x27b: {  	v2 =	vadd.f32 v5, v10;
	v8 =	vld [tilespmem:s13+$0xFFFFFF80];
	[tilespmem:s30+$0x70] =	vst v4;
	s30 =	smov.u32 s31;
	s31 =	smov.u32 s13  }
0x27c: {  	v4 =	vld [tilespmem:s0+$0xFFFFFF80]  }
0x27d: {  	v5 =	vld [tilespmem:s13+$0x0];
	v6 =	vadd.f32 v7, v6  }
0x27e: {  	v7 =	vld [tilespmem:s0+$0x0]  }
0x27f: {  	v9 =	vld [tilespmem:s13+$0xFFFFFF00];
	v6 =	vadd.f32 v11, v6  }
0x280: {  	v10 =	vld [tilespmem:s17+$0xFFFFFF00]  }
0x281: {  	v4 =	vadd.f32 v4, v8;
	v8 =	vld [tilespmem:s17+$0xFFFFFF80];
	v6 =	vmax.f32 v6, $0.0e+00  }
0x282: {  	[tilespmem:s13+$0x80] =	vst v6;
	v6 =	vld [tilespmem:s13+$0x90]  }
0x283: {  	v5 =	vadd.f32 v7, v5;
	v7 =	vld [tilespmem:s0+$0x90]  }
0x284: {  	v9 =	vadd.f32 v13, v9;
	v11 =	vld [tilespmem:s17+$0x0]  }
0x285: {  	v12 =	vld [tilespmem:s17+$0x90]  }
0x286: {  	v9 =	vadd.f32 v10, v9;
	v10 =	vld [tilespmem:s13+$0xFFFFFF10];
	v4 =	vadd.f32 v8, v4  }
0x287: {  	v8 =	vld [tilespmem:s13+$0xFFFFFF90]  }
0x288: {  	v9 =	vmax.f32 v9, $0.0e+00;
	v4 =	vmax.f32 v4, $0.0e+00;
	v13 =	vld [tilespmem:s13+$0x10];
	v6 =	vadd.f32 v7, v6  }
0x289: {  	[tilespmem:s13+$0xFFFFFF00] =	vst v9;
	v7 =	vld [tilespmem:s13+$0xFFFFFF20];
	v5 =	vadd.f32 v11, v5  }
0x28a: {  	v9 =	vld [tilespmem:s0+$0xFFFFFF10];
	[tilespmem:s13+$0xFFFFFF80] =	vst v4;
	v4 =	vadd.f32 v12, v6  }
0x28b: {  	v6 =	vld [tilespmem:s0+$0xFFFFFF90];
	v5 =	vmax.f32 v5, $0.0e+00  }
0x28c: {  	v11 =	vld [tilespmem:s17+$0xFFFFFF10];
	[tilespmem:s13+$0x0] =	vst v5;
	v4 =	vmax.f32 v4, $0.0e+00  }
0x28d: {  	[tilespmem:s13+$0x90] =	vst v4;
	v4 =	vld [tilespmem:s13+$0xA0]  }
0x28e: {  	v5 =	vld [tilespmem:s0+$0xA0]  }
0x28f: {  	v9 =	vadd.f32 v9, v10;
	v10 =	vld [tilespmem:s0+$0x10]  }
0x290: {  	v6 =	vadd.f32 v6, v8;
	v8 =	vld [tilespmem:s17+$0xA0]  }
0x291: {  	v9 =	vadd.f32 v11, v9;
	v11 =	vld [tilespmem:s17+$0xFFFFFF90]  }
0x292: {  	v12 =	vld [tilespmem:s17+$0x10]  }
0x293: {  	v9 =	vmax.f32 v9, $0.0e+00;
	v14 =	vld [tilespmem:s13+$0xFFFFFFA0];
	v4 =	vadd.f32 v5, v4  }
0x294: {  	[tilespmem:s13+$0xFFFFFF10] =	vst v9;
	v5 =	vadd.f32 v10, v13;
	v9 =	vld [tilespmem:s13+$0x20]  }
0x295: {  	v10 =	vld [tilespmem:s0+$0xFFFFFF20];
	v4 =	vadd.f32 v8, v4  }
0x296: {  	v8 =	vld [tilespmem:s17+$0xFFFFFF20];
	v6 =	vadd.f32 v11, v6  }
0x297: {  	v11 =	vld [tilespmem:s13+$0xFFFFFF30];
	v5 =	vadd.f32 v12, v5;
	v4 =	vmax.f32 v4, $0.0e+00  }
0x298: {  	v6 =	vmax.f32 v6, $0.0e+00;
	[tilespmem:s13+$0xA0] =	vst v4;
	v4 =	vld [tilespmem:s13+$0xB0]  }
0x299: {  	[tilespmem:s13+$0xFFFFFF90] =	vst v6;
	v5 =	vmax.f32 v5, $0.0e+00;
	v6 =	vld [tilespmem:s0+$0xB0]  }
0x29a: {  	v7 =	vadd.f32 v10, v7;
	v10 =	vld [tilespmem:s0+$0xFFFFFFA0];
	[tilespmem:s13+$0x10] =	vst v5  }
0x29b: {  	v5 =	vld [tilespmem:s17+$0xB0]  }
0x29c: {  	v7 =	vadd.f32 v8, v7;
	v8 =	vld [tilespmem:s0+$0x20]  }
0x29d: {  	v12 =	vld [tilespmem:s17+$0xFFFFFFA0]  }
0x29e: {  	v7 =	vmax.f32 v7, $0.0e+00;
	v13 =	vld [tilespmem:s17+$0x20];
	v4 =	vadd.f32 v6, v4  }
0x29f: {  	[tilespmem:s13+$0xFFFFFF20] =	vst v7;
	v6 =	vadd.f32 v10, v14;
	v7 =	vld [tilespmem:s13+$0xFFFFFFB0]  }
0x2a0: {  	v10 =	vld [tilespmem:s0+$0xFFFFFF30];
	v4 =	vadd.f32 v5, v4  }
0x2a1: {  	v5 =	vadd.f32 v8, v9;
	v8 =	vld [tilespmem:s13+$0x30]  }
0x2a2: {  	v9 =	vld [tilespmem:s17+$0xFFFFFF30];
	v6 =	vadd.f32 v12, v6;
	v4 =	vmax.f32 v4, $0.0e+00  }
0x2a3: {  	v5 =	vadd.f32 v13, v5;
	[tilespmem:s13+$0xB0] =	vst v4;
	v4 =	vld [tilespmem:s13+$0xC0]  }
0x2a4: {  	v6 =	vmax.f32 v6, $0.0e+00;
	v12 =	vld [tilespmem:s0+$0xC0]  }
0x2a5: {  	v10 =	vadd.f32 v10, v11;
	v11 =	vld [tilespmem:s13+$0xFFFFFF40];
	[tilespmem:s13+$0xFFFFFFA0] =	vst v6;
	v5 =	vmax.f32 v5, $0.0e+00  }
0x2a6: {  	[tilespmem:s13+$0x20] =	vst v5;
	v5 =	vld [tilespmem:s17+$0xC0]  }
0x2a7: {  	v6 =	vadd.f32 v9, v10;
	v9 =	vld [tilespmem:s0+$0xFFFFFFB0]  }
0x2a8: {  	v10 =	vld [tilespmem:s0+$0x30]  }
0x2a9: {  	v6 =	vmax.f32 v6, $0.0e+00;
	v13 =	vld [tilespmem:s17+$0xFFFFFFB0];
	v4 =	vadd.f32 v12, v4  }
0x2aa: {  	[tilespmem:s13+$0xFFFFFF30] =	vst v6;
	v6 =	vld [tilespmem:s17+$0x30]  }
0x2ab: {  	v12 =	vld [tilespmem:s0+$0xFFFFFF40];
	v4 =	vadd.f32 v5, v4  }
0x2ac: {  	v5 =	vadd.f32 v9, v7;
	v7 =	vld [tilespmem:s13+$0xFFFFFFC0]  }
0x2ad: {  	v8 =	vadd.f32 v10, v8;
	v9 =	vld [tilespmem:s13+$0x40];
	v4 =	vmax.f32 v4, $0.0e+00  }
0x2ae: {  	v5 =	vadd.f32 v13, v5;
	[tilespmem:s13+$0xC0] =	vst v4;
	v4 =	vld [tilespmem:s13+$0xD0]  }
0x2af: {  	v6 =	vadd.f32 v6, v8;
	v8 =	vld [tilespmem:s0+$0xD0]  }
0x2b0: {  	v10 =	vadd.f32 v12, v11;
	v11 =	vld [tilespmem:s17+$0xFFFFFF40];
	v5 =	vmax.f32 v5, $0.0e+00  }
0x2b1: {  	[tilespmem:s13+$0xFFFFFFB0] =	vst v5;
	v5 =	vmax.f32 v6, $0.0e+00;
	v6 =	vld [tilespmem:s17+$0xD0]  }
0x2b2: {  	v12 =	vld [tilespmem:s0+$0xFFFFFFC0];
	[tilespmem:s13+$0x30] =	vst v5  }
0x2b3: {  	v5 =	vld [tilespmem:s0+$0x40]  }
0x2b4: {  	v13 =	vld [tilespmem:s17+$0xFFFFFFC0];
	v4 =	vadd.f32 v8, v4  }
0x2b5: {  	v8 =	vadd.f32 v11, v10;
	v10 =	vld [tilespmem:s17+$0x40]  }
0x2b6: {  	v11 =	vld [tilespmem:s13+$0xFFFFFF50];
	v4 =	vadd.f32 v6, v4  }
0x2b7: {  	v6 =	vmax.f32 v8, $0.0e+00;
	v7 =	vadd.f32 v12, v7;
	v8 =	vld [tilespmem:s13+$0xFFFFFFD0]  }
0x2b8: {  	[tilespmem:s13+$0xFFFFFF40] =	vst v6;
	v5 =	vadd.f32 v5, v9;
	v6 =	vld [tilespmem:s13+$0x50];
	v4 =	vmax.f32 v4, $0.0e+00  }
0x2b9: {  	v7 =	vadd.f32 v13, v7;
	[tilespmem:s13+$0xD0] =	vst v4;
	v4 =	vld [tilespmem:s13+$0xE0]  }
0x2ba: {  	v5 =	vadd.f32 v10, v5;
	v9 =	vld [tilespmem:s0+$0xE0]  }
0x2bb: {  	v10 =	vld [tilespmem:s0+$0xFFFFFF50];
	v7 =	vmax.f32 v7, $0.0e+00  }
0x2bc: {  	[tilespmem:s13+$0xFFFFFFC0] =	vst v7;
	v5 =	vmax.f32 v5, $0.0e+00;
	v7 =	vld [tilespmem:s17+$0xE0]  }
0x2bd: {  	v12 =	vld [tilespmem:s0+$0xFFFFFFD0];
	[tilespmem:s13+$0x40] =	vst v5  }
0x2be: {  	v5 =	vld [tilespmem:s0+$0x50]  }
0x2bf: {  	v13 =	vld [tilespmem:s17+$0xFFFFFF50];
	v4 =	vadd.f32 v9, v4  }
0x2c0: {  	v9 =	vadd.f32 v10, v11;
	v10 =	vld [tilespmem:s17+$0xFFFFFFD0]  }
0x2c1: {  	v11 =	vld [tilespmem:s17+$0x50];
	v4 =	vadd.f32 v7, v4  }
0x2c2: {  	v7 =	vld [tilespmem:s13+$0xFFFFFF60];
	v8 =	vadd.f32 v12, v8  }
0x2c3: {  	v12 =	vld [tilespmem:s13+$0xFFFFFFE0];
	v5 =	vadd.f32 v5, v6;
	v4 =	vmax.f32 v4, $0.0e+00  }
0x2c4: {  	v6 =	vadd.f32 v13, v9;
	[tilespmem:s13+$0xE0] =	vst v4;
	v4 =	vld [tilespmem:s13+$0xF0]  }
0x2c5: {  	v8 =	vadd.f32 v10, v8;
	v9 =	vld [tilespmem:s0+$0xF0]  }
0x2c6: {  	v6 =	vmax.f32 v6, $0.0e+00;
	v5 =	vadd.f32 v11, v5;
	v10 =	vld [tilespmem:s13+$0x60]  }
0x2c7: {  	[tilespmem:s13+$0xFFFFFF50] =	vst v6;
	v6 =	vmax.f32 v8, $0.0e+00;
	v8 =	vld [tilespmem:s17+$0xF0]  }
0x2c8: {  	v11 =	vld [tilespmem:s0+$0xFFFFFF60];
	[tilespmem:s13+$0xFFFFFFD0] =	vst v6;
	v5 =	vmax.f32 v5, $0.0e+00  }
0x2c9: {  	v6 =	vld [tilespmem:s0+$0xFFFFFFE0];
	[tilespmem:s13+$0x50] =	vst v5  }
0x2ca: {  	v5 =	vld [tilespmem:s0+$0x60];
	v4 =	vadd.f32 v9, v4  }
0x2cb: {  	v13 =	vld [tilespmem:s17+$0xFFFFFF60]  }
0x2cc: {  	v14 =	vld [tilespmem:s17+$0xFFFFFFE0];
	v4 =	vadd.f32 v8, v4  }
0x2cd: {  	v7 =	vadd.f32 v11, v7;
	v8 =	vld [tilespmem:s17+$0x60]  }
0x2ce: {  	v11 =	vld [tilespmem:s13+$0xFFFFFF70];
	v6 =	vadd.f32 v6, v12;
	v4 =	vmax.f32 v4, $0.0e+00  }
0x2cf: {  	v9 =	vld [tilespmem:s13+$0xFFFFFFF0];
	v5 =	vadd.f32 v5, v10;
	[tilespmem:s13+$0xF0] =	vst v4  }
0x2d0: {  	v4 =	vadd.f32 v13, v7;
	v10 =	vld [tilespmem:s13+$0x70]  }
0x2d1: {  	v6 =	vadd.f32 v14, v6;
	v7 =	vld [tilespmem:s12+$0xFFFFFF70]  }
.Ltmp11:
0x2d2: {  	v4 =	vmax.f32 v4, $0.0e+00;
	v5 =	vadd.f32 v8, v5;
	v12 =	vld [tilespmem:s12+$0xFFFFFFF0];
	(pc) =	sbr.rel @p1 .LBB2_12-.Ltmp11, $4  }
0x2d3: {  	[tilespmem:s13+$0xFFFFFF60] =	vst v4;
	v4 =	vmax.f32 v6, $0.0e+00;
	v13 =	vld [tilespmem:s12+$0x70];
	s12 =	smov.u32 s17  }
0x2d4: {  	v8 =	vld [tilespmem:s0+$0xFFFFFF70];
	[tilespmem:s13+$0xFFFFFFE0] =	vst v4;
	v5 =	vmax.f32 v5, $0.0e+00  }
0x2d5: {  	v4 =	vld [tilespmem:s0+$0xFFFFFFF0];
	[tilespmem:s13+$0x60] =	vst v5  }
0x2d6: {  	s13 =	sadd.s32 $0x200, s13;
	v5 =	vld [tilespmem:s0+$0x70];
	v3 =	vadd.f32 v7, v3  }
.Ltmp12:
0x2d7: {  	_ = 	snop;
	(pc) =	sbr.rel .LBB2_13-.Ltmp12, $1  }
0x2d8: {  	_ =	sdelay $0x3  }
.LBB2_9:
.Ltmp13:
0x2d9: {  	(pc) =	sbr.rel .LBB2_16-.Ltmp13, $2  }
0x2da: {  	_ =	sdelay $0x2  }
0x2db: {  	s0 =	rddreg [dreg:$0x7]  }
.LBB2_17:
0x2dc: {  	_ =	sfence.sel $0x180000  }
0x2dd: {  	[bflag:$0x0] =	sbarrier.arrive $0xFFFF  }
0x2de: {  	_ =	strace $0x90000047  }
0x2df: {  	[bflag:$0x2] =	sbarrier.arrive $0xFFFF  }
0x2e0: {  	p0 =	sne.s32 s4, $0x0;
	s0 =	rddreg [dreg:$0x3]  }
0x2e1: {  	s0 =	sadd.s32 @!p0 $0x100000, s0  }
0x2e2: {  	[sflag:s0] =	ssyncadd.tile.s32 @!p0 $0x1;
	_ =	shalt  }
.Lfunc_end2:
_tile_overlayer_lowered:
.L_overlay_start_2:
0x2e3: {  	(tag) =	ssettag $0x2  }
0x2e4: {  	s0 =	rddreg [dreg:$0x0];
	s2 =	stileid.u32  }
0x2e5: {  	s1 =	rddreg [dreg:$0x1];
	p0 =	sne.s32 s2, $0x0  }
0x2e6: {  	s3 =	rddreg [dreg:$0x2];
	[bflag:$0x3] =	sbarrier.arrive $0xFFFF;
	s2 =	simm.s32 @!p0 $0x1C01  }
0x2e7: {  	[timem:s3], [sflag:s2] =	dma.local @!p0 [hbm:s0], s1  }
0x2e8: {  	s0 =	simm.s32 @!p0 $0x1  }
0x2e9: {  	_ =	swait.ge @!p0 [sflag:s0], s1  }
0x2ea: {  	s1 =	ssub.s32 @!p0 $0x0, s1;
	[sflag:s0] =	ssyncset.done @!p0 $0x0  }
0x2eb: {  	[sflag:s0] =	ssyncadd.s32 @!p0 s1  }
0x2ec: {  	[bflag:$0x3] =	sbarrier.arrive $0xFFFF  }
0x2ed: {  	_ =	shalt  }

// kernel: kernel.17.cloned.1.call-start
scs
__scs_entry_jumppad:
0x0: {  	(pc) =	sbr.rel $0x88, $3  }
0x1: {  	(tag) =	ssettag $0x0;
	lr =	simm.s32 $0x1  }
0x2: {  	[smem:$0x3F8D] =	sst lr;
	_ =	strace $0xD0000000  }
0x3: {  	_ = 	snop  }
0x4: {  	_ = 	snop  }
0x5: {  	_ = 	snop  }
0x6: {  	_ = 	snop  }
0x7: {  	_ = 	snop  }
__scs_overlays_trampoline_lowered:
0x8: {  	[smem:$0x3F9C] =	sst s0  }
0x9: {  	[smem:$0x3F9D] =	sst s1  }
0xa: {  	[smem:$0x3F9E] =	sst s2  }
0xb: {  	[smem:$0x3F9F] =	sst s3  }
0xc: {  	[smem:$0x3FA0] =	sst s4  }
0xd: {  	[smem:$0x3FA1] =	sst s5  }
0xe: {  	[smem:$0x3FA2] =	sst s6  }
0xf: {  	[smem:$0x3FA3] =	sst s7  }
0x10: {  	[smem:$0x3FA4] =	sst s8  }
0x11: {  	[smem:$0x3FA5] =	sst s9;
	s0 =	simm.s32 @!p0 $0x0  }
0x12: {  	s1 =	sld [smem:$0x3F8B];
	s0 =	simm.s32 @p0 $0x1  }
0x13: {  	[smem:$0x3FA6] =	sst s0;
	s0 =	simm.s32 @!p1 $0x0  }
0x14: {  	s2 =	sld [smem:$0x3F8A];
	s0 =	simm.s32 @p1 $0x1  }
0x15: {  	[smem:$0x3FA7] =	sst s0;
	s0 =	simm.s32 @!p2 $0x0  }
0x16: {  	s3 =	sld [smem:$0x3FDB];
	s0 =	simm.s32 @p2 $0x1  }
0x17: {  	s4 =	simm.s32 $0x1BF5;
	[smem:$0x3FA9] =	sst s0  }
0x18: {  	s0 =	sld [smem:$0x3F8C];
	_ =	swait.ge [sflag:s4], $0x0  }
0x19: {  	s7 =	sld [smem:$0x3F8D]  }
0x1a: {  	s8 =	sadd.s32 $0xFFFFE003, lr  }
0x1b: {  	s9 =	sadd.s32 $0xFFFFFEF7, lr;
	s5 =	simm.s32 $0xFFFFFFFF;
	p2 =	slt.u32 s8, $0xFFFFF086  }
0x1c: {  	p1 =	slt.u32 s9, $0xF7A;
	s5 =	simm.s32 @!p2 $0x0  }
0x1d: {  	s5 =	simm.s32 @p1 $0x1;
	p0 =	seq.s32 s7, s2  }
0x1e: {  	s7 =	smul.u32 @!p0 $0xF7A, s2;
	p2 =	seq.s32 @!p0 s5, $0x0  }
0x1f: {  	s9 =	smul.u32 $0xF7A, s1;
	s8 =	simm.s32 @!p0 $0x1BF5;
	p2 =	por !p2, p0  }
0x20: {  	[sflag:s8] =	ssyncset.s32 @!p0 $0xFFFFF086;
	s6 =	sadd.s32 @!p0 s3, s7;
	s7 =	simm.s32 @!p0 $0x108  }
0x21: {  	s3 =	sadd.s32 s3, s9;
	s6 =	sadd.s32 @!p0 $0x88, s6;
	s7 =	simm.s32 @p2 $0x1082  }
0x22: {  	[simem:s7], [sflag:s8] =	dma.local @!p0 [hbm:s6], $0xF7A  }
0x23: {  	s9 =	sor.u32 $0xD0000000, s2;
	s6 =	simm.s32 $0x108;
	_ =	swait.ge @!p0 [sflag:s8], $0x0  }
0x24: {  	s3 =	sadd.s32 $0x88, s3;
	s6 =	simm.s32 @!p1 $0x1082;
	[sflag:s4] =	ssyncset.s32 $0xFFFFF086  }
0x25: {  	[simem:s6], [sflag:s4] =	dma.local [hbm:s3], $0xF7A  }
0x26: {  	[smem:$0x3F8D] =	sst s1;
	(tag) =	ssettag s2;
	_ =	strace s9  }
0x27: {  	s1 =	sld [smem:$0x3F9D]  }
0x28: {  	s2 =	sld [smem:$0x3F9E]  }
0x29: {  	s4 =	sld [smem:$0x3FA0]  }
0x2a: {  	p0 =	seq.s32 s5, $0x0;
	s5 =	sld [smem:$0x3FA1]  }
0x2b: {  	s6 =	sld [smem:$0x3FA2]  }
0x2c: {  	s7 =	sld [smem:$0x3FA3]  }
0x2d: {  	s3 =	simm.s32 $0x108;
	s8 =	sld [smem:$0x3FA4]  }
0x2e: {  	s3 =	simm.s32 @!p0 $0x1082;
	s9 =	sld [smem:$0x3FA5]  }
0x2f: {  	lr =	sadd.s32 s0, s3;
	s0 =	sld [smem:$0x3F9C]  }
0x30: {  	s3 =	sld [smem:$0x3F9F]  }
0x31: {  	[smem:$0x3FA8] =	sst s10  }
0x32: {  	s10 =	sld [smem:$0x3FA6];
	_ =	sdelay $0x3  }
0x33: {  	p0 =	seq.s32 s10, $0x1;
	s10 =	sld [smem:$0x3FA8];
	_ =	sdelay $0x3  }
0x34: {  	[smem:$0x3FA8] =	sst s10  }
0x35: {  	s10 =	sld [smem:$0x3FA7];
	_ =	sdelay $0x3  }
0x36: {  	p1 =	seq.s32 s10, $0x1;
	s10 =	sld [smem:$0x3FA8];
	_ =	sdelay $0x3  }
0x37: {  	[smem:$0x3FA8] =	sst s10  }
0x38: {  	s10 =	sld [smem:$0x3FA9]  }
0x39: {  	_ = 	snop;
	(pc) =	sbr.ind lr, $3  }
0x3a: {  	_ = 	snop  }
0x3b: {  	_ = 	snop  }
0x3c: {  	p2 =	seq.s32 s10, $0x1;
	s10 =	sld [smem:$0x3FA8]  }
0x3d: {  	_ =	shalt  }
0x3e: {  	_ =	shalt  }
0x3f: {  	_ =	shalt  }
0x40: {  	_ =	shalt  }
0x41: {  	_ =	shalt  }
0x42: {  	_ =	shalt  }
0x43: {  	_ =	shalt  }
0x44: {  	_ =	shalt  }
0x45: {  	_ =	shalt  }
0x46: {  	_ =	shalt  }
0x47: {  	_ =	shalt  }
0x48: {  	_ =	shalt  }
0x49: {  	_ =	shalt  }
0x4a: {  	_ =	shalt  }
0x4b: {  	_ =	shalt  }
0x4c: {  	_ =	shalt  }
0x4d: {  	_ =	shalt  }
0x4e: {  	_ =	shalt  }
0x4f: {  	_ =	shalt  }
0x50: {  	_ =	shalt  }
0x51: {  	_ =	shalt  }
0x52: {  	_ =	shalt  }
0x53: {  	_ =	shalt  }
0x54: {  	_ =	shalt  }
0x55: {  	_ =	shalt  }
0x56: {  	_ =	shalt  }
0x57: {  	_ =	shalt  }
0x58: {  	_ =	shalt  }
0x59: {  	_ =	shalt  }
0x5a: {  	_ =	shalt  }
0x5b: {  	_ =	shalt  }
0x5c: {  	_ =	shalt  }
0x5d: {  	_ =	shalt  }
0x5e: {  	_ =	shalt  }
0x5f: {  	_ =	shalt  }
0x60: {  	_ =	shalt  }
0x61: {  	_ =	shalt  }
0x62: {  	_ =	shalt  }
0x63: {  	_ =	shalt  }
0x64: {  	_ =	shalt  }
0x65: {  	_ =	shalt  }
0x66: {  	_ =	shalt  }
0x67: {  	_ =	shalt  }
0x68: {  	_ =	shalt  }
0x69: {  	_ =	shalt  }
0x6a: {  	_ =	shalt  }
0x6b: {  	_ =	shalt  }
0x6c: {  	_ =	shalt  }
0x6d: {  	_ =	shalt  }
0x6e: {  	_ =	shalt  }
0x6f: {  	_ =	shalt  }
0x70: {  	_ =	shalt  }
0x71: {  	_ =	shalt  }
0x72: {  	_ =	shalt  }
0x73: {  	_ =	shalt  }
0x74: {  	_ =	shalt  }
0x75: {  	_ =	shalt  }
0x76: {  	_ =	shalt  }
0x77: {  	_ =	shalt  }
0x78: {  	_ =	shalt  }
0x79: {  	_ =	shalt  }
0x7a: {  	_ =	shalt  }
0x7b: {  	_ =	shalt  }
0x7c: {  	_ =	shalt  }
0x7d: {  	_ =	shalt  }
0x7e: {  	_ =	shalt  }
0x7f: {  	_ =	shalt  }
0x80: {  	_ =	shalt  }
0x81: {  	_ =	shalt  }
0x82: {  	_ =	shalt  }
0x83: {  	_ =	shalt  }
0x84: {  	_ =	shalt  }
0x85: {  	_ =	shalt  }
0x86: {  	_ =	shalt  }
0x87: {  	_ =	shalt  }
.Lfunc_end0:
.L_simem_size_0:
called_computation.2_lowered:
.L_overlay_start_0:
0x88: {  	s2 =	sld [smem:$0x3FD9]  }
0x89: {  	s3 =	sld [smem:$0x3FFE];
	_ =	sdelay $0x1  }
0x8a: {  	s1 =	srdreg.scid  }
0x8b: {  	s0 =	sand.u32 $0x1, s1  }
0x8c: {  	s16 =	sshll.u32 s0, $0xA;
	s2 =	sadd.s32 s3, s2  }
0x8d: {  	s2 =	sadd.s32 s2, s16  }
0x8e: {  	[smem:$0x3FB4] =	sst s2  }
0x8f: {  	_ = 	snop  }
0x90: {  	(tm) =	ssettm $0x1  }
0x91: {  	s17 =	sld [smem:$0x3FFB];
	_ =	sdelay $0x3  }
0x92: {  	_ =	strace s17  }
0x93: {  	s2 =	sld [smem:$0x3FFC];
	_ =	sdelay $0x3  }
0x94: {  	_ =	strace s2  }
0x95: {  	s2 =	sld [smem:$0x3FFD];
	_ =	sdelay $0x3  }
0x96: {  	_ =	strace s2  }
0x97: {  	_ =	strace $0x8FFFFFFF  }
0x98: {  	s18 =	sld [smem:$0x3FDB];
	_ =	sdelay $0x1  }
0x99: {  	s19 =	simm.s32 $_scs_section_size  }
0x9a: {  	s4 =	simm.s32 $_size__tile_overlayer_lowered;
	s5 =	simm.s32 $_tile_overlayer_lowered  }
0x9b: {  	s22 =	simm.s32 $0x1BFF;
	s21 =	sshll.u32 s5, $0x1;
	s2 =	sadd.s32 s19, s18  }
0x9c: {  	s6 =	simm.s32 $0x0;
	s20 =	sshll.u32 s4, $0x1;
	s4 =	sadd.s32 s21, s2  }
0x9d: {  	[timem:s6], [sflag:s22] =	dma.local [hbm:s4], s20  }
0x9e: {  	_ =	swait.ge [sflag:s22], s20  }
0x9f: {  	s3 =	ssub.s32 $0x0, s20;
	[sflag:s22] =	ssyncset.done $0x0  }
0xa0: {  	[sflag:s22] =	ssyncadd.s32 s3;
	_ =	sdelay $0x1  }
0xa1: {  	s23 =	simm.s32 $0x1B8B  }
0xa2: {  	_ =	swait.ge [sflag:s23], $0x1  }
0xa3: {  	[sflag:s23] =	ssyncset.done $0x0  }
0xa4: {  	s25 =	simm.s32 $0x1B8E;
	s24 =	sld [smem:$0x3FFE];
	[sflag:s23] =	ssyncadd.s32 $0xFFFFFFFF  }
0xa5: {  	s26 =	simm.s32 $execute0_lowered;
	[smem:$0x3FD2] =	sst s25  }
0xa6: {  	s4 =	sshll.u32 s26, $0x1;
	_ =	strace $0x8000004C;
	[dreg:$0x1] =	wrdreg $0xFFFFFFFF  }
0xa7: {  	s28 =	simm.s32 $_size_execute0_lowered;
	s2 =	sadd.s32 s2, s4;
	[dreg:$0x0] =	wrdreg $0x0  }
0xa8: {  	s4 =	sshll.u32 s28, $0x1;
	[dreg:$0x2] =	wrdreg s2  }
0xa9: {  	[dreg:$0x3] =	wrdreg s4  }
0xaa: {  	[dreg:$0x4] =	wrdreg $0xC0  }
0xab: {  	_ =	task [dreg:s6], $0x5FFFF  }
0xac: {  	[dreg:$0x1] =	wrdreg $0xFFFFFFFF  }
0xad: {  	[dreg:$0x0] =	wrdreg $0x60  }
0xae: {  	[dreg:$0x2] =	wrdreg s24  }
0xaf: {  	[dreg:$0x3] =	wrdreg $0xC1000  }
0xb0: {  	[dreg:$0x4] =	wrdreg $0x9  }
0xb1: {  	_ =	task.clear_ibuf [dreg:s6], $0x5FFFF;
	_ =	strace $0x9000004C  }
0xb2: {  	s29 =	simm.s32 $0x9;
	_ =	strace $0x8000004E  }
0xb3: {  	_ =	swait.ge [sflag:s29], $0x1  }
0xb4: {  	[sflag:s29] =	ssyncadd.s32 $0xFFFFFFFF  }
0xb5: {  	_ =	strace $0x9000004E  }
0xb6: {  	_ =	sfence  }
0xb7: {  	s30 =	sld [smem:$0x0];
	_ =	sdelay $0x2  }
0xb8: {  	s31 =	sshll.u32 s1, $0xD;
	s1 =	sshrl.u32 s1, $0x2  }
0xb9: {  	s3 =	sand.u32 $0x4000, s31;
	s1 =	sadd.s32 s1, s30  }
0xba: {  	s0 =	sor.u32 s3, s0;
	s1 =	sshll.u32 s1, $0x11  }
0xbb: {  	s0 =	sor.u32 s1, s0  }
0xbc: {  	s0 =	sadd.s32 $0x8F2B, s0  }
0xbd: {  	[sflag:s0] =	ssyncadd.remote.s32 $0x1  }
0xbe: {  	_ =	sfence.sel $0xFFFF  }
0xbf: {  	[dreg:$0x0] =	wrdreg $0xFFFFFFFF;
	(pc) =	sbr.abs _section_cstart, $3  }
0xc0: {  	[dreg:$0x1] =	wrdreg $0xFFFFFFFF  }
0xc1: {  	_ =	task.clear_ibuf [dreg:s6], $0x2FFFF;
	_ =	strace $0x9FFFFFFF  }
0xc2: {  	(tm) =	ssettm $0x7FFFFFFF  }
0xc3: {  	_ =	shalt  }
tec
execute0_lowered:
.L_overlay_start_1:
0x0: {  	(tag) =	ssettag $0x1  }
0x1: {  	s0 =	rddreg [dreg:$0x0]  }
0x2: {  	s1 =	rddreg [dreg:$0x1];
	s3 =	simm.s32 $0x0  }
0x3: {  	s2 =	stileid.u32;
	s7 =	srdreg.scid;
	s19 =	simm.s32 $0x100  }
0x4: {  	s20 =	simm.s32 $0x1;
	s21 =	simm.s32 $0x2;
	s22 =	simm.s32 $0x80  }
0x5: {  	s23 =	simm.s32 $0x4100;
	s24 =	simm.s32 $0x8100;
	s4 =	sadd.s32 $0x234800, s0  }
0x6: {  	[smem:$0x7FF] =	sst s3;
	s8 =	smul.u32 $0x4F000, s2;
	s5 =	sadd.s32 $0x18C800, s0  }
0x7: {  	s6 =	sadd.s32 $0x165600, s0;
	s10 =	sand.u32 $0x1, s7;
	s7 =	sadd.s32 $0x248200, s0  }
0x8: {  	s25 =	simm.s32 $0x0;
	s9 =	sadd.s32 $0x1B3A00, s0;
	s14 =	sadd.s32 $0x23E440, s0  }
0x9: {  	s30 =	sadd.s32 $0x5C00, s0;
	s16 =	sadd.s32 $0x4B9200, s0;
	s17 =	smul.u32 $0x2780, s2  }
.Ltmp0:
0xa: {  	_ =	strace $0x8000004D;
	[dreg:$0x3] =	wrdreg s9;
	(pc) =	sbr.rel .LBB2_1-.Ltmp0, $4  }
0xb: {  	s11 =	ssub.s32 $0x2, s10;
	[dreg:$0x4] =	wrdreg s30;
	s8 =	sshrl.u32 s8, $0x2  }
0xc: {  	p0 =	sne.s32 s10, $0x0;
	s12 =	sshrl.u32 s11, $0x1;
	s9 =	sadd.s32 s8, s1  }
0xd: {  	s31 =	ssub.s32 s11, s12;
	s11 =	sadd.s32 $0x4000, s9;
	s12 =	sadd.s32 $0x8000, s9  }
0xe: {  	v0 =	vimm.f32 $0.0e+00;
	s13 =	sadd.s32 $0xC000, s9;
	s15 =	sadd.s32 $0x10000, s9;
	s18 =	smax.u32 s31, $0x1  }
.LBB2_15:
0xf: {  	s0 =	rddreg [dreg:$0x4]  }
.LBB2_16:
0x10: {  	s0 =	sadd.s32 s0, s17;
	s25 =	sadd.s32 $0x1, s25  }
0x11: {  	s8 =	sshll.u32 s2, $0x6;
	[bflag:$0x0] =	sbarrier.arrive $0xFFFF;
	p1 =	sne.s32 s25, s18  }
.Ltmp1:
0x12: {  	s10 =	sshrl.u32 s9, $0x3;
	s8 =	sor.u32 $0x1C01, s8;
	(pc) =	sbr.rel @!p1 .LBB2_17-.Ltmp1, $4  }
0x13: {  	[hbm:s0], [sflag:s8] =	dma.local [spmem:s10], $0x2780  }
0x14: {  	_ =	swait.ge [sflag:s20], $0x2780  }
0x15: {  	[sflag:s20] =	ssyncset.done $0x0  }
0x16: {  	[sflag:s20] =	ssyncadd.s32 $0xFFFFD880  }
.LBB2_1:
0x17: {  	s0 =	simm.s32 $0x0;
	s8 =	simm.s32 $0x200  }
.LBB2_2:
0x18: {  	p1 =	sne.s32 s8, $0xFE00;
	[tilespmem:s0+$0x170] =	vst v0  }
0x19: {  	[tilespmem:s0+$0x100] =	vst v0  }
0x1a: {  	[tilespmem:s0+$0x110] =	vst v0  }
.Ltmp2:
0x1b: {  	[tilespmem:s0+$0x120] =	vst v0;
	(pc) =	sbr.rel @p1 .LBB2_2-.Ltmp2, $4  }
0x1c: {  	[tilespmem:s0+$0x130] =	vst v0  }
0x1d: {  	[tilespmem:s0+$0x140] =	vst v0  }
0x1e: {  	[tilespmem:s0+$0x150] =	vst v0  }
0x1f: {  	[tilespmem:s0+$0x160] =	vst v0;
	s0 =	sshra.s32 s8, $0x2;
	s8 =	sadd.s32 $0x200, s8  }
0x20: {  	[tilespmem:s0+$0x170] =	vst v0  }
0x21: {  	[tilespmem:s0+$0x100] =	vst v0  }
0x22: {  	[tilespmem:s0+$0x110] =	vst v0  }
0x23: {  	[tilespmem:s0+$0x120] =	vst v0  }
0x24: {  	[tilespmem:s0+$0x130] =	vst v0  }
0x25: {  	[tilespmem:s0+$0x140] =	vst v0  }
0x26: {  	[tilespmem:s0+$0x150] =	vst v0  }
0x27: {  	[tilespmem:s0+$0x160] =	vst v0  }
0x28: {  	[spmem:s9] =	stream.linear.scatter [tilespmem:s19], [sflag:$0x1], $0x4000, $0x38;
	[tilespmem:$0x1FD00] =	vst v63  }
0x29: {  	_ =	swait.ge [sflag:s20], $0x4000  }
0x2a: {  	[sflag:s20] =	ssyncset.done $0x0  }
0x2b: {  	[sflag:s20] =	ssyncadd.s32 $0xFFFFC000  }
0x2c: {  	[spmem:s11] =	stream.linear.scatter [tilespmem:s19], [sflag:$0x1], $0x4000, $0x38;
	[tilespmem:$0x1FD00] =	vst v63  }
0x2d: {  	_ =	swait.ge [sflag:s20], $0x4000  }
0x2e: {  	[sflag:s20] =	ssyncset.done $0x0  }
0x2f: {  	[sflag:s20] =	ssyncadd.s32 $0xFFFFC000  }
0x30: {  	[spmem:s12] =	stream.linear.scatter [tilespmem:s19], [sflag:$0x1], $0x4000, $0x38;
	[tilespmem:$0x1FD00] =	vst v63  }
0x31: {  	_ =	swait.ge [sflag:s20], $0x4000  }
0x32: {  	[sflag:s20] =	ssyncset.done $0x0  }
0x33: {  	[sflag:s20] =	ssyncadd.s32 $0xFFFFC000  }
0x34: {  	[spmem:s13] =	stream.linear.scatter [tilespmem:s19], [sflag:$0x1], $0x4000, $0x38;
	[tilespmem:$0x1FD00] =	vst v63  }
0x35: {  	_ =	swait.ge [sflag:s20], $0x4000  }
0x36: {  	[sflag:s20] =	ssyncset.done $0x0  }
0x37: {  	[sflag:s20] =	ssyncadd.s32 $0xFFFFC000  }
0x38: {  	[spmem:s15] =	stream.linear.scatter [tilespmem:s19], [sflag:$0x1], $0x3C00, $0x38;
	[tilespmem:$0x1FD00] =	vst v63  }
.Ltmp3:
0x39: {  	_ =	swait.ge [sflag:s20], $0x3C00;
	(pc) =	sbr.rel @p0 .LBB2_10-.Ltmp3, $4  }
.Ltmp4:
0x3a: {  	[sflag:s20] =	ssyncset.done $0x0;
	(pc) =	sbr.rel @!p0 .LBB2_4-.Ltmp4, $4  }
0x3b: {  	[sflag:s20] =	ssyncadd.s32 $0xFFFFC400  }
0x3c: {  	[bflag:$0x0] =	sbarrier.arrive $0xFFFF  }
0x3d: {  	s26 =	simm.s32 $0x0  }
0x3e: {  	_ = 	snop  }
.LBB2_8:
0x3f: {  	s26 =	sadd.s32 $0x1, s26  }
0x40: {  	p1 =	seq.s32 s26, $0x4F  }
.Ltmp5:
0x41: {  	_ = 	snop;
	(pc) =	sbr.rel @p1 .LBB2_9-.Ltmp5, $1  }
0x42: {  	_ =	sdelay $0x3  }
.LBB2_4:
0x43: {  	s0 =	sshll.u32 s26, $0x4  }
0x44: {  	s0 =	sor.u32 s2, s0  }
0x45: {  	p1 =	sgt.u32 s0, $0x4E1  }
.Ltmp6:
0x46: {  	_ = 	snop;
	(pc) =	sbr.rel @p1 .LBB2_8-.Ltmp6, $1  }
0x47: {  	_ =	sdelay $0x3  }
0x48: {  	s8 =	sshll.u32 s0, $0x5  }
0x49: {  	s8 =	sadd.s32 s4, s8  }
0x4a: {  	[tilespmem:s3], [sflag:$0x2] =	stream.linear.gather [hbm4b:s8+s3], $0x100, $0x38;
	[tilespmem:$0x1FD00] =	vst v63  }
0x4b: {  	_ =	swait.ge [sflag:s21], $0x100  }
0x4c: {  	[sflag:s21] =	ssyncset.done $0x0  }
0x4d: {  	[sflag:s21] =	ssyncadd.s32 $0xFFFFFF00  }
0x4e: {  	[tilespmem:s19], [sflag:$0x2] =	stream.indirect.gather [hbm4b:s5+s22], $0x80, s3, s22, $0xb8;
	[tilespmem:$0x1FD00] =	vst v63  }
0x4f: {  	_ =	swait.ge [sflag:s21], $0x4000  }
0x50: {  	[sflag:s21] =	ssyncset.done $0x0  }
0x51: {  	[sflag:s21] =	ssyncadd.s32 $0xFFFFC000  }
0x52: {  	[tilespmem:s23], [sflag:$0x2] =	stream.indirect.gather [hbm4b:s6+s22], $0x80, s22, s22, $0xb8;
	[tilespmem:$0x1FD00] =	vst v63  }
0x53: {  	_ =	swait.ge [sflag:s21], $0x4000  }
0x54: {  	s10 =	sshll.u32 s0, $0xB;
	[sflag:s21] =	ssyncset.done $0x0  }
0x55: {  	s0 =	sadd.s32 s7, s10;
	[sflag:s21] =	ssyncadd.s32 $0xFFFFC000  }
0x56: {  	[tilespmem:s24], [sflag:$0x2] =	stream.linear.gather [hbm4b:s0+s3], $0x4000, $0x38;
	[tilespmem:$0x1FD00] =	vst v63  }
0x57: {  	_ =	swait.ge [sflag:s21], $0x4000  }
0x58: {  	[sflag:s21] =	ssyncset.done $0x0  }
0x59: {  	s28 =	simm.s32 $0x200;
	[sflag:s21] =	ssyncadd.s32 $0xFFFFC000  }
0x5a: {  	s0 =	simm.s32 $0x4200;
	v1 =	vld [tilespmem:s28+$0x80]  }
0x5b: {  	s10 =	simm.s32 $0x8200;
	v2 =	vld [tilespmem:s0+$0x80]  }
0x5c: {  	v3 =	vld [tilespmem:s10+$0x80]  }
0x5d: {  	v4 =	vld [tilespmem:s10+$0xFFFFFF00]  }
0x5e: {  	v6 =	vld [tilespmem:s28+$0xFFFFFF80]  }
0x5f: {  	v8 =	vld [tilespmem:s0+$0xFFFFFF80]  }
0x60: {  	s29 =	simm.s32 $0x400;
	v9 =	vld [tilespmem:s0+$0x0]  }
0x61: {  	s30 =	simm.s32 $0x4400;
	v13 =	vld [tilespmem:s29+$0x80]  }
0x62: {  	v14 =	vld [tilespmem:s30+$0x80]  }
0x63: {  	v16 =	vld [tilespmem:s29+$0xFFFFFF80];
	v1 =	vadd.f32 v2, v1  }
0x64: {  	v17 =	vld [tilespmem:s30+$0xFFFFFF80]  }
0x65: {  	v2 =	vld [tilespmem:s0+$0xFFFFFF00];
	v1 =	vadd.f32 v3, v1  }
0x66: {  	s31 =	simm.s32 $0x8400;
	v3 =	vld [tilespmem:s28+$0xFFFFFF00]  }
0x67: {  	v18 =	vld [tilespmem:s31+$0x0];
	v1 =	vmax.f32 v1, $0.0e+00  }
0x68: {  	[tilespmem:s28+$0x80] =	vst v1;
	v1 =	vld [tilespmem:s28+$0x90]  }
0x69: {  	v5 =	vld [tilespmem:s0+$0x90]  }
0x6a: {  	v7 =	vld [tilespmem:s10+$0x90]  }
0x6b: {  	v2 =	vadd.f32 v2, v3;
	v3 =	vld [tilespmem:s28+$0x0]  }
0x6c: {  	v19 =	vld [tilespmem:s29+$0xFFFFFF90]  }
0x6d: {  	v38 =	vld [tilespmem:s29+$0x10]  }
0x6e: {  	v2 =	vadd.f32 v4, v2;
	v4 =	vld [tilespmem:s10+$0xFFFFFF80];
	v1 =	vadd.f32 v5, v1  }
0x6f: {  	v5 =	vld [tilespmem:s28+$0xFFFFFF10]  }
0x70: {  	v2 =	vmax.f32 v2, $0.0e+00;
	v3 =	vadd.f32 v9, v3;
	v9 =	vld [tilespmem:s28+$0x10];
	v1 =	vadd.f32 v7, v1  }
0x71: {  	[tilespmem:s28+$0xFFFFFF00] =	vst v2;
	v7 =	vld [tilespmem:s10+$0x0]  }
0x72: {  	v2 =	vld [tilespmem:s0+$0xFFFFFF10];
	v1 =	vmax.f32 v1, $0.0e+00  }
0x73: {  	v10 =	vld [tilespmem:s10+$0xFFFFFF10];
	[tilespmem:s28+$0x90] =	vst v1;
	v1 =	vadd.f32 v8, v6  }
0x74: {  	v6 =	vld [tilespmem:s28+$0xA0]  }
0x75: {  	v8 =	vld [tilespmem:s0+$0xA0];
	v1 =	vadd.f32 v4, v1  }
0x76: {  	v4 =	vld [tilespmem:s28+$0xFFFFFF90];
	v3 =	vadd.f32 v7, v3  }
0x77: {  	v7 =	vld [tilespmem:s10+$0xA0];
	v2 =	vadd.f32 v2, v5;
	v1 =	vmax.f32 v1, $0.0e+00  }
0x78: {  	v5 =	vld [tilespmem:s28+$0xFFFFFF20];
	[tilespmem:s28+$0xFFFFFF80] =	vst v1;
	v1 =	vmax.f32 v3, $0.0e+00  }
0x79: {  	v3 =	vld [tilespmem:s0+$0xFFFFFF90];
	[tilespmem:s28+$0x0] =	vst v1;
	v1 =	vadd.f32 v10, v2  }
0x7a: {  	v2 =	vadd.f32 v8, v6;
	v8 =	vld [tilespmem:s10+$0xFFFFFF90]  }
0x7b: {  	v6 =	vld [tilespmem:s0+$0x10];
	v1 =	vmax.f32 v1, $0.0e+00  }
0x7c: {  	v2 =	vadd.f32 v7, v2;
	v7 =	vld [tilespmem:s10+$0x10];
	[tilespmem:s28+$0xFFFFFF10] =	vst v1  }
0x7d: {  	v1 =	vld [tilespmem:s0+$0xFFFFFF20]  }
0x7e: {  	v2 =	vmax.f32 v2, $0.0e+00;
	v10 =	vld [tilespmem:s10+$0xFFFFFF20]  }
0x7f: {  	[tilespmem:s28+$0xA0] =	vst v2;
	v2 =	vadd.f32 v3, v4;
	v3 =	vld [tilespmem:s28+$0xB0]  }
0x80: {  	v4 =	vadd.f32 v6, v9;
	v6 =	vld [tilespmem:s0+$0xB0]  }
0x81: {  	v9 =	vld [tilespmem:s28+$0xFFFFFFA0];
	v2 =	vadd.f32 v8, v2  }
0x82: {  	v8 =	vld [tilespmem:s28+$0x20]  }
0x83: {  	v4 =	vadd.f32 v7, v4;
	v7 =	vld [tilespmem:s10+$0xB0];
	v2 =	vmax.f32 v2, $0.0e+00;
	v1 =	vadd.f32 v1, v5  }
0x84: {  	v5 =	vld [tilespmem:s28+$0xFFFFFF30];
	[tilespmem:s28+$0xFFFFFF90] =	vst v2  }
0x85: {  	v2 =	vmax.f32 v4, $0.0e+00;
	v4 =	vld [tilespmem:s0+$0xFFFFFFA0];
	v1 =	vadd.f32 v10, v1  }
0x86: {  	[tilespmem:s28+$0x10] =	vst v2;
	v2 =	vadd.f32 v6, v3;
	v6 =	vld [tilespmem:s10+$0xFFFFFFA0]  }
0x87: {  	v3 =	vld [tilespmem:s0+$0x20];
	v1 =	vmax.f32 v1, $0.0e+00  }
0x88: {  	v2 =	vadd.f32 v7, v2;
	v7 =	vld [tilespmem:s10+$0x20];
	[tilespmem:s28+$0xFFFFFF20] =	vst v1  }
0x89: {  	v1 =	vld [tilespmem:s0+$0xFFFFFF30]  }
0x8a: {  	v2 =	vmax.f32 v2, $0.0e+00;
	v10 =	vld [tilespmem:s10+$0xFFFFFF30]  }
0x8b: {  	[tilespmem:s28+$0xB0] =	vst v2;
	v2 =	vadd.f32 v4, v9;
	v4 =	vld [tilespmem:s28+$0xC0]  }
0x8c: {  	v9 =	vld [tilespmem:s28+$0xFFFFFFB0];
	v3 =	vadd.f32 v3, v8  }
0x8d: {  	v8 =	vld [tilespmem:s0+$0xC0];
	v2 =	vadd.f32 v6, v2  }
0x8e: {  	v6 =	vld [tilespmem:s10+$0xC0];
	v3 =	vadd.f32 v7, v3  }
0x8f: {  	v7 =	vld [tilespmem:s28+$0x30];
	v2 =	vmax.f32 v2, $0.0e+00;
	v1 =	vadd.f32 v1, v5  }
0x90: {  	v5 =	vld [tilespmem:s28+$0xFFFFFF40];
	[tilespmem:s28+$0xFFFFFFA0] =	vst v2;
	v2 =	vmax.f32 v3, $0.0e+00  }
0x91: {  	[tilespmem:s28+$0x20] =	vst v2;
	v1 =	vadd.f32 v10, v1;
	v2 =	vld [tilespmem:s0+$0xFFFFFFB0]  }
0x92: {  	v3 =	vadd.f32 v8, v4;
	v4 =	vld [tilespmem:s0+$0x30]  }
0x93: {  	v8 =	vld [tilespmem:s10+$0xFFFFFFB0];
	v1 =	vmax.f32 v1, $0.0e+00  }
0x94: {  	v3 =	vadd.f32 v6, v3;
	[tilespmem:s28+$0xFFFFFF30] =	vst v1;
	v1 =	vld [tilespmem:s10+$0x30]  }
0x95: {  	v6 =	vld [tilespmem:s0+$0xFFFFFF40]  }
0x96: {  	v3 =	vmax.f32 v3, $0.0e+00;
	v10 =	vld [tilespmem:s10+$0xFFFFFF40];
	v2 =	vadd.f32 v2, v9  }
0x97: {  	[tilespmem:s28+$0xC0] =	vst v3;
	v3 =	vadd.f32 v4, v7;
	v4 =	vld [tilespmem:s28+$0xD0]  }
0x98: {  	v7 =	vld [tilespmem:s0+$0xD0];
	v2 =	vadd.f32 v8, v2  }
0x99: {  	v9 =	vld [tilespmem:s28+$0xFFFFFFC0]  }
0x9a: {  	v1 =	vadd.f32 v1, v3;
	v3 =	vld [tilespmem:s10+$0xD0];
	v2 =	vmax.f32 v2, $0.0e+00  }
0x9b: {  	v8 =	vld [tilespmem:s28+$0x40];
	[tilespmem:s28+$0xFFFFFFB0] =	vst v2  }
0x9c: {  	v1 =	vmax.f32 v1, $0.0e+00;
	v2 =	vld [tilespmem:s0+$0xFFFFFFC0]  }
0x9d: {  	[tilespmem:s28+$0x30] =	vst v1;
	v4 =	vadd.f32 v7, v4;
	v7 =	vld [tilespmem:s10+$0xFFFFFFC0]  }
0x9e: {  	v5 =	vadd.f32 v6, v5;
	v1 =	vld [tilespmem:s0+$0x40]  }
0x9f: {  	v6 =	vld [tilespmem:s10+$0x40];
	v3 =	vadd.f32 v3, v4  }
0xa0: {  	v5 =	vadd.f32 v10, v5;
	v4 =	vld [tilespmem:s28+$0xFFFFFF50]  }
0xa1: {  	v3 =	vmax.f32 v3, $0.0e+00;
	v2 =	vadd.f32 v2, v9;
	v9 =	vld [tilespmem:s28+$0xFFFFFFD0]  }
0xa2: {  	[tilespmem:s28+$0xD0] =	vst v3;
	v3 =	vmax.f32 v5, $0.0e+00;
	v5 =	vld [tilespmem:s28+$0xE0]  }
0xa3: {  	v1 =	vadd.f32 v1, v8;
	v8 =	vld [tilespmem:s28+$0x50];
	v2 =	vadd.f32 v7, v2  }
0xa4: {  	[tilespmem:s28+$0xFFFFFF40] =	vst v3;
	v3 =	vld [tilespmem:s0+$0xE0]  }
0xa5: {  	v1 =	vadd.f32 v6, v1;
	v6 =	vld [tilespmem:s0+$0xFFFFFF50];
	v2 =	vmax.f32 v2, $0.0e+00  }
0xa6: {  	[tilespmem:s28+$0xFFFFFFC0] =	vst v2;
	v2 =	vld [tilespmem:s10+$0xE0]  }
0xa7: {  	v10 =	vld [tilespmem:s10+$0xFFFFFF50];
	v1 =	vmax.f32 v1, $0.0e+00  }
0xa8: {  	v7 =	vld [tilespmem:s0+$0xFFFFFFD0];
	[tilespmem:s28+$0x40] =	vst v1  }
0xa9: {  	v3 =	vadd.f32 v3, v5;
	v1 =	vld [tilespmem:s0+$0x50]  }
0xaa: {  	v5 =	vld [tilespmem:s10+$0xFFFFFFD0]  }
0xab: {  	v11 =	vld [tilespmem:s10+$0x50];
	v2 =	vadd.f32 v2, v3;
	v3 =	vadd.f32 v6, v4  }
0xac: {  	v42 =	vld [tilespmem:s29+$0xFFFFFFA0]  }
0xad: {  	v43 =	vld [tilespmem:s29+$0x20];
	v6 =	vadd.f32 v7, v9;
	v3 =	vadd.f32 v10, v3  }
0xae: {  	v4 =	vld [tilespmem:s28+$0xFFFFFF60];
	v8 =	vadd.f32 v1, v8  }
0xaf: {  	v7 =	vld [tilespmem:s28+$0xFFFFFFE0];
	v5 =	vadd.f32 v5, v6;
	v3 =	vmax.f32 v3, $0.0e+00  }
0xb0: {  	v6 =	vadd.f32 v11, v8;
	v8 =	vld [tilespmem:s28+$0x60];
	[tilespmem:s28+$0xFFFFFF50] =	vst v3  }
0xb1: {  	v3 =	vmax.f32 v5, $0.0e+00;
	v5 =	vld [tilespmem:s0+$0xFFFFFF60]  }
0xb2: {  	[tilespmem:s28+$0xFFFFFFD0] =	vst v3;
	v3 =	vmax.f32 v6, $0.0e+00;
	v10 =	vld [tilespmem:s10+$0xFFFFFF60]  }
0xb3: {  	v6 =	vld [tilespmem:s0+$0xFFFFFFE0];
	[tilespmem:s28+$0x50] =	vst v3  }
0xb4: {  	v3 =	vld [tilespmem:s0+$0x60]  }
0xb5: {  	v11 =	vld [tilespmem:s10+$0xFFFFFFE0]  }
0xb6: {  	v12 =	vld [tilespmem:s10+$0x60];
	v4 =	vadd.f32 v5, v4  }
0xb7: {  	v47 =	vld [tilespmem:s29+$0xFFFFFFB0]  }
0xb8: {  	v6 =	vadd.f32 v6, v7;
	v7 =	vadd.f32 v10, v4;
	v10 =	vld [tilespmem:s31+$0x80]  }
0xb9: {  	v48 =	vld [tilespmem:s29+$0x30];
	v3 =	vadd.f32 v3, v8  }
0xba: {  	v51 =	vld [tilespmem:s29+$0xFFFFFFC0];
	v6 =	vadd.f32 v11, v6  }
0xbb: {  	v54 =	vld [tilespmem:s29+$0xFFFFFF50];
	v11 =	vadd.f32 v12, v3;
	v12 =	vadd.f32 v14, v13  }
0xbc: {  	v55 =	vld [tilespmem:s29+$0xFFFFFFD0]  }
0xbd: {  	v14 =	vld [tilespmem:s31+$0xFFFFFF00];
	v6 =	vmax.f32 v6, $0.0e+00;
	v10 =	vadd.f32 v10, v12  }
0xbe: {  	[tilespmem:s28+$0xFFFFFFE0] =	vst v6;
	v6 =	vmax.f32 v11, $0.0e+00;
	v11 =	vld [tilespmem:s30+$0xFFFFFF00]  }
0xbf: {  	v12 =	vld [tilespmem:s29+$0xFFFFFF00];
	v10 =	vmax.f32 v10, $0.0e+00  }
0xc0: {  	[tilespmem:s29+$0x80] =	vst v10;
	v10 =	vld [tilespmem:s29+$0x90]  }
0xc1: {  	v13 =	vld [tilespmem:s30+$0x90]  }
0xc2: {  	v56 =	vld [tilespmem:s29+$0x50]  }
0xc3: {  	v15 =	vld [tilespmem:s31+$0x90]  }
0xc4: {  	v58 =	vld [tilespmem:s29+$0xFFFFFF60];
	v11 =	vadd.f32 v11, v12  }
0xc5: {  	v1 =	vld [tilespmem:s28+$0xF0]  }
0xc6: {  	v12 =	vld [tilespmem:s29+$0x0];
	v11 =	vadd.f32 v14, v11;
	v10 =	vadd.f32 v13, v10  }
0xc7: {  	v13 =	vld [tilespmem:s30+$0x0]  }
0xc8: {  	v14 =	vld [tilespmem:s31+$0xFFFFFF80];
	v11 =	vmax.f32 v11, $0.0e+00;
	v10 =	vadd.f32 v15, v10  }
0xc9: {  	[tilespmem:s29+$0xFFFFFF00] =	vst v11;
	v15 =	vld [tilespmem:s29+$0xFFFFFF10]  }
0xca: {  	v11 =	vld [tilespmem:s30+$0xFFFFFF10];
	v10 =	vmax.f32 v10, $0.0e+00  }
0xcb: {  	v16 =	vadd.f32 v17, v16;
	[tilespmem:s29+$0x90] =	vst v10;
	v10 =	vld [tilespmem:s29+$0xA0]  }
0xcc: {  	v2 =	vmax.f32 v2, $0.0e+00;
	v12 =	vadd.f32 v13, v12;
	v13 =	vld [tilespmem:s31+$0xFFFFFF10]  }
0xcd: {  	[tilespmem:s28+$0xE0] =	vst v2;
	v14 =	vadd.f32 v14, v16;
	v36 =	vld [tilespmem:s30+$0xA0]  }
0xce: {  	v2 =	vld [tilespmem:s0+$0xF0];
	v12 =	vadd.f32 v18, v12  }
0xcf: {  	v14 =	vmax.f32 v14, $0.0e+00;
	v37 =	vld [tilespmem:s31+$0xA0];
	v11 =	vadd.f32 v11, v15  }
0xd0: {  	[tilespmem:s29+$0xFFFFFF80] =	vst v14;
	v15 =	vld [tilespmem:s29+$0xFFFFFF20];
	v12 =	vmax.f32 v12, $0.0e+00  }
0xd1: {  	v14 =	vld [tilespmem:s30+$0xFFFFFF90];
	[tilespmem:s29+$0x0] =	vst v12;
	v11 =	vadd.f32 v13, v11  }
0xd2: {  	v10 =	vadd.f32 v36, v10;
	v12 =	vld [tilespmem:s30+$0x10]  }
0xd3: {  	v13 =	vld [tilespmem:s31+$0xFFFFFF90];
	v11 =	vmax.f32 v11, $0.0e+00  }
0xd4: {  	v39 =	vld [tilespmem:s31+$0x10];
	v10 =	vadd.f32 v37, v10;
	[tilespmem:s29+$0xFFFFFF10] =	vst v11  }
0xd5: {  	v11 =	vld [tilespmem:s30+$0xFFFFFF20]  }
0xd6: {  	v14 =	vadd.f32 v14, v19;
	v41 =	vld [tilespmem:s31+$0xFFFFFF20];
	v10 =	vmax.f32 v10, $0.0e+00  }
0xd7: {  	[tilespmem:s29+$0xA0] =	vst v10;
	v10 =	vld [tilespmem:s29+$0xB0];
	v12 =	vadd.f32 v12, v38  }
0xd8: {  	v13 =	vadd.f32 v13, v14;
	v40 =	vld [tilespmem:s30+$0xB0]  }
0xd9: {  	v9 =	vld [tilespmem:s10+$0xF0];
	v12 =	vadd.f32 v39, v12  }
0xda: {  	v14 =	vld [tilespmem:s31+$0xB0];
	v13 =	vmax.f32 v13, $0.0e+00;
	v11 =	vadd.f32 v11, v15  }
0xdb: {  	[tilespmem:s29+$0xFFFFFF90] =	vst v13;
	v15 =	vld [tilespmem:s29+$0xFFFFFF30];
	v12 =	vmax.f32 v12, $0.0e+00  }
0xdc: {  	v13 =	vld [tilespmem:s30+$0xFFFFFFA0];
	[tilespmem:s29+$0x10] =	vst v12;
	v11 =	vadd.f32 v41, v11  }
0xdd: {  	v10 =	vadd.f32 v40, v10;
	v12 =	vld [tilespmem:s30+$0x20]  }
0xde: {  	v44 =	vld [tilespmem:s31+$0x20];
	v11 =	vmax.f32 v11, $0.0e+00  }
0xdf: {  	v10 =	vadd.f32 v14, v10;
	v14 =	vld [tilespmem:s31+$0xFFFFFFA0];
	[tilespmem:s29+$0xFFFFFF20] =	vst v11  }
0xe0: {  	v11 =	vld [tilespmem:s30+$0xFFFFFF30]  }
0xe1: {  	v46 =	vld [tilespmem:s31+$0xFFFFFF30];
	v10 =	vmax.f32 v10, $0.0e+00  }
0xe2: {  	v13 =	vadd.f32 v13, v42;
	[tilespmem:s29+$0xB0] =	vst v10;
	v10 =	vld [tilespmem:s29+$0xC0]  }
0xe3: {  	v12 =	vadd.f32 v12, v43;
	v45 =	vld [tilespmem:s30+$0xC0]  }
0xe4: {  	v59 =	vld [tilespmem:s29+$0xFFFFFFE0];
	v13 =	vadd.f32 v14, v13  }
0xe5: {  	v1 =	vadd.f32 v2, v1;
	v14 =	vld [tilespmem:s31+$0xC0];
	v12 =	vadd.f32 v44, v12  }
0xe6: {  	v5 =	vld [tilespmem:s28+$0xFFFFFF70];
	v11 =	vadd.f32 v11, v15;
	v13 =	vmax.f32 v13, $0.0e+00  }
0xe7: {  	v1 =	vadd.f32 v9, v1;
	v9 =	vld [tilespmem:s29+$0xFFFFFFF0];
	v12 =	vmax.f32 v12, $0.0e+00;
	[tilespmem:s29+$0xFFFFFFA0] =	vst v13  }
0xe8: {  	[tilespmem:s29+$0x20] =	vst v12;
	v11 =	vadd.f32 v46, v11;
	v10 =	vadd.f32 v45, v10;
	v12 =	vld [tilespmem:s30+$0xFFFFFFB0]  }
0xe9: {  	v13 =	vld [tilespmem:s30+$0x30]  }
0xea: {  	v11 =	vmax.f32 v11, $0.0e+00;
	v10 =	vadd.f32 v14, v10;
	v14 =	vld [tilespmem:s31+$0xFFFFFFB0]  }
0xeb: {  	[tilespmem:s29+$0xFFFFFF30] =	vst v11;
	v11 =	vld [tilespmem:s31+$0x30]  }
0xec: {  	v15 =	vld [tilespmem:s29+$0xFFFFFF40];
	v10 =	vmax.f32 v10, $0.0e+00  }
0xed: {  	v49 =	vld [tilespmem:s30+$0xFFFFFF40];
	[tilespmem:s29+$0xC0] =	vst v10;
	v10 =	vadd.f32 v12, v47  }
0xee: {  	v12 =	vld [tilespmem:s29+$0xD0];
	v13 =	vadd.f32 v13, v48  }
0xef: {  	v50 =	vld [tilespmem:s30+$0xD0];
	v10 =	vadd.f32 v14, v10  }
0xf0: {  	v52 =	vld [tilespmem:s31+$0xFFFFFF40];
	v11 =	vadd.f32 v11, v13  }
0xf1: {  	v13 =	vld [tilespmem:s31+$0xD0];
	v10 =	vmax.f32 v10, $0.0e+00  }
0xf2: {  	v14 =	vld [tilespmem:s29+$0x40];
	[tilespmem:s29+$0xFFFFFFB0] =	vst v10;
	v10 =	vmax.f32 v11, $0.0e+00  }
0xf3: {  	v11 =	vld [tilespmem:s30+$0xFFFFFFC0];
	[tilespmem:s29+$0x30] =	vst v10  }
0xf4: {  	v10 =	vadd.f32 v50, v12;
	v12 =	vld [tilespmem:s30+$0x40]  }
0xf5: {  	v53 =	vld [tilespmem:s31+$0xFFFFFFC0]  }
0xf6: {  	v4 =	vld [tilespmem:s28+$0xFFFFFFF0];
	v10 =	vadd.f32 v13, v10  }
0xf7: {  	v15 =	vadd.f32 v49, v15;
	v13 =	vld [tilespmem:s31+$0x40]  }
0xf8: {  	v3 =	vld [tilespmem:s28+$0x70];
	v10 =	vmax.f32 v10, $0.0e+00;
	v11 =	vadd.f32 v11, v51  }
0xf9: {  	v7 =	vmax.f32 v7, $0.0e+00;
	[tilespmem:s29+$0xD0] =	vst v10;
	v10 =	vadd.f32 v52, v15;
	v12 =	vadd.f32 v12, v14;
	v14 =	vld [tilespmem:s29+$0xE0]  }
0xfa: {  	[tilespmem:s28+$0xFFFFFF60] =	vst v7;
	v15 =	vld [tilespmem:s30+$0xE0];
	v11 =	vadd.f32 v53, v11  }
0xfb: {  	v8 =	vld [tilespmem:s0+$0xFFFFFF70];
	v10 =	vmax.f32 v10, $0.0e+00  }
0xfc: {  	v12 =	vadd.f32 v13, v12;
	[tilespmem:s29+$0xFFFFFF40] =	vst v10;
	v10 =	vmax.f32 v11, $0.0e+00;
	v11 =	vld [tilespmem:s31+$0xE0]  }
0xfd: {  	v13 =	vld [tilespmem:s30+$0xFFFFFF50];
	[tilespmem:s29+$0xFFFFFFC0] =	vst v10  }
0xfe: {  	v10 =	vmax.f32 v12, $0.0e+00;
	v12 =	vld [tilespmem:s30+$0xFFFFFFD0]  }
0xff: {  	[tilespmem:s29+$0x40] =	vst v10;
	v14 =	vadd.f32 v15, v14;
	v15 =	vld [tilespmem:s31+$0xFFFFFF50]  }
0x100: {  	v10 =	vld [tilespmem:s30+$0x50]  }
0x101: {  	v57 =	vld [tilespmem:s31+$0xFFFFFFD0];
	v11 =	vadd.f32 v11, v14  }
0x102: {  	v14 =	vld [tilespmem:s31+$0x50];
	v13 =	vadd.f32 v13, v54  }
0x103: {  	v63 =	vld [tilespmem:s10+$0xFFFFFF70];
	v11 =	vmax.f32 v11, $0.0e+00  }
0x104: {  	v7 =	vld [tilespmem:s0+$0xFFFFFFF0];
	v12 =	vadd.f32 v12, v55;
	[tilespmem:s29+$0xE0] =	vst v11;
	v11 =	vadd.f32 v15, v13  }
0x105: {  	v10 =	vadd.f32 v10, v56;
	v13 =	vld [tilespmem:s29+$0xF0]  }
0x106: {  	v12 =	vadd.f32 v57, v12;
	v15 =	vld [tilespmem:s30+$0xF0];
	v11 =	vmax.f32 v11, $0.0e+00  }
0x107: {  	v10 =	vadd.f32 v14, v10;
	v14 =	vld [tilespmem:s29+$0x60];
	[tilespmem:s29+$0xFFFFFF50] =	vst v11  }
0x108: {  	v11 =	vmax.f32 v12, $0.0e+00;
	v12 =	vld [tilespmem:s30+$0xFFFFFF60]  }
0x109: {  	[tilespmem:s29+$0xFFFFFFD0] =	vst v11;
	v10 =	vmax.f32 v10, $0.0e+00;
	v20 =	vld [tilespmem:s31+$0xFFFFFF60]  }
0x10a: {  	v61 =	vld [tilespmem:s30+$0xFFFFFFE0];
	[tilespmem:s29+$0x50] =	vst v10  }
0x10b: {  	v10 =	vld [tilespmem:s30+$0x60]  }
0x10c: {  	v21 =	vld [tilespmem:s31+$0xFFFFFFE0]  }
0x10d: {  	v2 =	vld [tilespmem:s31+$0x60]  }
0x10e: {  	[tilespmem:s28+$0x60] =	vst v6;
	v60 =	vld [tilespmem:s31+$0xF0];
	v12 =	vadd.f32 v12, v58  }
0x10f: {  	v6 =	vld [tilespmem:s0+$0x70];
	v62 =	vadd.f32 v61, v59  }
0x110: {  	v11 =	vld [tilespmem:s29+$0xFFFFFF70];
	v14 =	vadd.f32 v10, v14;
	v12 =	vadd.f32 v20, v12  }
0x111: {  	v1 =	vmax.f32 v1, $0.0e+00;
	v13 =	vadd.f32 v15, v13;
	v10 =	vld [tilespmem:s29+$0x70];
	v15 =	vadd.f32 v21, v62  }
0x112: {  	[tilespmem:s28+$0xF0] =	vst v1;
	v1 =	vmax.f32 v12, $0.0e+00;
	v2 =	vadd.f32 v2, v14;
	v12 =	vld [tilespmem:s10+$0xFFFFFFF0]  }
0x113: {  	v14 =	vadd.f32 v60, v13;
	v13 =	vld [tilespmem:s10+$0x70];
	[tilespmem:s29+$0xFFFFFF60] =	vst v1;
	v1 =	vmax.f32 v15, $0.0e+00  }
0x114: {  	v15 =	vadd.f32 v8, v5;
	[tilespmem:s29+$0xFFFFFFE0] =	vst v1;
	v8 =	vld [tilespmem:s30+$0xFFFFFF70];
	v2 =	vmax.f32 v2, $0.0e+00  }
0x115: {  	v1 =	vadd.f32 v7, v4;
	v5 =	vmax.f32 v14, $0.0e+00;
	v4 =	vld [tilespmem:s30+$0xFFFFFFF0];
	[tilespmem:s29+$0x60] =	vst v2  }
0x116: {  	s8 =	simm.s32 $0x8400;
	s0 =	simm.s32 $0x4;
	s10 =	simm.s32 $0x600;
	v2 =	vadd.f32 v6, v3;
	[tilespmem:s29+$0xF0] =	vst v5;
	v3 =	vadd.f32 v63, v15;
	v5 =	vld [tilespmem:s30+$0x70]  }
.LBB2_6:
0x117: {  	v6 =	vld [tilespmem:s10+$0x80];
	s30 =	sadd.s32 $0x200, s30;
	v1 =	vadd.f32 v12, v1  }
0x118: {  	s0 =	sadd.s32 $0x4, s0;
	v7 =	vld [tilespmem:s30+$0x80];
	v12 =	vmax.f32 v3, $0.0e+00;
	v2 =	vadd.f32 v13, v2  }
0x119: {  	s31 =	sadd.s32 $0x200, s31;
	p1 =	slt.u32 s0, $0x7C;
	v13 =	vld [tilespmem:s30+$0xFFFFFF00];
	v3 =	vadd.f32 v8, v11;
	[tilespmem:s28+$0xFFFFFF70] =	vst v12;
	v8 =	vmax.f32 v1, $0.0e+00  }
0x11a: {  	v11 =	vld [tilespmem:s31+$0x80];
	v1 =	vadd.f32 v4, v9;
	[tilespmem:s28+$0xFFFFFFF0] =	vst v8;
	v4 =	vmax.f32 v2, $0.0e+00  }
0x11b: {  	v8 =	vld [tilespmem:s10+$0xFFFFFF80];
	v2 =	vadd.f32 v5, v10;
	[tilespmem:s28+$0x70] =	vst v4;
	s28 =	smov.u32 s29;
	s29 =	smov.u32 s10  }
0x11c: {  	v4 =	vld [tilespmem:s30+$0xFFFFFF80]  }
0x11d: {  	v5 =	vld [tilespmem:s10+$0x0];
	v6 =	vadd.f32 v7, v6  }
0x11e: {  	v7 =	vld [tilespmem:s30+$0x0]  }
0x11f: {  	v9 =	vld [tilespmem:s10+$0xFFFFFF00];
	v6 =	vadd.f32 v11, v6  }
0x120: {  	v10 =	vld [tilespmem:s31+$0xFFFFFF00]  }
0x121: {  	v4 =	vadd.f32 v4, v8;
	v8 =	vld [tilespmem:s31+$0xFFFFFF80];
	v6 =	vmax.f32 v6, $0.0e+00  }
0x122: {  	[tilespmem:s10+$0x80] =	vst v6;
	v6 =	vld [tilespmem:s10+$0x90]  }
0x123: {  	v5 =	vadd.f32 v7, v5;
	v7 =	vld [tilespmem:s30+$0x90]  }
0x124: {  	v9 =	vadd.f32 v13, v9;
	v11 =	vld [tilespmem:s31+$0x0]  }
0x125: {  	v12 =	vld [tilespmem:s31+$0x90]  }
0x126: {  	v9 =	vadd.f32 v10, v9;
	v10 =	vld [tilespmem:s10+$0xFFFFFF10];
	v4 =	vadd.f32 v8, v4  }
0x127: {  	v8 =	vld [tilespmem:s10+$0xFFFFFF90]  }
0x128: {  	v9 =	vmax.f32 v9, $0.0e+00;
	v4 =	vmax.f32 v4, $0.0e+00;
	v13 =	vld [tilespmem:s10+$0x10];
	v6 =	vadd.f32 v7, v6  }
0x129: {  	[tilespmem:s10+$0xFFFFFF00] =	vst v9;
	v7 =	vld [tilespmem:s10+$0xFFFFFF20];
	v5 =	vadd.f32 v11, v5  }
0x12a: {  	v9 =	vld [tilespmem:s30+$0xFFFFFF10];
	[tilespmem:s10+$0xFFFFFF80] =	vst v4;
	v4 =	vadd.f32 v12, v6  }
0x12b: {  	v6 =	vld [tilespmem:s30+$0xFFFFFF90];
	v5 =	vmax.f32 v5, $0.0e+00  }
0x12c: {  	v11 =	vld [tilespmem:s31+$0xFFFFFF10];
	[tilespmem:s10+$0x0] =	vst v5;
	v4 =	vmax.f32 v4, $0.0e+00  }
0x12d: {  	[tilespmem:s10+$0x90] =	vst v4;
	v4 =	vld [tilespmem:s10+$0xA0]  }
0x12e: {  	v5 =	vld [tilespmem:s30+$0xA0]  }
0x12f: {  	v9 =	vadd.f32 v9, v10;
	v10 =	vld [tilespmem:s30+$0x10]  }
0x130: {  	v6 =	vadd.f32 v6, v8;
	v8 =	vld [tilespmem:s31+$0xA0]  }
0x131: {  	v9 =	vadd.f32 v11, v9;
	v11 =	vld [tilespmem:s31+$0xFFFFFF90]  }
0x132: {  	v12 =	vld [tilespmem:s31+$0x10]  }
0x133: {  	v9 =	vmax.f32 v9, $0.0e+00;
	v14 =	vld [tilespmem:s10+$0xFFFFFFA0];
	v4 =	vadd.f32 v5, v4  }
0x134: {  	[tilespmem:s10+$0xFFFFFF10] =	vst v9;
	v5 =	vadd.f32 v10, v13;
	v9 =	vld [tilespmem:s10+$0x20]  }
0x135: {  	v10 =	vld [tilespmem:s30+$0xFFFFFF20];
	v4 =	vadd.f32 v8, v4  }
0x136: {  	v8 =	vld [tilespmem:s31+$0xFFFFFF20];
	v6 =	vadd.f32 v11, v6  }
0x137: {  	v11 =	vld [tilespmem:s10+$0xFFFFFF30];
	v5 =	vadd.f32 v12, v5;
	v4 =	vmax.f32 v4, $0.0e+00  }
0x138: {  	v6 =	vmax.f32 v6, $0.0e+00;
	[tilespmem:s10+$0xA0] =	vst v4;
	v4 =	vld [tilespmem:s10+$0xB0]  }
0x139: {  	[tilespmem:s10+$0xFFFFFF90] =	vst v6;
	v5 =	vmax.f32 v5, $0.0e+00;
	v6 =	vld [tilespmem:s30+$0xB0]  }
0x13a: {  	v7 =	vadd.f32 v10, v7;
	v10 =	vld [tilespmem:s30+$0xFFFFFFA0];
	[tilespmem:s10+$0x10] =	vst v5  }
0x13b: {  	v5 =	vld [tilespmem:s31+$0xB0]  }
0x13c: {  	v7 =	vadd.f32 v8, v7;
	v8 =	vld [tilespmem:s30+$0x20]  }
0x13d: {  	v12 =	vld [tilespmem:s31+$0xFFFFFFA0]  }
0x13e: {  	v7 =	vmax.f32 v7, $0.0e+00;
	v13 =	vld [tilespmem:s31+$0x20];
	v4 =	vadd.f32 v6, v4  }
0x13f: {  	[tilespmem:s10+$0xFFFFFF20] =	vst v7;
	v6 =	vadd.f32 v10, v14;
	v7 =	vld [tilespmem:s10+$0xFFFFFFB0]  }
0x140: {  	v10 =	vld [tilespmem:s30+$0xFFFFFF30];
	v4 =	vadd.f32 v5, v4  }
0x141: {  	v5 =	vadd.f32 v8, v9;
	v8 =	vld [tilespmem:s10+$0x30]  }
0x142: {  	v9 =	vld [tilespmem:s31+$0xFFFFFF30];
	v6 =	vadd.f32 v12, v6;
	v4 =	vmax.f32 v4, $0.0e+00  }
0x143: {  	v5 =	vadd.f32 v13, v5;
	[tilespmem:s10+$0xB0] =	vst v4;
	v4 =	vld [tilespmem:s10+$0xC0]  }
0x144: {  	v6 =	vmax.f32 v6, $0.0e+00;
	v12 =	vld [tilespmem:s30+$0xC0]  }
0x145: {  	v10 =	vadd.f32 v10, v11;
	v11 =	vld [tilespmem:s10+$0xFFFFFF40];
	[tilespmem:s10+$0xFFFFFFA0] =	vst v6;
	v5 =	vmax.f32 v5, $0.0e+00  }
0x146: {  	[tilespmem:s10+$0x20] =	vst v5;
	v5 =	vld [tilespmem:s31+$0xC0]  }
0x147: {  	v6 =	vadd.f32 v9, v10;
	v9 =	vld [tilespmem:s30+$0xFFFFFFB0]  }
0x148: {  	v10 =	vld [tilespmem:s30+$0x30]  }
0x149: {  	v6 =	vmax.f32 v6, $0.0e+00;
	v13 =	vld [tilespmem:s31+$0xFFFFFFB0];
	v4 =	vadd.f32 v12, v4  }
0x14a: {  	[tilespmem:s10+$0xFFFFFF30] =	vst v6;
	v6 =	vld [tilespmem:s31+$0x30]  }
0x14b: {  	v12 =	vld [tilespmem:s30+$0xFFFFFF40];
	v4 =	vadd.f32 v5, v4  }
0x14c: {  	v5 =	vadd.f32 v9, v7;
	v7 =	vld [tilespmem:s10+$0xFFFFFFC0]  }
0x14d: {  	v8 =	vadd.f32 v10, v8;
	v9 =	vld [tilespmem:s10+$0x40];
	v4 =	vmax.f32 v4, $0.0e+00  }
0x14e: {  	v5 =	vadd.f32 v13, v5;
	[tilespmem:s10+$0xC0] =	vst v4;
	v4 =	vld [tilespmem:s10+$0xD0]  }
0x14f: {  	v6 =	vadd.f32 v6, v8;
	v8 =	vld [tilespmem:s30+$0xD0]  }
0x150: {  	v10 =	vadd.f32 v12, v11;
	v11 =	vld [tilespmem:s31+$0xFFFFFF40];
	v5 =	vmax.f32 v5, $0.0e+00  }
0x151: {  	[tilespmem:s10+$0xFFFFFFB0] =	vst v5;
	v5 =	vmax.f32 v6, $0.0e+00;
	v6 =	vld [tilespmem:s31+$0xD0]  }
0x152: {  	v12 =	vld [tilespmem:s30+$0xFFFFFFC0];
	[tilespmem:s10+$0x30] =	vst v5  }
0x153: {  	v5 =	vld [tilespmem:s30+$0x40]  }
0x154: {  	v13 =	vld [tilespmem:s31+$0xFFFFFFC0];
	v4 =	vadd.f32 v8, v4  }
0x155: {  	v8 =	vadd.f32 v11, v10;
	v10 =	vld [tilespmem:s31+$0x40]  }
0x156: {  	v11 =	vld [tilespmem:s10+$0xFFFFFF50];
	v4 =	vadd.f32 v6, v4  }
0x157: {  	v6 =	vmax.f32 v8, $0.0e+00;
	v7 =	vadd.f32 v12, v7;
	v8 =	vld [tilespmem:s10+$0xFFFFFFD0]  }
0x158: {  	[tilespmem:s10+$0xFFFFFF40] =	vst v6;
	v5 =	vadd.f32 v5, v9;
	v6 =	vld [tilespmem:s10+$0x50];
	v4 =	vmax.f32 v4, $0.0e+00  }
0x159: {  	v7 =	vadd.f32 v13, v7;
	[tilespmem:s10+$0xD0] =	vst v4;
	v4 =	vld [tilespmem:s10+$0xE0]  }
0x15a: {  	v5 =	vadd.f32 v10, v5;
	v9 =	vld [tilespmem:s30+$0xE0]  }
0x15b: {  	v10 =	vld [tilespmem:s30+$0xFFFFFF50];
	v7 =	vmax.f32 v7, $0.0e+00  }
0x15c: {  	[tilespmem:s10+$0xFFFFFFC0] =	vst v7;
	v5 =	vmax.f32 v5, $0.0e+00;
	v7 =	vld [tilespmem:s31+$0xE0]  }
0x15d: {  	v12 =	vld [tilespmem:s30+$0xFFFFFFD0];
	[tilespmem:s10+$0x40] =	vst v5  }
0x15e: {  	v5 =	vld [tilespmem:s30+$0x50]  }
0x15f: {  	v13 =	vld [tilespmem:s31+$0xFFFFFF50];
	v4 =	vadd.f32 v9, v4  }
0x160: {  	v9 =	vadd.f32 v10, v11;
	v10 =	vld [tilespmem:s31+$0xFFFFFFD0]  }
0x161: {  	v11 =	vld [tilespmem:s31+$0x50];
	v4 =	vadd.f32 v7, v4  }
0x162: {  	v7 =	vld [tilespmem:s10+$0xFFFFFF60];
	v8 =	vadd.f32 v12, v8  }
0x163: {  	v12 =	vld [tilespmem:s10+$0xFFFFFFE0];
	v5 =	vadd.f32 v5, v6;
	v4 =	vmax.f32 v4, $0.0e+00  }
0x164: {  	v6 =	vadd.f32 v13, v9;
	[tilespmem:s10+$0xE0] =	vst v4;
	v4 =	vld [tilespmem:s10+$0xF0]  }
0x165: {  	v8 =	vadd.f32 v10, v8;
	v9 =	vld [tilespmem:s30+$0xF0]  }
0x166: {  	v6 =	vmax.f32 v6, $0.0e+00;
	v5 =	vadd.f32 v11, v5;
	v10 =	vld [tilespmem:s10+$0x60]  }
0x167: {  	[tilespmem:s10+$0xFFFFFF50] =	vst v6;
	v6 =	vmax.f32 v8, $0.0e+00;
	v8 =	vld [tilespmem:s31+$0xF0]  }
0x168: {  	v11 =	vld [tilespmem:s30+$0xFFFFFF60];
	[tilespmem:s10+$0xFFFFFFD0] =	vst v6;
	v5 =	vmax.f32 v5, $0.0e+00  }
0x169: {  	v6 =	vld [tilespmem:s30+$0xFFFFFFE0];
	[tilespmem:s10+$0x50] =	vst v5  }
0x16a: {  	v5 =	vld [tilespmem:s30+$0x60];
	v4 =	vadd.f32 v9, v4  }
0x16b: {  	v13 =	vld [tilespmem:s31+$0xFFFFFF60]  }
0x16c: {  	v14 =	vld [tilespmem:s31+$0xFFFFFFE0];
	v4 =	vadd.f32 v8, v4  }
0x16d: {  	v7 =	vadd.f32 v11, v7;
	v8 =	vld [tilespmem:s31+$0x60]  }
0x16e: {  	v11 =	vld [tilespmem:s10+$0xFFFFFF70];
	v6 =	vadd.f32 v6, v12;
	v4 =	vmax.f32 v4, $0.0e+00  }
0x16f: {  	v9 =	vld [tilespmem:s10+$0xFFFFFFF0];
	v5 =	vadd.f32 v5, v10;
	[tilespmem:s10+$0xF0] =	vst v4  }
0x170: {  	v4 =	vadd.f32 v13, v7;
	v10 =	vld [tilespmem:s10+$0x70]  }
0x171: {  	v6 =	vadd.f32 v14, v6;
	v7 =	vld [tilespmem:s8+$0xFFFFFF70]  }
.Ltmp7:
0x172: {  	v4 =	vmax.f32 v4, $0.0e+00;
	v5 =	vadd.f32 v8, v5;
	v12 =	vld [tilespmem:s8+$0xFFFFFFF0];
	(pc) =	sbr.rel @p1 .LBB2_6-.Ltmp7, $4  }
0x173: {  	[tilespmem:s10+$0xFFFFFF60] =	vst v4;
	v4 =	vmax.f32 v6, $0.0e+00;
	v13 =	vld [tilespmem:s8+$0x70];
	s8 =	smov.u32 s31  }
0x174: {  	v8 =	vld [tilespmem:s30+$0xFFFFFF70];
	[tilespmem:s10+$0xFFFFFFE0] =	vst v4;
	v5 =	vmax.f32 v5, $0.0e+00  }
0x175: {  	v4 =	vld [tilespmem:s30+$0xFFFFFFF0];
	[tilespmem:s10+$0x60] =	vst v5  }
0x176: {  	s10 =	sadd.s32 $0x200, s10;
	v5 =	vld [tilespmem:s30+$0x70];
	v3 =	vadd.f32 v7, v3  }
0x177: {  	v6 =	vld [tilespmem:s8+$0xFFFFFF70]  }
0x178: {  	v7 =	vld [tilespmem:s8+$0xFFFFFFF0]  }
0x179: {  	v14 =	vld [tilespmem:s8+$0x70]  }
0x17a: {  	v1 =	vadd.f32 v12, v1;
	v8 =	vadd.f32 v8, v11  }
0x17b: {  	v2 =	vadd.f32 v13, v2;
	v3 =	vmax.f32 v3, $0.0e+00;
	v4 =	vadd.f32 v4, v9  }
0x17c: {  	[tilespmem:s28+$0xFFFFFF70] =	vst v3;
	v1 =	vmax.f32 v1, $0.0e+00;
	v3 =	vadd.f32 v5, v10;
	v63 =	vadd.f32 v6, v8  }
0x17d: {  	[tilespmem:s28+$0xFFFFFFF0] =	vst v1;
	v1 =	vmax.f32 v2, $0.0e+00;
	v2 =	vadd.f32 v7, v4  }
0x17e: {  	[tilespmem:s28+$0x70] =	vst v1;
	v3 =	vadd.f32 v14, v3;
	v1 =	vmax.f32 v63, $0.0e+00  }
0x17f: {  	[tilespmem:s29+$0xFFFFFF70] =	vst v1;
	v1 =	vmax.f32 v2, $0.0e+00  }
0x180: {  	[tilespmem:s29+$0xFFFFFFF0] =	vst v1;
	v1 =	vmax.f32 v3, $0.0e+00  }
.Ltmp8:
0x181: {  	[tilespmem:s29+$0x70] =	vst v1;
	(pc) =	sbr.rel .LBB2_8-.Ltmp8, $4  }
0x182: {  	[spmem:s1] =	stream.indirect.scatter.add.f32 [tilespmem:s19], [sflag:$0x1], $0x80, s22, s22, $0xb8;
	[tilespmem:$0x1FD00] =	vst v63  }
0x183: {  	_ =	swait.ge [sflag:s20], $0x4000  }
0x184: {  	[sflag:s20] =	ssyncset.done $0x0  }
0x185: {  	[sflag:s20] =	ssyncadd.s32 $0xFFFFC000  }
.LBB2_13:
0x186: {  	v6 =	vld [tilespmem:s8+$0xFFFFFF70]  }
0x187: {  	v7 =	vld [tilespmem:s8+$0xFFFFFFF0]  }
0x188: {  	v14 =	vld [tilespmem:s8+$0x70]  }
0x189: {  	v1 =	vadd.f32 v12, v1;
	v8 =	vadd.f32 v8, v11  }
0x18a: {  	v2 =	vadd.f32 v13, v2;
	v3 =	vmax.f32 v3, $0.0e+00;
	v4 =	vadd.f32 v4, v9  }
0x18b: {  	[tilespmem:s28+$0xFFFFFF70] =	vst v3;
	v3 =	vadd.f32 v5, v10;
	v1 =	vmax.f32 v1, $0.0e+00;
	v63 =	vadd.f32 v6, v8  }
0x18c: {  	[tilespmem:s28+$0xFFFFFFF0] =	vst v1;
	v1 =	vmax.f32 v2, $0.0e+00;
	v2 =	vadd.f32 v7, v4  }
0x18d: {  	[tilespmem:s28+$0x70] =	vst v1;
	v3 =	vadd.f32 v14, v3;
	v1 =	vmax.f32 v63, $0.0e+00  }
0x18e: {  	[tilespmem:s29+$0xFFFFFF70] =	vst v1;
	v1 =	vmax.f32 v2, $0.0e+00  }
0x18f: {  	[tilespmem:s29+$0xFFFFFFF0] =	vst v1;
	v1 =	vmax.f32 v3, $0.0e+00  }
0x190: {  	[tilespmem:s29+$0x70] =	vst v1  }
0x191: {  	[spmem:s1] =	stream.indirect.scatter.add.f32 [tilespmem:s19], [sflag:$0x1], $0x80, s22, s22, $0xb8;
	[tilespmem:$0x1FD00] =	vst v63  }
0x192: {  	_ =	swait.ge [sflag:s20], $0x4000  }
0x193: {  	[sflag:s20] =	ssyncset.done $0x0  }
0x194: {  	[sflag:s20] =	ssyncadd.s32 $0xFFFFC000  }
.LBB2_14:
0x195: {  	s26 =	sadd.s32 $0x1, s26  }
0x196: {  	p1 =	sne.s32 s26, $0x4F  }
.Ltmp9:
0x197: {  	_ = 	snop;
	(pc) =	sbr.rel @!p1 .LBB2_15-.Ltmp9, $1  }
0x198: {  	_ =	sdelay $0x3  }
.LBB2_10:
0x199: {  	s0 =	sshll.u32 s26, $0x4  }
0x19a: {  	s0 =	sor.u32 s2, s0  }
0x19b: {  	p1 =	sgt.u32 s0, $0x4E1  }
.Ltmp10:
0x19c: {  	_ = 	snop;
	(pc) =	sbr.rel @p1 .LBB2_14-.Ltmp10, $1  }
0x19d: {  	_ =	sdelay $0x3  }
0x19e: {  	s8 =	sshll.u32 s0, $0x5  }
0x19f: {  	s8 =	sadd.s32 s8, s14  }
0x1a0: {  	[tilespmem:s3], [sflag:$0x2] =	stream.linear.gather [hbm4b:s8+s3], $0x100, $0x38;
	[tilespmem:$0x1FD00] =	vst v63  }
0x1a1: {  	_ =	swait.ge [sflag:s21], $0x100  }
0x1a2: {  	[sflag:s21] =	ssyncset.done $0x0  }
0x1a3: {  	[sflag:s21] =	ssyncadd.s32 $0xFFFFFF00  }
0x1a4: {  	[tilespmem:s19], [sflag:$0x2] =	stream.indirect.gather [hbm4b:s5+s22], $0x80, s3, s22, $0xb8;
	[tilespmem:$0x1FD00] =	vst v63  }
0x1a5: {  	_ =	swait.ge [sflag:s21], $0x4000  }
0x1a6: {  	[sflag:s21] =	ssyncset.done $0x0  }
0x1a7: {  	[sflag:s21] =	ssyncadd.s32 $0xFFFFC000  }
0x1a8: {  	[tilespmem:s23], [sflag:$0x2] =	stream.indirect.gather [hbm4b:s6+s22], $0x80, s22, s22, $0xb8;
	[tilespmem:$0x1FD00] =	vst v63  }
0x1a9: {  	_ =	swait.ge [sflag:s21], $0x4000  }
0x1aa: {  	s10 =	sshll.u32 s0, $0xB;
	[sflag:s21] =	ssyncset.done $0x0  }
0x1ab: {  	s0 =	sadd.s32 s10, s16;
	[sflag:s21] =	ssyncadd.s32 $0xFFFFC000  }
0x1ac: {  	[tilespmem:s24], [sflag:$0x2] =	stream.linear.gather [hbm4b:s0+s3], $0x4000, $0x38;
	[tilespmem:$0x1FD00] =	vst v63  }
0x1ad: {  	_ =	swait.ge [sflag:s21], $0x4000  }
0x1ae: {  	[sflag:s21] =	ssyncset.done $0x0  }
0x1af: {  	s28 =	simm.s32 $0x200;
	[sflag:s21] =	ssyncadd.s32 $0xFFFFC000  }
0x1b0: {  	s0 =	simm.s32 $0x4200;
	v1 =	vld [tilespmem:s28+$0x80]  }
0x1b1: {  	s10 =	simm.s32 $0x8200;
	v2 =	vld [tilespmem:s0+$0x80]  }
0x1b2: {  	v3 =	vld [tilespmem:s10+$0x80]  }
0x1b3: {  	v4 =	vld [tilespmem:s10+$0xFFFFFF00]  }
0x1b4: {  	v6 =	vld [tilespmem:s28+$0xFFFFFF80]  }
0x1b5: {  	v8 =	vld [tilespmem:s0+$0xFFFFFF80]  }
0x1b6: {  	s29 =	simm.s32 $0x400;
	v9 =	vld [tilespmem:s0+$0x0]  }
0x1b7: {  	s30 =	simm.s32 $0x4400;
	v13 =	vld [tilespmem:s29+$0x80]  }
0x1b8: {  	v14 =	vld [tilespmem:s30+$0x80]  }
0x1b9: {  	v16 =	vld [tilespmem:s29+$0xFFFFFF80];
	v1 =	vadd.f32 v2, v1  }
0x1ba: {  	v17 =	vld [tilespmem:s30+$0xFFFFFF80]  }
0x1bb: {  	v2 =	vld [tilespmem:s0+$0xFFFFFF00];
	v1 =	vadd.f32 v3, v1  }
0x1bc: {  	s31 =	simm.s32 $0x8400;
	v3 =	vld [tilespmem:s28+$0xFFFFFF00]  }
0x1bd: {  	v18 =	vld [tilespmem:s31+$0x0];
	v1 =	vmax.f32 v1, $0.0e+00  }
0x1be: {  	[tilespmem:s28+$0x80] =	vst v1;
	v1 =	vld [tilespmem:s28+$0x90]  }
0x1bf: {  	v5 =	vld [tilespmem:s0+$0x90]  }
0x1c0: {  	v7 =	vld [tilespmem:s10+$0x90]  }
0x1c1: {  	v2 =	vadd.f32 v2, v3;
	v3 =	vld [tilespmem:s28+$0x0]  }
0x1c2: {  	v19 =	vld [tilespmem:s29+$0xFFFFFF90]  }
0x1c3: {  	v38 =	vld [tilespmem:s29+$0x10]  }
0x1c4: {  	v2 =	vadd.f32 v4, v2;
	v4 =	vld [tilespmem:s10+$0xFFFFFF80];
	v1 =	vadd.f32 v5, v1  }
0x1c5: {  	v5 =	vld [tilespmem:s28+$0xFFFFFF10]  }
0x1c6: {  	v2 =	vmax.f32 v2, $0.0e+00;
	v3 =	vadd.f32 v9, v3;
	v9 =	vld [tilespmem:s28+$0x10];
	v1 =	vadd.f32 v7, v1  }
0x1c7: {  	[tilespmem:s28+$0xFFFFFF00] =	vst v2;
	v7 =	vld [tilespmem:s10+$0x0]  }
0x1c8: {  	v2 =	vld [tilespmem:s0+$0xFFFFFF10];
	v1 =	vmax.f32 v1, $0.0e+00  }
0x1c9: {  	v10 =	vld [tilespmem:s10+$0xFFFFFF10];
	[tilespmem:s28+$0x90] =	vst v1;
	v1 =	vadd.f32 v8, v6  }
0x1ca: {  	v6 =	vld [tilespmem:s28+$0xA0]  }
0x1cb: {  	v8 =	vld [tilespmem:s0+$0xA0];
	v1 =	vadd.f32 v4, v1  }
0x1cc: {  	v4 =	vld [tilespmem:s28+$0xFFFFFF90];
	v3 =	vadd.f32 v7, v3  }
0x1cd: {  	v7 =	vld [tilespmem:s10+$0xA0];
	v2 =	vadd.f32 v2, v5;
	v1 =	vmax.f32 v1, $0.0e+00  }
0x1ce: {  	v5 =	vld [tilespmem:s28+$0xFFFFFF20];
	[tilespmem:s28+$0xFFFFFF80] =	vst v1;
	v1 =	vmax.f32 v3, $0.0e+00  }
0x1cf: {  	v3 =	vld [tilespmem:s0+$0xFFFFFF90];
	[tilespmem:s28+$0x0] =	vst v1;
	v1 =	vadd.f32 v10, v2  }
0x1d0: {  	v2 =	vadd.f32 v8, v6;
	v8 =	vld [tilespmem:s10+$0xFFFFFF90]  }
0x1d1: {  	v6 =	vld [tilespmem:s0+$0x10];
	v1 =	vmax.f32 v1, $0.0e+00  }
0x1d2: {  	v2 =	vadd.f32 v7, v2;
	v7 =	vld [tilespmem:s10+$0x10];
	[tilespmem:s28+$0xFFFFFF10] =	vst v1  }
0x1d3: {  	v1 =	vld [tilespmem:s0+$0xFFFFFF20]  }
0x1d4: {  	v2 =	vmax.f32 v2, $0.0e+00;
	v10 =	vld [tilespmem:s10+$0xFFFFFF20]  }
0x1d5: {  	[tilespmem:s28+$0xA0] =	vst v2;
	v2 =	vadd.f32 v3, v4;
	v3 =	vld [tilespmem:s28+$0xB0]  }
0x1d6: {  	v4 =	vadd.f32 v6, v9;
	v6 =	vld [tilespmem:s0+$0xB0]  }
0x1d7: {  	v9 =	vld [tilespmem:s28+$0xFFFFFFA0];
	v2 =	vadd.f32 v8, v2  }
0x1d8: {  	v8 =	vld [tilespmem:s28+$0x20]  }
0x1d9: {  	v4 =	vadd.f32 v7, v4;
	v7 =	vld [tilespmem:s10+$0xB0];
	v2 =	vmax.f32 v2, $0.0e+00;
	v1 =	vadd.f32 v1, v5  }
0x1da: {  	v5 =	vld [tilespmem:s28+$0xFFFFFF30];
	[tilespmem:s28+$0xFFFFFF90] =	vst v2  }
0x1db: {  	v2 =	vmax.f32 v4, $0.0e+00;
	v4 =	vld [tilespmem:s0+$0xFFFFFFA0];
	v1 =	vadd.f32 v10, v1  }
0x1dc: {  	[tilespmem:s28+$0x10] =	vst v2;
	v2 =	vadd.f32 v6, v3;
	v6 =	vld [tilespmem:s10+$0xFFFFFFA0]  }
0x1dd: {  	v3 =	vld [tilespmem:s0+$0x20];
	v1 =	vmax.f32 v1, $0.0e+00  }
0x1de: {  	v2 =	vadd.f32 v7, v2;
	v7 =	vld [tilespmem:s10+$0x20];
	[tilespmem:s28+$0xFFFFFF20] =	vst v1  }
0x1df: {  	v1 =	vld [tilespmem:s0+$0xFFFFFF30]  }
0x1e0: {  	v2 =	vmax.f32 v2, $0.0e+00;
	v10 =	vld [tilespmem:s10+$0xFFFFFF30]  }
0x1e1: {  	[tilespmem:s28+$0xB0] =	vst v2;
	v2 =	vadd.f32 v4, v9;
	v4 =	vld [tilespmem:s28+$0xC0]  }
0x1e2: {  	v9 =	vld [tilespmem:s28+$0xFFFFFFB0];
	v3 =	vadd.f32 v3, v8  }
0x1e3: {  	v8 =	vld [tilespmem:s0+$0xC0];
	v2 =	vadd.f32 v6, v2  }
0x1e4: {  	v6 =	vld [tilespmem:s10+$0xC0];
	v3 =	vadd.f32 v7, v3  }
0x1e5: {  	v7 =	vld [tilespmem:s28+$0x30];
	v2 =	vmax.f32 v2, $0.0e+00;
	v1 =	vadd.f32 v1, v5  }
0x1e6: {  	v5 =	vld [tilespmem:s28+$0xFFFFFF40];
	[tilespmem:s28+$0xFFFFFFA0] =	vst v2;
	v2 =	vmax.f32 v3, $0.0e+00  }
0x1e7: {  	[tilespmem:s28+$0x20] =	vst v2;
	v1 =	vadd.f32 v10, v1;
	v2 =	vld [tilespmem:s0+$0xFFFFFFB0]  }
0x1e8: {  	v3 =	vadd.f32 v8, v4;
	v4 =	vld [tilespmem:s0+$0x30]  }
0x1e9: {  	v8 =	vld [tilespmem:s10+$0xFFFFFFB0];
	v1 =	vmax.f32 v1, $0.0e+00  }
0x1ea: {  	v3 =	vadd.f32 v6, v3;
	[tilespmem:s28+$0xFFFFFF30] =	vst v1;
	v1 =	vld [tilespmem:s10+$0x30]  }
0x1eb: {  	v6 =	vld [tilespmem:s0+$0xFFFFFF40]  }
0x1ec: {  	v3 =	vmax.f32 v3, $0.0e+00;
	v10 =	vld [tilespmem:s10+$0xFFFFFF40];
	v2 =	vadd.f32 v2, v9  }
0x1ed: {  	[tilespmem:s28+$0xC0] =	vst v3;
	v3 =	vadd.f32 v4, v7;
	v4 =	vld [tilespmem:s28+$0xD0]  }
0x1ee: {  	v7 =	vld [tilespmem:s0+$0xD0];
	v2 =	vadd.f32 v8, v2  }
0x1ef: {  	v9 =	vld [tilespmem:s28+$0xFFFFFFC0]  }
0x1f0: {  	v1 =	vadd.f32 v1, v3;
	v3 =	vld [tilespmem:s10+$0xD0];
	v2 =	vmax.f32 v2, $0.0e+00  }
0x1f1: {  	v8 =	vld [tilespmem:s28+$0x40];
	[tilespmem:s28+$0xFFFFFFB0] =	vst v2  }
0x1f2: {  	v1 =	vmax.f32 v1, $0.0e+00;
	v2 =	vld [tilespmem:s0+$0xFFFFFFC0]  }
0x1f3: {  	[tilespmem:s28+$0x30] =	vst v1;
	v4 =	vadd.f32 v7, v4;
	v7 =	vld [tilespmem:s10+$0xFFFFFFC0]  }
0x1f4: {  	v5 =	vadd.f32 v6, v5;
	v1 =	vld [tilespmem:s0+$0x40]  }
0x1f5: {  	v6 =	vld [tilespmem:s10+$0x40];
	v3 =	vadd.f32 v3, v4  }
0x1f6: {  	v5 =	vadd.f32 v10, v5;
	v4 =	vld [tilespmem:s28+$0xFFFFFF50]  }
0x1f7: {  	v3 =	vmax.f32 v3, $0.0e+00;
	v2 =	vadd.f32 v2, v9;
	v9 =	vld [tilespmem:s28+$0xFFFFFFD0]  }
0x1f8: {  	[tilespmem:s28+$0xD0] =	vst v3;
	v3 =	vmax.f32 v5, $0.0e+00;
	v5 =	vld [tilespmem:s28+$0xE0]  }
0x1f9: {  	v1 =	vadd.f32 v1, v8;
	v8 =	vld [tilespmem:s28+$0x50];
	v2 =	vadd.f32 v7, v2  }
0x1fa: {  	[tilespmem:s28+$0xFFFFFF40] =	vst v3;
	v3 =	vld [tilespmem:s0+$0xE0]  }
0x1fb: {  	v1 =	vadd.f32 v6, v1;
	v6 =	vld [tilespmem:s0+$0xFFFFFF50];
	v2 =	vmax.f32 v2, $0.0e+00  }
0x1fc: {  	[tilespmem:s28+$0xFFFFFFC0] =	vst v2;
	v2 =	vld [tilespmem:s10+$0xE0]  }
0x1fd: {  	v10 =	vld [tilespmem:s10+$0xFFFFFF50];
	v1 =	vmax.f32 v1, $0.0e+00  }
0x1fe: {  	v7 =	vld [tilespmem:s0+$0xFFFFFFD0];
	[tilespmem:s28+$0x40] =	vst v1  }
0x1ff: {  	v3 =	vadd.f32 v3, v5;
	v1 =	vld [tilespmem:s0+$0x50]  }
0x200: {  	v5 =	vld [tilespmem:s10+$0xFFFFFFD0]  }
0x201: {  	v11 =	vld [tilespmem:s10+$0x50];
	v2 =	vadd.f32 v2, v3;
	v3 =	vadd.f32 v6, v4  }
0x202: {  	v42 =	vld [tilespmem:s29+$0xFFFFFFA0]  }
0x203: {  	v43 =	vld [tilespmem:s29+$0x20];
	v6 =	vadd.f32 v7, v9;
	v3 =	vadd.f32 v10, v3  }
0x204: {  	v4 =	vld [tilespmem:s28+$0xFFFFFF60];
	v8 =	vadd.f32 v1, v8  }
0x205: {  	v7 =	vld [tilespmem:s28+$0xFFFFFFE0];
	v5 =	vadd.f32 v5, v6;
	v3 =	vmax.f32 v3, $0.0e+00  }
0x206: {  	v6 =	vadd.f32 v11, v8;
	v8 =	vld [tilespmem:s28+$0x60];
	[tilespmem:s28+$0xFFFFFF50] =	vst v3  }
0x207: {  	v3 =	vmax.f32 v5, $0.0e+00;
	v5 =	vld [tilespmem:s0+$0xFFFFFF60]  }
0x208: {  	[tilespmem:s28+$0xFFFFFFD0] =	vst v3;
	v3 =	vmax.f32 v6, $0.0e+00;
	v10 =	vld [tilespmem:s10+$0xFFFFFF60]  }
0x209: {  	v6 =	vld [tilespmem:s0+$0xFFFFFFE0];
	[tilespmem:s28+$0x50] =	vst v3  }
0x20a: {  	v3 =	vld [tilespmem:s0+$0x60]  }
0x20b: {  	v11 =	vld [tilespmem:s10+$0xFFFFFFE0]  }
0x20c: {  	v12 =	vld [tilespmem:s10+$0x60];
	v4 =	vadd.f32 v5, v4  }
0x20d: {  	v47 =	vld [tilespmem:s29+$0xFFFFFFB0]  }
0x20e: {  	v6 =	vadd.f32 v6, v7;
	v7 =	vadd.f32 v10, v4;
	v10 =	vld [tilespmem:s31+$0x80]  }
0x20f: {  	v48 =	vld [tilespmem:s29+$0x30];
	v3 =	vadd.f32 v3, v8  }
0x210: {  	v51 =	vld [tilespmem:s29+$0xFFFFFFC0];
	v6 =	vadd.f32 v11, v6  }
0x211: {  	v54 =	vld [tilespmem:s29+$0xFFFFFF50];
	v11 =	vadd.f32 v12, v3;
	v12 =	vadd.f32 v14, v13  }
0x212: {  	v55 =	vld [tilespmem:s29+$0xFFFFFFD0]  }
0x213: {  	v14 =	vld [tilespmem:s31+$0xFFFFFF00];
	v6 =	vmax.f32 v6, $0.0e+00;
	v10 =	vadd.f32 v10, v12  }
0x214: {  	[tilespmem:s28+$0xFFFFFFE0] =	vst v6;
	v6 =	vmax.f32 v11, $0.0e+00;
	v11 =	vld [tilespmem:s30+$0xFFFFFF00]  }
0x215: {  	v12 =	vld [tilespmem:s29+$0xFFFFFF00];
	v10 =	vmax.f32 v10, $0.0e+00  }
0x216: {  	[tilespmem:s29+$0x80] =	vst v10;
	v10 =	vld [tilespmem:s29+$0x90]  }
0x217: {  	v13 =	vld [tilespmem:s30+$0x90]  }
0x218: {  	v56 =	vld [tilespmem:s29+$0x50]  }
0x219: {  	v15 =	vld [tilespmem:s31+$0x90]  }
0x21a: {  	v58 =	vld [tilespmem:s29+$0xFFFFFF60];
	v11 =	vadd.f32 v11, v12  }
0x21b: {  	v1 =	vld [tilespmem:s28+$0xF0]  }
0x21c: {  	v12 =	vld [tilespmem:s29+$0x0];
	v11 =	vadd.f32 v14, v11;
	v10 =	vadd.f32 v13, v10  }
0x21d: {  	v13 =	vld [tilespmem:s30+$0x0]  }
0x21e: {  	v14 =	vld [tilespmem:s31+$0xFFFFFF80];
	v11 =	vmax.f32 v11, $0.0e+00;
	v10 =	vadd.f32 v15, v10  }
0x21f: {  	[tilespmem:s29+$0xFFFFFF00] =	vst v11;
	v15 =	vld [tilespmem:s29+$0xFFFFFF10]  }
0x220: {  	v11 =	vld [tilespmem:s30+$0xFFFFFF10];
	v10 =	vmax.f32 v10, $0.0e+00  }
0x221: {  	v16 =	vadd.f32 v17, v16;
	[tilespmem:s29+$0x90] =	vst v10;
	v10 =	vld [tilespmem:s29+$0xA0]  }
0x222: {  	v2 =	vmax.f32 v2, $0.0e+00;
	v12 =	vadd.f32 v13, v12;
	v13 =	vld [tilespmem:s31+$0xFFFFFF10]  }
0x223: {  	[tilespmem:s28+$0xE0] =	vst v2;
	v14 =	vadd.f32 v14, v16;
	v36 =	vld [tilespmem:s30+$0xA0]  }
0x224: {  	v2 =	vld [tilespmem:s0+$0xF0];
	v12 =	vadd.f32 v18, v12  }
0x225: {  	v14 =	vmax.f32 v14, $0.0e+00;
	v37 =	vld [tilespmem:s31+$0xA0];
	v11 =	vadd.f32 v11, v15  }
0x226: {  	[tilespmem:s29+$0xFFFFFF80] =	vst v14;
	v15 =	vld [tilespmem:s29+$0xFFFFFF20];
	v12 =	vmax.f32 v12, $0.0e+00  }
0x227: {  	v14 =	vld [tilespmem:s30+$0xFFFFFF90];
	[tilespmem:s29+$0x0] =	vst v12;
	v11 =	vadd.f32 v13, v11  }
0x228: {  	v10 =	vadd.f32 v36, v10;
	v12 =	vld [tilespmem:s30+$0x10]  }
0x229: {  	v13 =	vld [tilespmem:s31+$0xFFFFFF90];
	v11 =	vmax.f32 v11, $0.0e+00  }
0x22a: {  	v39 =	vld [tilespmem:s31+$0x10];
	v10 =	vadd.f32 v37, v10;
	[tilespmem:s29+$0xFFFFFF10] =	vst v11  }
0x22b: {  	v11 =	vld [tilespmem:s30+$0xFFFFFF20]  }
0x22c: {  	v14 =	vadd.f32 v14, v19;
	v41 =	vld [tilespmem:s31+$0xFFFFFF20];
	v10 =	vmax.f32 v10, $0.0e+00  }
0x22d: {  	[tilespmem:s29+$0xA0] =	vst v10;
	v10 =	vld [tilespmem:s29+$0xB0];
	v12 =	vadd.f32 v12, v38  }
0x22e: {  	v13 =	vadd.f32 v13, v14;
	v40 =	vld [tilespmem:s30+$0xB0]  }
0x22f: {  	v9 =	vld [tilespmem:s10+$0xF0];
	v12 =	vadd.f32 v39, v12  }
0x230: {  	v14 =	vld [tilespmem:s31+$0xB0];
	v13 =	vmax.f32 v13, $0.0e+00;
	v11 =	vadd.f32 v11, v15  }
0x231: {  	[tilespmem:s29+$0xFFFFFF90] =	vst v13;
	v15 =	vld [tilespmem:s29+$0xFFFFFF30];
	v12 =	vmax.f32 v12, $0.0e+00  }
0x232: {  	v13 =	vld [tilespmem:s30+$0xFFFFFFA0];
	[tilespmem:s29+$0x10] =	vst v12;
	v11 =	vadd.f32 v41, v11  }
0x233: {  	v10 =	vadd.f32 v40, v10;
	v12 =	vld [tilespmem:s30+$0x20]  }
0x234: {  	v44 =	vld [tilespmem:s31+$0x20];
	v11 =	vmax.f32 v11, $0.0e+00  }
0x235: {  	v10 =	vadd.f32 v14, v10;
	v14 =	vld [tilespmem:s31+$0xFFFFFFA0];
	[tilespmem:s29+$0xFFFFFF20] =	vst v11  }
0x236: {  	v11 =	vld [tilespmem:s30+$0xFFFFFF30]  }
0x237: {  	v46 =	vld [tilespmem:s31+$0xFFFFFF30];
	v10 =	vmax.f32 v10, $0.0e+00  }
0x238: {  	v13 =	vadd.f32 v13, v42;
	[tilespmem:s29+$0xB0] =	vst v10;
	v10 =	vld [tilespmem:s29+$0xC0]  }
0x239: {  	v12 =	vadd.f32 v12, v43;
	v45 =	vld [tilespmem:s30+$0xC0]  }
0x23a: {  	v59 =	vld [tilespmem:s29+$0xFFFFFFE0];
	v13 =	vadd.f32 v14, v13  }
0x23b: {  	v1 =	vadd.f32 v2, v1;
	v14 =	vld [tilespmem:s31+$0xC0];
	v12 =	vadd.f32 v44, v12  }
0x23c: {  	v5 =	vld [tilespmem:s28+$0xFFFFFF70];
	v11 =	vadd.f32 v11, v15;
	v13 =	vmax.f32 v13, $0.0e+00  }
0x23d: {  	v1 =	vadd.f32 v9, v1;
	v9 =	vld [tilespmem:s29+$0xFFFFFFF0];
	v12 =	vmax.f32 v12, $0.0e+00;
	[tilespmem:s29+$0xFFFFFFA0] =	vst v13  }
0x23e: {  	[tilespmem:s29+$0x20] =	vst v12;
	v11 =	vadd.f32 v46, v11;
	v10 =	vadd.f32 v45, v10;
	v12 =	vld [tilespmem:s30+$0xFFFFFFB0]  }
0x23f: {  	v13 =	vld [tilespmem:s30+$0x30]  }
0x240: {  	v11 =	vmax.f32 v11, $0.0e+00;
	v10 =	vadd.f32 v14, v10;
	v14 =	vld [tilespmem:s31+$0xFFFFFFB0]  }
0x241: {  	[tilespmem:s29+$0xFFFFFF30] =	vst v11;
	v11 =	vld [tilespmem:s31+$0x30]  }
0x242: {  	v15 =	vld [tilespmem:s29+$0xFFFFFF40];
	v10 =	vmax.f32 v10, $0.0e+00  }
0x243: {  	v49 =	vld [tilespmem:s30+$0xFFFFFF40];
	[tilespmem:s29+$0xC0] =	vst v10;
	v10 =	vadd.f32 v12, v47  }
0x244: {  	v12 =	vld [tilespmem:s29+$0xD0];
	v13 =	vadd.f32 v13, v48  }
0x245: {  	v50 =	vld [tilespmem:s30+$0xD0];
	v10 =	vadd.f32 v14, v10  }
0x246: {  	v52 =	vld [tilespmem:s31+$0xFFFFFF40];
	v11 =	vadd.f32 v11, v13  }
0x247: {  	v13 =	vld [tilespmem:s31+$0xD0];
	v10 =	vmax.f32 v10, $0.0e+00  }
0x248: {  	v14 =	vld [tilespmem:s29+$0x40];
	[tilespmem:s29+$0xFFFFFFB0] =	vst v10;
	v10 =	vmax.f32 v11, $0.0e+00  }
0x249: {  	v11 =	vld [tilespmem:s30+$0xFFFFFFC0];
	[tilespmem:s29+$0x30] =	vst v10  }
0x24a: {  	v10 =	vadd.f32 v50, v12;
	v12 =	vld [tilespmem:s30+$0x40]  }
0x24b: {  	v53 =	vld [tilespmem:s31+$0xFFFFFFC0]  }
0x24c: {  	v4 =	vld [tilespmem:s28+$0xFFFFFFF0];
	v10 =	vadd.f32 v13, v10  }
0x24d: {  	v15 =	vadd.f32 v49, v15;
	v13 =	vld [tilespmem:s31+$0x40]  }
0x24e: {  	v3 =	vld [tilespmem:s28+$0x70];
	v10 =	vmax.f32 v10, $0.0e+00;
	v11 =	vadd.f32 v11, v51  }
0x24f: {  	v7 =	vmax.f32 v7, $0.0e+00;
	[tilespmem:s29+$0xD0] =	vst v10;
	v10 =	vadd.f32 v52, v15;
	v12 =	vadd.f32 v12, v14;
	v14 =	vld [tilespmem:s29+$0xE0]  }
0x250: {  	[tilespmem:s28+$0xFFFFFF60] =	vst v7;
	v15 =	vld [tilespmem:s30+$0xE0];
	v11 =	vadd.f32 v53, v11  }
0x251: {  	v8 =	vld [tilespmem:s0+$0xFFFFFF70];
	v10 =	vmax.f32 v10, $0.0e+00  }
0x252: {  	v12 =	vadd.f32 v13, v12;
	[tilespmem:s29+$0xFFFFFF40] =	vst v10;
	v10 =	vmax.f32 v11, $0.0e+00;
	v11 =	vld [tilespmem:s31+$0xE0]  }
0x253: {  	v13 =	vld [tilespmem:s30+$0xFFFFFF50];
	[tilespmem:s29+$0xFFFFFFC0] =	vst v10  }
0x254: {  	v10 =	vmax.f32 v12, $0.0e+00;
	v12 =	vld [tilespmem:s30+$0xFFFFFFD0]  }
0x255: {  	[tilespmem:s29+$0x40] =	vst v10;
	v14 =	vadd.f32 v15, v14;
	v15 =	vld [tilespmem:s31+$0xFFFFFF50]  }
0x256: {  	v10 =	vld [tilespmem:s30+$0x50]  }
0x257: {  	v57 =	vld [tilespmem:s31+$0xFFFFFFD0];
	v11 =	vadd.f32 v11, v14  }
0x258: {  	v14 =	vld [tilespmem:s31+$0x50];
	v13 =	vadd.f32 v13, v54  }
0x259: {  	v63 =	vld [tilespmem:s10+$0xFFFFFF70];
	v11 =	vmax.f32 v11, $0.0e+00  }
0x25a: {  	v7 =	vld [tilespmem:s0+$0xFFFFFFF0];
	v12 =	vadd.f32 v12, v55;
	[tilespmem:s29+$0xE0] =	vst v11;
	v11 =	vadd.f32 v15, v13  }
0x25b: {  	v10 =	vadd.f32 v10, v56;
	v13 =	vld [tilespmem:s29+$0xF0]  }
0x25c: {  	v12 =	vadd.f32 v57, v12;
	v15 =	vld [tilespmem:s30+$0xF0];
	v11 =	vmax.f32 v11, $0.0e+00  }
0x25d: {  	v10 =	vadd.f32 v14, v10;
	v14 =	vld [tilespmem:s29+$0x60];
	[tilespmem:s29+$0xFFFFFF50] =	vst v11  }
0x25e: {  	v11 =	vmax.f32 v12, $0.0e+00;
	v12 =	vld [tilespmem:s30+$0xFFFFFF60]  }
0x25f: {  	[tilespmem:s29+$0xFFFFFFD0] =	vst v11;
	v10 =	vmax.f32 v10, $0.0e+00;
	v20 =	vld [tilespmem:s31+$0xFFFFFF60]  }
0x260: {  	v61 =	vld [tilespmem:s30+$0xFFFFFFE0];
	[tilespmem:s29+$0x50] =	vst v10  }
0x261: {  	v10 =	vld [tilespmem:s30+$0x60]  }
0x262: {  	v21 =	vld [tilespmem:s31+$0xFFFFFFE0]  }
0x263: {  	v2 =	vld [tilespmem:s31+$0x60]  }
0x264: {  	[tilespmem:s28+$0x60] =	vst v6;
	v60 =	vld [tilespmem:s31+$0xF0];
	v12 =	vadd.f32 v12, v58  }
0x265: {  	v6 =	vld [tilespmem:s0+$0x70];
	v62 =	vadd.f32 v61, v59  }
0x266: {  	v11 =	vld [tilespmem:s29+$0xFFFFFF70];
	v14 =	vadd.f32 v10, v14;
	v12 =	vadd.f32 v20, v12  }
0x267: {  	v1 =	vmax.f32 v1, $0.0e+00;
	v13 =	vadd.f32 v15, v13;
	v10 =	vld [tilespmem:s29+$0x70];
	v15 =	vadd.f32 v21, v62  }
0x268: {  	[tilespmem:s28+$0xF0] =	vst v1;
	v1 =	vmax.f32 v12, $0.0e+00;
	v2 =	vadd.f32 v2, v14;
	v12 =	vld [tilespmem:s10+$0xFFFFFFF0]  }
0x269: {  	v14 =	vadd.f32 v60, v13;
	v13 =	vld [tilespmem:s10+$0x70];
	[tilespmem:s29+$0xFFFFFF60] =	vst v1;
	v1 =	vmax.f32 v15, $0.0e+00  }
0x26a: {  	v15 =	vadd.f32 v8, v5;
	[tilespmem:s29+$0xFFFFFFE0] =	vst v1;
	v8 =	vld [tilespmem:s30+$0xFFFFFF70];
	v2 =	vmax.f32 v2, $0.0e+00  }
0x26b: {  	v1 =	vadd.f32 v7, v4;
	v5 =	vmax.f32 v14, $0.0e+00;
	v4 =	vld [tilespmem:s30+$0xFFFFFFF0];
	[tilespmem:s29+$0x60] =	vst v2  }
0x26c: {  	s8 =	simm.s32 $0x8400;
	s0 =	simm.s32 $0x4;
	s10 =	simm.s32 $0x600;
	v2 =	vadd.f32 v6, v3;
	[tilespmem:s29+$0xF0] =	vst v5;
	v3 =	vadd.f32 v63, v15;
	v5 =	vld [tilespmem:s30+$0x70]  }
.LBB2_12:
0x26d: {  	v6 =	vld [tilespmem:s10+$0x80];
	s30 =	sadd.s32 $0x200, s30;
	v1 =	vadd.f32 v12, v1  }
0x26e: {  	s0 =	sadd.s32 $0x4, s0;
	v12 =	vmax.f32 v3, $0.0e+00;
	v2 =	vadd.f32 v13, v2;
	v7 =	vld [tilespmem:s30+$0x80]  }
0x26f: {  	v3 =	vadd.f32 v8, v11;
	s31 =	sadd.s32 $0x200, s31;
	p1 =	slt.u32 s0, $0x7C;
	v13 =	vld [tilespmem:s30+$0xFFFFFF00];
	[tilespmem:s28+$0xFFFFFF70] =	vst v12;
	v8 =	vmax.f32 v1, $0.0e+00  }
0x270: {  	v1 =	vadd.f32 v4, v9;
	v4 =	vmax.f32 v2, $0.0e+00;
	v11 =	vld [tilespmem:s31+$0x80];
	[tilespmem:s28+$0xFFFFFFF0] =	vst v8  }
0x271: {  	v2 =	vadd.f32 v5, v10;
	v8 =	vld [tilespmem:s10+$0xFFFFFF80];
	[tilespmem:s28+$0x70] =	vst v4;
	s28 =	smov.u32 s29;
	s29 =	smov.u32 s10  }
0x272: {  	v4 =	vld [tilespmem:s30+$0xFFFFFF80]  }
0x273: {  	v5 =	vld [tilespmem:s10+$0x0];
	v6 =	vadd.f32 v7, v6  }
0x274: {  	v7 =	vld [tilespmem:s30+$0x0]  }
0x275: {  	v9 =	vld [tilespmem:s10+$0xFFFFFF00];
	v6 =	vadd.f32 v11, v6  }
0x276: {  	v10 =	vld [tilespmem:s31+$0xFFFFFF00]  }
0x277: {  	v4 =	vadd.f32 v4, v8;
	v8 =	vld [tilespmem:s31+$0xFFFFFF80];
	v6 =	vmax.f32 v6, $0.0e+00  }
0x278: {  	[tilespmem:s10+$0x80] =	vst v6;
	v6 =	vld [tilespmem:s10+$0x90]  }
0x279: {  	v5 =	vadd.f32 v7, v5;
	v7 =	vld [tilespmem:s30+$0x90]  }
0x27a: {  	v9 =	vadd.f32 v13, v9;
	v11 =	vld [tilespmem:s31+$0x0]  }
0x27b: {  	v12 =	vld [tilespmem:s31+$0x90]  }
0x27c: {  	v9 =	vadd.f32 v10, v9;
	v10 =	vld [tilespmem:s10+$0xFFFFFF10];
	v4 =	vadd.f32 v8, v4  }
0x27d: {  	v8 =	vld [tilespmem:s10+$0xFFFFFF90]  }
0x27e: {  	v9 =	vmax.f32 v9, $0.0e+00;
	v4 =	vmax.f32 v4, $0.0e+00;
	v13 =	vld [tilespmem:s10+$0x10];
	v6 =	vadd.f32 v7, v6  }
0x27f: {  	[tilespmem:s10+$0xFFFFFF00] =	vst v9;
	v7 =	vld [tilespmem:s10+$0xFFFFFF20];
	v5 =	vadd.f32 v11, v5  }
0x280: {  	v9 =	vld [tilespmem:s30+$0xFFFFFF10];
	[tilespmem:s10+$0xFFFFFF80] =	vst v4;
	v4 =	vadd.f32 v12, v6  }
0x281: {  	v6 =	vld [tilespmem:s30+$0xFFFFFF90];
	v5 =	vmax.f32 v5, $0.0e+00  }
0x282: {  	v11 =	vld [tilespmem:s31+$0xFFFFFF10];
	[tilespmem:s10+$0x0] =	vst v5;
	v4 =	vmax.f32 v4, $0.0e+00  }
0x283: {  	[tilespmem:s10+$0x90] =	vst v4;
	v4 =	vld [tilespmem:s10+$0xA0]  }
0x284: {  	v5 =	vld [tilespmem:s30+$0xA0]  }
0x285: {  	v9 =	vadd.f32 v9, v10;
	v10 =	vld [tilespmem:s30+$0x10]  }
0x286: {  	v6 =	vadd.f32 v6, v8;
	v8 =	vld [tilespmem:s31+$0xA0]  }
0x287: {  	v9 =	vadd.f32 v11, v9;
	v11 =	vld [tilespmem:s31+$0xFFFFFF90]  }
0x288: {  	v12 =	vld [tilespmem:s31+$0x10]  }
0x289: {  	v9 =	vmax.f32 v9, $0.0e+00;
	v14 =	vld [tilespmem:s10+$0xFFFFFFA0];
	v4 =	vadd.f32 v5, v4  }
0x28a: {  	[tilespmem:s10+$0xFFFFFF10] =	vst v9;
	v5 =	vadd.f32 v10, v13;
	v9 =	vld [tilespmem:s10+$0x20]  }
0x28b: {  	v10 =	vld [tilespmem:s30+$0xFFFFFF20];
	v4 =	vadd.f32 v8, v4  }
0x28c: {  	v8 =	vld [tilespmem:s31+$0xFFFFFF20];
	v6 =	vadd.f32 v11, v6  }
0x28d: {  	v11 =	vld [tilespmem:s10+$0xFFFFFF30];
	v5 =	vadd.f32 v12, v5;
	v4 =	vmax.f32 v4, $0.0e+00  }
0x28e: {  	v6 =	vmax.f32 v6, $0.0e+00;
	[tilespmem:s10+$0xA0] =	vst v4;
	v4 =	vld [tilespmem:s10+$0xB0]  }
0x28f: {  	[tilespmem:s10+$0xFFFFFF90] =	vst v6;
	v5 =	vmax.f32 v5, $0.0e+00;
	v6 =	vld [tilespmem:s30+$0xB0]  }
0x290: {  	v7 =	vadd.f32 v10, v7;
	v10 =	vld [tilespmem:s30+$0xFFFFFFA0];
	[tilespmem:s10+$0x10] =	vst v5  }
0x291: {  	v5 =	vld [tilespmem:s31+$0xB0]  }
0x292: {  	v7 =	vadd.f32 v8, v7;
	v8 =	vld [tilespmem:s30+$0x20]  }
0x293: {  	v12 =	vld [tilespmem:s31+$0xFFFFFFA0]  }
0x294: {  	v7 =	vmax.f32 v7, $0.0e+00;
	v13 =	vld [tilespmem:s31+$0x20];
	v4 =	vadd.f32 v6, v4  }
0x295: {  	[tilespmem:s10+$0xFFFFFF20] =	vst v7;
	v6 =	vadd.f32 v10, v14;
	v7 =	vld [tilespmem:s10+$0xFFFFFFB0]  }
0x296: {  	v10 =	vld [tilespmem:s30+$0xFFFFFF30];
	v4 =	vadd.f32 v5, v4  }
0x297: {  	v5 =	vadd.f32 v8, v9;
	v8 =	vld [tilespmem:s10+$0x30]  }
0x298: {  	v9 =	vld [tilespmem:s31+$0xFFFFFF30];
	v6 =	vadd.f32 v12, v6;
	v4 =	vmax.f32 v4, $0.0e+00  }
0x299: {  	v5 =	vadd.f32 v13, v5;
	[tilespmem:s10+$0xB0] =	vst v4;
	v4 =	vld [tilespmem:s10+$0xC0]  }
0x29a: {  	v6 =	vmax.f32 v6, $0.0e+00;
	v12 =	vld [tilespmem:s30+$0xC0]  }
0x29b: {  	v10 =	vadd.f32 v10, v11;
	v11 =	vld [tilespmem:s10+$0xFFFFFF40];
	[tilespmem:s10+$0xFFFFFFA0] =	vst v6;
	v5 =	vmax.f32 v5, $0.0e+00  }
0x29c: {  	[tilespmem:s10+$0x20] =	vst v5;
	v5 =	vld [tilespmem:s31+$0xC0]  }
0x29d: {  	v6 =	vadd.f32 v9, v10;
	v9 =	vld [tilespmem:s30+$0xFFFFFFB0]  }
0x29e: {  	v10 =	vld [tilespmem:s30+$0x30]  }
0x29f: {  	v6 =	vmax.f32 v6, $0.0e+00;
	v13 =	vld [tilespmem:s31+$0xFFFFFFB0];
	v4 =	vadd.f32 v12, v4  }
0x2a0: {  	[tilespmem:s10+$0xFFFFFF30] =	vst v6;
	v6 =	vld [tilespmem:s31+$0x30]  }
0x2a1: {  	v12 =	vld [tilespmem:s30+$0xFFFFFF40];
	v4 =	vadd.f32 v5, v4  }
0x2a2: {  	v5 =	vadd.f32 v9, v7;
	v7 =	vld [tilespmem:s10+$0xFFFFFFC0]  }
0x2a3: {  	v8 =	vadd.f32 v10, v8;
	v9 =	vld [tilespmem:s10+$0x40];
	v4 =	vmax.f32 v4, $0.0e+00  }
0x2a4: {  	v5 =	vadd.f32 v13, v5;
	[tilespmem:s10+$0xC0] =	vst v4;
	v4 =	vld [tilespmem:s10+$0xD0]  }
0x2a5: {  	v6 =	vadd.f32 v6, v8;
	v8 =	vld [tilespmem:s30+$0xD0]  }
0x2a6: {  	v10 =	vadd.f32 v12, v11;
	v11 =	vld [tilespmem:s31+$0xFFFFFF40];
	v5 =	vmax.f32 v5, $0.0e+00  }
0x2a7: {  	[tilespmem:s10+$0xFFFFFFB0] =	vst v5;
	v5 =	vmax.f32 v6, $0.0e+00;
	v6 =	vld [tilespmem:s31+$0xD0]  }
0x2a8: {  	v12 =	vld [tilespmem:s30+$0xFFFFFFC0];
	[tilespmem:s10+$0x30] =	vst v5  }
0x2a9: {  	v5 =	vld [tilespmem:s30+$0x40]  }
0x2aa: {  	v13 =	vld [tilespmem:s31+$0xFFFFFFC0];
	v4 =	vadd.f32 v8, v4  }
0x2ab: {  	v8 =	vadd.f32 v11, v10;
	v10 =	vld [tilespmem:s31+$0x40]  }
0x2ac: {  	v11 =	vld [tilespmem:s10+$0xFFFFFF50];
	v4 =	vadd.f32 v6, v4  }
0x2ad: {  	v6 =	vmax.f32 v8, $0.0e+00;
	v7 =	vadd.f32 v12, v7;
	v8 =	vld [tilespmem:s10+$0xFFFFFFD0]  }
0x2ae: {  	[tilespmem:s10+$0xFFFFFF40] =	vst v6;
	v5 =	vadd.f32 v5, v9;
	v6 =	vld [tilespmem:s10+$0x50];
	v4 =	vmax.f32 v4, $0.0e+00  }
0x2af: {  	v7 =	vadd.f32 v13, v7;
	[tilespmem:s10+$0xD0] =	vst v4;
	v4 =	vld [tilespmem:s10+$0xE0]  }
0x2b0: {  	v5 =	vadd.f32 v10, v5;
	v9 =	vld [tilespmem:s30+$0xE0]  }
0x2b1: {  	v10 =	vld [tilespmem:s30+$0xFFFFFF50];
	v7 =	vmax.f32 v7, $0.0e+00  }
0x2b2: {  	[tilespmem:s10+$0xFFFFFFC0] =	vst v7;
	v5 =	vmax.f32 v5, $0.0e+00;
	v7 =	vld [tilespmem:s31+$0xE0]  }
0x2b3: {  	v12 =	vld [tilespmem:s30+$0xFFFFFFD0];
	[tilespmem:s10+$0x40] =	vst v5  }
0x2b4: {  	v5 =	vld [tilespmem:s30+$0x50]  }
0x2b5: {  	v13 =	vld [tilespmem:s31+$0xFFFFFF50];
	v4 =	vadd.f32 v9, v4  }
0x2b6: {  	v9 =	vadd.f32 v10, v11;
	v10 =	vld [tilespmem:s31+$0xFFFFFFD0]  }
0x2b7: {  	v11 =	vld [tilespmem:s31+$0x50];
	v4 =	vadd.f32 v7, v4  }
0x2b8: {  	v7 =	vld [tilespmem:s10+$0xFFFFFF60];
	v8 =	vadd.f32 v12, v8  }
0x2b9: {  	v12 =	vld [tilespmem:s10+$0xFFFFFFE0];
	v5 =	vadd.f32 v5, v6;
	v4 =	vmax.f32 v4, $0.0e+00  }
0x2ba: {  	v6 =	vadd.f32 v13, v9;
	[tilespmem:s10+$0xE0] =	vst v4;
	v4 =	vld [tilespmem:s10+$0xF0]  }
0x2bb: {  	v8 =	vadd.f32 v10, v8;
	v9 =	vld [tilespmem:s30+$0xF0]  }
0x2bc: {  	v6 =	vmax.f32 v6, $0.0e+00;
	v5 =	vadd.f32 v11, v5;
	v10 =	vld [tilespmem:s10+$0x60]  }
0x2bd: {  	[tilespmem:s10+$0xFFFFFF50] =	vst v6;
	v6 =	vmax.f32 v8, $0.0e+00;
	v8 =	vld [tilespmem:s31+$0xF0]  }
0x2be: {  	v11 =	vld [tilespmem:s30+$0xFFFFFF60];
	[tilespmem:s10+$0xFFFFFFD0] =	vst v6;
	v5 =	vmax.f32 v5, $0.0e+00  }
0x2bf: {  	v6 =	vld [tilespmem:s30+$0xFFFFFFE0];
	[tilespmem:s10+$0x50] =	vst v5  }
0x2c0: {  	v5 =	vld [tilespmem:s30+$0x60];
	v4 =	vadd.f32 v9, v4  }
0x2c1: {  	v13 =	vld [tilespmem:s31+$0xFFFFFF60]  }
0x2c2: {  	v14 =	vld [tilespmem:s31+$0xFFFFFFE0];
	v4 =	vadd.f32 v8, v4  }
0x2c3: {  	v7 =	vadd.f32 v11, v7;
	v8 =	vld [tilespmem:s31+$0x60]  }
0x2c4: {  	v11 =	vld [tilespmem:s10+$0xFFFFFF70];
	v6 =	vadd.f32 v6, v12;
	v4 =	vmax.f32 v4, $0.0e+00  }
0x2c5: {  	v9 =	vld [tilespmem:s10+$0xFFFFFFF0];
	v5 =	vadd.f32 v5, v10;
	[tilespmem:s10+$0xF0] =	vst v4  }
0x2c6: {  	v4 =	vadd.f32 v13, v7;
	v10 =	vld [tilespmem:s10+$0x70]  }
0x2c7: {  	v6 =	vadd.f32 v14, v6;
	v7 =	vld [tilespmem:s8+$0xFFFFFF70]  }
.Ltmp11:
0x2c8: {  	v4 =	vmax.f32 v4, $0.0e+00;
	v5 =	vadd.f32 v8, v5;
	v12 =	vld [tilespmem:s8+$0xFFFFFFF0];
	(pc) =	sbr.rel @p1 .LBB2_12-.Ltmp11, $4  }
0x2c9: {  	[tilespmem:s10+$0xFFFFFF60] =	vst v4;
	v4 =	vmax.f32 v6, $0.0e+00;
	v13 =	vld [tilespmem:s8+$0x70];
	s8 =	smov.u32 s31  }
0x2ca: {  	v8 =	vld [tilespmem:s30+$0xFFFFFF70];
	[tilespmem:s10+$0xFFFFFFE0] =	vst v4;
	v5 =	vmax.f32 v5, $0.0e+00  }
0x2cb: {  	v4 =	vld [tilespmem:s30+$0xFFFFFFF0];
	[tilespmem:s10+$0x60] =	vst v5  }
0x2cc: {  	s10 =	sadd.s32 $0x200, s10;
	v5 =	vld [tilespmem:s30+$0x70];
	v3 =	vadd.f32 v7, v3  }
.Ltmp12:
0x2cd: {  	_ = 	snop;
	(pc) =	sbr.rel .LBB2_13-.Ltmp12, $1  }
0x2ce: {  	_ =	sdelay $0x3  }
.LBB2_9:
.Ltmp13:
0x2cf: {  	(pc) =	sbr.rel .LBB2_16-.Ltmp13, $2  }
0x2d0: {  	_ =	sdelay $0x2  }
0x2d1: {  	s0 =	rddreg [dreg:$0x3]  }
.LBB2_17:
0x2d2: {  	_ =	sfence.sel $0x180000  }
0x2d3: {  	[bflag:$0x0] =	sbarrier.arrive $0xFFFF  }
0x2d4: {  	_ =	strace $0x9000004D  }
0x2d5: {  	[bflag:$0x2] =	sbarrier.arrive $0xFFFF  }
0x2d6: {  	p0 =	sne.s32 s2, $0x0;
	s0 =	rddreg [dreg:$0x2]  }
0x2d7: {  	s0 =	sadd.s32 @!p0 $0x100000, s0  }
0x2d8: {  	[sflag:s0] =	ssyncadd.tile.s32 @!p0 $0x1;
	_ =	shalt  }
.Lfunc_end2:
_tile_overlayer_lowered:
.L_overlay_start_2:
0x2d9: {  	(tag) =	ssettag $0x2  }
0x2da: {  	s0 =	rddreg [dreg:$0x0];
	s2 =	stileid.u32  }
0x2db: {  	s1 =	rddreg [dreg:$0x1];
	p0 =	sne.s32 s2, $0x0  }
0x2dc: {  	s3 =	rddreg [dreg:$0x2];
	[bflag:$0x3] =	sbarrier.arrive $0xFFFF;
	s2 =	simm.s32 @!p0 $0x1C01  }
0x2dd: {  	[timem:s3], [sflag:s2] =	dma.local @!p0 [hbm:s0], s1  }
0x2de: {  	s0 =	simm.s32 @!p0 $0x1  }
0x2df: {  	_ =	swait.ge @!p0 [sflag:s0], s1  }
0x2e0: {  	s1 =	ssub.s32 @!p0 $0x0, s1;
	[sflag:s0] =	ssyncset.done @!p0 $0x0  }
0x2e1: {  	[sflag:s0] =	ssyncadd.s32 @!p0 s1  }
0x2e2: {  	[bflag:$0x3] =	sbarrier.arrive $0xFFFF  }
0x2e3: {  	_ =	shalt  }

</sc_bundles>
